<compile_context>
chip_gen: v7x
topology: tpu7x:2x2x1
jax: 0.10.2.dev20260603
libtpu: 0.0.44.dev20260713+nightly
codegen_flags: <defaults>
</compile_context>

<pallas_src>
import functools

import jax
import jax.numpy as jnp
from jax import lax
from jax.experimental import pallas as pl
from jax.experimental.pallas import tpu as pltpu
from jax.experimental.pallas import tpu_sc as plsc

_N_BINS = 15
_LANES = 128
_BLOCK = 16384


def _dense_body(logits_ref, labels_ref, packed_ref, *, n_cols, block):
    xt = jnp.transpose(logits_ref[...], (1, 0))
    m = jnp.max(xt, axis=0, keepdims=True)
    s = jnp.sum(jnp.exp(xt - m), axis=0, keepdims=True)
    conf = 1.0 / s
    col = jax.lax.broadcasted_iota(jnp.int32, xt.shape, 0)
    pred = jnp.min(jnp.where(xt == m, col, n_cols), axis=0, keepdims=True)
    rows = block // _LANES
    conf2 = conf.reshape(rows, _LANES)
    accb = pred.reshape(rows, _LANES) == labels_ref[...]
    packed_ref[...] = jnp.where(accb, -conf2, conf2)


def _sc_hist(bb_hbm, packed_hbm, ci_hbm, cf_hbm, bb_v, pk_v, hci, hcf, *, chunk, nc):
    wid = lax.axis_index("s") * nc + lax.axis_index("c")
    pltpu.sync_copy(bb_hbm, bb_v)
    pltpu.sync_copy(packed_hbm.at[pl.ds(wid * chunk, chunk)], pk_v)

    zi = jnp.zeros((16,), jnp.int32)
    zf = jnp.zeros((16,), jnp.float32)
    for k in range(16):
        hci[pl.ds(k * 16, 16)] = zi
        hcf[pl.ds(k * 16, 16)] = zf

    lanei = lax.broadcasted_iota(jnp.int32, (16,), 0)
    one = jnp.int32(1)
    zero = jnp.int32(0)

    def step(t, carry):
        p = pk_v[pl.ds(t * 16, 16)]
        ai = jnp.where(p < 0.0, one, zero)
        c = jnp.abs(p)
        t15 = c * jnp.float32(_N_BINS)
        fi = t15.astype(jnp.int32)
        notint = jnp.where(t15 != fi.astype(jnp.float32), one, zero)
        b0 = jnp.clip(fi + notint - 1, 0, _N_BINS - 1)
        lo = plsc.load_gather(bb_v, [b0])
        b0 = b0 - jnp.where(c <= lo, one, zero)
        up = plsc.load_gather(bb_v, [b0 + 1])
        b0 = b0 + jnp.where(c > up, one, zero)
        idx = b0 * 16 + lanei
        plsc.addupdate_scatter(hci, [idx], 1 + ai * 65536)
        plsc.addupdate_scatter(hcf, [idx], c)
        return carry

    lax.fori_loop(0, chunk // 16, step, 0, unroll=8)

    pltpu.sync_copy(hci, ci_hbm.at[wid])
    pltpu.sync_copy(hcf, cf_hbm.at[wid])


def _final_body(ci_ref, cf_ref, out_ref, *, n_total):
    ci = ci_ref[...]
    cnt_f = (ci & 0xFFFF).astype(jnp.float32)
    acc_f = (ci >> 16).astype(jnp.float32)
    conf_f = cf_ref[...]
    cnt_r = jnp.sum(cnt_f, axis=0, keepdims=True)
    acc_r = jnp.sum(acc_f, axis=0, keepdims=True)
    conf_r = jnp.sum(conf_f, axis=0, keepdims=True)

    def bins(row):
        return jnp.concatenate(
            [jnp.sum(row[:, b * 16:(b + 1) * 16], axis=1, keepdims=True)
             for b in range(16)], axis=0)

    cnt = bins(cnt_r)
    accs = bins(acc_r)
    confs = bins(conf_r)
    denom = jnp.maximum(cnt, 1.0)
    acc_in = accs / denom
    conf_in = confs / denom
    gap = jnp.abs(conf_in - acc_in)
    nonempty = cnt > 0.0
    ece = jnp.sum(jnp.where(nonempty, gap * (cnt / n_total), 0.0))
    mce = jnp.max(jnp.where(nonempty, gap, -jnp.inf))
    mce = jnp.where(jnp.isneginf(mce), jnp.float32(1.0), mce)
    lane = jax.lax.broadcasted_iota(jnp.int32, (1, _LANES), 1)
    out_ref[...] = jnp.where(lane == 0, ece, jnp.where(lane == 1, mce, 0.0))


def kernel(logits, labels):
    n, c = logits.shape
    block = min(_BLOCK, n)
    rows = block // _LANES
    labels_r = labels.astype(jnp.int32).reshape(n // _LANES, _LANES)

    info = plsc.get_sparse_core_info()
    nc_, ns_ = info.num_cores, info.num_subcores
    nw = nc_ * ns_
    bb = jnp.linspace(0.0, 1.0, _N_BINS + 1).astype(jnp.float32)
    mesh = plsc.VectorSubcoreMesh(core_axis_name="c", subcore_axis_name="s")

    phases = 1
    for cand_p in (4, 2):
        if n % (cand_p * block) == 0 and (n // cand_p) % (nw * 16) == 0:
            phases = cand_p
            break
    np_ = n // phases
    chunk = np_ // nw
    grid = np_ // block

    dense = functools.partial(_dense_body, n_cols=c, block=block)
    sc = functools.partial(_sc_hist, chunk=chunk, nc=nc_)
    sc_call = functools.partial(
        pl.kernel, mesh=mesh,
        compiler_params=pltpu.CompilerParams(needs_layout_passes=False),
        out_type=[
            jax.ShapeDtypeStruct((nw, 256), jnp.int32),
            jax.ShapeDtypeStruct((nw, 256), jnp.float32),
        ],
        scratch_types=[
            pltpu.VMEM((_N_BINS + 1,), jnp.float32),
            pltpu.VMEM((chunk,), jnp.float32),
            pltpu.VMEM((256,), jnp.int32),
            pltpu.VMEM((256,), jnp.float32),
        ],
    )(sc)

    cis, cfs = [], []
    for p in range(phases):
        lo = p * np_
        packed = pl.pallas_call(
            dense,
            grid=(grid,),
            in_specs=[
                pl.BlockSpec((block, c), lambda i, lo=lo: (lo // block + i, 0)),
                pl.BlockSpec((rows, _LANES),
                             lambda i, lo=lo: (lo // block + i, 0)),
            ],
            out_specs=pl.BlockSpec((rows, _LANES), lambda i: (i, 0)),
            out_shape=jax.ShapeDtypeStruct((np_ // _LANES, _LANES),
                                           jnp.float32),
        )(logits, labels_r)
        ci, cf = sc_call(bb, packed.reshape(np_))
        cis.append(ci)
        cfs.append(cf)

    ci_all = jnp.concatenate(cis, axis=0) if phases > 1 else cis[0]
    cf_all = jnp.concatenate(cfs, axis=0) if phases > 1 else cfs[0]

    fin = functools.partial(_final_body, n_total=float(n))
    out = pl.pallas_call(
        fin,
        grid=(1,),
        in_specs=[
            pl.BlockSpec((phases * nw, 256), lambda i: (0, 0)),
            pl.BlockSpec((phases * nw, 256), lambda i: (0, 0)),
        ],
        out_specs=pl.BlockSpec((1, _LANES), lambda i: (0, 0)),
        out_shape=jax.ShapeDtypeStruct((1, _LANES), jnp.float32),
    )(ci_all, cf_all)

    ece = out[0, 0:1]
    mce = out[0, 1]
    return (ece, mce)

# --- scband reference (transcript-rebuilt; emitter-appended) ---
"""Pipeline reference for scband-calibration-error-5068061409627 (READ-ONLY COPY).

The authoritative reference and input builder live on the scoring server;
editing this copy changes nothing except your own understanding.
"""

import jax, jax.numpy as jnp
import numpy as np

N_BINS = 15

def setup_inputs(seed: int = 0) -> dict:
    key = jax.random.key(seed)
    k1, k2 = jax.random.split(key)
    logits = jax.random.normal(k1, (1048576, 64), dtype=jnp.float32)
    labels = jax.random.randint(k2, (1048576,), 0, 64, dtype=jnp.int64)
    return {"logits": logits, "labels": labels}

def reference(logits, labels):
    softmaxes = jax.nn.softmax(logits, axis=1)
    confidences = jnp.max(softmaxes, axis=1)
    predictions = jnp.argmax(softmaxes, axis=1)
    accuracies = (predictions == labels).astype(jnp.float32)
    n = confidences.shape[0]
    bin_boundaries = jnp.linspace(0.0, 1.0, N_BINS + 1)
    bin_lowers = bin_boundaries[:-1]
    bin_uppers = bin_boundaries[1:]
    ece = jnp.zeros(1, dtype=jnp.float32)
    gaps = []
    for i in range(N_BINS):
        lo = bin_lowers[i]
        up = bin_uppers[i]
        in_bin = (confidences > lo) & (confidences <= up)
        in_f = in_bin.astype(jnp.float32)
        cnt = jnp.sum(in_f)
        prop_in_bin = cnt / n
        denom = jnp.maximum(cnt, 1.0)
        accuracy_in_bin = jnp.sum(accuracies * in_f) / denom
        avg_confidence_in_bin = jnp.sum(confidences * in_f) / denom
        gap = jnp.abs(avg_confidence_in_bin - accuracy_in_bin)
        ece = ece + jnp.where(cnt > 0, gap * prop_in_bin, 0.0)
        gaps.append(jnp.where(cnt > 0, gap, -jnp.inf))
    mce = jnp.max(jnp.stack(gaps))
    mce = jnp.where(jnp.isneginf(mce), jnp.float32(1.0), mce)
    return (ece, mce)

if __name__ == "__main__":
    import jax
    _d = setup_inputs()
    print(jax.jit(kernel)(*tuple(_d.values())))

</pallas_src>

<mosaic_0001>
#map = affine_map<(d0, d1) -> (0)>
#map1 = affine_map<(d0, d1) -> (0, 0)>
module attributes {stable_mosaic.version = 14 : i64} {
  func.func @_sc_hist(%arg0: i32, %arg1: i32, %arg2: memref<16xf32, #tpu.memory_space<hbm>>, %arg3: memref<262144xf32, #tpu.memory_space<hbm>>, %arg4: memref<32x256xi32, #tpu.memory_space<hbm>>, %arg5: memref<32x256xf32, #tpu.memory_space<hbm>>, %arg6: memref<16xf32, #tpu.memory_space<vmem>>, %arg7: memref<8192xf32, #tpu.memory_space<vmem>>, %arg8: memref<256xi32, #tpu.memory_space<vmem>>, %arg9: memref<256xf32, #tpu.memory_space<vmem>>) attributes {dimension_semantics = [#tpu.dimension_semantics<core_parallel>, #tpu.dimension_semantics<subcore_parallel>], iteration_bounds = array<i64: 2, 16>, scalar_prefetch = 0 : i64, scratch_operands = 4 : i64, tpu.core_type = #tpu.core_type<sc_vector_subcore>, window_params = [{transform_indices = #map}, {transform_indices = #map}, {transform_indices = #map1}, {transform_indices = #map1}]} {
    %mul3A = arith.constant 2 : i32
    %mul3A_0 = arith.muli %arg1, %mul3A : i32
    %add3A = arith.addi %mul3A_0, %arg0 : i32
    "tpu.region"() ({
      %run_scoped3A = tpu.sem_alloc : memref<!tpu.dma_semaphore, #tpu.memory_space<semaphore_mem>>
      tpu.enqueue_dma source(%arg2 : memref<16xf32, #tpu.memory_space<hbm>>) target(%arg6 : memref<16xf32, #tpu.memory_space<vmem>>) target_semaphore(%run_scoped3A : memref<!tpu.dma_semaphore, #tpu.memory_space<semaphore_mem>>)
      tpu.wait_dma2 semaphore(%run_scoped3A : memref<!tpu.dma_semaphore, #tpu.memory_space<semaphore_mem>>) src(%arg2 : memref<16xf32, #tpu.memory_space<hbm>>) dst(%arg6 : memref<16xf32, #tpu.memory_space<vmem>>)
      tpu.yield
    }) : () -> ()
    %mul3A_1 = arith.constant 8192 : i32
    %mul3A_2 = arith.muli %add3A, %mul3A_1 : i32
    "tpu.region"() ({
      %run_scoped3A = tpu.sem_alloc : memref<!tpu.dma_semaphore, #tpu.memory_space<semaphore_mem>>
      %dma_start3A = tpu.memref_slice %arg3[%mul3A_2] : memref<262144xf32, #tpu.memory_space<hbm>> -> memref<8192xf32, #tpu.memory_space<hbm>>
      %dma_start3A_76 = tpu.memref_slice %arg3[%mul3A_2] : memref<262144xf32, #tpu.memory_space<hbm>> -> memref<8192xf32, #tpu.memory_space<hbm>>
      tpu.enqueue_dma source(%dma_start3A_76 : memref<8192xf32, #tpu.memory_space<hbm>>) target(%arg7 : memref<8192xf32, #tpu.memory_space<vmem>>) target_semaphore(%run_scoped3A : memref<!tpu.dma_semaphore, #tpu.memory_space<semaphore_mem>>)
      %dma_wait3A = tpu.memref_slice %arg3[%mul3A_2] : memref<262144xf32, #tpu.memory_space<hbm>> -> memref<8192xf32, #tpu.memory_space<hbm>>
      %dma_wait3A_77 = tpu.memref_slice %arg3[%mul3A_2] : memref<262144xf32, #tpu.memory_space<hbm>> -> memref<8192xf32, #tpu.memory_space<hbm>>
      tpu.wait_dma2 semaphore(%run_scoped3A : memref<!tpu.dma_semaphore, #tpu.memory_space<semaphore_mem>>) src(%dma_wait3A_77 : memref<8192xf32, #tpu.memory_space<hbm>>) dst(%arg7 : memref<8192xf32, #tpu.memory_space<vmem>>)
      tpu.yield
    }) : () -> ()
    %broadcast_in_dim3A = arith.constant 0 : i32
    %broadcast_in_dim3A_3 = vector.broadcast %broadcast_in_dim3A : i32 to vector<16xi32>
    %broadcast_in_dim3A_4 = arith.constant 0.000000e+00 : f32
    %broadcast_in_dim3A_5 = vector.broadcast %broadcast_in_dim3A_4 : f32 to vector<16xf32>
    %swap3A = arith.constant 0 : index
    %swap3A_6 = tpu.vector_load %arg8[%swap3A] {strides = array<i32>} : memref<256xi32, #tpu.memory_space<vmem>>, vector<16xi32>,
    tpu.vector_store %arg8[%swap3A], %broadcast_in_dim3A_3 {strides = array<i32>} : memref<256xi32, #tpu.memory_space<vmem>>, vector<16xi32>,
    %swap3A_7 = arith.constant 0 : index
    %swap3A_8 = tpu.vector_load %arg9[%swap3A_7] {strides = array<i32>} : memref<256xf32, #tpu.memory_space<vmem>>, vector<16xf32>,
    tpu.vector_store %arg9[%swap3A_7], %broadcast_in_dim3A_5 {strides = array<i32>} : memref<256xf32, #tpu.memory_space<vmem>>, vector<16xf32>,
    %swap3A_9 = arith.constant 16 : index
    %swap3A_10 = tpu.vector_load %arg8[%swap3A_9] {strides = array<i32>} : memref<256xi32, #tpu.memory_space<vmem>>, vector<16xi32>,
    tpu.vector_store %arg8[%swap3A_9], %broadcast_in_dim3A_3 {strides = array<i32>} : memref<256xi32, #tpu.memory_space<vmem>>, vector<16xi32>,
    %swap3A_11 = arith.constant 16 : index
    %swap3A_12 = tpu.vector_load %arg9[%swap3A_11] {strides = array<i32>} : memref<256xf32, #tpu.memory_space<vmem>>, vector<16xf32>,
    tpu.vector_store %arg9[%swap3A_11], %broadcast_in_dim3A_5 {strides = array<i32>} : memref<256xf32, #tpu.memory_space<vmem>>, vector<16xf32>,
    %swap3A_13 = arith.constant 32 : index
    %swap3A_14 = tpu.vector_load %arg8[%swap3A_13] {strides = array<i32>} : memref<256xi32, #tpu.memory_space<vmem>>, vector<16xi32>,
    tpu.vector_store %arg8[%swap3A_13], %broadcast_in_dim3A_3 {strides = array<i32>} : memref<256xi32, #tpu.memory_space<vmem>>, vector<16xi32>,
    %swap3A_15 = arith.constant 32 : index
    %swap3A_16 = tpu.vector_load %arg9[%swap3A_15] {strides = array<i32>} : memref<256xf32, #tpu.memory_space<vmem>>, vector<16xf32>,
    tpu.vector_store %arg9[%swap3A_15], %broadcast_in_dim3A_5 {strides = array<i32>} : memref<256xf32, #tpu.memory_space<vmem>>, vector<16xf32>,
    %swap3A_17 = arith.constant 48 : index
    %swap3A_18 = tpu.vector_load %arg8[%swap3A_17] {strides = array<i32>} : memref<256xi32, #tpu.memory_space<vmem>>, vector<16xi32>,
    tpu.vector_store %arg8[%swap3A_17], %broadcast_in_dim3A_3 {strides = array<i32>} : memref<256xi32, #tpu.memory_space<vmem>>, vector<16xi32>,
    %swap3A_19 = arith.constant 48 : index
    %swap3A_20 = tpu.vector_load %arg9[%swap3A_19] {strides = array<i32>} : memref<256xf32, #tpu.memory_space<vmem>>, vector<16xf32>,
    tpu.vector_store %arg9[%swap3A_19], %broadcast_in_dim3A_5 {strides = array<i32>} : memref<256xf32, #tpu.memory_space<vmem>>, vector<16xf32>,
    %swap3A_21 = arith.constant 64 : index
    %swap3A_22 = tpu.vector_load %arg8[%swap3A_21] {strides = array<i32>} : memref<256xi32, #tpu.memory_space<vmem>>, vector<16xi32>,
    tpu.vector_store %arg8[%swap3A_21], %broadcast_in_dim3A_3 {strides = array<i32>} : memref<256xi32, #tpu.memory_space<vmem>>, vector<16xi32>,
    %swap3A_23 = arith.constant 64 : index
    %swap3A_24 = tpu.vector_load %arg9[%swap3A_23] {strides = array<i32>} : memref<256xf32, #tpu.memory_space<vmem>>, vector<16xf32>,
    tpu.vector_store %arg9[%swap3A_23], %broadcast_in_dim3A_5 {strides = array<i32>} : memref<256xf32, #tpu.memory_space<vmem>>, vector<16xf32>,
    %swap3A_25 = arith.constant 80 : index
    %swap3A_26 = tpu.vector_load %arg8[%swap3A_25] {strides = array<i32>} : memref<256xi32, #tpu.memory_space<vmem>>, vector<16xi32>,
    tpu.vector_store %arg8[%swap3A_25], %broadcast_in_dim3A_3 {strides = array<i32>} : memref<256xi32, #tpu.memory_space<vmem>>, vector<16xi32>,
    %swap3A_27 = arith.constant 80 : index
    %swap3A_28 = tpu.vector_load %arg9[%swap3A_27] {strides = array<i32>} : memref<256xf32, #tpu.memory_space<vmem>>, vector<16xf32>,
    tpu.vector_store %arg9[%swap3A_27], %broadcast_in_dim3A_5 {strides = array<i32>} : memref<256xf32, #tpu.memory_space<vmem>>, vector<16xf32>,
    %swap3A_29 = arith.constant 96 : index
    %swap3A_30 = tpu.vector_load %arg8[%swap3A_29] {strides = array<i32>} : memref<256xi32, #tpu.memory_space<vmem>>, vector<16xi32>,
    tpu.vector_store %arg8[%swap3A_29], %broadcast_in_dim3A_3 {strides = array<i32>} : memref<256xi32, #tpu.memory_space<vmem>>, vector<16xi32>,
    %swap3A_31 = arith.constant 96 : index
    %swap3A_32 = tpu.vector_load %arg9[%swap3A_31] {strides = array<i32>} : memref<256xf32, #tpu.memory_space<vmem>>, vector<16xf32>,
    tpu.vector_store %arg9[%swap3A_31], %broadcast_in_dim3A_5 {strides = array<i32>} : memref<256xf32, #tpu.memory_space<vmem>>, vector<16xf32>,
    %swap3A_33 = arith.constant 112 : index
    %swap3A_34 = tpu.vector_load %arg8[%swap3A_33] {strides = array<i32>} : memref<256xi32, #tpu.memory_space<vmem>>, vector<16xi32>,
    tpu.vector_store %arg8[%swap3A_33], %broadcast_in_dim3A_3 {strides = array<i32>} : memref<256xi32, #tpu.memory_space<vmem>>, vector<16xi32>,
    %swap3A_35 = arith.constant 112 : index
    %swap3A_36 = tpu.vector_load %arg9[%swap3A_35] {strides = array<i32>} : memref<256xf32, #tpu.memory_space<vmem>>, vector<16xf32>,
    tpu.vector_store %arg9[%swap3A_35], %broadcast_in_dim3A_5 {strides = array<i32>} : memref<256xf32, #tpu.memory_space<vmem>>, vector<16xf32>,
    %swap3A_37 = arith.constant 128 : index
    %swap3A_38 = tpu.vector_load %arg8[%swap3A_37] {strides = array<i32>} : memref<256xi32, #tpu.memory_space<vmem>>, vector<16xi32>,
    tpu.vector_store %arg8[%swap3A_37], %broadcast_in_dim3A_3 {strides = array<i32>} : memref<256xi32, #tpu.memory_space<vmem>>, vector<16xi32>,
    %swap3A_39 = arith.constant 128 : index
    %swap3A_40 = tpu.vector_load %arg9[%swap3A_39] {strides = array<i32>} : memref<256xf32, #tpu.memory_space<vmem>>, vector<16xf32>,
    tpu.vector_store %arg9[%swap3A_39], %broadcast_in_dim3A_5 {strides = array<i32>} : memref<256xf32, #tpu.memory_space<vmem>>, vector<16xf32>,
    %swap3A_41 = arith.constant 144 : index
    %swap3A_42 = tpu.vector_load %arg8[%swap3A_41] {strides = array<i32>} : memref<256xi32, #tpu.memory_space<vmem>>, vector<16xi32>,
    tpu.vector_store %arg8[%swap3A_41], %broadcast_in_dim3A_3 {strides = array<i32>} : memref<256xi32, #tpu.memory_space<vmem>>, vector<16xi32>,
    %swap3A_43 = arith.constant 144 : index
    %swap3A_44 = tpu.vector_load %arg9[%swap3A_43] {strides = array<i32>} : memref<256xf32, #tpu.memory_space<vmem>>, vector<16xf32>,
    tpu.vector_store %arg9[%swap3A_43], %broadcast_in_dim3A_5 {strides = array<i32>} : memref<256xf32, #tpu.memory_space<vmem>>, vector<16xf32>,
    %swap3A_45 = arith.constant 160 : index
    %swap3A_46 = tpu.vector_load %arg8[%swap3A_45] {strides = array<i32>} : memref<256xi32, #tpu.memory_space<vmem>>, vector<16xi32>,
    tpu.vector_store %arg8[%swap3A_45], %broadcast_in_dim3A_3 {strides = array<i32>} : memref<256xi32, #tpu.memory_space<vmem>>, vector<16xi32>,
    %swap3A_47 = arith.constant 160 : index
    %swap3A_48 = tpu.vector_load %arg9[%swap3A_47] {strides = array<i32>} : memref<256xf32, #tpu.memory_space<vmem>>, vector<16xf32>,
    tpu.vector_store %arg9[%swap3A_47], %broadcast_in_dim3A_5 {strides = array<i32>} : memref<256xf32, #tpu.memory_space<vmem>>, vector<16xf32>,
    %swap3A_49 = arith.constant 176 : index
    %swap3A_50 = tpu.vector_load %arg8[%swap3A_49] {strides = array<i32>} : memref<256xi32, #tpu.memory_space<vmem>>, vector<16xi32>,
    tpu.vector_store %arg8[%swap3A_49], %broadcast_in_dim3A_3 {strides = array<i32>} : memref<256xi32, #tpu.memory_space<vmem>>, vector<16xi32>,
    %swap3A_51 = arith.constant 176 : index
    %swap3A_52 = tpu.vector_load %arg9[%swap3A_51] {strides = array<i32>} : memref<256xf32, #tpu.memory_space<vmem>>, vector<16xf32>,
    tpu.vector_store %arg9[%swap3A_51], %broadcast_in_dim3A_5 {strides = array<i32>} : memref<256xf32, #tpu.memory_space<vmem>>, vector<16xf32>,
    %swap3A_53 = arith.constant 192 : index
    %swap3A_54 = tpu.vector_load %arg8[%swap3A_53] {strides = array<i32>} : memref<256xi32, #tpu.memory_space<vmem>>, vector<16xi32>,
    tpu.vector_store %arg8[%swap3A_53], %broadcast_in_dim3A_3 {strides = array<i32>} : memref<256xi32, #tpu.memory_space<vmem>>, vector<16xi32>,
    %swap3A_55 = arith.constant 192 : index
    %swap3A_56 = tpu.vector_load %arg9[%swap3A_55] {strides = array<i32>} : memref<256xf32, #tpu.memory_space<vmem>>, vector<16xf32>,
    tpu.vector_store %arg9[%swap3A_55], %broadcast_in_dim3A_5 {strides = array<i32>} : memref<256xf32, #tpu.memory_space<vmem>>, vector<16xf32>,
    %swap3A_57 = arith.constant 208 : index
    %swap3A_58 = tpu.vector_load %arg8[%swap3A_57] {strides = array<i32>} : memref<256xi32, #tpu.memory_space<vmem>>, vector<16xi32>,
    tpu.vector_store %arg8[%swap3A_57], %broadcast_in_dim3A_3 {strides = array<i32>} : memref<256xi32, #tpu.memory_space<vmem>>, vector<16xi32>,
    %swap3A_59 = arith.constant 208 : index
    %swap3A_60 = tpu.vector_load %arg9[%swap3A_59] {strides = array<i32>} : memref<256xf32, #tpu.memory_space<vmem>>, vector<16xf32>,
    tpu.vector_store %arg9[%swap3A_59], %broadcast_in_dim3A_5 {strides = array<i32>} : memref<256xf32, #tpu.memory_space<vmem>>, vector<16xf32>,
    %swap3A_61 = arith.constant 224 : index
    %swap3A_62 = tpu.vector_load %arg8[%swap3A_61] {strides = array<i32>} : memref<256xi32, #tpu.memory_space<vmem>>, vector<16xi32>,
    tpu.vector_store %arg8[%swap3A_61], %broadcast_in_dim3A_3 {strides = array<i32>} : memref<256xi32, #tpu.memory_space<vmem>>, vector<16xi32>,
    %swap3A_63 = arith.constant 224 : index
    %swap3A_64 = tpu.vector_load %arg9[%swap3A_63] {strides = array<i32>} : memref<256xf32, #tpu.memory_space<vmem>>, vector<16xf32>,
    tpu.vector_store %arg9[%swap3A_63], %broadcast_in_dim3A_5 {strides = array<i32>} : memref<256xf32, #tpu.memory_space<vmem>>, vector<16xf32>,
    %swap3A_65 = arith.constant 240 : index
    %swap3A_66 = tpu.vector_load %arg8[%swap3A_65] {strides = array<i32>} : memref<256xi32, #tpu.memory_space<vmem>>, vector<16xi32>,
    tpu.vector_store %arg8[%swap3A_65], %broadcast_in_dim3A_3 {strides = array<i32>} : memref<256xi32, #tpu.memory_space<vmem>>, vector<16xi32>,
    %swap3A_67 = arith.constant 240 : index
    %swap3A_68 = tpu.vector_load %arg9[%swap3A_67] {strides = array<i32>} : memref<256xf32, #tpu.memory_space<vmem>>, vector<16xf32>,
    tpu.vector_store %arg9[%swap3A_67], %broadcast_in_dim3A_5 {strides = array<i32>} : memref<256xf32, #tpu.memory_space<vmem>>, vector<16xf32>,
    %iota3A = tpu.iota {dimensions = array<i32: 0>} : vector<16xi32>
    %scan3A = arith.constant 0 : i32
    %scan3A_69 = arith.constant 1 : i32
    %scan3A_70 = arith.constant 0 : i32
    %scan3A_71 = arith.constant 0 : i32
    %scan3A_72 = arith.constant 512 : i32
    %scan3A_73 = arith.addi %scan3A_71, %scan3A_72 : i32
    %scan3A_74 = arith.constant 8 : i32
    scf.for %scan3A_76 = %scan3A_71 to %scan3A_73 step %scan3A_74  : i32 {
      %mul3A_77 = arith.constant 16 : i32
      %mul3A_78 = arith.muli %scan3A_76, %mul3A_77 : i32
      %get3A = arith.index_cast %mul3A_78 : i32 to index
      %get3A_79 = tpu.vector_load %arg7[%get3A] {strides = array<i32>} : memref<8192xf32, #tpu.memory_space<vmem>>, vector<16xf32>,
      %lt3A = arith.constant 0.000000e+00 : f32
      %lt3A_80 = vector.broadcast %lt3A : f32 to vector<16xf32>
      %lt3A_81 = arith.cmpf olt, %get3A_79, %lt3A_80 : vector<16xf32>
      %broadcast_in_dim3A_82 = vector.broadcast %scan3A_69 : i32 to vector<16xi32>
      %broadcast_in_dim3A_83 = vector.broadcast %scan3A_70 : i32 to vector<16xi32>
      %select_n3A = arith.select %lt3A_81, %broadcast_in_dim3A_82, %broadcast_in_dim3A_83 : vector<16xi1>, vector<16xi32>
      %abs3A = math.absf %get3A_79 : vector<16xf32>
      %mul3A_84 = arith.constant 1.500000e+01 : f32
      %mul3A_85 = vector.broadcast %mul3A_84 : f32 to vector<16xf32>
      %mul3A_86 = arith.mulf %abs3A, %mul3A_85 : vector<16xf32>
      %convert_element_type3A = arith.fptosi %mul3A_86 : vector<16xf32> to vector<16xi32>
      %convert_element_type3A_87 = arith.sitofp %convert_element_type3A : vector<16xi32> to vector<16xf32>
      %ne3A = arith.cmpf one, %mul3A_86, %convert_element_type3A_87 : vector<16xf32>
      %broadcast_in_dim3A_88 = vector.broadcast %scan3A_69 : i32 to vector<16xi32>
      %broadcast_in_dim3A_89 = vector.broadcast %scan3A_70 : i32 to vector<16xi32>
      %select_n3A_90 = arith.select %ne3A, %broadcast_in_dim3A_88, %broadcast_in_dim3A_89 : vector<16xi1>, vector<16xi32>
      %add3A_91 = arith.addi %convert_element_type3A, %select_n3A_90 : vector<16xi32>
      %sub3A = arith.constant 1 : i32
      %sub3A_92 = vector.broadcast %sub3A : i32 to vector<16xi32>
      %sub3A_93 = arith.subi %add3A_91, %sub3A_92 : vector<16xi32>
      %jit3A = arith.constant 0 : i32
      %jit3A_94 = arith.constant 14 : i32
      %max3A = vector.broadcast %jit3A : i32 to vector<16xi32>
      %max3A_95 = arith.maxsi %max3A, %sub3A_93 : vector<16xi32>
      %min3A = vector.broadcast %jit3A_94 : i32 to vector<16xi32>
      %min3A_96 = arith.minsi %min3A, %max3A_95 : vector<16xi32>
      %gather3A = tpu.vector_load_idx %arg6[%min3A_96] : memref<16xf32, #tpu.memory_space<vmem>>[vector<16xi32>], vector<16xf32>,
      %le3A = arith.cmpf ole, %abs3A, %gather3A : vector<16xf32>
      %broadcast_in_dim3A_97 = vector.broadcast %scan3A_69 : i32 to vector<16xi32>
      %broadcast_in_dim3A_98 = vector.broadcast %scan3A_70 : i32 to vector<16xi32>
      %select_n3A_99 = arith.select %le3A, %broadcast_in_dim3A_97, %broadcast_in_dim3A_98 : vector<16xi1>, vector<16xi32>
      %sub3A_100 = arith.subi %min3A_96, %select_n3A_99 : vector<16xi32>
      %add3A_101 = arith.constant 1 : i32
      %add3A_102 = vector.broadcast %add3A_101 : i32 to vector<16xi32>
      %add3A_103 = arith.addi %sub3A_100, %add3A_102 : vector<16xi32>
      %gather3A_104 = tpu.vector_load_idx %arg6[%add3A_103] : memref<16xf32, #tpu.memory_space<vmem>>[vector<16xi32>], vector<16xf32>,
      %gt3A = arith.cmpf ogt, %abs3A, %gather3A_104 : vector<16xf32>
      %broadcast_in_dim3A_105 = vector.broadcast %scan3A_69 : i32 to vector<16xi32>
      %broadcast_in_dim3A_106 = vector.broadcast %scan3A_70 : i32 to vector<16xi32>
      %select_n3A_107 = arith.select %gt3A, %broadcast_in_dim3A_105, %broadcast_in_dim3A_106 : vector<16xi1>, vector<16xi32>
      %add3A_108 = arith.addi %sub3A_100, %select_n3A_107 : vector<16xi32>
      %mul3A_109 = arith.constant 16 : i32
      %mul3A_110 = vector.broadcast %mul3A_109 : i32 to vector<16xi32>
      %mul3A_111 = arith.muli %add3A_108, %mul3A_110 : vector<16xi32>
      %add3A_112 = arith.addi %mul3A_111, %iota3A : vector<16xi32>
      %mul3A_113 = arith.constant 65536 : i32
      %mul3A_114 = vector.broadcast %mul3A_113 : i32 to vector<16xi32>
      %mul3A_115 = arith.muli %select_n3A, %mul3A_114 : vector<16xi32>
      %add3A_116 = arith.constant 1 : i32
      %add3A_117 = vector.broadcast %add3A_116 : i32 to vector<16xi32>
      %add3A_118 = arith.addi %add3A_117, %mul3A_115 : vector<16xi32>
      tpu.vector_store_idx %arg8[%add3A_112], %add3A_118 {add = true} : memref<256xi32, #tpu.memory_space<vmem>>[vector<16xi32>], vector<16xi32>,
      tpu.vector_store_idx %arg9[%add3A_112], %abs3A {add = true} : memref<256xf32, #tpu.memory_space<vmem>>[vector<16xi32>], vector<16xf32>,
      %scan3A_119 = arith.constant 1 : i32
      %scan3A_120 = arith.addi %scan3A_76, %scan3A_119 : i32
      %mul3A_121 = arith.constant 16 : i32
      %mul3A_122 = arith.muli %scan3A_120, %mul3A_121 : i32
      %get3A_123 = arith.index_cast %mul3A_122 : i32 to index
      %get3A_124 = tpu.vector_load %arg7[%get3A_123] {strides = array<i32>} : memref<8192xf32, #tpu.memory_space<vmem>>, vector<16xf32>,
      %lt3A_125 = arith.constant 0.000000e+00 : f32
      %lt3A_126 = vector.broadcast %lt3A_125 : f32 to vector<16xf32>
      %lt3A_127 = arith.cmpf olt, %get3A_124, %lt3A_126 : vector<16xf32>
      %broadcast_in_dim3A_128 = vector.broadcast %scan3A_69 : i32 to vector<16xi32>
      %broadcast_in_dim3A_129 = vector.broadcast %scan3A_70 : i32 to vector<16xi32>
      %select_n3A_130 = arith.select %lt3A_127, %broadcast_in_dim3A_128, %broadcast_in_dim3A_129 : vector<16xi1>, vector<16xi32>
      %abs3A_131 = math.absf %get3A_124 : vector<16xf32>
      %mul3A_132 = arith.constant 1.500000e+01 : f32
      %mul3A_133 = vector.broadcast %mul3A_132 : f32 to vector<16xf32>
      %mul3A_134 = arith.mulf %abs3A_131, %mul3A_133 : vector<16xf32>
      %convert_element_type3A_135 = arith.fptosi %mul3A_134 : vector<16xf32> to vector<16xi32>
      %convert_element_type3A_136 = arith.sitofp %convert_element_type3A_135 : vector<16xi32> to vector<16xf32>
      %ne3A_137 = arith.cmpf one, %mul3A_134, %convert_element_type3A_136 : vector<16xf32>
      %broadcast_in_dim3A_138 = vector.broadcast %scan3A_69 : i32 to vector<16xi32>
      %broadcast_in_dim3A_139 = vector.broadcast %scan3A_70 : i32 to vector<16xi32>
      %select_n3A_140 = arith.select %ne3A_137, %broadcast_in_dim3A_138, %broadcast_in_dim3A_139 : vector<16xi1>, vector<16xi32>
      %add3A_141 = arith.addi %convert_element_type3A_135, %select_n3A_140 : vector<16xi32>
      %sub3A_142 = arith.constant 1 : i32
      %sub3A_143 = vector.broadcast %sub3A_142 : i32 to vector<16xi32>
      %sub3A_144 = arith.subi %add3A_141, %sub3A_143 : vector<16xi32>
      %jit3A_145 = arith.constant 0 : i32
      %jit3A_146 = arith.constant 14 : i32
      %max3A_147 = vector.broadcast %jit3A_145 : i32 to vector<16xi32>
      %max3A_148 = arith.maxsi %max3A_147, %sub3A_144 : vector<16xi32>
      %min3A_149 = vector.broadcast %jit3A_146 : i32 to vector<16xi32>
      %min3A_150 = arith.minsi %min3A_149, %max3A_148 : vector<16xi32>
      %gather3A_151 = tpu.vector_load_idx %arg6[%min3A_150] : memref<16xf32, #tpu.memory_space<vmem>>[vector<16xi32>], vector<16xf32>,
      %le3A_152 = arith.cmpf ole, %abs3A_131, %gather3A_151 : vector<16xf32>
      %broadcast_in_dim3A_153 = vector.broadcast %scan3A_69 : i32 to vector<16xi32>
      %broadcast_in_dim3A_154 = vector.broadcast %scan3A_70 : i32 to vector<16xi32>
      %select_n3A_155 = arith.select %le3A_152, %broadcast_in_dim3A_153, %broadcast_in_dim3A_154 : vector<16xi1>, vector<16xi32>
      %sub3A_156 = arith.subi %min3A_150, %select_n3A_155 : vector<16xi32>
      %add3A_157 = arith.constant 1 : i32
      %add3A_158 = vector.broadcast %add3A_157 : i32 to vector<16xi32>
      %add3A_159 = arith.addi %sub3A_156, %add3A_158 : vector<16xi32>
      %gather3A_160 = tpu.vector_load_idx %arg6[%add3A_159] : memref<16xf32, #tpu.memory_space<vmem>>[vector<16xi32>], vector<16xf32>,
      %gt3A_161 = arith.cmpf ogt, %abs3A_131, %gather3A_160 : vector<16xf32>
      %broadcast_in_dim3A_162 = vector.broadcast %scan3A_69 : i32 to vector<16xi32>
      %broadcast_in_dim3A_163 = vector.broadcast %scan3A_70 : i32 to vector<16xi32>
      %select_n3A_164 = arith.select %gt3A_161, %broadcast_in_dim3A_162, %broadcast_in_dim3A_163 : vector<16xi1>, vector<16xi32>
      %add3A_165 = arith.addi %sub3A_156, %select_n3A_164 : vector<16xi32>
      %mul3A_166 = arith.constant 16 : i32
      %mul3A_167 = vector.broadcast %mul3A_166 : i32 to vector<16xi32>
      %mul3A_168 = arith.muli %add3A_165, %mul3A_167 : vector<16xi32>
      %add3A_169 = arith.addi %mul3A_168, %iota3A : vector<16xi32>
      %mul3A_170 = arith.constant 65536 : i32
      %mul3A_171 = vector.broadcast %mul3A_170 : i32 to vector<16xi32>
      %mul3A_172 = arith.muli %select_n3A_130, %mul3A_171 : vector<16xi32>
      %add3A_173 = arith.constant 1 : i32
      %add3A_174 = vector.broadcast %add3A_173 : i32 to vector<16xi32>
      %add3A_175 = arith.addi %add3A_174, %mul3A_172 : vector<16xi32>
      tpu.vector_store_idx %arg8[%add3A_169], %add3A_175 {add = true} : memref<256xi32, #tpu.memory_space<vmem>>[vector<16xi32>], vector<16xi32>,
      tpu.vector_store_idx %arg9[%add3A_169], %abs3A_131 {add = true} : memref<256xf32, #tpu.memory_space<vmem>>[vector<16xi32>], vector<16xf32>,
      %scan3A_176 = arith.constant 2 : i32
      %scan3A_177 = arith.addi %scan3A_76, %scan3A_176 : i32
      %mul3A_178 = arith.constant 16 : i32
      %mul3A_179 = arith.muli %scan3A_177, %mul3A_178 : i32
      %get3A_180 = arith.index_cast %mul3A_179 : i32 to index
      %get3A_181 = tpu.vector_load %arg7[%get3A_180] {strides = array<i32>} : memref<8192xf32, #tpu.memory_space<vmem>>, vector<16xf32>,
      %lt3A_182 = arith.constant 0.000000e+00 : f32
      %lt3A_183 = vector.broadcast %lt3A_182 : f32 to vector<16xf32>
      %lt3A_184 = arith.cmpf olt, %get3A_181, %lt3A_183 : vector<16xf32>
      %broadcast_in_dim3A_185 = vector.broadcast %scan3A_69 : i32 to vector<16xi32>
      %broadcast_in_dim3A_186 = vector.broadcast %scan3A_70 : i32 to vector<16xi32>
      %select_n3A_187 = arith.select %lt3A_184, %broadcast_in_dim3A_185, %broadcast_in_dim3A_186 : vector<16xi1>, vector<16xi32>
      %abs3A_188 = math.absf %get3A_181 : vector<16xf32>
      %mul3A_189 = arith.constant 1.500000e+01 : f32
      %mul3A_190 = vector.broadcast %mul3A_189 : f32 to vector<16xf32>
      %mul3A_191 = arith.mulf %abs3A_188, %mul3A_190 : vector<16xf32>
      %convert_element_type3A_192 = arith.fptosi %mul3A_191 : vector<16xf32> to vector<16xi32>
      %convert_element_type3A_193 = arith.sitofp %convert_element_type3A_192 : vector<16xi32> to vector<16xf32>
      %ne3A_194 = arith.cmpf one, %mul3A_191, %convert_element_type3A_193 : vector<16xf32>
      %broadcast_in_dim3A_195 = vector.broadcast %scan3A_69 : i32 to vector<16xi32>
      %broadcast_in_dim3A_196 = vector.broadcast %scan3A_70 : i32 to vector<16xi32>
      %select_n3A_197 = arith.select %ne3A_194, %broadcast_in_dim3A_195, %broadcast_in_dim3A_196 : vector<16xi1>, vector<16xi32>
      %add3A_198 = arith.addi %convert_element_type3A_192, %select_n3A_197 : vector<16xi32>
      %sub3A_199 = arith.constant 1 : i32
      %sub3A_200 = vector.broadcast %sub3A_199 : i32 to vector<16xi32>
      %sub3A_201 = arith.subi %add3A_198, %sub3A_200 : vector<16xi32>
      %jit3A_202 = arith.constant 0 : i32
      %jit3A_203 = arith.constant 14 : i32
      %max3A_204 = vector.broadcast %jit3A_202 : i32 to vector<16xi32>
      %max3A_205 = arith.maxsi %max3A_204, %sub3A_201 : vector<16xi32>
      %min3A_206 = vector.broadcast %jit3A_203 : i32 to vector<16xi32>
      %min3A_207 = arith.minsi %min3A_206, %max3A_205 : vector<16xi32>
      %gather3A_208 = tpu.vector_load_idx %arg6[%min3A_207] : memref<16xf32, #tpu.memory_space<vmem>>[vector<16xi32>], vector<16xf32>,
      %le3A_209 = arith.cmpf ole, %abs3A_188, %gather3A_208 : vector<16xf32>
      %broadcast_in_dim3A_210 = vector.broadcast %scan3A_69 : i32 to vector<16xi32>
      %broadcast_in_dim3A_211 = vector.broadcast %scan3A_70 : i32 to vector<16xi32>
      %select_n3A_212 = arith.select %le3A_209, %broadcast_in_dim3A_210, %broadcast_in_dim3A_211 : vector<16xi1>, vector<16xi32>
      %sub3A_213 = arith.subi %min3A_207, %select_n3A_212 : vector<16xi32>
      %add3A_214 = arith.constant 1 : i32
      %add3A_215 = vector.broadcast %add3A_214 : i32 to vector<16xi32>
      %add3A_216 = arith.addi %sub3A_213, %add3A_215 : vector<16xi32>
      %gather3A_217 = tpu.vector_load_idx %arg6[%add3A_216] : memref<16xf32, #tpu.memory_space<vmem>>[vector<16xi32>], vector<16xf32>,
      %gt3A_218 = arith.cmpf ogt, %abs3A_188, %gather3A_217 : vector<16xf32>
      %broadcast_in_dim3A_219 = vector.broadcast %scan3A_69 : i32 to vector<16xi32>
      %broadcast_in_dim3A_220 = vector.broadcast %scan3A_70 : i32 to vector<16xi32>
      %select_n3A_221 = arith.select %gt3A_218, %broadcast_in_dim3A_219, %broadcast_in_dim3A_220 : vector<16xi1>, vector<16xi32>
      %add3A_222 = arith.addi %sub3A_213, %select_n3A_221 : vector<16xi32>
      %mul3A_223 = arith.constant 16 : i32
      %mul3A_224 = vector.broadcast %mul3A_223 : i32 to vector<16xi32>
      %mul3A_225 = arith.muli %add3A_222, %mul3A_224 : vector<16xi32>
      %add3A_226 = arith.addi %mul3A_225, %iota3A : vector<16xi32>
      %mul3A_227 = arith.constant 65536 : i32
      %mul3A_228 = vector.broadcast %mul3A_227 : i32 to vector<16xi32>
      %mul3A_229 = arith.muli %select_n3A_187, %mul3A_228 : vector<16xi32>
      %add3A_230 = arith.constant 1 : i32
      %add3A_231 = vector.broadcast %add3A_230 : i32 to vector<16xi32>
      %add3A_232 = arith.addi %add3A_231, %mul3A_229 : vector<16xi32>
      tpu.vector_store_idx %arg8[%add3A_226], %add3A_232 {add = true} : memref<256xi32, #tpu.memory_space<vmem>>[vector<16xi32>], vector<16xi32>,
      tpu.vector_store_idx %arg9[%add3A_226], %abs3A_188 {add = true} : memref<256xf32, #tpu.memory_space<vmem>>[vector<16xi32>], vector<16xf32>,
      %scan3A_233 = arith.constant 3 : i32
      %scan3A_234 = arith.addi %scan3A_76, %scan3A_233 : i32
      %mul3A_235 = arith.constant 16 : i32
      %mul3A_236 = arith.muli %scan3A_234, %mul3A_235 : i32
      %get3A_237 = arith.index_cast %mul3A_236 : i32 to index
      %get3A_238 = tpu.vector_load %arg7[%get3A_237] {strides = array<i32>} : memref<8192xf32, #tpu.memory_space<vmem>>, vector<16xf32>,
      %lt3A_239 = arith.constant 0.000000e+00 : f32
      %lt3A_240 = vector.broadcast %lt3A_239 : f32 to vector<16xf32>
      %lt3A_241 = arith.cmpf olt, %get3A_238, %lt3A_240 : vector<16xf32>
      %broadcast_in_dim3A_242 = vector.broadcast %scan3A_69 : i32 to vector<16xi32>
      %broadcast_in_dim3A_243 = vector.broadcast %scan3A_70 : i32 to vector<16xi32>
      %select_n3A_244 = arith.select %lt3A_241, %broadcast_in_dim3A_242, %broadcast_in_dim3A_243 : vector<16xi1>, vector<16xi32>
      %abs3A_245 = math.absf %get3A_238 : vector<16xf32>
      %mul3A_246 = arith.constant 1.500000e+01 : f32
      %mul3A_247 = vector.broadcast %mul3A_246 : f32 to vector<16xf32>
      %mul3A_248 = arith.mulf %abs3A_245, %mul3A_247 : vector<16xf32>
      %convert_element_type3A_249 = arith.fptosi %mul3A_248 : vector<16xf32> to vector<16xi32>
      %convert_element_type3A_250 = arith.sitofp %convert_element_type3A_249 : vector<16xi32> to vector<16xf32>
      %ne3A_251 = arith.cmpf one, %mul3A_248, %convert_element_type3A_250 : vector<16xf32>
      %broadcast_in_dim3A_252 = vector.broadcast %scan3A_69 : i32 to vector<16xi32>
      %broadcast_in_dim3A_253 = vector.broadcast %scan3A_70 : i32 to vector<16xi32>
      %select_n3A_254 = arith.select %ne3A_251, %broadcast_in_dim3A_252, %broadcast_in_dim3A_253 : vector<16xi1>, vector<16xi32>
      %add3A_255 = arith.addi %convert_element_type3A_249, %select_n3A_254 : vector<16xi32>
      %sub3A_256 = arith.constant 1 : i32
      %sub3A_257 = vector.broadcast %sub3A_256 : i32 to vector<16xi32>
      %sub3A_258 = arith.subi %add3A_255, %sub3A_257 : vector<16xi32>
      %jit3A_259 = arith.constant 0 : i32
      %jit3A_260 = arith.constant 14 : i32
      %max3A_261 = vector.broadcast %jit3A_259 : i32 to vector<16xi32>
      %max3A_262 = arith.maxsi %max3A_261, %sub3A_258 : vector<16xi32>
      %min3A_263 = vector.broadcast %jit3A_260 : i32 to vector<16xi32>
      %min3A_264 = arith.minsi %min3A_263, %max3A_262 : vector<16xi32>
      %gather3A_265 = tpu.vector_load_idx %arg6[%min3A_264] : memref<16xf32, #tpu.memory_space<vmem>>[vector<16xi32>], vector<16xf32>,
      %le3A_266 = arith.cmpf ole, %abs3A_245, %gather3A_265 : vector<16xf32>
      %broadcast_in_dim3A_267 = vector.broadcast %scan3A_69 : i32 to vector<16xi32>
      %broadcast_in_dim3A_268 = vector.broadcast %scan3A_70 : i32 to vector<16xi32>
      %select_n3A_269 = arith.select %le3A_266, %broadcast_in_dim3A_267, %broadcast_in_dim3A_268 : vector<16xi1>, vector<16xi32>
      %sub3A_270 = arith.subi %min3A_264, %select_n3A_269 : vector<16xi32>
      %add3A_271 = arith.constant 1 : i32
      %add3A_272 = vector.broadcast %add3A_271 : i32 to vector<16xi32>
      %add3A_273 = arith.addi %sub3A_270, %add3A_272 : vector<16xi32>
      %gather3A_274 = tpu.vector_load_idx %arg6[%add3A_273] : memref<16xf32, #tpu.memory_space<vmem>>[vector<16xi32>], vector<16xf32>,
      %gt3A_275 = arith.cmpf ogt, %abs3A_245, %gather3A_274 : vector<16xf32>
      %broadcast_in_dim3A_276 = vector.broadcast %scan3A_69 : i32 to vector<16xi32>
      %broadcast_in_dim3A_277 = vector.broadcast %scan3A_70 : i32 to vector<16xi32>
      %select_n3A_278 = arith.select %gt3A_275, %broadcast_in_dim3A_276, %broadcast_in_dim3A_277 : vector<16xi1>, vector<16xi32>
      %add3A_279 = arith.addi %sub3A_270, %select_n3A_278 : vector<16xi32>
      %mul3A_280 = arith.constant 16 : i32
      %mul3A_281 = vector.broadcast %mul3A_280 : i32 to vector<16xi32>
      %mul3A_282 = arith.muli %add3A_279, %mul3A_281 : vector<16xi32>
      %add3A_283 = arith.addi %mul3A_282, %iota3A : vector<16xi32>
      %mul3A_284 = arith.constant 65536 : i32
      %mul3A_285 = vector.broadcast %mul3A_284 : i32 to vector<16xi32>
      %mul3A_286 = arith.muli %select_n3A_244, %mul3A_285 : vector<16xi32>
      %add3A_287 = arith.constant 1 : i32
      %add3A_288 = vector.broadcast %add3A_287 : i32 to vector<16xi32>
      %add3A_289 = arith.addi %add3A_288, %mul3A_286 : vector<16xi32>
      tpu.vector_store_idx %arg8[%add3A_283], %add3A_289 {add = true} : memref<256xi32, #tpu.memory_space<vmem>>[vector<16xi32>], vector<16xi32>,
      tpu.vector_store_idx %arg9[%add3A_283], %abs3A_245 {add = true} : memref<256xf32, #tpu.memory_space<vmem>>[vector<16xi32>], vector<16xf32>,
      %scan3A_290 = arith.constant 4 : i32
      %scan3A_291 = arith.addi %scan3A_76, %scan3A_290 : i32
      %mul3A_292 = arith.constant 16 : i32
      %mul3A_293 = arith.muli %scan3A_291, %mul3A_292 : i32
      %get3A_294 = arith.index_cast %mul3A_293 : i32 to index
      %get3A_295 = tpu.vector_load %arg7[%get3A_294] {strides = array<i32>} : memref<8192xf32, #tpu.memory_space<vmem>>, vector<16xf32>,
      %lt3A_296 = arith.constant 0.000000e+00 : f32
      %lt3A_297 = vector.broadcast %lt3A_296 : f32 to vector<16xf32>
      %lt3A_298 = arith.cmpf olt, %get3A_295, %lt3A_297 : vector<16xf32>
      %broadcast_in_dim3A_299 = vector.broadcast %scan3A_69 : i32 to vector<16xi32>
      %broadcast_in_dim3A_300 = vector.broadcast %scan3A_70 : i32 to vector<16xi32>
      %select_n3A_301 = arith.select %lt3A_298, %broadcast_in_dim3A_299, %broadcast_in_dim3A_300 : vector<16xi1>, vector<16xi32>
      %abs3A_302 = math.absf %get3A_295 : vector<16xf32>
      %mul3A_303 = arith.constant 1.500000e+01 : f32
      %mul3A_304 = vector.broadcast %mul3A_303 : f32 to vector<16xf32>
      %mul3A_305 = arith.mulf %abs3A_302, %mul3A_304 : vector<16xf32>
      %convert_element_type3A_306 = arith.fptosi %mul3A_305 : vector<16xf32> to vector<16xi32>
      %convert_element_type3A_307 = arith.sitofp %convert_element_type3A_306 : vector<16xi32> to vector<16xf32>
      %ne3A_308 = arith.cmpf one, %mul3A_305, %convert_element_type3A_307 : vector<16xf32>
      %broadcast_in_dim3A_309 = vector.broadcast %scan3A_69 : i32 to vector<16xi32>
      %broadcast_in_dim3A_310 = vector.broadcast %scan3A_70 : i32 to vector<16xi32>
      %select_n3A_311 = arith.select %ne3A_308, %broadcast_in_dim3A_309, %broadcast_in_dim3A_310 : vector<16xi1>, vector<16xi32>
      %add3A_312 = arith.addi %convert_element_type3A_306, %select_n3A_311 : vector<16xi32>
      %sub3A_313 = arith.constant 1 : i32
      %sub3A_314 = vector.broadcast %sub3A_313 : i32 to vector<16xi32>
      %sub3A_315 = arith.subi %add3A_312, %sub3A_314 : vector<16xi32>
      %jit3A_316 = arith.constant 0 : i32
      %jit3A_317 = arith.constant 14 : i32
      %max3A_318 = vector.broadcast %jit3A_316 : i32 to vector<16xi32>
      %max3A_319 = arith.maxsi %max3A_318, %sub3A_315 : vector<16xi32>
      %min3A_320 = vector.broadcast %jit3A_317 : i32 to vector<16xi32>
      %min3A_321 = arith.minsi %min3A_320, %max3A_319 : vector<16xi32>
      %gather3A_322 = tpu.vector_load_idx %arg6[%min3A_321] : memref<16xf32, #tpu.memory_space<vmem>>[vector<16xi32>], vector<16xf32>,
      %le3A_323 = arith.cmpf ole, %abs3A_302, %gather3A_322 : vector<16xf32>
      %broadcast_in_dim3A_324 = vector.broadcast %scan3A_69 : i32 to vector<16xi32>
      %broadcast_in_dim3A_325 = vector.broadcast %scan3A_70 : i32 to vector<16xi32>
      %select_n3A_326 = arith.select %le3A_323, %broadcast_in_dim3A_324, %broadcast_in_dim3A_325 : vector<16xi1>, vector<16xi32>
      %sub3A_327 = arith.subi %min3A_321, %select_n3A_326 : vector<16xi32>
      %add3A_328 = arith.constant 1 : i32
      %add3A_329 = vector.broadcast %add3A_328 : i32 to vector<16xi32>
      %add3A_330 = arith.addi %sub3A_327, %add3A_329 : vector<16xi32>
      %gather3A_331 = tpu.vector_load_idx %arg6[%add3A_330] : memref<16xf32, #tpu.memory_space<vmem>>[vector<16xi32>], vector<16xf32>,
      %gt3A_332 = arith.cmpf ogt, %abs3A_302, %gather3A_331 : vector<16xf32>
      %broadcast_in_dim3A_333 = vector.broadcast %scan3A_69 : i32 to vector<16xi32>
      %broadcast_in_dim3A_334 = vector.broadcast %scan3A_70 : i32 to vector<16xi32>
      %select_n3A_335 = arith.select %gt3A_332, %broadcast_in_dim3A_333, %broadcast_in_dim3A_334 : vector<16xi1>, vector<16xi32>
      %add3A_336 = arith.addi %sub3A_327, %select_n3A_335 : vector<16xi32>
      %mul3A_337 = arith.constant 16 : i32
      %mul3A_338 = vector.broadcast %mul3A_337 : i32 to vector<16xi32>
      %mul3A_339 = arith.muli %add3A_336, %mul3A_338 : vector<16xi32>
      %add3A_340 = arith.addi %mul3A_339, %iota3A : vector<16xi32>
      %mul3A_341 = arith.constant 65536 : i32
      %mul3A_342 = vector.broadcast %mul3A_341 : i32 to vector<16xi32>
      %mul3A_343 = arith.muli %select_n3A_301, %mul3A_342 : vector<16xi32>
      %add3A_344 = arith.constant 1 : i32
      %add3A_345 = vector.broadcast %add3A_344 : i32 to vector<16xi32>
      %add3A_346 = arith.addi %add3A_345, %mul3A_343 : vector<16xi32>
      tpu.vector_store_idx %arg8[%add3A_340], %add3A_346 {add = true} : memref<256xi32, #tpu.memory_space<vmem>>[vector<16xi32>], vector<16xi32>,
      tpu.vector_store_idx %arg9[%add3A_340], %abs3A_302 {add = true} : memref<256xf32, #tpu.memory_space<vmem>>[vector<16xi32>], vector<16xf32>,
      %scan3A_347 = arith.constant 5 : i32
      %scan3A_348 = arith.addi %scan3A_76, %scan3A_347 : i32
      %mul3A_349 = arith.constant 16 : i32
      %mul3A_350 = arith.muli %scan3A_348, %mul3A_349 : i32
      %get3A_351 = arith.index_cast %mul3A_350 : i32 to index
      %get3A_352 = tpu.vector_load %arg7[%get3A_351] {strides = array<i32>} : memref<8192xf32, #tpu.memory_space<vmem>>, vector<16xf32>,
      %lt3A_353 = arith.constant 0.000000e+00 : f32
      %lt3A_354 = vector.broadcast %lt3A_353 : f32 to vector<16xf32>
      %lt3A_355 = arith.cmpf olt, %get3A_352, %lt3A_354 : vector<16xf32>
      %broadcast_in_dim3A_356 = vector.broadcast %scan3A_69 : i32 to vector<16xi32>
      %broadcast_in_dim3A_357 = vector.broadcast %scan3A_70 : i32 to vector<16xi32>
      %select_n3A_358 = arith.select %lt3A_355, %broadcast_in_dim3A_356, %broadcast_in_dim3A_357 : vector<16xi1>, vector<16xi32>
      %abs3A_359 = math.absf %get3A_352 : vector<16xf32>
      %mul3A_360 = arith.constant 1.500000e+01 : f32
      %mul3A_361 = vector.broadcast %mul3A_360 : f32 to vector<16xf32>
      %mul3A_362 = arith.mulf %abs3A_359, %mul3A_361 : vector<16xf32>
      %convert_element_type3A_363 = arith.fptosi %mul3A_362 : vector<16xf32> to vector<16xi32>
      %convert_element_type3A_364 = arith.sitofp %convert_element_type3A_363 : vector<16xi32> to vector<16xf32>
      %ne3A_365 = arith.cmpf one, %mul3A_362, %convert_element_type3A_364 : vector<16xf32>
      %broadcast_in_dim3A_366 = vector.broadcast %scan3A_69 : i32 to vector<16xi32>
      %broadcast_in_dim3A_367 = vector.broadcast %scan3A_70 : i32 to vector<16xi32>
      %select_n3A_368 = arith.select %ne3A_365, %broadcast_in_dim3A_366, %broadcast_in_dim3A_367 : vector<16xi1>, vector<16xi32>
      %add3A_369 = arith.addi %convert_element_type3A_363, %select_n3A_368 : vector<16xi32>
      %sub3A_370 = arith.constant 1 : i32
      %sub3A_371 = vector.broadcast %sub3A_370 : i32 to vector<16xi32>
      %sub3A_372 = arith.subi %add3A_369, %sub3A_371 : vector<16xi32>
      %jit3A_373 = arith.constant 0 : i32
      %jit3A_374 = arith.constant 14 : i32
      %max3A_375 = vector.broadcast %jit3A_373 : i32 to vector<16xi32>
      %max3A_376 = arith.maxsi %max3A_375, %sub3A_372 : vector<16xi32>
      %min3A_377 = vector.broadcast %jit3A_374 : i32 to vector<16xi32>
      %min3A_378 = arith.minsi %min3A_377, %max3A_376 : vector<16xi32>
      %gather3A_379 = tpu.vector_load_idx %arg6[%min3A_378] : memref<16xf32, #tpu.memory_space<vmem>>[vector<16xi32>], vector<16xf32>,
      %le3A_380 = arith.cmpf ole, %abs3A_359, %gather3A_379 : vector<16xf32>
      %broadcast_in_dim3A_381 = vector.broadcast %scan3A_69 : i32 to vector<16xi32>
      %broadcast_in_dim3A_382 = vector.broadcast %scan3A_70 : i32 to vector<16xi32>
      %select_n3A_383 = arith.select %le3A_380, %broadcast_in_dim3A_381, %broadcast_in_dim3A_382 : vector<16xi1>, vector<16xi32>
      %sub3A_384 = arith.subi %min3A_378, %select_n3A_383 : vector<16xi32>
      %add3A_385 = arith.constant 1 : i32
      %add3A_386 = vector.broadcast %add3A_385 : i32 to vector<16xi32>
      %add3A_387 = arith.addi %sub3A_384, %add3A_386 : vector<16xi32>
      %gather3A_388 = tpu.vector_load_idx %arg6[%add3A_387] : memref<16xf32, #tpu.memory_space<vmem>>[vector<16xi32>], vector<16xf32>,
      %gt3A_389 = arith.cmpf ogt, %abs3A_359, %gather3A_388 : vector<16xf32>
      %broadcast_in_dim3A_390 = vector.broadcast %scan3A_69 : i32 to vector<16xi32>
      %broadcast_in_dim3A_391 = vector.broadcast %scan3A_70 : i32 to vector<16xi32>
      %select_n3A_392 = arith.select %gt3A_389, %broadcast_in_dim3A_390, %broadcast_in_dim3A_391 : vector<16xi1>, vector<16xi32>
      %add3A_393 = arith.addi %sub3A_384, %select_n3A_392 : vector<16xi32>
      %mul3A_394 = arith.constant 16 : i32
      %mul3A_395 = vector.broadcast %mul3A_394 : i32 to vector<16xi32>
      %mul3A_396 = arith.muli %add3A_393, %mul3A_395 : vector<16xi32>
      %add3A_397 = arith.addi %mul3A_396, %iota3A : vector<16xi32>
      %mul3A_398 = arith.constant 65536 : i32
      %mul3A_399 = vector.broadcast %mul3A_398 : i32 to vector<16xi32>
      %mul3A_400 = arith.muli %select_n3A_358, %mul3A_399 : vector<16xi32>
      %add3A_401 = arith.constant 1 : i32
      %add3A_402 = vector.broadcast %add3A_401 : i32 to vector<16xi32>
      %add3A_403 = arith.addi %add3A_402, %mul3A_400 : vector<16xi32>
      tpu.vector_store_idx %arg8[%add3A_397], %add3A_403 {add = true} : memref<256xi32, #tpu.memory_space<vmem>>[vector<16xi32>], vector<16xi32>,
      tpu.vector_store_idx %arg9[%add3A_397], %abs3A_359 {add = true} : memref<256xf32, #tpu.memory_space<vmem>>[vector<16xi32>], vector<16xf32>,
      %scan3A_404 = arith.constant 6 : i32
      %scan3A_405 = arith.addi %scan3A_76, %scan3A_404 : i32
      %mul3A_406 = arith.constant 16 : i32
      %mul3A_407 = arith.muli %scan3A_405, %mul3A_406 : i32
      %get3A_408 = arith.index_cast %mul3A_407 : i32 to index
      %get3A_409 = tpu.vector_load %arg7[%get3A_408] {strides = array<i32>} : memref<8192xf32, #tpu.memory_space<vmem>>, vector<16xf32>,
      %lt3A_410 = arith.constant 0.000000e+00 : f32
      %lt3A_411 = vector.broadcast %lt3A_410 : f32 to vector<16xf32>
      %lt3A_412 = arith.cmpf olt, %get3A_409, %lt3A_411 : vector<16xf32>
      %broadcast_in_dim3A_413 = vector.broadcast %scan3A_69 : i32 to vector<16xi32>
      %broadcast_in_dim3A_414 = vector.broadcast %scan3A_70 : i32 to vector<16xi32>
      %select_n3A_415 = arith.select %lt3A_412, %broadcast_in_dim3A_413, %broadcast_in_dim3A_414 : vector<16xi1>, vector<16xi32>
      %abs3A_416 = math.absf %get3A_409 : vector<16xf32>
      %mul3A_417 = arith.constant 1.500000e+01 : f32
      %mul3A_418 = vector.broadcast %mul3A_417 : f32 to vector<16xf32>
      %mul3A_419 = arith.mulf %abs3A_416, %mul3A_418 : vector<16xf32>
      %convert_element_type3A_420 = arith.fptosi %mul3A_419 : vector<16xf32> to vector<16xi32>
      %convert_element_type3A_421 = arith.sitofp %convert_element_type3A_420 : vector<16xi32> to vector<16xf32>
      %ne3A_422 = arith.cmpf one, %mul3A_419, %convert_element_type3A_421 : vector<16xf32>
      %broadcast_in_dim3A_423 = vector.broadcast %scan3A_69 : i32 to vector<16xi32>
      %broadcast_in_dim3A_424 = vector.broadcast %scan3A_70 : i32 to vector<16xi32>
      %select_n3A_425 = arith.select %ne3A_422, %broadcast_in_dim3A_423, %broadcast_in_dim3A_424 : vector<16xi1>, vector<16xi32>
      %add3A_426 = arith.addi %convert_element_type3A_420, %select_n3A_425 : vector<16xi32>
      %sub3A_427 = arith.constant 1 : i32
      %sub3A_428 = vector.broadcast %sub3A_427 : i32 to vector<16xi32>
      %sub3A_429 = arith.subi %add3A_426, %sub3A_428 : vector<16xi32>
      %jit3A_430 = arith.constant 0 : i32
      %jit3A_431 = arith.constant 14 : i32
      %max3A_432 = vector.broadcast %jit3A_430 : i32 to vector<16xi32>
      %max3A_433 = arith.maxsi %max3A_432, %sub3A_429 : vector<16xi32>
      %min3A_434 = vector.broadcast %jit3A_431 : i32 to vector<16xi32>
      %min3A_435 = arith.minsi %min3A_434, %max3A_433 : vector<16xi32>
      %gather3A_436 = tpu.vector_load_idx %arg6[%min3A_435] : memref<16xf32, #tpu.memory_space<vmem>>[vector<16xi32>], vector<16xf32>,
      %le3A_437 = arith.cmpf ole, %abs3A_416, %gather3A_436 : vector<16xf32>
      %broadcast_in_dim3A_438 = vector.broadcast %scan3A_69 : i32 to vector<16xi32>
      %broadcast_in_dim3A_439 = vector.broadcast %scan3A_70 : i32 to vector<16xi32>
      %select_n3A_440 = arith.select %le3A_437, %broadcast_in_dim3A_438, %broadcast_in_dim3A_439 : vector<16xi1>, vector<16xi32>
      %sub3A_441 = arith.subi %min3A_435, %select_n3A_440 : vector<16xi32>
      %add3A_442 = arith.constant 1 : i32
      %add3A_443 = vector.broadcast %add3A_442 : i32 to vector<16xi32>
      %add3A_444 = arith.addi %sub3A_441, %add3A_443 : vector<16xi32>
      %gather3A_445 = tpu.vector_load_idx %arg6[%add3A_444] : memref<16xf32, #tpu.memory_space<vmem>>[vector<16xi32>], vector<16xf32>,
      %gt3A_446 = arith.cmpf ogt, %abs3A_416, %gather3A_445 : vector<16xf32>
      %broadcast_in_dim3A_447 = vector.broadcast %scan3A_69 : i32 to vector<16xi32>
      %broadcast_in_dim3A_448 = vector.broadcast %scan3A_70 : i32 to vector<16xi32>
      %select_n3A_449 = arith.select %gt3A_446, %broadcast_in_dim3A_447, %broadcast_in_dim3A_448 : vector<16xi1>, vector<16xi32>
      %add3A_450 = arith.addi %sub3A_441, %select_n3A_449 : vector<16xi32>
      %mul3A_451 = arith.constant 16 : i32
      %mul3A_452 = vector.broadcast %mul3A_451 : i32 to vector<16xi32>
      %mul3A_453 = arith.muli %add3A_450, %mul3A_452 : vector<16xi32>
      %add3A_454 = arith.addi %mul3A_453, %iota3A : vector<16xi32>
      %mul3A_455 = arith.constant 65536 : i32
      %mul3A_456 = vector.broadcast %mul3A_455 : i32 to vector<16xi32>
      %mul3A_457 = arith.muli %select_n3A_415, %mul3A_456 : vector<16xi32>
      %add3A_458 = arith.constant 1 : i32
      %add3A_459 = vector.broadcast %add3A_458 : i32 to vector<16xi32>
      %add3A_460 = arith.addi %add3A_459, %mul3A_457 : vector<16xi32>
      tpu.vector_store_idx %arg8[%add3A_454], %add3A_460 {add = true} : memref<256xi32, #tpu.memory_space<vmem>>[vector<16xi32>], vector<16xi32>,
      tpu.vector_store_idx %arg9[%add3A_454], %abs3A_416 {add = true} : memref<256xf32, #tpu.memory_space<vmem>>[vector<16xi32>], vector<16xf32>,
      %scan3A_461 = arith.constant 7 : i32
      %scan3A_462 = arith.addi %scan3A_76, %scan3A_461 : i32
      %mul3A_463 = arith.constant 16 : i32
      %mul3A_464 = arith.muli %scan3A_462, %mul3A_463 : i32
      %get3A_465 = arith.index_cast %mul3A_464 : i32 to index
      %get3A_466 = tpu.vector_load %arg7[%get3A_465] {strides = array<i32>} : memref<8192xf32, #tpu.memory_space<vmem>>, vector<16xf32>,
      %lt3A_467 = arith.constant 0.000000e+00 : f32
      %lt3A_468 = vector.broadcast %lt3A_467 : f32 to vector<16xf32>
      %lt3A_469 = arith.cmpf olt, %get3A_466, %lt3A_468 : vector<16xf32>
      %broadcast_in_dim3A_470 = vector.broadcast %scan3A_69 : i32 to vector<16xi32>
      %broadcast_in_dim3A_471 = vector.broadcast %scan3A_70 : i32 to vector<16xi32>
      %select_n3A_472 = arith.select %lt3A_469, %broadcast_in_dim3A_470, %broadcast_in_dim3A_471 : vector<16xi1>, vector<16xi32>
      %abs3A_473 = math.absf %get3A_466 : vector<16xf32>
      %mul3A_474 = arith.constant 1.500000e+01 : f32
      %mul3A_475 = vector.broadcast %mul3A_474 : f32 to vector<16xf32>
      %mul3A_476 = arith.mulf %abs3A_473, %mul3A_475 : vector<16xf32>
      %convert_element_type3A_477 = arith.fptosi %mul3A_476 : vector<16xf32> to vector<16xi32>
      %convert_element_type3A_478 = arith.sitofp %convert_element_type3A_477 : vector<16xi32> to vector<16xf32>
      %ne3A_479 = arith.cmpf one, %mul3A_476, %convert_element_type3A_478 : vector<16xf32>
      %broadcast_in_dim3A_480 = vector.broadcast %scan3A_69 : i32 to vector<16xi32>
      %broadcast_in_dim3A_481 = vector.broadcast %scan3A_70 : i32 to vector<16xi32>
      %select_n3A_482 = arith.select %ne3A_479, %broadcast_in_dim3A_480, %broadcast_in_dim3A_481 : vector<16xi1>, vector<16xi32>
      %add3A_483 = arith.addi %convert_element_type3A_477, %select_n3A_482 : vector<16xi32>
      %sub3A_484 = arith.constant 1 : i32
      %sub3A_485 = vector.broadcast %sub3A_484 : i32 to vector<16xi32>
      %sub3A_486 = arith.subi %add3A_483, %sub3A_485 : vector<16xi32>
      %jit3A_487 = arith.constant 0 : i32
      %jit3A_488 = arith.constant 14 : i32
      %max3A_489 = vector.broadcast %jit3A_487 : i32 to vector<16xi32>
      %max3A_490 = arith.maxsi %max3A_489, %sub3A_486 : vector<16xi32>
      %min3A_491 = vector.broadcast %jit3A_488 : i32 to vector<16xi32>
      %min3A_492 = arith.minsi %min3A_491, %max3A_490 : vector<16xi32>
      %gather3A_493 = tpu.vector_load_idx %arg6[%min3A_492] : memref<16xf32, #tpu.memory_space<vmem>>[vector<16xi32>], vector<16xf32>,
      %le3A_494 = arith.cmpf ole, %abs3A_473, %gather3A_493 : vector<16xf32>
      %broadcast_in_dim3A_495 = vector.broadcast %scan3A_69 : i32 to vector<16xi32>
      %broadcast_in_dim3A_496 = vector.broadcast %scan3A_70 : i32 to vector<16xi32>
      %select_n3A_497 = arith.select %le3A_494, %broadcast_in_dim3A_495, %broadcast_in_dim3A_496 : vector<16xi1>, vector<16xi32>
      %sub3A_498 = arith.subi %min3A_492, %select_n3A_497 : vector<16xi32>
      %add3A_499 = arith.constant 1 : i32
      %add3A_500 = vector.broadcast %add3A_499 : i32 to vector<16xi32>
      %add3A_501 = arith.addi %sub3A_498, %add3A_500 : vector<16xi32>
      %gather3A_502 = tpu.vector_load_idx %arg6[%add3A_501] : memref<16xf32, #tpu.memory_space<vmem>>[vector<16xi32>], vector<16xf32>,
      %gt3A_503 = arith.cmpf ogt, %abs3A_473, %gather3A_502 : vector<16xf32>
      %broadcast_in_dim3A_504 = vector.broadcast %scan3A_69 : i32 to vector<16xi32>
      %broadcast_in_dim3A_505 = vector.broadcast %scan3A_70 : i32 to vector<16xi32>
      %select_n3A_506 = arith.select %gt3A_503, %broadcast_in_dim3A_504, %broadcast_in_dim3A_505 : vector<16xi1>, vector<16xi32>
      %add3A_507 = arith.addi %sub3A_498, %select_n3A_506 : vector<16xi32>
      %mul3A_508 = arith.constant 16 : i32
      %mul3A_509 = vector.broadcast %mul3A_508 : i32 to vector<16xi32>
      %mul3A_510 = arith.muli %add3A_507, %mul3A_509 : vector<16xi32>
      %add3A_511 = arith.addi %mul3A_510, %iota3A : vector<16xi32>
      %mul3A_512 = arith.constant 65536 : i32
      %mul3A_513 = vector.broadcast %mul3A_512 : i32 to vector<16xi32>
      %mul3A_514 = arith.muli %select_n3A_472, %mul3A_513 : vector<16xi32>
      %add3A_515 = arith.constant 1 : i32
      %add3A_516 = vector.broadcast %add3A_515 : i32 to vector<16xi32>
      %add3A_517 = arith.addi %add3A_516, %mul3A_514 : vector<16xi32>
      tpu.vector_store_idx %arg8[%add3A_511], %add3A_517 {add = true} : memref<256xi32, #tpu.memory_space<vmem>>[vector<16xi32>], vector<16xi32>,
      tpu.vector_store_idx %arg9[%add3A_511], %abs3A_473 {add = true} : memref<256xf32, #tpu.memory_space<vmem>>[vector<16xi32>], vector<16xf32>,
    }
    %scan3A_75 = arith.constant 512 : i32
    "tpu.region"() ({
      %run_scoped3A = tpu.sem_alloc : memref<!tpu.dma_semaphore, #tpu.memory_space<semaphore_mem>>
      %dma_start3A = arith.constant 0 : i32
      %dma_start3A_76 = tpu.memref_slice %arg4[%add3A, %dma_start3A] : memref<32x256xi32, #tpu.memory_space<hbm>> -> memref<1x256xi32, #tpu.memory_space<hbm>>
      %dma_start3A_77 = tpu.memref_squeeze %dma_start3A_76 : memref<1x256xi32, #tpu.memory_space<hbm>> -> memref<256xi32, #tpu.memory_space<hbm>>
      %dma_start3A_78 = arith.constant 0 : i32
      %dma_start3A_79 = tpu.memref_slice %arg4[%add3A, %dma_start3A_78] : memref<32x256xi32, #tpu.memory_space<hbm>> -> memref<1x256xi32, #tpu.memory_space<hbm>>
      %dma_start3A_80 = tpu.memref_squeeze %dma_start3A_79 : memref<1x256xi32, #tpu.memory_space<hbm>> -> memref<256xi32, #tpu.memory_space<hbm>>
      tpu.enqueue_dma source(%arg8 : memref<256xi32, #tpu.memory_space<vmem>>) target(%dma_start3A_80 : memref<256xi32, #tpu.memory_space<hbm>>) target_semaphore(%run_scoped3A : memref<!tpu.dma_semaphore, #tpu.memory_space<semaphore_mem>>)
      %dma_wait3A = arith.constant 0 : i32
      %dma_wait3A_81 = tpu.memref_slice %arg4[%add3A, %dma_wait3A] : memref<32x256xi32, #tpu.memory_space<hbm>> -> memref<1x256xi32, #tpu.memory_space<hbm>>
      %dma_wait3A_82 = tpu.memref_squeeze %dma_wait3A_81 : memref<1x256xi32, #tpu.memory_space<hbm>> -> memref<256xi32, #tpu.memory_space<hbm>>
      %dma_wait3A_83 = arith.constant 0 : i32
      %dma_wait3A_84 = tpu.memref_slice %arg4[%add3A, %dma_wait3A_83] : memref<32x256xi32, #tpu.memory_space<hbm>> -> memref<1x256xi32, #tpu.memory_space<hbm>>
      %dma_wait3A_85 = tpu.memref_squeeze %dma_wait3A_84 : memref<1x256xi32, #tpu.memory_space<hbm>> -> memref<256xi32, #tpu.memory_space<hbm>>
      tpu.wait_dma2 semaphore(%run_scoped3A : memref<!tpu.dma_semaphore, #tpu.memory_space<semaphore_mem>>) src(%arg8 : memref<256xi32, #tpu.memory_space<vmem>>) dst(%dma_wait3A_85 : memref<256xi32, #tpu.memory_space<hbm>>)
      tpu.yield
    }) : () -> ()
    "tpu.region"() ({
      %run_scoped3A = tpu.sem_alloc : memref<!tpu.dma_semaphore, #tpu.memory_space<semaphore_mem>>
      %dma_start3A = arith.constant 0 : i32
      %dma_start3A_76 = tpu.memref_slice %arg5[%add3A, %dma_start3A] : memref<32x256xf32, #tpu.memory_space<hbm>> -> memref<1x256xf32, #tpu.memory_space<hbm>>
      %dma_start3A_77 = tpu.memref_squeeze %dma_start3A_76 : memref<1x256xf32, #tpu.memory_space<hbm>> -> memref<256xf32, #tpu.memory_space<hbm>>
      %dma_start3A_78 = arith.constant 0 : i32
      %dma_start3A_79 = tpu.memref_slice %arg5[%add3A, %dma_start3A_78] : memref<32x256xf32, #tpu.memory_space<hbm>> -> memref<1x256xf32, #tpu.memory_space<hbm>>
      %dma_start3A_80 = tpu.memref_squeeze %dma_start3A_79 : memref<1x256xf32, #tpu.memory_space<hbm>> -> memref<256xf32, #tpu.memory_space<hbm>>
      tpu.enqueue_dma source(%arg9 : memref<256xf32, #tpu.memory_space<vmem>>) target(%dma_start3A_80 : memref<256xf32, #tpu.memory_space<hbm>>) target_semaphore(%run_scoped3A : memref<!tpu.dma_semaphore, #tpu.memory_space<semaphore_mem>>)
      %dma_wait3A = arith.constant 0 : i32
      %dma_wait3A_81 = tpu.memref_slice %arg5[%add3A, %dma_wait3A] : memref<32x256xf32, #tpu.memory_space<hbm>> -> memref<1x256xf32, #tpu.memory_space<hbm>>
      %dma_wait3A_82 = tpu.memref_squeeze %dma_wait3A_81 : memref<1x256xf32, #tpu.memory_space<hbm>> -> memref<256xf32, #tpu.memory_space<hbm>>
      %dma_wait3A_83 = arith.constant 0 : i32
      %dma_wait3A_84 = tpu.memref_slice %arg5[%add3A, %dma_wait3A_83] : memref<32x256xf32, #tpu.memory_space<hbm>> -> memref<1x256xf32, #tpu.memory_space<hbm>>
      %dma_wait3A_85 = tpu.memref_squeeze %dma_wait3A_84 : memref<1x256xf32, #tpu.memory_space<hbm>> -> memref<256xf32, #tpu.memory_space<hbm>>
      tpu.wait_dma2 semaphore(%run_scoped3A : memref<!tpu.dma_semaphore, #tpu.memory_space<semaphore_mem>>) src(%arg9 : memref<256xf32, #tpu.memory_space<vmem>>) dst(%dma_wait3A_85 : memref<256xf32, #tpu.memory_space<hbm>>)
      tpu.yield
    }) : () -> ()
    return
  }
}

#map = affine_map<(d0, d1) -> (0)>
#map1 = affine_map<(d0, d1) -> (0, 0)>
module attributes {stable_mosaic.version = 14 : i64} {
  func.func @_sc_hist(%arg0: i32, %arg1: i32, %arg2: memref<16xf32, #tpu.memory_space<hbm>>, %arg3: memref<262144xf32, #tpu.memory_space<hbm>>, %arg4: memref<32x256xi32, #tpu.memory_space<hbm>>, %arg5: memref<32x256xf32, #tpu.memory_space<hbm>>, %arg6: memref<16xf32, #tpu.memory_space<vmem>>, %arg7: memref<8192xf32, #tpu.memory_space<vmem>>, %arg8: memref<256xi32, #tpu.memory_space<vmem>>, %arg9: memref<256xf32, #tpu.memory_space<vmem>>) attributes {dimension_semantics = [#tpu.dimension_semantics<core_parallel>, #tpu.dimension_semantics<subcore_parallel>], iteration_bounds = array<i64: 2, 16>, scalar_prefetch = 0 : i64, scratch_operands = 4 : i64, tpu.core_type = #tpu.core_type<sc_vector_subcore>, window_params = [{transform_indices = #map}, {transform_indices = #map}, {transform_indices = #map1}, {transform_indices = #map1}]} {
    %mul3A = arith.constant 2 : i32
    %mul3A_0 = arith.muli %arg1, %mul3A : i32
    %add3A = arith.addi %mul3A_0, %arg0 : i32
    "tpu.region"() ({
      %run_scoped3A = tpu.sem_alloc : memref<!tpu.dma_semaphore, #tpu.memory_space<semaphore_mem>>
      tpu.enqueue_dma source(%arg2 : memref<16xf32, #tpu.memory_space<hbm>>) target(%arg6 : memref<16xf32, #tpu.memory_space<vmem>>) target_semaphore(%run_scoped3A : memref<!tpu.dma_semaphore, #tpu.memory_space<semaphore_mem>>)
      tpu.wait_dma2 semaphore(%run_scoped3A : memref<!tpu.dma_semaphore, #tpu.memory_space<semaphore_mem>>) src(%arg2 : memref<16xf32, #tpu.memory_space<hbm>>) dst(%arg6 : memref<16xf32, #tpu.memory_space<vmem>>)
      tpu.yield
    }) : () -> ()
    %mul3A_1 = arith.constant 8192 : i32
    %mul3A_2 = arith.muli %add3A, %mul3A_1 : i32
    "tpu.region"() ({
      %run_scoped3A = tpu.sem_alloc : memref<!tpu.dma_semaphore, #tpu.memory_space<semaphore_mem>>
      %dma_start3A = tpu.memref_slice %arg3[%mul3A_2] : memref<262144xf32, #tpu.memory_space<hbm>> -> memref<8192xf32, #tpu.memory_space<hbm>>
      %dma_start3A_76 = tpu.memref_slice %arg3[%mul3A_2] : memref<262144xf32, #tpu.memory_space<hbm>> -> memref<8192xf32, #tpu.memory_space<hbm>>
      tpu.enqueue_dma source(%dma_start3A_76 : memref<8192xf32, #tpu.memory_space<hbm>>) target(%arg7 : memref<8192xf32, #tpu.memory_space<vmem>>) target_semaphore(%run_scoped3A : memref<!tpu.dma_semaphore, #tpu.memory_space<semaphore_mem>>)
      %dma_wait3A = tpu.memref_slice %arg3[%mul3A_2] : memref<262144xf32, #tpu.memory_space<hbm>> -> memref<8192xf32, #tpu.memory_space<hbm>>
      %dma_wait3A_77 = tpu.memref_slice %arg3[%mul3A_2] : memref<262144xf32, #tpu.memory_space<hbm>> -> memref<8192xf32, #tpu.memory_space<hbm>>
      tpu.wait_dma2 semaphore(%run_scoped3A : memref<!tpu.dma_semaphore, #tpu.memory_space<semaphore_mem>>) src(%dma_wait3A_77 : memref<8192xf32, #tpu.memory_space<hbm>>) dst(%arg7 : memref<8192xf32, #tpu.memory_space<vmem>>)
      tpu.yield
    }) : () -> ()
    %broadcast_in_dim3A = arith.constant 0 : i32
    %broadcast_in_dim3A_3 = vector.broadcast %broadcast_in_dim3A : i32 to vector<16xi32>
    %broadcast_in_dim3A_4 = arith.constant 0.000000e+00 : f32
    %broadcast_in_dim3A_5 = vector.broadcast %broadcast_in_dim3A_4 : f32 to vector<16xf32>
    %swap3A = arith.constant 0 : index
    %swap3A_6 = tpu.vector_load %arg8[%swap3A] {strides = array<i32>} : memref<256xi32, #tpu.memory_space<vmem>>, vector<16xi32>,
    tpu.vector_store %arg8[%swap3A], %broadcast_in_dim3A_3 {strides = array<i32>} : memref<256xi32, #tpu.memory_space<vmem>>, vector<16xi32>,
    %swap3A_7 = arith.constant 0 : index
    %swap3A_8 = tpu.vector_load %arg9[%swap3A_7] {strides = array<i32>} : memref<256xf32, #tpu.memory_space<vmem>>, vector<16xf32>,
    tpu.vector_store %arg9[%swap3A_7], %broadcast_in_dim3A_5 {strides = array<i32>} : memref<256xf32, #tpu.memory_space<vmem>>, vector<16xf32>,
    %swap3A_9 = arith.constant 16 : index
    %swap3A_10 = tpu.vector_load %arg8[%swap3A_9] {strides = array<i32>} : memref<256xi32, #tpu.memory_space<vmem>>, vector<16xi32>,
    tpu.vector_store %arg8[%swap3A_9], %broadcast_in_dim3A_3 {strides = array<i32>} : memref<256xi32, #tpu.memory_space<vmem>>, vector<16xi32>,
    %swap3A_11 = arith.constant 16 : index
    %swap3A_12 = tpu.vector_load %arg9[%swap3A_11] {strides = array<i32>} : memref<256xf32, #tpu.memory_space<vmem>>, vector<16xf32>,
    tpu.vector_store %arg9[%swap3A_11], %broadcast_in_dim3A_5 {strides = array<i32>} : memref<256xf32, #tpu.memory_space<vmem>>, vector<16xf32>,
    %swap3A_13 = arith.constant 32 : index
    %swap3A_14 = tpu.vector_load %arg8[%swap3A_13] {strides = array<i32>} : memref<256xi32, #tpu.memory_space<vmem>>, vector<16xi32>,
    tpu.vector_store %arg8[%swap3A_13], %broadcast_in_dim3A_3 {strides = array<i32>} : memref<256xi32, #tpu.memory_space<vmem>>, vector<16xi32>,
    %swap3A_15 = arith.constant 32 : index
    %swap3A_16 = tpu.vector_load %arg9[%swap3A_15] {strides = array<i32>} : memref<256xf32, #tpu.memory_space<vmem>>, vector<16xf32>,
    tpu.vector_store %arg9[%swap3A_15], %broadcast_in_dim3A_5 {strides = array<i32>} : memref<256xf32, #tpu.memory_space<vmem>>, vector<16xf32>,
    %swap3A_17 = arith.constant 48 : index
    %swap3A_18 = tpu.vector_load %arg8[%swap3A_17] {strides = array<i32>} : memref<256xi32, #tpu.memory_space<vmem>>, vector<16xi32>,
    tpu.vector_store %arg8[%swap3A_17], %broadcast_in_dim3A_3 {strides = array<i32>} : memref<256xi32, #tpu.memory_space<vmem>>, vector<16xi32>,
    %swap3A_19 = arith.constant 48 : index
    %swap3A_20 = tpu.vector_load %arg9[%swap3A_19] {strides = array<i32>} : memref<256xf32, #tpu.memory_space<vmem>>, vector<16xf32>,
    tpu.vector_store %arg9[%swap3A_19], %broadcast_in_dim3A_5 {strides = array<i32>} : memref<256xf32, #tpu.memory_space<vmem>>, vector<16xf32>,
    %swap3A_21 = arith.constant 64 : index
    %swap3A_22 = tpu.vector_load %arg8[%swap3A_21] {strides = array<i32>} : memref<256xi32, #tpu.memory_space<vmem>>, vector<16xi32>,
    tpu.vector_store %arg8[%swap3A_21], %broadcast_in_dim3A_3 {strides = array<i32>} : memref<256xi32, #tpu.memory_space<vmem>>, vector<16xi32>,
    %swap3A_23 = arith.constant 64 : index
    %swap3A_24 = tpu.vector_load %arg9[%swap3A_23] {strides = array<i32>} : memref<256xf32, #tpu.memory_space<vmem>>, vector<16xf32>,
    tpu.vector_store %arg9[%swap3A_23], %broadcast_in_dim3A_5 {strides = array<i32>} : memref<256xf32, #tpu.memory_space<vmem>>, vector<16xf32>,
    %swap3A_25 = arith.constant 80 : index
    %swap3A_26 = tpu.vector_load %arg8[%swap3A_25] {strides = array<i32>} : memref<256xi32, #tpu.memory_space<vmem>>, vector<16xi32>,
    tpu.vector_store %arg8[%swap3A_25], %broadcast_in_dim3A_3 {strides = array<i32>} : memref<256xi32, #tpu.memory_space<vmem>>, vector<16xi32>,
    %swap3A_27 = arith.constant 80 : index
    %swap3A_28 = tpu.vector_load %arg9[%swap3A_27] {strides = array<i32>} : memref<256xf32, #tpu.memory_space<vmem>>, vector<16xf32>,
    tpu.vector_store %arg9[%swap3A_27], %broadcast_in_dim3A_5 {strides = array<i32>} : memref<256xf32, #tpu.memory_space<vmem>>, vector<16xf32>,
    %swap3A_29 = arith.constant 96 : index
    %swap3A_30 = tpu.vector_load %arg8[%swap3A_29] {strides = array<i32>} : memref<256xi32, #tpu.memory_space<vmem>>, vector<16xi32>,
    tpu.vector_store %arg8[%swap3A_29], %broadcast_in_dim3A_3 {strides = array<i32>} : memref<256xi32, #tpu.memory_space<vmem>>, vector<16xi32>,
    %swap3A_31 = arith.constant 96 : index
    %swap3A_32 = tpu.vector_load %arg9[%swap3A_31] {strides = array<i32>} : memref<256xf32, #tpu.memory_space<vmem>>, vector<16xf32>,
    tpu.vector_store %arg9[%swap3A_31], %broadcast_in_dim3A_5 {strides = array<i32>} : memref<256xf32, #tpu.memory_space<vmem>>, vector<16xf32>,
    %swap3A_33 = arith.constant 112 : index
    %swap3A_34 = tpu.vector_load %arg8[%swap3A_33] {strides = array<i32>} : memref<256xi32, #tpu.memory_space<vmem>>, vector<16xi32>,
    tpu.vector_store %arg8[%swap3A_33], %broadcast_in_dim3A_3 {strides = array<i32>} : memref<256xi32, #tpu.memory_space<vmem>>, vector<16xi32>,
    %swap3A_35 = arith.constant 112 : index
    %swap3A_36 = tpu.vector_load %arg9[%swap3A_35] {strides = array<i32>} : memref<256xf32, #tpu.memory_space<vmem>>, vector<16xf32>,
    tpu.vector_store %arg9[%swap3A_35], %broadcast_in_dim3A_5 {strides = array<i32>} : memref<256xf32, #tpu.memory_space<vmem>>, vector<16xf32>,
    %swap3A_37 = arith.constant 128 : index
    %swap3A_38 = tpu.vector_load %arg8[%swap3A_37] {strides = array<i32>} : memref<256xi32, #tpu.memory_space<vmem>>, vector<16xi32>,
    tpu.vector_store %arg8[%swap3A_37], %broadcast_in_dim3A_3 {strides = array<i32>} : memref<256xi32, #tpu.memory_space<vmem>>, vector<16xi32>,
    %swap3A_39 = arith.constant 128 : index
    %swap3A_40 = tpu.vector_load %arg9[%swap3A_39] {strides = array<i32>} : memref<256xf32, #tpu.memory_space<vmem>>, vector<16xf32>,
    tpu.vector_store %arg9[%swap3A_39], %broadcast_in_dim3A_5 {strides = array<i32>} : memref<256xf32, #tpu.memory_space<vmem>>, vector<16xf32>,
    %swap3A_41 = arith.constant 144 : index
    %swap3A_42 = tpu.vector_load %arg8[%swap3A_41] {strides = array<i32>} : memref<256xi32, #tpu.memory_space<vmem>>, vector<16xi32>,
    tpu.vector_store %arg8[%swap3A_41], %broadcast_in_dim3A_3 {strides = array<i32>} : memref<256xi32, #tpu.memory_space<vmem>>, vector<16xi32>,
    %swap3A_43 = arith.constant 144 : index
    %swap3A_44 = tpu.vector_load %arg9[%swap3A_43] {strides = array<i32>} : memref<256xf32, #tpu.memory_space<vmem>>, vector<16xf32>,
    tpu.vector_store %arg9[%swap3A_43], %broadcast_in_dim3A_5 {strides = array<i32>} : memref<256xf32, #tpu.memory_space<vmem>>, vector<16xf32>,
    %swap3A_45 = arith.constant 160 : index
    %swap3A_46 = tpu.vector_load %arg8[%swap3A_45] {strides = array<i32>} : memref<256xi32, #tpu.memory_space<vmem>>, vector<16xi32>,
    tpu.vector_store %arg8[%swap3A_45], %broadcast_in_dim3A_3 {strides = array<i32>} : memref<256xi32, #tpu.memory_space<vmem>>, vector<16xi32>,
    %swap3A_47 = arith.constant 160 : index
    %swap3A_48 = tpu.vector_load %arg9[%swap3A_47] {strides = array<i32>} : memref<256xf32, #tpu.memory_space<vmem>>, vector<16xf32>,
    tpu.vector_store %arg9[%swap3A_47], %broadcast_in_dim3A_5 {strides = array<i32>} : memref<256xf32, #tpu.memory_space<vmem>>, vector<16xf32>,
    %swap3A_49 = arith.constant 176 : index
    %swap3A_50 = tpu.vector_load %arg8[%swap3A_49] {strides = array<i32>} : memref<256xi32, #tpu.memory_space<vmem>>, vector<16xi32>,
    tpu.vector_store %arg8[%swap3A_49], %broadcast_in_dim3A_3 {strides = array<i32>} : memref<256xi32, #tpu.memory_space<vmem>>, vector<16xi32>,
    %swap3A_51 = arith.constant 176 : index
    %swap3A_52 = tpu.vector_load %arg9[%swap3A_51] {strides = array<i32>} : memref<256xf32, #tpu.memory_space<vmem>>, vector<16xf32>,
    tpu.vector_store %arg9[%swap3A_51], %broadcast_in_dim3A_5 {strides = array<i32>} : memref<256xf32, #tpu.memory_space<vmem>>, vector<16xf32>,
    %swap3A_53 = arith.constant 192 : index
    %swap3A_54 = tpu.vector_load %arg8[%swap3A_53] {strides = array<i32>} : memref<256xi32, #tpu.memory_space<vmem>>, vector<16xi32>,
    tpu.vector_store %arg8[%swap3A_53], %broadcast_in_dim3A_3 {strides = array<i32>} : memref<256xi32, #tpu.memory_space<vmem>>, vector<16xi32>,
    %swap3A_55 = arith.constant 192 : index
    %swap3A_56 = tpu.vector_load %arg9[%swap3A_55] {strides = array<i32>} : memref<256xf32, #tpu.memory_space<vmem>>, vector<16xf32>,
    tpu.vector_store %arg9[%swap3A_55], %broadcast_in_dim3A_5 {strides = array<i32>} : memref<256xf32, #tpu.memory_space<vmem>>, vector<16xf32>,
    %swap3A_57 = arith.constant 208 : index
    %swap3A_58 = tpu.vector_load %arg8[%swap3A_57] {strides = array<i32>} : memref<256xi32, #tpu.memory_space<vmem>>, vector<16xi32>,
    tpu.vector_store %arg8[%swap3A_57], %broadcast_in_dim3A_3 {strides = array<i32>} : memref<256xi32, #tpu.memory_space<vmem>>, vector<16xi32>,
    %swap3A_59 = arith.constant 208 : index
    %swap3A_60 = tpu.vector_load %arg9[%swap3A_59] {strides = array<i32>} : memref<256xf32, #tpu.memory_space<vmem>>, vector<16xf32>,
    tpu.vector_store %arg9[%swap3A_59], %broadcast_in_dim3A_5 {strides = array<i32>} : memref<256xf32, #tpu.memory_space<vmem>>, vector<16xf32>,
    %swap3A_61 = arith.constant 224 : index
    %swap3A_62 = tpu.vector_load %arg8[%swap3A_61] {strides = array<i32>} : memref<256xi32, #tpu.memory_space<vmem>>, vector<16xi32>,
    tpu.vector_store %arg8[%swap3A_61], %broadcast_in_dim3A_3 {strides = array<i32>} : memref<256xi32, #tpu.memory_space<vmem>>, vector<16xi32>,
    %swap3A_63 = arith.constant 224 : index
    %swap3A_64 = tpu.vector_load %arg9[%swap3A_63] {strides = array<i32>} : memref<256xf32, #tpu.memory_space<vmem>>, vector<16xf32>,
    tpu.vector_store %arg9[%swap3A_63], %broadcast_in_dim3A_5 {strides = array<i32>} : memref<256xf32, #tpu.memory_space<vmem>>, vector<16xf32>,
    %swap3A_65 = arith.constant 240 : index
    %swap3A_66 = tpu.vector_load %arg8[%swap3A_65] {strides = array<i32>} : memref<256xi32, #tpu.memory_space<vmem>>, vector<16xi32>,
    tpu.vector_store %arg8[%swap3A_65], %broadcast_in_dim3A_3 {strides = array<i32>} : memref<256xi32, #tpu.memory_space<vmem>>, vector<16xi32>,
    %swap3A_67 = arith.constant 240 : index
    %swap3A_68 = tpu.vector_load %arg9[%swap3A_67] {strides = array<i32>} : memref<256xf32, #tpu.memory_space<vmem>>, vector<16xf32>,
    tpu.vector_store %arg9[%swap3A_67], %broadcast_in_dim3A_5 {strides = array<i32>} : memref<256xf32, #tpu.memory_space<vmem>>, vector<16xf32>,
    %iota3A = tpu.iota {dimensions = array<i32: 0>} : vector<16xi32>
    %scan3A = arith.constant 0 : i32
    %scan3A_69 = arith.constant 1 : i32
    %scan3A_70 = arith.constant 0 : i32
    %scan3A_71 = arith.constant 0 : i32
    %scan3A_72 = arith.constant 512 : i32
    %scan3A_73 = arith.addi %scan3A_71, %scan3A_72 : i32
    %scan3A_74 = arith.constant 8 : i32
    scf.for %scan3A_76 = %scan3A_71 to %scan3A_73 step %scan3A_74  : i32 {
      %mul3A_77 = arith.constant 16 : i32
      %mul3A_78 = arith.muli %scan3A_76, %mul3A_77 : i32
      %get3A = arith.index_cast %mul3A_78 : i32 to index
      %get3A_79 = tpu.vector_load %arg7[%get3A] {strides = array<i32>} : memref<8192xf32, #tpu.memory_space<vmem>>, vector<16xf32>,
      %lt3A = arith.constant 0.000000e+00 : f32
      %lt3A_80 = vector.broadcast %lt3A : f32 to vector<16xf32>
      %lt3A_81 = arith.cmpf olt, %get3A_79, %lt3A_80 : vector<16xf32>
      %broadcast_in_dim3A_82 = vector.broadcast %scan3A_69 : i32 to vector<16xi32>
      %broadcast_in_dim3A_83 = vector.broadcast %scan3A_70 : i32 to vector<16xi32>
      %select_n3A = arith.select %lt3A_81, %broadcast_in_dim3A_82, %broadcast_in_dim3A_83 : vector<16xi1>, vector<16xi32>
      %abs3A = math.absf %get3A_79 : vector<16xf32>
      %mul3A_84 = arith.constant 1.500000e+01 : f32
      %mul3A_85 = vector.broadcast %mul3A_84 : f32 to vector<16xf32>
      %mul3A_86 = arith.mulf %abs3A, %mul3A_85 : vector<16xf32>
      %convert_element_type3A = arith.fptosi %mul3A_86 : vector<16xf32> to vector<16xi32>
      %convert_element_type3A_87 = arith.sitofp %convert_element_type3A : vector<16xi32> to vector<16xf32>
      %ne3A = arith.cmpf one, %mul3A_86, %convert_element_type3A_87 : vector<16xf32>
      %broadcast_in_dim3A_88 = vector.broadcast %scan3A_69 : i32 to vector<16xi32>
      %broadcast_in_dim3A_89 = vector.broadcast %scan3A_70 : i32 to vector<16xi32>
      %select_n3A_90 = arith.select %ne3A, %broadcast_in_dim3A_88, %broadcast_in_dim3A_89 : vector<16xi1>, vector<16xi32>
      %add3A_91 = arith.addi %convert_element_type3A, %select_n3A_90 : vector<16xi32>
      %sub3A = arith.constant 1 : i32
      %sub3A_92 = vector.broadcast %sub3A : i32 to vector<16xi32>
      %sub3A_93 = arith.subi %add3A_91, %sub3A_92 : vector<16xi32>
      %jit3A = arith.constant 0 : i32
      %jit3A_94 = arith.constant 14 : i32
      %max3A = vector.broadcast %jit3A : i32 to vector<16xi32>
      %max3A_95 = arith.maxsi %max3A, %sub3A_93 : vector<16xi32>
      %min3A = vector.broadcast %jit3A_94 : i32 to vector<16xi32>
      %min3A_96 = arith.minsi %min3A, %max3A_95 : vector<16xi32>
      %gather3A = tpu.vector_load_idx %arg6[%min3A_96] : memref<16xf32, #tpu.memory_space<vmem>>[vector<16xi32>], vector<16xf32>,
      %le3A = arith.cmpf ole, %abs3A, %gather3A : vector<16xf32>
      %broadcast_in_dim3A_97 = vector.broadcast %scan3A_69 : i32 to vector<16xi32>
      %broadcast_in_dim3A_98 = vector.broadcast %scan3A_70 : i32 to vector<16xi32>
      %select_n3A_99 = arith.select %le3A, %broadcast_in_dim3A_97, %broadcast_in_dim3A_98 : vector<16xi1>, vector<16xi32>
      %sub3A_100 = arith.subi %min3A_96, %select_n3A_99 : vector<16xi32>
      %add3A_101 = arith.constant 1 : i32
      %add3A_102 = vector.broadcast %add3A_101 : i32 to vector<16xi32>
      %add3A_103 = arith.addi %sub3A_100, %add3A_102 : vector<16xi32>
      %gather3A_104 = tpu.vector_load_idx %arg6[%add3A_103] : memref<16xf32, #tpu.memory_space<vmem>>[vector<16xi32>], vector<16xf32>,
      %gt3A = arith.cmpf ogt, %abs3A, %gather3A_104 : vector<16xf32>
      %broadcast_in_dim3A_105 = vector.broadcast %scan3A_69 : i32 to vector<16xi32>
      %broadcast_in_dim3A_106 = vector.broadcast %scan3A_70 : i32 to vector<16xi32>
      %select_n3A_107 = arith.select %gt3A, %broadcast_in_dim3A_105, %broadcast_in_dim3A_106 : vector<16xi1>, vector<16xi32>
      %add3A_108 = arith.addi %sub3A_100, %select_n3A_107 : vector<16xi32>
      %mul3A_109 = arith.constant 16 : i32
      %mul3A_110 = vector.broadcast %mul3A_109 : i32 to vector<16xi32>
      %mul3A_111 = arith.muli %add3A_108, %mul3A_110 : vector<16xi32>
      %add3A_112 = arith.addi %mul3A_111, %iota3A : vector<16xi32>
      %mul3A_113 = arith.constant 65536 : i32
      %mul3A_114 = vector.broadcast %mul3A_113 : i32 to vector<16xi32>
      %mul3A_115 = arith.muli %select_n3A, %mul3A_114 : vector<16xi32>
      %add3A_116 = arith.constant 1 : i32
      %add3A_117 = vector.broadcast %add3A_116 : i32 to vector<16xi32>
      %add3A_118 = arith.addi %add3A_117, %mul3A_115 : vector<16xi32>
      tpu.vector_store_idx %arg8[%add3A_112], %add3A_118 {add = true} : memref<256xi32, #tpu.memory_space<vmem>>[vector<16xi32>], vector<16xi32>,
      tpu.vector_store_idx %arg9[%add3A_112], %abs3A {add = true} : memref<256xf32, #tpu.memory_space<vmem>>[vector<16xi32>], vector<16xf32>,
      %scan3A_119 = arith.constant 1 : i32
      %scan3A_120 = arith.addi %scan3A_76, %scan3A_119 : i32
      %mul3A_121 = arith.constant 16 : i32
      %mul3A_122 = arith.muli %scan3A_120, %mul3A_121 : i32
      %get3A_123 = arith.index_cast %mul3A_122 : i32 to index
      %get3A_124 = tpu.vector_load %arg7[%get3A_123] {strides = array<i32>} : memref<8192xf32, #tpu.memory_space<vmem>>, vector<16xf32>,
      %lt3A_125 = arith.constant 0.000000e+00 : f32
      %lt3A_126 = vector.broadcast %lt3A_125 : f32 to vector<16xf32>
      %lt3A_127 = arith.cmpf olt, %get3A_124, %lt3A_126 : vector<16xf32>
      %broadcast_in_dim3A_128 = vector.broadcast %scan3A_69 : i32 to vector<16xi32>
      %broadcast_in_dim3A_129 = vector.broadcast %scan3A_70 : i32 to vector<16xi32>
      %select_n3A_130 = arith.select %lt3A_127, %broadcast_in_dim3A_128, %broadcast_in_dim3A_129 : vector<16xi1>, vector<16xi32>
      %abs3A_131 = math.absf %get3A_124 : vector<16xf32>
      %mul3A_132 = arith.constant 1.500000e+01 : f32
      %mul3A_133 = vector.broadcast %mul3A_132 : f32 to vector<16xf32>
      %mul3A_134 = arith.mulf %abs3A_131, %mul3A_133 : vector<16xf32>
      %convert_element_type3A_135 = arith.fptosi %mul3A_134 : vector<16xf32> to vector<16xi32>
      %convert_element_type3A_136 = arith.sitofp %convert_element_type3A_135 : vector<16xi32> to vector<16xf32>
      %ne3A_137 = arith.cmpf one, %mul3A_134, %convert_element_type3A_136 : vector<16xf32>
      %broadcast_in_dim3A_138 = vector.broadcast %scan3A_69 : i32 to vector<16xi32>
      %broadcast_in_dim3A_139 = vector.broadcast %scan3A_70 : i32 to vector<16xi32>
      %select_n3A_140 = arith.select %ne3A_137, %broadcast_in_dim3A_138, %broadcast_in_dim3A_139 : vector<16xi1>, vector<16xi32>
      %add3A_141 = arith.addi %convert_element_type3A_135, %select_n3A_140 : vector<16xi32>
      %sub3A_142 = arith.constant 1 : i32
      %sub3A_143 = vector.broadcast %sub3A_142 : i32 to vector<16xi32>
      %sub3A_144 = arith.subi %add3A_141, %sub3A_143 : vector<16xi32>
      %jit3A_145 = arith.constant 0 : i32
      %jit3A_146 = arith.constant 14 : i32
      %max3A_147 = vector.broadcast %jit3A_145 : i32 to vector<16xi32>
      %max3A_148 = arith.maxsi %max3A_147, %sub3A_144 : vector<16xi32>
      %min3A_149 = vector.broadcast %jit3A_146 : i32 to vector<16xi32>
      %min3A_150 = arith.minsi %min3A_149, %max3A_148 : vector<16xi32>
      %gather3A_151 = tpu.vector_load_idx %arg6[%min3A_150] : memref<16xf32, #tpu.memory_space<vmem>>[vector<16xi32>], vector<16xf32>,
      %le3A_152 = arith.cmpf ole, %abs3A_131, %gather3A_151 : vector<16xf32>
      %broadcast_in_dim3A_153 = vector.broadcast %scan3A_69 : i32 to vector<16xi32>
      %broadcast_in_dim3A_154 = vector.broadcast %scan3A_70 : i32 to vector<16xi32>
      %select_n3A_155 = arith.select %le3A_152, %broadcast_in_dim3A_153, %broadcast_in_dim3A_154 : vector<16xi1>, vector<16xi32>
      %sub3A_156 = arith.subi %min3A_150, %select_n3A_155 : vector<16xi32>
      %add3A_157 = arith.constant 1 : i32
      %add3A_158 = vector.broadcast %add3A_157 : i32 to vector<16xi32>
      %add3A_159 = arith.addi %sub3A_156, %add3A_158 : vector<16xi32>
      %gather3A_160 = tpu.vector_load_idx %arg6[%add3A_159] : memref<16xf32, #tpu.memory_space<vmem>>[vector<16xi32>], vector<16xf32>,
      %gt3A_161 = arith.cmpf ogt, %abs3A_131, %gather3A_160 : vector<16xf32>
      %broadcast_in_dim3A_162 = vector.broadcast %scan3A_69 : i32 to vector<16xi32>
      %broadcast_in_dim3A_163 = vector.broadcast %scan3A_70 : i32 to vector<16xi32>
      %select_n3A_164 = arith.select %gt3A_161, %broadcast_in_dim3A_162, %broadcast_in_dim3A_163 : vector<16xi1>, vector<16xi32>
      %add3A_165 = arith.addi %sub3A_156, %select_n3A_164 : vector<16xi32>
      %mul3A_166 = arith.constant 16 : i32
      %mul3A_167 = vector.broadcast %mul3A_166 : i32 to vector<16xi32>
      %mul3A_168 = arith.muli %add3A_165, %mul3A_167 : vector<16xi32>
      %add3A_169 = arith.addi %mul3A_168, %iota3A : vector<16xi32>
      %mul3A_170 = arith.constant 65536 : i32
      %mul3A_171 = vector.broadcast %mul3A_170 : i32 to vector<16xi32>
      %mul3A_172 = arith.muli %select_n3A_130, %mul3A_171 : vector<16xi32>
      %add3A_173 = arith.constant 1 : i32
      %add3A_174 = vector.broadcast %add3A_173 : i32 to vector<16xi32>
      %add3A_175 = arith.addi %add3A_174, %mul3A_172 : vector<16xi32>
      tpu.vector_store_idx %arg8[%add3A_169], %add3A_175 {add = true} : memref<256xi32, #tpu.memory_space<vmem>>[vector<16xi32>], vector<16xi32>,
      tpu.vector_store_idx %arg9[%add3A_169], %abs3A_131 {add = true} : memref<256xf32, #tpu.memory_space<vmem>>[vector<16xi32>], vector<16xf32>,
      %scan3A_176 = arith.constant 2 : i32
      %scan3A_177 = arith.addi %scan3A_76, %scan3A_176 : i32
      %mul3A_178 = arith.constant 16 : i32
      %mul3A_179 = arith.muli %scan3A_177, %mul3A_178 : i32
      %get3A_180 = arith.index_cast %mul3A_179 : i32 to index
      %get3A_181 = tpu.vector_load %arg7[%get3A_180] {strides = array<i32>} : memref<8192xf32, #tpu.memory_space<vmem>>, vector<16xf32>,
      %lt3A_182 = arith.constant 0.000000e+00 : f32
      %lt3A_183 = vector.broadcast %lt3A_182 : f32 to vector<16xf32>
      %lt3A_184 = arith.cmpf olt, %get3A_181, %lt3A_183 : vector<16xf32>
      %broadcast_in_dim3A_185 = vector.broadcast %scan3A_69 : i32 to vector<16xi32>
      %broadcast_in_dim3A_186 = vector.broadcast %scan3A_70 : i32 to vector<16xi32>
      %select_n3A_187 = arith.select %lt3A_184, %broadcast_in_dim3A_185, %broadcast_in_dim3A_186 : vector<16xi1>, vector<16xi32>
      %abs3A_188 = math.absf %get3A_181 : vector<16xf32>
      %mul3A_189 = arith.constant 1.500000e+01 : f32
      %mul3A_190 = vector.broadcast %mul3A_189 : f32 to vector<16xf32>
      %mul3A_191 = arith.mulf %abs3A_188, %mul3A_190 : vector<16xf32>
      %convert_element_type3A_192 = arith.fptosi %mul3A_191 : vector<16xf32> to vector<16xi32>
      %convert_element_type3A_193 = arith.sitofp %convert_element_type3A_192 : vector<16xi32> to vector<16xf32>
      %ne3A_194 = arith.cmpf one, %mul3A_191, %convert_element_type3A_193 : vector<16xf32>
      %broadcast_in_dim3A_195 = vector.broadcast %scan3A_69 : i32 to vector<16xi32>
      %broadcast_in_dim3A_196 = vector.broadcast %scan3A_70 : i32 to vector<16xi32>
      %select_n3A_197 = arith.select %ne3A_194, %broadcast_in_dim3A_195, %broadcast_in_dim3A_196 : vector<16xi1>, vector<16xi32>
      %add3A_198 = arith.addi %convert_element_type3A_192, %select_n3A_197 : vector<16xi32>
      %sub3A_199 = arith.constant 1 : i32
      %sub3A_200 = vector.broadcast %sub3A_199 : i32 to vector<16xi32>
      %sub3A_201 = arith.subi %add3A_198, %sub3A_200 : vector<16xi32>
      %jit3A_202 = arith.constant 0 : i32
      %jit3A_203 = arith.constant 14 : i32
      %max3A_204 = vector.broadcast %jit3A_202 : i32 to vector<16xi32>
      %max3A_205 = arith.maxsi %max3A_204, %sub3A_201 : vector<16xi32>
      %min3A_206 = vector.broadcast %jit3A_203 : i32 to vector<16xi32>
      %min3A_207 = arith.minsi %min3A_206, %max3A_205 : vector<16xi32>
      %gather3A_208 = tpu.vector_load_idx %arg6[%min3A_207] : memref<16xf32, #tpu.memory_space<vmem>>[vector<16xi32>], vector<16xf32>,
      %le3A_209 = arith.cmpf ole, %abs3A_188, %gather3A_208 : vector<16xf32>
      %broadcast_in_dim3A_210 = vector.broadcast %scan3A_69 : i32 to vector<16xi32>
      %broadcast_in_dim3A_211 = vector.broadcast %scan3A_70 : i32 to vector<16xi32>
      %select_n3A_212 = arith.select %le3A_209, %broadcast_in_dim3A_210, %broadcast_in_dim3A_211 : vector<16xi1>, vector<16xi32>
      %sub3A_213 = arith.subi %min3A_207, %select_n3A_212 : vector<16xi32>
      %add3A_214 = arith.constant 1 : i32
      %add3A_215 = vector.broadcast %add3A_214 : i32 to vector<16xi32>
      %add3A_216 = arith.addi %sub3A_213, %add3A_215 : vector<16xi32>
      %gather3A_217 = tpu.vector_load_idx %arg6[%add3A_216] : memref<16xf32, #tpu.memory_space<vmem>>[vector<16xi32>], vector<16xf32>,
      %gt3A_218 = arith.cmpf ogt, %abs3A_188, %gather3A_217 : vector<16xf32>
      %broadcast_in_dim3A_219 = vector.broadcast %scan3A_69 : i32 to vector<16xi32>
      %broadcast_in_dim3A_220 = vector.broadcast %scan3A_70 : i32 to vector<16xi32>
      %select_n3A_221 = arith.select %gt3A_218, %broadcast_in_dim3A_219, %broadcast_in_dim3A_220 : vector<16xi1>, vector<16xi32>
      %add3A_222 = arith.addi %sub3A_213, %select_n3A_221 : vector<16xi32>
      %mul3A_223 = arith.constant 16 : i32
      %mul3A_224 = vector.broadcast %mul3A_223 : i32 to vector<16xi32>
      %mul3A_225 = arith.muli %add3A_222, %mul3A_224 : vector<16xi32>
      %add3A_226 = arith.addi %mul3A_225, %iota3A : vector<16xi32>
      %mul3A_227 = arith.constant 65536 : i32
      %mul3A_228 = vector.broadcast %mul3A_227 : i32 to vector<16xi32>
      %mul3A_229 = arith.muli %select_n3A_187, %mul3A_228 : vector<16xi32>
      %add3A_230 = arith.constant 1 : i32
      %add3A_231 = vector.broadcast %add3A_230 : i32 to vector<16xi32>
      %add3A_232 = arith.addi %add3A_231, %mul3A_229 : vector<16xi32>
      tpu.vector_store_idx %arg8[%add3A_226], %add3A_232 {add = true} : memref<256xi32, #tpu.memory_space<vmem>>[vector<16xi32>], vector<16xi32>,
      tpu.vector_store_idx %arg9[%add3A_226], %abs3A_188 {add = true} : memref<256xf32, #tpu.memory_space<vmem>>[vector<16xi32>], vector<16xf32>,
      %scan3A_233 = arith.constant 3 : i32
      %scan3A_234 = arith.addi %scan3A_76, %scan3A_233 : i32
      %mul3A_235 = arith.constant 16 : i32
      %mul3A_236 = arith.muli %scan3A_234, %mul3A_235 : i32
      %get3A_237 = arith.index_cast %mul3A_236 : i32 to index
      %get3A_238 = tpu.vector_load %arg7[%get3A_237] {strides = array<i32>} : memref<8192xf32, #tpu.memory_space<vmem>>, vector<16xf32>,
      %lt3A_239 = arith.constant 0.000000e+00 : f32
      %lt3A_240 = vector.broadcast %lt3A_239 : f32 to vector<16xf32>
      %lt3A_241 = arith.cmpf olt, %get3A_238, %lt3A_240 : vector<16xf32>
      %broadcast_in_dim3A_242 = vector.broadcast %scan3A_69 : i32 to vector<16xi32>
      %broadcast_in_dim3A_243 = vector.broadcast %scan3A_70 : i32 to vector<16xi32>
      %select_n3A_244 = arith.select %lt3A_241, %broadcast_in_dim3A_242, %broadcast_in_dim3A_243 : vector<16xi1>, vector<16xi32>
      %abs3A_245 = math.absf %get3A_238 : vector<16xf32>
      %mul3A_246 = arith.constant 1.500000e+01 : f32
      %mul3A_247 = vector.broadcast %mul3A_246 : f32 to vector<16xf32>
      %mul3A_248 = arith.mulf %abs3A_245, %mul3A_247 : vector<16xf32>
      %convert_element_type3A_249 = arith.fptosi %mul3A_248 : vector<16xf32> to vector<16xi32>
      %convert_element_type3A_250 = arith.sitofp %convert_element_type3A_249 : vector<16xi32> to vector<16xf32>
      %ne3A_251 = arith.cmpf one, %mul3A_248, %convert_element_type3A_250 : vector<16xf32>
      %broadcast_in_dim3A_252 = vector.broadcast %scan3A_69 : i32 to vector<16xi32>
      %broadcast_in_dim3A_253 = vector.broadcast %scan3A_70 : i32 to vector<16xi32>
      %select_n3A_254 = arith.select %ne3A_251, %broadcast_in_dim3A_252, %broadcast_in_dim3A_253 : vector<16xi1>, vector<16xi32>
      %add3A_255 = arith.addi %convert_element_type3A_249, %select_n3A_254 : vector<16xi32>
      %sub3A_256 = arith.constant 1 : i32
      %sub3A_257 = vector.broadcast %sub3A_256 : i32 to vector<16xi32>
      %sub3A_258 = arith.subi %add3A_255, %sub3A_257 : vector<16xi32>
      %jit3A_259 = arith.constant 0 : i32
      %jit3A_260 = arith.constant 14 : i32
      %max3A_261 = vector.broadcast %jit3A_259 : i32 to vector<16xi32>
      %max3A_262 = arith.maxsi %max3A_261, %sub3A_258 : vector<16xi32>
      %min3A_263 = vector.broadcast %jit3A_260 : i32 to vector<16xi32>
      %min3A_264 = arith.minsi %min3A_263, %max3A_262 : vector<16xi32>
      %gather3A_265 = tpu.vector_load_idx %arg6[%min3A_264] : memref<16xf32, #tpu.memory_space<vmem>>[vector<16xi32>], vector<16xf32>,
      %le3A_266 = arith.cmpf ole, %abs3A_245, %gather3A_265 : vector<16xf32>
      %broadcast_in_dim3A_267 = vector.broadcast %scan3A_69 : i32 to vector<16xi32>
      %broadcast_in_dim3A_268 = vector.broadcast %scan3A_70 : i32 to vector<16xi32>
      %select_n3A_269 = arith.select %le3A_266, %broadcast_in_dim3A_267, %broadcast_in_dim3A_268 : vector<16xi1>, vector<16xi32>
      %sub3A_270 = arith.subi %min3A_264, %select_n3A_269 : vector<16xi32>
      %add3A_271 = arith.constant 1 : i32
      %add3A_272 = vector.broadcast %add3A_271 : i32 to vector<16xi32>
      %add3A_273 = arith.addi %sub3A_270, %add3A_272 : vector<16xi32>
      %gather3A_274 = tpu.vector_load_idx %arg6[%add3A_273] : memref<16xf32, #tpu.memory_space<vmem>>[vector<16xi32>], vector<16xf32>,
      %gt3A_275 = arith.cmpf ogt, %abs3A_245, %gather3A_274 : vector<16xf32>
      %broadcast_in_dim3A_276 = vector.broadcast %scan3A_69 : i32 to vector<16xi32>
      %broadcast_in_dim3A_277 = vector.broadcast %scan3A_70 : i32 to vector<16xi32>
      %select_n3A_278 = arith.select %gt3A_275, %broadcast_in_dim3A_276, %broadcast_in_dim3A_277 : vector<16xi1>, vector<16xi32>
      %add3A_279 = arith.addi %sub3A_270, %select_n3A_278 : vector<16xi32>
      %mul3A_280 = arith.constant 16 : i32
      %mul3A_281 = vector.broadcast %mul3A_280 : i32 to vector<16xi32>
      %mul3A_282 = arith.muli %add3A_279, %mul3A_281 : vector<16xi32>
      %add3A_283 = arith.addi %mul3A_282, %iota3A : vector<16xi32>
      %mul3A_284 = arith.constant 65536 : i32
      %mul3A_285 = vector.broadcast %mul3A_284 : i32 to vector<16xi32>
      %mul3A_286 = arith.muli %select_n3A_244, %mul3A_285 : vector<16xi32>
      %add3A_287 = arith.constant 1 : i32
      %add3A_288 = vector.broadcast %add3A_287 : i32 to vector<16xi32>
      %add3A_289 = arith.addi %add3A_288, %mul3A_286 : vector<16xi32>
      tpu.vector_store_idx %arg8[%add3A_283], %add3A_289 {add = true} : memref<256xi32, #tpu.memory_space<vmem>>[vector<16xi32>], vector<16xi32>,
      tpu.vector_store_idx %arg9[%add3A_283], %abs3A_245 {add = true} : memref<256xf32, #tpu.memory_space<vmem>>[vector<16xi32>], vector<16xf32>,
      %scan3A_290 = arith.constant 4 : i32
      %scan3A_291 = arith.addi %scan3A_76, %scan3A_290 : i32
      %mul3A_292 = arith.constant 16 : i32
      %mul3A_293 = arith.muli %scan3A_291, %mul3A_292 : i32
      %get3A_294 = arith.index_cast %mul3A_293 : i32 to index
      %get3A_295 = tpu.vector_load %arg7[%get3A_294] {strides = array<i32>} : memref<8192xf32, #tpu.memory_space<vmem>>, vector<16xf32>,
      %lt3A_296 = arith.constant 0.000000e+00 : f32
      %lt3A_297 = vector.broadcast %lt3A_296 : f32 to vector<16xf32>
      %lt3A_298 = arith.cmpf olt, %get3A_295, %lt3A_297 : vector<16xf32>
      %broadcast_in_dim3A_299 = vector.broadcast %scan3A_69 : i32 to vector<16xi32>
      %broadcast_in_dim3A_300 = vector.broadcast %scan3A_70 : i32 to vector<16xi32>
      %select_n3A_301 = arith.select %lt3A_298, %broadcast_in_dim3A_299, %broadcast_in_dim3A_300 : vector<16xi1>, vector<16xi32>
      %abs3A_302 = math.absf %get3A_295 : vector<16xf32>
      %mul3A_303 = arith.constant 1.500000e+01 : f32
      %mul3A_304 = vector.broadcast %mul3A_303 : f32 to vector<16xf32>
      %mul3A_305 = arith.mulf %abs3A_302, %mul3A_304 : vector<16xf32>
      %convert_element_type3A_306 = arith.fptosi %mul3A_305 : vector<16xf32> to vector<16xi32>
      %convert_element_type3A_307 = arith.sitofp %convert_element_type3A_306 : vector<16xi32> to vector<16xf32>
      %ne3A_308 = arith.cmpf one, %mul3A_305, %convert_element_type3A_307 : vector<16xf32>
      %broadcast_in_dim3A_309 = vector.broadcast %scan3A_69 : i32 to vector<16xi32>
      %broadcast_in_dim3A_310 = vector.broadcast %scan3A_70 : i32 to vector<16xi32>
      %select_n3A_311 = arith.select %ne3A_308, %broadcast_in_dim3A_309, %broadcast_in_dim3A_310 : vector<16xi1>, vector<16xi32>
      %add3A_312 = arith.addi %convert_element_type3A_306, %select_n3A_311 : vector<16xi32>
      %sub3A_313 = arith.constant 1 : i32
      %sub3A_314 = vector.broadcast %sub3A_313 : i32 to vector<16xi32>
      %sub3A_315 = arith.subi %add3A_312, %sub3A_314 : vector<16xi32>
      %jit3A_316 = arith.constant 0 : i32
      %jit3A_317 = arith.constant 14 : i32
      %max3A_318 = vector.broadcast %jit3A_316 : i32 to vector<16xi32>
      %max3A_319 = arith.maxsi %max3A_318, %sub3A_315 : vector<16xi32>
      %min3A_320 = vector.broadcast %jit3A_317 : i32 to vector<16xi32>
      %min3A_321 = arith.minsi %min3A_320, %max3A_319 : vector<16xi32>
      %gather3A_322 = tpu.vector_load_idx %arg6[%min3A_321] : memref<16xf32, #tpu.memory_space<vmem>>[vector<16xi32>], vector<16xf32>,
      %le3A_323 = arith.cmpf ole, %abs3A_302, %gather3A_322 : vector<16xf32>
      %broadcast_in_dim3A_324 = vector.broadcast %scan3A_69 : i32 to vector<16xi32>
      %broadcast_in_dim3A_325 = vector.broadcast %scan3A_70 : i32 to vector<16xi32>
      %select_n3A_326 = arith.select %le3A_323, %broadcast_in_dim3A_324, %broadcast_in_dim3A_325 : vector<16xi1>, vector<16xi32>
      %sub3A_327 = arith.subi %min3A_321, %select_n3A_326 : vector<16xi32>
      %add3A_328 = arith.constant 1 : i32
      %add3A_329 = vector.broadcast %add3A_328 : i32 to vector<16xi32>
      %add3A_330 = arith.addi %sub3A_327, %add3A_329 : vector<16xi32>
      %gather3A_331 = tpu.vector_load_idx %arg6[%add3A_330] : memref<16xf32, #tpu.memory_space<vmem>>[vector<16xi32>], vector<16xf32>,
      %gt3A_332 = arith.cmpf ogt, %abs3A_302, %gather3A_331 : vector<16xf32>
      %broadcast_in_dim3A_333 = vector.broadcast %scan3A_69 : i32 to vector<16xi32>
      %broadcast_in_dim3A_334 = vector.broadcast %scan3A_70 : i32 to vector<16xi32>
      %select_n3A_335 = arith.select %gt3A_332, %broadcast_in_dim3A_333, %broadcast_in_dim3A_334 : vector<16xi1>, vector<16xi32>
      %add3A_336 = arith.addi %sub3A_327, %select_n3A_335 : vector<16xi32>
      %mul3A_337 = arith.constant 16 : i32
      %mul3A_338 = vector.broadcast %mul3A_337 : i32 to vector<16xi32>
      %mul3A_339 = arith.muli %add3A_336, %mul3A_338 : vector<16xi32>
      %add3A_340 = arith.addi %mul3A_339, %iota3A : vector<16xi32>
      %mul3A_341 = arith.constant 65536 : i32
      %mul3A_342 = vector.broadcast %mul3A_341 : i32 to vector<16xi32>
      %mul3A_343 = arith.muli %select_n3A_301, %mul3A_342 : vector<16xi32>
      %add3A_344 = arith.constant 1 : i32
      %add3A_345 = vector.broadcast %add3A_344 : i32 to vector<16xi32>
      %add3A_346 = arith.addi %add3A_345, %mul3A_343 : vector<16xi32>
      tpu.vector_store_idx %arg8[%add3A_340], %add3A_346 {add = true} : memref<256xi32, #tpu.memory_space<vmem>>[vector<16xi32>], vector<16xi32>,
      tpu.vector_store_idx %arg9[%add3A_340], %abs3A_302 {add = true} : memref<256xf32, #tpu.memory_space<vmem>>[vector<16xi32>], vector<16xf32>,
      %scan3A_347 = arith.constant 5 : i32
      %scan3A_348 = arith.addi %scan3A_76, %scan3A_347 : i32
      %mul3A_349 = arith.constant 16 : i32
      %mul3A_350 = arith.muli %scan3A_348, %mul3A_349 : i32
      %get3A_351 = arith.index_cast %mul3A_350 : i32 to index
      %get3A_352 = tpu.vector_load %arg7[%get3A_351] {strides = array<i32>} : memref<8192xf32, #tpu.memory_space<vmem>>, vector<16xf32>,
      %lt3A_353 = arith.constant 0.000000e+00 : f32
      %lt3A_354 = vector.broadcast %lt3A_353 : f32 to vector<16xf32>
      %lt3A_355 = arith.cmpf olt, %get3A_352, %lt3A_354 : vector<16xf32>
      %broadcast_in_dim3A_356 = vector.broadcast %scan3A_69 : i32 to vector<16xi32>
      %broadcast_in_dim3A_357 = vector.broadcast %scan3A_70 : i32 to vector<16xi32>
      %select_n3A_358 = arith.select %lt3A_355, %broadcast_in_dim3A_356, %broadcast_in_dim3A_357 : vector<16xi1>, vector<16xi32>
      %abs3A_359 = math.absf %get3A_352 : vector<16xf32>
      %mul3A_360 = arith.constant 1.500000e+01 : f32
      %mul3A_361 = vector.broadcast %mul3A_360 : f32 to vector<16xf32>
      %mul3A_362 = arith.mulf %abs3A_359, %mul3A_361 : vector<16xf32>
      %convert_element_type3A_363 = arith.fptosi %mul3A_362 : vector<16xf32> to vector<16xi32>
      %convert_element_type3A_364 = arith.sitofp %convert_element_type3A_363 : vector<16xi32> to vector<16xf32>
      %ne3A_365 = arith.cmpf one, %mul3A_362, %convert_element_type3A_364 : vector<16xf32>
      %broadcast_in_dim3A_366 = vector.broadcast %scan3A_69 : i32 to vector<16xi32>
      %broadcast_in_dim3A_367 = vector.broadcast %scan3A_70 : i32 to vector<16xi32>
      %select_n3A_368 = arith.select %ne3A_365, %broadcast_in_dim3A_366, %broadcast_in_dim3A_367 : vector<16xi1>, vector<16xi32>
      %add3A_369 = arith.addi %convert_element_type3A_363, %select_n3A_368 : vector<16xi32>
      %sub3A_370 = arith.constant 1 : i32
      %sub3A_371 = vector.broadcast %sub3A_370 : i32 to vector<16xi32>
      %sub3A_372 = arith.subi %add3A_369, %sub3A_371 : vector<16xi32>
      %jit3A_373 = arith.constant 0 : i32
      %jit3A_374 = arith.constant 14 : i32
      %max3A_375 = vector.broadcast %jit3A_373 : i32 to vector<16xi32>
      %max3A_376 = arith.maxsi %max3A_375, %sub3A_372 : vector<16xi32>
      %min3A_377 = vector.broadcast %jit3A_374 : i32 to vector<16xi32>
      %min3A_378 = arith.minsi %min3A_377, %max3A_376 : vector<16xi32>
      %gather3A_379 = tpu.vector_load_idx %arg6[%min3A_378] : memref<16xf32, #tpu.memory_space<vmem>>[vector<16xi32>], vector<16xf32>,
      %le3A_380 = arith.cmpf ole, %abs3A_359, %gather3A_379 : vector<16xf32>
      %broadcast_in_dim3A_381 = vector.broadcast %scan3A_69 : i32 to vector<16xi32>
      %broadcast_in_dim3A_382 = vector.broadcast %scan3A_70 : i32 to vector<16xi32>
      %select_n3A_383 = arith.select %le3A_380, %broadcast_in_dim3A_381, %broadcast_in_dim3A_382 : vector<16xi1>, vector<16xi32>
      %sub3A_384 = arith.subi %min3A_378, %select_n3A_383 : vector<16xi32>
      %add3A_385 = arith.constant 1 : i32
      %add3A_386 = vector.broadcast %add3A_385 : i32 to vector<16xi32>
      %add3A_387 = arith.addi %sub3A_384, %add3A_386 : vector<16xi32>
      %gather3A_388 = tpu.vector_load_idx %arg6[%add3A_387] : memref<16xf32, #tpu.memory_space<vmem>>[vector<16xi32>], vector<16xf32>,
      %gt3A_389 = arith.cmpf ogt, %abs3A_359, %gather3A_388 : vector<16xf32>
      %broadcast_in_dim3A_390 = vector.broadcast %scan3A_69 : i32 to vector<16xi32>
      %broadcast_in_dim3A_391 = vector.broadcast %scan3A_70 : i32 to vector<16xi32>
      %select_n3A_392 = arith.select %gt3A_389, %broadcast_in_dim3A_390, %broadcast_in_dim3A_391 : vector<16xi1>, vector<16xi32>
      %add3A_393 = arith.addi %sub3A_384, %select_n3A_392 : vector<16xi32>
      %mul3A_394 = arith.constant 16 : i32
      %mul3A_395 = vector.broadcast %mul3A_394 : i32 to vector<16xi32>
      %mul3A_396 = arith.muli %add3A_393, %mul3A_395 : vector<16xi32>
      %add3A_397 = arith.addi %mul3A_396, %iota3A : vector<16xi32>
      %mul3A_398 = arith.constant 65536 : i32
      %mul3A_399 = vector.broadcast %mul3A_398 : i32 to vector<16xi32>
      %mul3A_400 = arith.muli %select_n3A_358, %mul3A_399 : vector<16xi32>
      %add3A_401 = arith.constant 1 : i32
      %add3A_402 = vector.broadcast %add3A_401 : i32 to vector<16xi32>
      %add3A_403 = arith.addi %add3A_402, %mul3A_400 : vector<16xi32>
      tpu.vector_store_idx %arg8[%add3A_397], %add3A_403 {add = true} : memref<256xi32, #tpu.memory_space<vmem>>[vector<16xi32>], vector<16xi32>,
      tpu.vector_store_idx %arg9[%add3A_397], %abs3A_359 {add = true} : memref<256xf32, #tpu.memory_space<vmem>>[vector<16xi32>], vector<16xf32>,
      %scan3A_404 = arith.constant 6 : i32
      %scan3A_405 = arith.addi %scan3A_76, %scan3A_404 : i32
      %mul3A_406 = arith.constant 16 : i32
      %mul3A_407 = arith.muli %scan3A_405, %mul3A_406 : i32
      %get3A_408 = arith.index_cast %mul3A_407 : i32 to index
      %get3A_409 = tpu.vector_load %arg7[%get3A_408] {strides = array<i32>} : memref<8192xf32, #tpu.memory_space<vmem>>, vector<16xf32>,
      %lt3A_410 = arith.constant 0.000000e+00 : f32
      %lt3A_411 = vector.broadcast %lt3A_410 : f32 to vector<16xf32>
      %lt3A_412 = arith.cmpf olt, %get3A_409, %lt3A_411 : vector<16xf32>
      %broadcast_in_dim3A_413 = vector.broadcast %scan3A_69 : i32 to vector<16xi32>
      %broadcast_in_dim3A_414 = vector.broadcast %scan3A_70 : i32 to vector<16xi32>
      %select_n3A_415 = arith.select %lt3A_412, %broadcast_in_dim3A_413, %broadcast_in_dim3A_414 : vector<16xi1>, vector<16xi32>
      %abs3A_416 = math.absf %get3A_409 : vector<16xf32>
      %mul3A_417 = arith.constant 1.500000e+01 : f32
      %mul3A_418 = vector.broadcast %mul3A_417 : f32 to vector<16xf32>
      %mul3A_419 = arith.mulf %abs3A_416, %mul3A_418 : vector<16xf32>
      %convert_element_type3A_420 = arith.fptosi %mul3A_419 : vector<16xf32> to vector<16xi32>
      %convert_element_type3A_421 = arith.sitofp %convert_element_type3A_420 : vector<16xi32> to vector<16xf32>
      %ne3A_422 = arith.cmpf one, %mul3A_419, %convert_element_type3A_421 : vector<16xf32>
      %broadcast_in_dim3A_423 = vector.broadcast %scan3A_69 : i32 to vector<16xi32>
      %broadcast_in_dim3A_424 = vector.broadcast %scan3A_70 : i32 to vector<16xi32>
      %select_n3A_425 = arith.select %ne3A_422, %broadcast_in_dim3A_423, %broadcast_in_dim3A_424 : vector<16xi1>, vector<16xi32>
      %add3A_426 = arith.addi %convert_element_type3A_420, %select_n3A_425 : vector<16xi32>
      %sub3A_427 = arith.constant 1 : i32
      %sub3A_428 = vector.broadcast %sub3A_427 : i32 to vector<16xi32>
      %sub3A_429 = arith.subi %add3A_426, %sub3A_428 : vector<16xi32>
      %jit3A_430 = arith.constant 0 : i32
      %jit3A_431 = arith.constant 14 : i32
      %max3A_432 = vector.broadcast %jit3A_430 : i32 to vector<16xi32>
      %max3A_433 = arith.maxsi %max3A_432, %sub3A_429 : vector<16xi32>
      %min3A_434 = vector.broadcast %jit3A_431 : i32 to vector<16xi32>
      %min3A_435 = arith.minsi %min3A_434, %max3A_433 : vector<16xi32>
      %gather3A_436 = tpu.vector_load_idx %arg6[%min3A_435] : memref<16xf32, #tpu.memory_space<vmem>>[vector<16xi32>], vector<16xf32>,
      %le3A_437 = arith.cmpf ole, %abs3A_416, %gather3A_436 : vector<16xf32>
      %broadcast_in_dim3A_438 = vector.broadcast %scan3A_69 : i32 to vector<16xi32>
      %broadcast_in_dim3A_439 = vector.broadcast %scan3A_70 : i32 to vector<16xi32>
      %select_n3A_440 = arith.select %le3A_437, %broadcast_in_dim3A_438, %broadcast_in_dim3A_439 : vector<16xi1>, vector<16xi32>
      %sub3A_441 = arith.subi %min3A_435, %select_n3A_440 : vector<16xi32>
      %add3A_442 = arith.constant 1 : i32
      %add3A_443 = vector.broadcast %add3A_442 : i32 to vector<16xi32>
      %add3A_444 = arith.addi %sub3A_441, %add3A_443 : vector<16xi32>
      %gather3A_445 = tpu.vector_load_idx %arg6[%add3A_444] : memref<16xf32, #tpu.memory_space<vmem>>[vector<16xi32>], vector<16xf32>,
      %gt3A_446 = arith.cmpf ogt, %abs3A_416, %gather3A_445 : vector<16xf32>
      %broadcast_in_dim3A_447 = vector.broadcast %scan3A_69 : i32 to vector<16xi32>
      %broadcast_in_dim3A_448 = vector.broadcast %scan3A_70 : i32 to vector<16xi32>
      %select_n3A_449 = arith.select %gt3A_446, %broadcast_in_dim3A_447, %broadcast_in_dim3A_448 : vector<16xi1>, vector<16xi32>
      %add3A_450 = arith.addi %sub3A_441, %select_n3A_449 : vector<16xi32>
      %mul3A_451 = arith.constant 16 : i32
      %mul3A_452 = vector.broadcast %mul3A_451 : i32 to vector<16xi32>
      %mul3A_453 = arith.muli %add3A_450, %mul3A_452 : vector<16xi32>
      %add3A_454 = arith.addi %mul3A_453, %iota3A : vector<16xi32>
      %mul3A_455 = arith.constant 65536 : i32
      %mul3A_456 = vector.broadcast %mul3A_455 : i32 to vector<16xi32>
      %mul3A_457 = arith.muli %select_n3A_415, %mul3A_456 : vector<16xi32>
      %add3A_458 = arith.constant 1 : i32
      %add3A_459 = vector.broadcast %add3A_458 : i32 to vector<16xi32>
      %add3A_460 = arith.addi %add3A_459, %mul3A_457 : vector<16xi32>
      tpu.vector_store_idx %arg8[%add3A_454], %add3A_460 {add = true} : memref<256xi32, #tpu.memory_space<vmem>>[vector<16xi32>], vector<16xi32>,
      tpu.vector_store_idx %arg9[%add3A_454], %abs3A_416 {add = true} : memref<256xf32, #tpu.memory_space<vmem>>[vector<16xi32>], vector<16xf32>,
      %scan3A_461 = arith.constant 7 : i32
      %scan3A_462 = arith.addi %scan3A_76, %scan3A_461 : i32
      %mul3A_463 = arith.constant 16 : i32
      %mul3A_464 = arith.muli %scan3A_462, %mul3A_463 : i32
      %get3A_465 = arith.index_cast %mul3A_464 : i32 to index
      %get3A_466 = tpu.vector_load %arg7[%get3A_465] {strides = array<i32>} : memref<8192xf32, #tpu.memory_space<vmem>>, vector<16xf32>,
      %lt3A_467 = arith.constant 0.000000e+00 : f32
      %lt3A_468 = vector.broadcast %lt3A_467 : f32 to vector<16xf32>
      %lt3A_469 = arith.cmpf olt, %get3A_466, %lt3A_468 : vector<16xf32>
      %broadcast_in_dim3A_470 = vector.broadcast %scan3A_69 : i32 to vector<16xi32>
      %broadcast_in_dim3A_471 = vector.broadcast %scan3A_70 : i32 to vector<16xi32>
      %select_n3A_472 = arith.select %lt3A_469, %broadcast_in_dim3A_470, %broadcast_in_dim3A_471 : vector<16xi1>, vector<16xi32>
      %abs3A_473 = math.absf %get3A_466 : vector<16xf32>
      %mul3A_474 = arith.constant 1.500000e+01 : f32
      %mul3A_475 = vector.broadcast %mul3A_474 : f32 to vector<16xf32>
      %mul3A_476 = arith.mulf %abs3A_473, %mul3A_475 : vector<16xf32>
      %convert_element_type3A_477 = arith.fptosi %mul3A_476 : vector<16xf32> to vector<16xi32>
      %convert_element_type3A_478 = arith.sitofp %convert_element_type3A_477 : vector<16xi32> to vector<16xf32>
      %ne3A_479 = arith.cmpf one, %mul3A_476, %convert_element_type3A_478 : vector<16xf32>
      %broadcast_in_dim3A_480 = vector.broadcast %scan3A_69 : i32 to vector<16xi32>
      %broadcast_in_dim3A_481 = vector.broadcast %scan3A_70 : i32 to vector<16xi32>
      %select_n3A_482 = arith.select %ne3A_479, %broadcast_in_dim3A_480, %broadcast_in_dim3A_481 : vector<16xi1>, vector<16xi32>
      %add3A_483 = arith.addi %convert_element_type3A_477, %select_n3A_482 : vector<16xi32>
      %sub3A_484 = arith.constant 1 : i32
      %sub3A_485 = vector.broadcast %sub3A_484 : i32 to vector<16xi32>
      %sub3A_486 = arith.subi %add3A_483, %sub3A_485 : vector<16xi32>
      %jit3A_487 = arith.constant 0 : i32
      %jit3A_488 = arith.constant 14 : i32
      %max3A_489 = vector.broadcast %jit3A_487 : i32 to vector<16xi32>
      %max3A_490 = arith.maxsi %max3A_489, %sub3A_486 : vector<16xi32>
      %min3A_491 = vector.broadcast %jit3A_488 : i32 to vector<16xi32>
      %min3A_492 = arith.minsi %min3A_491, %max3A_490 : vector<16xi32>
      %gather3A_493 = tpu.vector_load_idx %arg6[%min3A_492] : memref<16xf32, #tpu.memory_space<vmem>>[vector<16xi32>], vector<16xf32>,
      %le3A_494 = arith.cmpf ole, %abs3A_473, %gather3A_493 : vector<16xf32>
      %broadcast_in_dim3A_495 = vector.broadcast %scan3A_69 : i32 to vector<16xi32>
      %broadcast_in_dim3A_496 = vector.broadcast %scan3A_70 : i32 to vector<16xi32>
      %select_n3A_497 = arith.select %le3A_494, %broadcast_in_dim3A_495, %broadcast_in_dim3A_496 : vector<16xi1>, vector<16xi32>
      %sub3A_498 = arith.subi %min3A_492, %select_n3A_497 : vector<16xi32>
      %add3A_499 = arith.constant 1 : i32
      %add3A_500 = vector.broadcast %add3A_499 : i32 to vector<16xi32>
      %add3A_501 = arith.addi %sub3A_498, %add3A_500 : vector<16xi32>
      %gather3A_502 = tpu.vector_load_idx %arg6[%add3A_501] : memref<16xf32, #tpu.memory_space<vmem>>[vector<16xi32>], vector<16xf32>,
      %gt3A_503 = arith.cmpf ogt, %abs3A_473, %gather3A_502 : vector<16xf32>
      %broadcast_in_dim3A_504 = vector.broadcast %scan3A_69 : i32 to vector<16xi32>
      %broadcast_in_dim3A_505 = vector.broadcast %scan3A_70 : i32 to vector<16xi32>
      %select_n3A_506 = arith.select %gt3A_503, %broadcast_in_dim3A_504, %broadcast_in_dim3A_505 : vector<16xi1>, vector<16xi32>
      %add3A_507 = arith.addi %sub3A_498, %select_n3A_506 : vector<16xi32>
      %mul3A_508 = arith.constant 16 : i32
      %mul3A_509 = vector.broadcast %mul3A_508 : i32 to vector<16xi32>
      %mul3A_510 = arith.muli %add3A_507, %mul3A_509 : vector<16xi32>
      %add3A_511 = arith.addi %mul3A_510, %iota3A : vector<16xi32>
      %mul3A_512 = arith.constant 65536 : i32
      %mul3A_513 = vector.broadcast %mul3A_512 : i32 to vector<16xi32>
      %mul3A_514 = arith.muli %select_n3A_472, %mul3A_513 : vector<16xi32>
      %add3A_515 = arith.constant 1 : i32
      %add3A_516 = vector.broadcast %add3A_515 : i32 to vector<16xi32>
      %add3A_517 = arith.addi %add3A_516, %mul3A_514 : vector<16xi32>
      tpu.vector_store_idx %arg8[%add3A_511], %add3A_517 {add = true} : memref<256xi32, #tpu.memory_space<vmem>>[vector<16xi32>], vector<16xi32>,
      tpu.vector_store_idx %arg9[%add3A_511], %abs3A_473 {add = true} : memref<256xf32, #tpu.memory_space<vmem>>[vector<16xi32>], vector<16xf32>,
    }
    %scan3A_75 = arith.constant 512 : i32
    "tpu.region"() ({
      %run_scoped3A = tpu.sem_alloc : memref<!tpu.dma_semaphore, #tpu.memory_space<semaphore_mem>>
      %dma_start3A = arith.constant 0 : i32
      %dma_start3A_76 = tpu.memref_slice %arg4[%add3A, %dma_start3A] : memref<32x256xi32, #tpu.memory_space<hbm>> -> memref<1x256xi32, #tpu.memory_space<hbm>>
      %dma_start3A_77 = tpu.memref_squeeze %dma_start3A_76 : memref<1x256xi32, #tpu.memory_space<hbm>> -> memref<256xi32, #tpu.memory_space<hbm>>
      %dma_start3A_78 = arith.constant 0 : i32
      %dma_start3A_79 = tpu.memref_slice %arg4[%add3A, %dma_start3A_78] : memref<32x256xi32, #tpu.memory_space<hbm>> -> memref<1x256xi32, #tpu.memory_space<hbm>>
      %dma_start3A_80 = tpu.memref_squeeze %dma_start3A_79 : memref<1x256xi32, #tpu.memory_space<hbm>> -> memref<256xi32, #tpu.memory_space<hbm>>
      tpu.enqueue_dma source(%arg8 : memref<256xi32, #tpu.memory_space<vmem>>) target(%dma_start3A_80 : memref<256xi32, #tpu.memory_space<hbm>>) target_semaphore(%run_scoped3A : memref<!tpu.dma_semaphore, #tpu.memory_space<semaphore_mem>>)
      %dma_wait3A = arith.constant 0 : i32
      %dma_wait3A_81 = tpu.memref_slice %arg4[%add3A, %dma_wait3A] : memref<32x256xi32, #tpu.memory_space<hbm>> -> memref<1x256xi32, #tpu.memory_space<hbm>>
      %dma_wait3A_82 = tpu.memref_squeeze %dma_wait3A_81 : memref<1x256xi32, #tpu.memory_space<hbm>> -> memref<256xi32, #tpu.memory_space<hbm>>
      %dma_wait3A_83 = arith.constant 0 : i32
      %dma_wait3A_84 = tpu.memref_slice %arg4[%add3A, %dma_wait3A_83] : memref<32x256xi32, #tpu.memory_space<hbm>> -> memref<1x256xi32, #tpu.memory_space<hbm>>
      %dma_wait3A_85 = tpu.memref_squeeze %dma_wait3A_84 : memref<1x256xi32, #tpu.memory_space<hbm>> -> memref<256xi32, #tpu.memory_space<hbm>>
      tpu.wait_dma2 semaphore(%run_scoped3A : memref<!tpu.dma_semaphore, #tpu.memory_space<semaphore_mem>>) src(%arg8 : memref<256xi32, #tpu.memory_space<vmem>>) dst(%dma_wait3A_85 : memref<256xi32, #tpu.memory_space<hbm>>)
      tpu.yield
    }) : () -> ()
    "tpu.region"() ({
      %run_scoped3A = tpu.sem_alloc : memref<!tpu.dma_semaphore, #tpu.memory_space<semaphore_mem>>
      %dma_start3A = arith.constant 0 : i32
      %dma_start3A_76 = tpu.memref_slice %arg5[%add3A, %dma_start3A] : memref<32x256xf32, #tpu.memory_space<hbm>> -> memref<1x256xf32, #tpu.memory_space<hbm>>
      %dma_start3A_77 = tpu.memref_squeeze %dma_start3A_76 : memref<1x256xf32, #tpu.memory_space<hbm>> -> memref<256xf32, #tpu.memory_space<hbm>>
      %dma_start3A_78 = arith.constant 0 : i32
      %dma_start3A_79 = tpu.memref_slice %arg5[%add3A, %dma_start3A_78] : memref<32x256xf32, #tpu.memory_space<hbm>> -> memref<1x256xf32, #tpu.memory_space<hbm>>
      %dma_start3A_80 = tpu.memref_squeeze %dma_start3A_79 : memref<1x256xf32, #tpu.memory_space<hbm>> -> memref<256xf32, #tpu.memory_space<hbm>>
      tpu.enqueue_dma source(%arg9 : memref<256xf32, #tpu.memory_space<vmem>>) target(%dma_start3A_80 : memref<256xf32, #tpu.memory_space<hbm>>) target_semaphore(%run_scoped3A : memref<!tpu.dma_semaphore, #tpu.memory_space<semaphore_mem>>)
      %dma_wait3A = arith.constant 0 : i32
      %dma_wait3A_81 = tpu.memref_slice %arg5[%add3A, %dma_wait3A] : memref<32x256xf32, #tpu.memory_space<hbm>> -> memref<1x256xf32, #tpu.memory_space<hbm>>
      %dma_wait3A_82 = tpu.memref_squeeze %dma_wait3A_81 : memref<1x256xf32, #tpu.memory_space<hbm>> -> memref<256xf32, #tpu.memory_space<hbm>>
      %dma_wait3A_83 = arith.constant 0 : i32
      %dma_wait3A_84 = tpu.memref_slice %arg5[%add3A, %dma_wait3A_83] : memref<32x256xf32, #tpu.memory_space<hbm>> -> memref<1x256xf32, #tpu.memory_space<hbm>>
      %dma_wait3A_85 = tpu.memref_squeeze %dma_wait3A_84 : memref<1x256xf32, #tpu.memory_space<hbm>> -> memref<256xf32, #tpu.memory_space<hbm>>
      tpu.wait_dma2 semaphore(%run_scoped3A : memref<!tpu.dma_semaphore, #tpu.memory_space<semaphore_mem>>) src(%arg9 : memref<256xf32, #tpu.memory_space<vmem>>) dst(%dma_wait3A_85 : memref<256xf32, #tpu.memory_space<hbm>>)
      tpu.yield
    }) : () -> ()
    return
  }
}

#map = affine_map<(d0, d1) -> (0)>
#map1 = affine_map<(d0, d1) -> (0, 0)>
module attributes {stable_mosaic.version = 14 : i64} {
  func.func @_sc_hist(%arg0: i32, %arg1: i32, %arg2: memref<16xf32, #tpu.memory_space<hbm>>, %arg3: memref<262144xf32, #tpu.memory_space<hbm>>, %arg4: memref<32x256xi32, #tpu.memory_space<hbm>>, %arg5: memref<32x256xf32, #tpu.memory_space<hbm>>, %arg6: memref<16xf32, #tpu.memory_space<vmem>>, %arg7: memref<8192xf32, #tpu.memory_space<vmem>>, %arg8: memref<256xi32, #tpu.memory_space<vmem>>, %arg9: memref<256xf32, #tpu.memory_space<vmem>>) attributes {dimension_semantics = [#tpu.dimension_semantics<core_parallel>, #tpu.dimension_semantics<subcore_parallel>], iteration_bounds = array<i64: 2, 16>, scalar_prefetch = 0 : i64, scratch_operands = 4 : i64, tpu.core_type = #tpu.core_type<sc_vector_subcore>, window_params = [{transform_indices = #map}, {transform_indices = #map}, {transform_indices = #map1}, {transform_indices = #map1}]} {
    %mul3A = arith.constant 2 : i32
    %mul3A_0 = arith.muli %arg1, %mul3A : i32
    %add3A = arith.addi %mul3A_0, %arg0 : i32
    "tpu.region"() ({
      %run_scoped3A = tpu.sem_alloc : memref<!tpu.dma_semaphore, #tpu.memory_space<semaphore_mem>>
      tpu.enqueue_dma source(%arg2 : memref<16xf32, #tpu.memory_space<hbm>>) target(%arg6 : memref<16xf32, #tpu.memory_space<vmem>>) target_semaphore(%run_scoped3A : memref<!tpu.dma_semaphore, #tpu.memory_space<semaphore_mem>>)
      tpu.wait_dma2 semaphore(%run_scoped3A : memref<!tpu.dma_semaphore, #tpu.memory_space<semaphore_mem>>) src(%arg2 : memref<16xf32, #tpu.memory_space<hbm>>) dst(%arg6 : memref<16xf32, #tpu.memory_space<vmem>>)
      tpu.yield
    }) : () -> ()
    %mul3A_1 = arith.constant 8192 : i32
    %mul3A_2 = arith.muli %add3A, %mul3A_1 : i32
    "tpu.region"() ({
      %run_scoped3A = tpu.sem_alloc : memref<!tpu.dma_semaphore, #tpu.memory_space<semaphore_mem>>
      %dma_start3A = tpu.memref_slice %arg3[%mul3A_2] : memref<262144xf32, #tpu.memory_space<hbm>> -> memref<8192xf32, #tpu.memory_space<hbm>>
      %dma_start3A_76 = tpu.memref_slice %arg3[%mul3A_2] : memref<262144xf32, #tpu.memory_space<hbm>> -> memref<8192xf32, #tpu.memory_space<hbm>>
      tpu.enqueue_dma source(%dma_start3A_76 : memref<8192xf32, #tpu.memory_space<hbm>>) target(%arg7 : memref<8192xf32, #tpu.memory_space<vmem>>) target_semaphore(%run_scoped3A : memref<!tpu.dma_semaphore, #tpu.memory_space<semaphore_mem>>)
      %dma_wait3A = tpu.memref_slice %arg3[%mul3A_2] : memref<262144xf32, #tpu.memory_space<hbm>> -> memref<8192xf32, #tpu.memory_space<hbm>>
      %dma_wait3A_77 = tpu.memref_slice %arg3[%mul3A_2] : memref<262144xf32, #tpu.memory_space<hbm>> -> memref<8192xf32, #tpu.memory_space<hbm>>
      tpu.wait_dma2 semaphore(%run_scoped3A : memref<!tpu.dma_semaphore, #tpu.memory_space<semaphore_mem>>) src(%dma_wait3A_77 : memref<8192xf32, #tpu.memory_space<hbm>>) dst(%arg7 : memref<8192xf32, #tpu.memory_space<vmem>>)
      tpu.yield
    }) : () -> ()
    %broadcast_in_dim3A = arith.constant 0 : i32
    %broadcast_in_dim3A_3 = vector.broadcast %broadcast_in_dim3A : i32 to vector<16xi32>
    %broadcast_in_dim3A_4 = arith.constant 0.000000e+00 : f32
    %broadcast_in_dim3A_5 = vector.broadcast %broadcast_in_dim3A_4 : f32 to vector<16xf32>
    %swap3A = arith.constant 0 : index
    %swap3A_6 = tpu.vector_load %arg8[%swap3A] {strides = array<i32>} : memref<256xi32, #tpu.memory_space<vmem>>, vector<16xi32>,
    tpu.vector_store %arg8[%swap3A], %broadcast_in_dim3A_3 {strides = array<i32>} : memref<256xi32, #tpu.memory_space<vmem>>, vector<16xi32>,
    %swap3A_7 = arith.constant 0 : index
    %swap3A_8 = tpu.vector_load %arg9[%swap3A_7] {strides = array<i32>} : memref<256xf32, #tpu.memory_space<vmem>>, vector<16xf32>,
    tpu.vector_store %arg9[%swap3A_7], %broadcast_in_dim3A_5 {strides = array<i32>} : memref<256xf32, #tpu.memory_space<vmem>>, vector<16xf32>,
    %swap3A_9 = arith.constant 16 : index
    %swap3A_10 = tpu.vector_load %arg8[%swap3A_9] {strides = array<i32>} : memref<256xi32, #tpu.memory_space<vmem>>, vector<16xi32>,
    tpu.vector_store %arg8[%swap3A_9], %broadcast_in_dim3A_3 {strides = array<i32>} : memref<256xi32, #tpu.memory_space<vmem>>, vector<16xi32>,
    %swap3A_11 = arith.constant 16 : index
    %swap3A_12 = tpu.vector_load %arg9[%swap3A_11] {strides = array<i32>} : memref<256xf32, #tpu.memory_space<vmem>>, vector<16xf32>,
    tpu.vector_store %arg9[%swap3A_11], %broadcast_in_dim3A_5 {strides = array<i32>} : memref<256xf32, #tpu.memory_space<vmem>>, vector<16xf32>,
    %swap3A_13 = arith.constant 32 : index
    %swap3A_14 = tpu.vector_load %arg8[%swap3A_13] {strides = array<i32>} : memref<256xi32, #tpu.memory_space<vmem>>, vector<16xi32>,
    tpu.vector_store %arg8[%swap3A_13], %broadcast_in_dim3A_3 {strides = array<i32>} : memref<256xi32, #tpu.memory_space<vmem>>, vector<16xi32>,
    %swap3A_15 = arith.constant 32 : index
    %swap3A_16 = tpu.vector_load %arg9[%swap3A_15] {strides = array<i32>} : memref<256xf32, #tpu.memory_space<vmem>>, vector<16xf32>,
    tpu.vector_store %arg9[%swap3A_15], %broadcast_in_dim3A_5 {strides = array<i32>} : memref<256xf32, #tpu.memory_space<vmem>>, vector<16xf32>,
    %swap3A_17 = arith.constant 48 : index
    %swap3A_18 = tpu.vector_load %arg8[%swap3A_17] {strides = array<i32>} : memref<256xi32, #tpu.memory_space<vmem>>, vector<16xi32>,
    tpu.vector_store %arg8[%swap3A_17], %broadcast_in_dim3A_3 {strides = array<i32>} : memref<256xi32, #tpu.memory_space<vmem>>, vector<16xi32>,
    %swap3A_19 = arith.constant 48 : index
    %swap3A_20 = tpu.vector_load %arg9[%swap3A_19] {strides = array<i32>} : memref<256xf32, #tpu.memory_space<vmem>>, vector<16xf32>,
    tpu.vector_store %arg9[%swap3A_19], %broadcast_in_dim3A_5 {strides = array<i32>} : memref<256xf32, #tpu.memory_space<vmem>>, vector<16xf32>,
    %swap3A_21 = arith.constant 64 : index
    %swap3A_22 = tpu.vector_load %arg8[%swap3A_21] {strides = array<i32>} : memref<256xi32, #tpu.memory_space<vmem>>, vector<16xi32>,
    tpu.vector_store %arg8[%swap3A_21], %broadcast_in_dim3A_3 {strides = array<i32>} : memref<256xi32, #tpu.memory_space<vmem>>, vector<16xi32>,
    %swap3A_23 = arith.constant 64 : index
    %swap3A_24 = tpu.vector_load %arg9[%swap3A_23] {strides = array<i32>} : memref<256xf32, #tpu.memory_space<vmem>>, vector<16xf32>,
    tpu.vector_store %arg9[%swap3A_23], %broadcast_in_dim3A_5 {strides = array<i32>} : memref<256xf32, #tpu.memory_space<vmem>>, vector<16xf32>,
    %swap3A_25 = arith.constant 80 : index
    %swap3A_26 = tpu.vector_load %arg8[%swap3A_25] {strides = array<i32>} : memref<256xi32, #tpu.memory_space<vmem>>, vector<16xi32>,
    tpu.vector_store %arg8[%swap3A_25], %broadcast_in_dim3A_3 {strides = array<i32>} : memref<256xi32, #tpu.memory_space<vmem>>, vector<16xi32>,
    %swap3A_27 = arith.constant 80 : index
    %swap3A_28 = tpu.vector_load %arg9[%swap3A_27] {strides = array<i32>} : memref<256xf32, #tpu.memory_space<vmem>>, vector<16xf32>,
    tpu.vector_store %arg9[%swap3A_27], %broadcast_in_dim3A_5 {strides = array<i32>} : memref<256xf32, #tpu.memory_space<vmem>>, vector<16xf32>,
    %swap3A_29 = arith.constant 96 : index
    %swap3A_30 = tpu.vector_load %arg8[%swap3A_29] {strides = array<i32>} : memref<256xi32, #tpu.memory_space<vmem>>, vector<16xi32>,
    tpu.vector_store %arg8[%swap3A_29], %broadcast_in_dim3A_3 {strides = array<i32>} : memref<256xi32, #tpu.memory_space<vmem>>, vector<16xi32>,
    %swap3A_31 = arith.constant 96 : index
    %swap3A_32 = tpu.vector_load %arg9[%swap3A_31] {strides = array<i32>} : memref<256xf32, #tpu.memory_space<vmem>>, vector<16xf32>,
    tpu.vector_store %arg9[%swap3A_31], %broadcast_in_dim3A_5 {strides = array<i32>} : memref<256xf32, #tpu.memory_space<vmem>>, vector<16xf32>,
    %swap3A_33 = arith.constant 112 : index
    %swap3A_34 = tpu.vector_load %arg8[%swap3A_33] {strides = array<i32>} : memref<256xi32, #tpu.memory_space<vmem>>, vector<16xi32>,
    tpu.vector_store %arg8[%swap3A_33], %broadcast_in_dim3A_3 {strides = array<i32>} : memref<256xi32, #tpu.memory_space<vmem>>, vector<16xi32>,
    %swap3A_35 = arith.constant 112 : index
    %swap3A_36 = tpu.vector_load %arg9[%swap3A_35] {strides = array<i32>} : memref<256xf32, #tpu.memory_space<vmem>>, vector<16xf32>,
    tpu.vector_store %arg9[%swap3A_35], %broadcast_in_dim3A_5 {strides = array<i32>} : memref<256xf32, #tpu.memory_space<vmem>>, vector<16xf32>,
    %swap3A_37 = arith.constant 128 : index
    %swap3A_38 = tpu.vector_load %arg8[%swap3A_37] {strides = array<i32>} : memref<256xi32, #tpu.memory_space<vmem>>, vector<16xi32>,
    tpu.vector_store %arg8[%swap3A_37], %broadcast_in_dim3A_3 {strides = array<i32>} : memref<256xi32, #tpu.memory_space<vmem>>, vector<16xi32>,
    %swap3A_39 = arith.constant 128 : index
    %swap3A_40 = tpu.vector_load %arg9[%swap3A_39] {strides = array<i32>} : memref<256xf32, #tpu.memory_space<vmem>>, vector<16xf32>,
    tpu.vector_store %arg9[%swap3A_39], %broadcast_in_dim3A_5 {strides = array<i32>} : memref<256xf32, #tpu.memory_space<vmem>>, vector<16xf32>,
    %swap3A_41 = arith.constant 144 : index
    %swap3A_42 = tpu.vector_load %arg8[%swap3A_41] {strides = array<i32>} : memref<256xi32, #tpu.memory_space<vmem>>, vector<16xi32>,
    tpu.vector_store %arg8[%swap3A_41], %broadcast_in_dim3A_3 {strides = array<i32>} : memref<256xi32, #tpu.memory_space<vmem>>, vector<16xi32>,
    %swap3A_43 = arith.constant 144 : index
    %swap3A_44 = tpu.vector_load %arg9[%swap3A_43] {strides = array<i32>} : memref<256xf32, #tpu.memory_space<vmem>>, vector<16xf32>,
    tpu.vector_store %arg9[%swap3A_43], %broadcast_in_dim3A_5 {strides = array<i32>} : memref<256xf32, #tpu.memory_space<vmem>>, vector<16xf32>,
    %swap3A_45 = arith.constant 160 : index
    %swap3A_46 = tpu.vector_load %arg8[%swap3A_45] {strides = array<i32>} : memref<256xi32, #tpu.memory_space<vmem>>, vector<16xi32>,
    tpu.vector_store %arg8[%swap3A_45], %broadcast_in_dim3A_3 {strides = array<i32>} : memref<256xi32, #tpu.memory_space<vmem>>, vector<16xi32>,
    %swap3A_47 = arith.constant 160 : index
    %swap3A_48 = tpu.vector_load %arg9[%swap3A_47] {strides = array<i32>} : memref<256xf32, #tpu.memory_space<vmem>>, vector<16xf32>,
    tpu.vector_store %arg9[%swap3A_47], %broadcast_in_dim3A_5 {strides = array<i32>} : memref<256xf32, #tpu.memory_space<vmem>>, vector<16xf32>,
    %swap3A_49 = arith.constant 176 : index
    %swap3A_50 = tpu.vector_load %arg8[%swap3A_49] {strides = array<i32>} : memref<256xi32, #tpu.memory_space<vmem>>, vector<16xi32>,
    tpu.vector_store %arg8[%swap3A_49], %broadcast_in_dim3A_3 {strides = array<i32>} : memref<256xi32, #tpu.memory_space<vmem>>, vector<16xi32>,
    %swap3A_51 = arith.constant 176 : index
    %swap3A_52 = tpu.vector_load %arg9[%swap3A_51] {strides = array<i32>} : memref<256xf32, #tpu.memory_space<vmem>>, vector<16xf32>,
    tpu.vector_store %arg9[%swap3A_51], %broadcast_in_dim3A_5 {strides = array<i32>} : memref<256xf32, #tpu.memory_space<vmem>>, vector<16xf32>,
    %swap3A_53 = arith.constant 192 : index
    %swap3A_54 = tpu.vector_load %arg8[%swap3A_53] {strides = array<i32>} : memref<256xi32, #tpu.memory_space<vmem>>, vector<16xi32>,
    tpu.vector_store %arg8[%swap3A_53], %broadcast_in_dim3A_3 {strides = array<i32>} : memref<256xi32, #tpu.memory_space<vmem>>, vector<16xi32>,
    %swap3A_55 = arith.constant 192 : index
    %swap3A_56 = tpu.vector_load %arg9[%swap3A_55] {strides = array<i32>} : memref<256xf32, #tpu.memory_space<vmem>>, vector<16xf32>,
    tpu.vector_store %arg9[%swap3A_55], %broadcast_in_dim3A_5 {strides = array<i32>} : memref<256xf32, #tpu.memory_space<vmem>>, vector<16xf32>,
    %swap3A_57 = arith.constant 208 : index
    %swap3A_58 = tpu.vector_load %arg8[%swap3A_57] {strides = array<i32>} : memref<256xi32, #tpu.memory_space<vmem>>, vector<16xi32>,
    tpu.vector_store %arg8[%swap3A_57], %broadcast_in_dim3A_3 {strides = array<i32>} : memref<256xi32, #tpu.memory_space<vmem>>, vector<16xi32>,
    %swap3A_59 = arith.constant 208 : index
    %swap3A_60 = tpu.vector_load %arg9[%swap3A_59] {strides = array<i32>} : memref<256xf32, #tpu.memory_space<vmem>>, vector<16xf32>,
    tpu.vector_store %arg9[%swap3A_59], %broadcast_in_dim3A_5 {strides = array<i32>} : memref<256xf32, #tpu.memory_space<vmem>>, vector<16xf32>,
    %swap3A_61 = arith.constant 224 : index
    %swap3A_62 = tpu.vector_load %arg8[%swap3A_61] {strides = array<i32>} : memref<256xi32, #tpu.memory_space<vmem>>, vector<16xi32>,
    tpu.vector_store %arg8[%swap3A_61], %broadcast_in_dim3A_3 {strides = array<i32>} : memref<256xi32, #tpu.memory_space<vmem>>, vector<16xi32>,
    %swap3A_63 = arith.constant 224 : index
    %swap3A_64 = tpu.vector_load %arg9[%swap3A_63] {strides = array<i32>} : memref<256xf32, #tpu.memory_space<vmem>>, vector<16xf32>,
    tpu.vector_store %arg9[%swap3A_63], %broadcast_in_dim3A_5 {strides = array<i32>} : memref<256xf32, #tpu.memory_space<vmem>>, vector<16xf32>,
    %swap3A_65 = arith.constant 240 : index
    %swap3A_66 = tpu.vector_load %arg8[%swap3A_65] {strides = array<i32>} : memref<256xi32, #tpu.memory_space<vmem>>, vector<16xi32>,
    tpu.vector_store %arg8[%swap3A_65], %broadcast_in_dim3A_3 {strides = array<i32>} : memref<256xi32, #tpu.memory_space<vmem>>, vector<16xi32>,
    %swap3A_67 = arith.constant 240 : index
    %swap3A_68 = tpu.vector_load %arg9[%swap3A_67] {strides = array<i32>} : memref<256xf32, #tpu.memory_space<vmem>>, vector<16xf32>,
    tpu.vector_store %arg9[%swap3A_67], %broadcast_in_dim3A_5 {strides = array<i32>} : memref<256xf32, #tpu.memory_space<vmem>>, vector<16xf32>,
    %iota3A = tpu.iota {dimensions = array<i32: 0>} : vector<16xi32>
    %scan3A = arith.constant 0 : i32
    %scan3A_69 = arith.constant 1 : i32
    %scan3A_70 = arith.constant 0 : i32
    %scan3A_71 = arith.constant 0 : i32
    %scan3A_72 = arith.constant 512 : i32
    %scan3A_73 = arith.addi %scan3A_71, %scan3A_72 : i32
    %scan3A_74 = arith.constant 8 : i32
    scf.for %scan3A_76 = %scan3A_71 to %scan3A_73 step %scan3A_74  : i32 {
      %mul3A_77 = arith.constant 16 : i32
      %mul3A_78 = arith.muli %scan3A_76, %mul3A_77 : i32
      %get3A = arith.index_cast %mul3A_78 : i32 to index
      %get3A_79 = tpu.vector_load %arg7[%get3A] {strides = array<i32>} : memref<8192xf32, #tpu.memory_space<vmem>>, vector<16xf32>,
      %lt3A = arith.constant 0.000000e+00 : f32
      %lt3A_80 = vector.broadcast %lt3A : f32 to vector<16xf32>
      %lt3A_81 = arith.cmpf olt, %get3A_79, %lt3A_80 : vector<16xf32>
      %broadcast_in_dim3A_82 = vector.broadcast %scan3A_69 : i32 to vector<16xi32>
      %broadcast_in_dim3A_83 = vector.broadcast %scan3A_70 : i32 to vector<16xi32>
      %select_n3A = arith.select %lt3A_81, %broadcast_in_dim3A_82, %broadcast_in_dim3A_83 : vector<16xi1>, vector<16xi32>
      %abs3A = math.absf %get3A_79 : vector<16xf32>
      %mul3A_84 = arith.constant 1.500000e+01 : f32
      %mul3A_85 = vector.broadcast %mul3A_84 : f32 to vector<16xf32>
      %mul3A_86 = arith.mulf %abs3A, %mul3A_85 : vector<16xf32>
      %convert_element_type3A = arith.fptosi %mul3A_86 : vector<16xf32> to vector<16xi32>
      %convert_element_type3A_87 = arith.sitofp %convert_element_type3A : vector<16xi32> to vector<16xf32>
      %ne3A = arith.cmpf one, %mul3A_86, %convert_element_type3A_87 : vector<16xf32>
      %broadcast_in_dim3A_88 = vector.broadcast %scan3A_69 : i32 to vector<16xi32>
      %broadcast_in_dim3A_89 = vector.broadcast %scan3A_70 : i32 to vector<16xi32>
      %select_n3A_90 = arith.select %ne3A, %broadcast_in_dim3A_88, %broadcast_in_dim3A_89 : vector<16xi1>, vector<16xi32>
      %add3A_91 = arith.addi %convert_element_type3A, %select_n3A_90 : vector<16xi32>
      %sub3A = arith.constant 1 : i32
      %sub3A_92 = vector.broadcast %sub3A : i32 to vector<16xi32>
      %sub3A_93 = arith.subi %add3A_91, %sub3A_92 : vector<16xi32>
      %jit3A = arith.constant 0 : i32
      %jit3A_94 = arith.constant 14 : i32
      %max3A = vector.broadcast %jit3A : i32 to vector<16xi32>
      %max3A_95 = arith.maxsi %max3A, %sub3A_93 : vector<16xi32>
      %min3A = vector.broadcast %jit3A_94 : i32 to vector<16xi32>
      %min3A_96 = arith.minsi %min3A, %max3A_95 : vector<16xi32>
      %gather3A = tpu.vector_load_idx %arg6[%min3A_96] : memref<16xf32, #tpu.memory_space<vmem>>[vector<16xi32>], vector<16xf32>,
      %le3A = arith.cmpf ole, %abs3A, %gather3A : vector<16xf32>
      %broadcast_in_dim3A_97 = vector.broadcast %scan3A_69 : i32 to vector<16xi32>
      %broadcast_in_dim3A_98 = vector.broadcast %scan3A_70 : i32 to vector<16xi32>
      %select_n3A_99 = arith.select %le3A, %broadcast_in_dim3A_97, %broadcast_in_dim3A_98 : vector<16xi1>, vector<16xi32>
      %sub3A_100 = arith.subi %min3A_96, %select_n3A_99 : vector<16xi32>
      %add3A_101 = arith.constant 1 : i32
      %add3A_102 = vector.broadcast %add3A_101 : i32 to vector<16xi32>
      %add3A_103 = arith.addi %sub3A_100, %add3A_102 : vector<16xi32>
      %gather3A_104 = tpu.vector_load_idx %arg6[%add3A_103] : memref<16xf32, #tpu.memory_space<vmem>>[vector<16xi32>], vector<16xf32>,
      %gt3A = arith.cmpf ogt, %abs3A, %gather3A_104 : vector<16xf32>
      %broadcast_in_dim3A_105 = vector.broadcast %scan3A_69 : i32 to vector<16xi32>
      %broadcast_in_dim3A_106 = vector.broadcast %scan3A_70 : i32 to vector<16xi32>
      %select_n3A_107 = arith.select %gt3A, %broadcast_in_dim3A_105, %broadcast_in_dim3A_106 : vector<16xi1>, vector<16xi32>
      %add3A_108 = arith.addi %sub3A_100, %select_n3A_107 : vector<16xi32>
      %mul3A_109 = arith.constant 16 : i32
      %mul3A_110 = vector.broadcast %mul3A_109 : i32 to vector<16xi32>
      %mul3A_111 = arith.muli %add3A_108, %mul3A_110 : vector<16xi32>
      %add3A_112 = arith.addi %mul3A_111, %iota3A : vector<16xi32>
      %mul3A_113 = arith.constant 65536 : i32
      %mul3A_114 = vector.broadcast %mul3A_113 : i32 to vector<16xi32>
      %mul3A_115 = arith.muli %select_n3A, %mul3A_114 : vector<16xi32>
      %add3A_116 = arith.constant 1 : i32
      %add3A_117 = vector.broadcast %add3A_116 : i32 to vector<16xi32>
      %add3A_118 = arith.addi %add3A_117, %mul3A_115 : vector<16xi32>
      tpu.vector_store_idx %arg8[%add3A_112], %add3A_118 {add = true} : memref<256xi32, #tpu.memory_space<vmem>>[vector<16xi32>], vector<16xi32>,
      tpu.vector_store_idx %arg9[%add3A_112], %abs3A {add = true} : memref<256xf32, #tpu.memory_space<vmem>>[vector<16xi32>], vector<16xf32>,
      %scan3A_119 = arith.constant 1 : i32
      %scan3A_120 = arith.addi %scan3A_76, %scan3A_119 : i32
      %mul3A_121 = arith.constant 16 : i32
      %mul3A_122 = arith.muli %scan3A_120, %mul3A_121 : i32
      %get3A_123 = arith.index_cast %mul3A_122 : i32 to index
      %get3A_124 = tpu.vector_load %arg7[%get3A_123] {strides = array<i32>} : memref<8192xf32, #tpu.memory_space<vmem>>, vector<16xf32>,
      %lt3A_125 = arith.constant 0.000000e+00 : f32
      %lt3A_126 = vector.broadcast %lt3A_125 : f32 to vector<16xf32>
      %lt3A_127 = arith.cmpf olt, %get3A_124, %lt3A_126 : vector<16xf32>
      %broadcast_in_dim3A_128 = vector.broadcast %scan3A_69 : i32 to vector<16xi32>
      %broadcast_in_dim3A_129 = vector.broadcast %scan3A_70 : i32 to vector<16xi32>
      %select_n3A_130 = arith.select %lt3A_127, %broadcast_in_dim3A_128, %broadcast_in_dim3A_129 : vector<16xi1>, vector<16xi32>
      %abs3A_131 = math.absf %get3A_124 : vector<16xf32>
      %mul3A_132 = arith.constant 1.500000e+01 : f32
      %mul3A_133 = vector.broadcast %mul3A_132 : f32 to vector<16xf32>
      %mul3A_134 = arith.mulf %abs3A_131, %mul3A_133 : vector<16xf32>
      %convert_element_type3A_135 = arith.fptosi %mul3A_134 : vector<16xf32> to vector<16xi32>
      %convert_element_type3A_136 = arith.sitofp %convert_element_type3A_135 : vector<16xi32> to vector<16xf32>
      %ne3A_137 = arith.cmpf one, %mul3A_134, %convert_element_type3A_136 : vector<16xf32>
      %broadcast_in_dim3A_138 = vector.broadcast %scan3A_69 : i32 to vector<16xi32>
      %broadcast_in_dim3A_139 = vector.broadcast %scan3A_70 : i32 to vector<16xi32>
      %select_n3A_140 = arith.select %ne3A_137, %broadcast_in_dim3A_138, %broadcast_in_dim3A_139 : vector<16xi1>, vector<16xi32>
      %add3A_141 = arith.addi %convert_element_type3A_135, %select_n3A_140 : vector<16xi32>
      %sub3A_142 = arith.constant 1 : i32
      %sub3A_143 = vector.broadcast %sub3A_142 : i32 to vector<16xi32>
      %sub3A_144 = arith.subi %add3A_141, %sub3A_143 : vector<16xi32>
      %jit3A_145 = arith.constant 0 : i32
      %jit3A_146 = arith.constant 14 : i32
      %max3A_147 = vector.broadcast %jit3A_145 : i32 to vector<16xi32>
      %max3A_148 = arith.maxsi %max3A_147, %sub3A_144 : vector<16xi32>
      %min3A_149 = vector.broadcast %jit3A_146 : i32 to vector<16xi32>
      %min3A_150 = arith.minsi %min3A_149, %max3A_148 : vector<16xi32>
      %gather3A_151 = tpu.vector_load_idx %arg6[%min3A_150] : memref<16xf32, #tpu.memory_space<vmem>>[vector<16xi32>], vector<16xf32>,
      %le3A_152 = arith.cmpf ole, %abs3A_131, %gather3A_151 : vector<16xf32>
      %broadcast_in_dim3A_153 = vector.broadcast %scan3A_69 : i32 to vector<16xi32>
      %broadcast_in_dim3A_154 = vector.broadcast %scan3A_70 : i32 to vector<16xi32>
      %select_n3A_155 = arith.select %le3A_152, %broadcast_in_dim3A_153, %broadcast_in_dim3A_154 : vector<16xi1>, vector<16xi32>
      %sub3A_156 = arith.subi %min3A_150, %select_n3A_155 : vector<16xi32>
      %add3A_157 = arith.constant 1 : i32
      %add3A_158 = vector.broadcast %add3A_157 : i32 to vector<16xi32>
      %add3A_159 = arith.addi %sub3A_156, %add3A_158 : vector<16xi32>
      %gather3A_160 = tpu.vector_load_idx %arg6[%add3A_159] : memref<16xf32, #tpu.memory_space<vmem>>[vector<16xi32>], vector<16xf32>,
      %gt3A_161 = arith.cmpf ogt, %abs3A_131, %gather3A_160 : vector<16xf32>
      %broadcast_in_dim3A_162 = vector.broadcast %scan3A_69 : i32 to vector<16xi32>
      %broadcast_in_dim3A_163 = vector.broadcast %scan3A_70 : i32 to vector<16xi32>
      %select_n3A_164 = arith.select %gt3A_161, %broadcast_in_dim3A_162, %broadcast_in_dim3A_163 : vector<16xi1>, vector<16xi32>
      %add3A_165 = arith.addi %sub3A_156, %select_n3A_164 : vector<16xi32>
      %mul3A_166 = arith.constant 16 : i32
      %mul3A_167 = vector.broadcast %mul3A_166 : i32 to vector<16xi32>
      %mul3A_168 = arith.muli %add3A_165, %mul3A_167 : vector<16xi32>
      %add3A_169 = arith.addi %mul3A_168, %iota3A : vector<16xi32>
      %mul3A_170 = arith.constant 65536 : i32
      %mul3A_171 = vector.broadcast %mul3A_170 : i32 to vector<16xi32>
      %mul3A_172 = arith.muli %select_n3A_130, %mul3A_171 : vector<16xi32>
      %add3A_173 = arith.constant 1 : i32
      %add3A_174 = vector.broadcast %add3A_173 : i32 to vector<16xi32>
      %add3A_175 = arith.addi %add3A_174, %mul3A_172 : vector<16xi32>
      tpu.vector_store_idx %arg8[%add3A_169], %add3A_175 {add = true} : memref<256xi32, #tpu.memory_space<vmem>>[vector<16xi32>], vector<16xi32>,
      tpu.vector_store_idx %arg9[%add3A_169], %abs3A_131 {add = true} : memref<256xf32, #tpu.memory_space<vmem>>[vector<16xi32>], vector<16xf32>,
      %scan3A_176 = arith.constant 2 : i32
      %scan3A_177 = arith.addi %scan3A_76, %scan3A_176 : i32
      %mul3A_178 = arith.constant 16 : i32
      %mul3A_179 = arith.muli %scan3A_177, %mul3A_178 : i32
      %get3A_180 = arith.index_cast %mul3A_179 : i32 to index
      %get3A_181 = tpu.vector_load %arg7[%get3A_180] {strides = array<i32>} : memref<8192xf32, #tpu.memory_space<vmem>>, vector<16xf32>,
      %lt3A_182 = arith.constant 0.000000e+00 : f32
      %lt3A_183 = vector.broadcast %lt3A_182 : f32 to vector<16xf32>
      %lt3A_184 = arith.cmpf olt, %get3A_181, %lt3A_183 : vector<16xf32>
      %broadcast_in_dim3A_185 = vector.broadcast %scan3A_69 : i32 to vector<16xi32>
      %broadcast_in_dim3A_186 = vector.broadcast %scan3A_70 : i32 to vector<16xi32>
      %select_n3A_187 = arith.select %lt3A_184, %broadcast_in_dim3A_185, %broadcast_in_dim3A_186 : vector<16xi1>, vector<16xi32>
      %abs3A_188 = math.absf %get3A_181 : vector<16xf32>
      %mul3A_189 = arith.constant 1.500000e+01 : f32
      %mul3A_190 = vector.broadcast %mul3A_189 : f32 to vector<16xf32>
      %mul3A_191 = arith.mulf %abs3A_188, %mul3A_190 : vector<16xf32>
      %convert_element_type3A_192 = arith.fptosi %mul3A_191 : vector<16xf32> to vector<16xi32>
      %convert_element_type3A_193 = arith.sitofp %convert_element_type3A_192 : vector<16xi32> to vector<16xf32>
      %ne3A_194 = arith.cmpf one, %mul3A_191, %convert_element_type3A_193 : vector<16xf32>
      %broadcast_in_dim3A_195 = vector.broadcast %scan3A_69 : i32 to vector<16xi32>
      %broadcast_in_dim3A_196 = vector.broadcast %scan3A_70 : i32 to vector<16xi32>
      %select_n3A_197 = arith.select %ne3A_194, %broadcast_in_dim3A_195, %broadcast_in_dim3A_196 : vector<16xi1>, vector<16xi32>
      %add3A_198 = arith.addi %convert_element_type3A_192, %select_n3A_197 : vector<16xi32>
      %sub3A_199 = arith.constant 1 : i32
      %sub3A_200 = vector.broadcast %sub3A_199 : i32 to vector<16xi32>
      %sub3A_201 = arith.subi %add3A_198, %sub3A_200 : vector<16xi32>
      %jit3A_202 = arith.constant 0 : i32
      %jit3A_203 = arith.constant 14 : i32
      %max3A_204 = vector.broadcast %jit3A_202 : i32 to vector<16xi32>
      %max3A_205 = arith.maxsi %max3A_204, %sub3A_201 : vector<16xi32>
      %min3A_206 = vector.broadcast %jit3A_203 : i32 to vector<16xi32>
      %min3A_207 = arith.minsi %min3A_206, %max3A_205 : vector<16xi32>
      %gather3A_208 = tpu.vector_load_idx %arg6[%min3A_207] : memref<16xf32, #tpu.memory_space<vmem>>[vector<16xi32>], vector<16xf32>,
      %le3A_209 = arith.cmpf ole, %abs3A_188, %gather3A_208 : vector<16xf32>
      %broadcast_in_dim3A_210 = vector.broadcast %scan3A_69 : i32 to vector<16xi32>
      %broadcast_in_dim3A_211 = vector.broadcast %scan3A_70 : i32 to vector<16xi32>
      %select_n3A_212 = arith.select %le3A_209, %broadcast_in_dim3A_210, %broadcast_in_dim3A_211 : vector<16xi1>, vector<16xi32>
      %sub3A_213 = arith.subi %min3A_207, %select_n3A_212 : vector<16xi32>
      %add3A_214 = arith.constant 1 : i32
      %add3A_215 = vector.broadcast %add3A_214 : i32 to vector<16xi32>
      %add3A_216 = arith.addi %sub3A_213, %add3A_215 : vector<16xi32>
      %gather3A_217 = tpu.vector_load_idx %arg6[%add3A_216] : memref<16xf32, #tpu.memory_space<vmem>>[vector<16xi32>], vector<16xf32>,
      %gt3A_218 = arith.cmpf ogt, %abs3A_188, %gather3A_217 : vector<16xf32>
      %broadcast_in_dim3A_219 = vector.broadcast %scan3A_69 : i32 to vector<16xi32>
      %broadcast_in_dim3A_220 = vector.broadcast %scan3A_70 : i32 to vector<16xi32>
      %select_n3A_221 = arith.select %gt3A_218, %broadcast_in_dim3A_219, %broadcast_in_dim3A_220 : vector<16xi1>, vector<16xi32>
      %add3A_222 = arith.addi %sub3A_213, %select_n3A_221 : vector<16xi32>
      %mul3A_223 = arith.constant 16 : i32
      %mul3A_224 = vector.broadcast %mul3A_223 : i32 to vector<16xi32>
      %mul3A_225 = arith.muli %add3A_222, %mul3A_224 : vector<16xi32>
      %add3A_226 = arith.addi %mul3A_225, %iota3A : vector<16xi32>
      %mul3A_227 = arith.constant 65536 : i32
      %mul3A_228 = vector.broadcast %mul3A_227 : i32 to vector<16xi32>
      %mul3A_229 = arith.muli %select_n3A_187, %mul3A_228 : vector<16xi32>
      %add3A_230 = arith.constant 1 : i32
      %add3A_231 = vector.broadcast %add3A_230 : i32 to vector<16xi32>
      %add3A_232 = arith.addi %add3A_231, %mul3A_229 : vector<16xi32>
      tpu.vector_store_idx %arg8[%add3A_226], %add3A_232 {add = true} : memref<256xi32, #tpu.memory_space<vmem>>[vector<16xi32>], vector<16xi32>,
      tpu.vector_store_idx %arg9[%add3A_226], %abs3A_188 {add = true} : memref<256xf32, #tpu.memory_space<vmem>>[vector<16xi32>], vector<16xf32>,
      %scan3A_233 = arith.constant 3 : i32
      %scan3A_234 = arith.addi %scan3A_76, %scan3A_233 : i32
      %mul3A_235 = arith.constant 16 : i32
      %mul3A_236 = arith.muli %scan3A_234, %mul3A_235 : i32
      %get3A_237 = arith.index_cast %mul3A_236 : i32 to index
      %get3A_238 = tpu.vector_load %arg7[%get3A_237] {strides = array<i32>} : memref<8192xf32, #tpu.memory_space<vmem>>, vector<16xf32>,
      %lt3A_239 = arith.constant 0.000000e+00 : f32
      %lt3A_240 = vector.broadcast %lt3A_239 : f32 to vector<16xf32>
      %lt3A_241 = arith.cmpf olt, %get3A_238, %lt3A_240 : vector<16xf32>
      %broadcast_in_dim3A_242 = vector.broadcast %scan3A_69 : i32 to vector<16xi32>
      %broadcast_in_dim3A_243 = vector.broadcast %scan3A_70 : i32 to vector<16xi32>
      %select_n3A_244 = arith.select %lt3A_241, %broadcast_in_dim3A_242, %broadcast_in_dim3A_243 : vector<16xi1>, vector<16xi32>
      %abs3A_245 = math.absf %get3A_238 : vector<16xf32>
      %mul3A_246 = arith.constant 1.500000e+01 : f32
      %mul3A_247 = vector.broadcast %mul3A_246 : f32 to vector<16xf32>
      %mul3A_248 = arith.mulf %abs3A_245, %mul3A_247 : vector<16xf32>
      %convert_element_type3A_249 = arith.fptosi %mul3A_248 : vector<16xf32> to vector<16xi32>
      %convert_element_type3A_250 = arith.sitofp %convert_element_type3A_249 : vector<16xi32> to vector<16xf32>
      %ne3A_251 = arith.cmpf one, %mul3A_248, %convert_element_type3A_250 : vector<16xf32>
      %broadcast_in_dim3A_252 = vector.broadcast %scan3A_69 : i32 to vector<16xi32>
      %broadcast_in_dim3A_253 = vector.broadcast %scan3A_70 : i32 to vector<16xi32>
      %select_n3A_254 = arith.select %ne3A_251, %broadcast_in_dim3A_252, %broadcast_in_dim3A_253 : vector<16xi1>, vector<16xi32>
      %add3A_255 = arith.addi %convert_element_type3A_249, %select_n3A_254 : vector<16xi32>
      %sub3A_256 = arith.constant 1 : i32
      %sub3A_257 = vector.broadcast %sub3A_256 : i32 to vector<16xi32>
      %sub3A_258 = arith.subi %add3A_255, %sub3A_257 : vector<16xi32>
      %jit3A_259 = arith.constant 0 : i32
      %jit3A_260 = arith.constant 14 : i32
      %max3A_261 = vector.broadcast %jit3A_259 : i32 to vector<16xi32>
      %max3A_262 = arith.maxsi %max3A_261, %sub3A_258 : vector<16xi32>
      %min3A_263 = vector.broadcast %jit3A_260 : i32 to vector<16xi32>
      %min3A_264 = arith.minsi %min3A_263, %max3A_262 : vector<16xi32>
      %gather3A_265 = tpu.vector_load_idx %arg6[%min3A_264] : memref<16xf32, #tpu.memory_space<vmem>>[vector<16xi32>], vector<16xf32>,
      %le3A_266 = arith.cmpf ole, %abs3A_245, %gather3A_265 : vector<16xf32>
      %broadcast_in_dim3A_267 = vector.broadcast %scan3A_69 : i32 to vector<16xi32>
      %broadcast_in_dim3A_268 = vector.broadcast %scan3A_70 : i32 to vector<16xi32>
      %select_n3A_269 = arith.select %le3A_266, %broadcast_in_dim3A_267, %broadcast_in_dim3A_268 : vector<16xi1>, vector<16xi32>
      %sub3A_270 = arith.subi %min3A_264, %select_n3A_269 : vector<16xi32>
      %add3A_271 = arith.constant 1 : i32
      %add3A_272 = vector.broadcast %add3A_271 : i32 to vector<16xi32>
      %add3A_273 = arith.addi %sub3A_270, %add3A_272 : vector<16xi32>
      %gather3A_274 = tpu.vector_load_idx %arg6[%add3A_273] : memref<16xf32, #tpu.memory_space<vmem>>[vector<16xi32>], vector<16xf32>,
      %gt3A_275 = arith.cmpf ogt, %abs3A_245, %gather3A_274 : vector<16xf32>
      %broadcast_in_dim3A_276 = vector.broadcast %scan3A_69 : i32 to vector<16xi32>
      %broadcast_in_dim3A_277 = vector.broadcast %scan3A_70 : i32 to vector<16xi32>
      %select_n3A_278 = arith.select %gt3A_275, %broadcast_in_dim3A_276, %broadcast_in_dim3A_277 : vector<16xi1>, vector<16xi32>
      %add3A_279 = arith.addi %sub3A_270, %select_n3A_278 : vector<16xi32>
      %mul3A_280 = arith.constant 16 : i32
      %mul3A_281 = vector.broadcast %mul3A_280 : i32 to vector<16xi32>
      %mul3A_282 = arith.muli %add3A_279, %mul3A_281 : vector<16xi32>
      %add3A_283 = arith.addi %mul3A_282, %iota3A : vector<16xi32>
      %mul3A_284 = arith.constant 65536 : i32
      %mul3A_285 = vector.broadcast %mul3A_284 : i32 to vector<16xi32>
      %mul3A_286 = arith.muli %select_n3A_244, %mul3A_285 : vector<16xi32>
      %add3A_287 = arith.constant 1 : i32
      %add3A_288 = vector.broadcast %add3A_287 : i32 to vector<16xi32>
      %add3A_289 = arith.addi %add3A_288, %mul3A_286 : vector<16xi32>
      tpu.vector_store_idx %arg8[%add3A_283], %add3A_289 {add = true} : memref<256xi32, #tpu.memory_space<vmem>>[vector<16xi32>], vector<16xi32>,
      tpu.vector_store_idx %arg9[%add3A_283], %abs3A_245 {add = true} : memref<256xf32, #tpu.memory_space<vmem>>[vector<16xi32>], vector<16xf32>,
      %scan3A_290 = arith.constant 4 : i32
      %scan3A_291 = arith.addi %scan3A_76, %scan3A_290 : i32
      %mul3A_292 = arith.constant 16 : i32
      %mul3A_293 = arith.muli %scan3A_291, %mul3A_292 : i32
      %get3A_294 = arith.index_cast %mul3A_293 : i32 to index
      %get3A_295 = tpu.vector_load %arg7[%get3A_294] {strides = array<i32>} : memref<8192xf32, #tpu.memory_space<vmem>>, vector<16xf32>,
      %lt3A_296 = arith.constant 0.000000e+00 : f32
      %lt3A_297 = vector.broadcast %lt3A_296 : f32 to vector<16xf32>
      %lt3A_298 = arith.cmpf olt, %get3A_295, %lt3A_297 : vector<16xf32>
      %broadcast_in_dim3A_299 = vector.broadcast %scan3A_69 : i32 to vector<16xi32>
      %broadcast_in_dim3A_300 = vector.broadcast %scan3A_70 : i32 to vector<16xi32>
      %select_n3A_301 = arith.select %lt3A_298, %broadcast_in_dim3A_299, %broadcast_in_dim3A_300 : vector<16xi1>, vector<16xi32>
      %abs3A_302 = math.absf %get3A_295 : vector<16xf32>
      %mul3A_303 = arith.constant 1.500000e+01 : f32
      %mul3A_304 = vector.broadcast %mul3A_303 : f32 to vector<16xf32>
      %mul3A_305 = arith.mulf %abs3A_302, %mul3A_304 : vector<16xf32>
      %convert_element_type3A_306 = arith.fptosi %mul3A_305 : vector<16xf32> to vector<16xi32>
      %convert_element_type3A_307 = arith.sitofp %convert_element_type3A_306 : vector<16xi32> to vector<16xf32>
      %ne3A_308 = arith.cmpf one, %mul3A_305, %convert_element_type3A_307 : vector<16xf32>
      %broadcast_in_dim3A_309 = vector.broadcast %scan3A_69 : i32 to vector<16xi32>
      %broadcast_in_dim3A_310 = vector.broadcast %scan3A_70 : i32 to vector<16xi32>
      %select_n3A_311 = arith.select %ne3A_308, %broadcast_in_dim3A_309, %broadcast_in_dim3A_310 : vector<16xi1>, vector<16xi32>
      %add3A_312 = arith.addi %convert_element_type3A_306, %select_n3A_311 : vector<16xi32>
      %sub3A_313 = arith.constant 1 : i32
      %sub3A_314 = vector.broadcast %sub3A_313 : i32 to vector<16xi32>
      %sub3A_315 = arith.subi %add3A_312, %sub3A_314 : vector<16xi32>
      %jit3A_316 = arith.constant 0 : i32
      %jit3A_317 = arith.constant 14 : i32
      %max3A_318 = vector.broadcast %jit3A_316 : i32 to vector<16xi32>
      %max3A_319 = arith.maxsi %max3A_318, %sub3A_315 : vector<16xi32>
      %min3A_320 = vector.broadcast %jit3A_317 : i32 to vector<16xi32>
      %min3A_321 = arith.minsi %min3A_320, %max3A_319 : vector<16xi32>
      %gather3A_322 = tpu.vector_load_idx %arg6[%min3A_321] : memref<16xf32, #tpu.memory_space<vmem>>[vector<16xi32>], vector<16xf32>,
      %le3A_323 = arith.cmpf ole, %abs3A_302, %gather3A_322 : vector<16xf32>
      %broadcast_in_dim3A_324 = vector.broadcast %scan3A_69 : i32 to vector<16xi32>
      %broadcast_in_dim3A_325 = vector.broadcast %scan3A_70 : i32 to vector<16xi32>
      %select_n3A_326 = arith.select %le3A_323, %broadcast_in_dim3A_324, %broadcast_in_dim3A_325 : vector<16xi1>, vector<16xi32>
      %sub3A_327 = arith.subi %min3A_321, %select_n3A_326 : vector<16xi32>
      %add3A_328 = arith.constant 1 : i32
      %add3A_329 = vector.broadcast %add3A_328 : i32 to vector<16xi32>
      %add3A_330 = arith.addi %sub3A_327, %add3A_329 : vector<16xi32>
      %gather3A_331 = tpu.vector_load_idx %arg6[%add3A_330] : memref<16xf32, #tpu.memory_space<vmem>>[vector<16xi32>], vector<16xf32>,
      %gt3A_332 = arith.cmpf ogt, %abs3A_302, %gather3A_331 : vector<16xf32>
      %broadcast_in_dim3A_333 = vector.broadcast %scan3A_69 : i32 to vector<16xi32>
      %broadcast_in_dim3A_334 = vector.broadcast %scan3A_70 : i32 to vector<16xi32>
      %select_n3A_335 = arith.select %gt3A_332, %broadcast_in_dim3A_333, %broadcast_in_dim3A_334 : vector<16xi1>, vector<16xi32>
      %add3A_336 = arith.addi %sub3A_327, %select_n3A_335 : vector<16xi32>
      %mul3A_337 = arith.constant 16 : i32
      %mul3A_338 = vector.broadcast %mul3A_337 : i32 to vector<16xi32>
      %mul3A_339 = arith.muli %add3A_336, %mul3A_338 : vector<16xi32>
      %add3A_340 = arith.addi %mul3A_339, %iota3A : vector<16xi32>
      %mul3A_341 = arith.constant 65536 : i32
      %mul3A_342 = vector.broadcast %mul3A_341 : i32 to vector<16xi32>
      %mul3A_343 = arith.muli %select_n3A_301, %mul3A_342 : vector<16xi32>
      %add3A_344 = arith.constant 1 : i32
      %add3A_345 = vector.broadcast %add3A_344 : i32 to vector<16xi32>
      %add3A_346 = arith.addi %add3A_345, %mul3A_343 : vector<16xi32>
      tpu.vector_store_idx %arg8[%add3A_340], %add3A_346 {add = true} : memref<256xi32, #tpu.memory_space<vmem>>[vector<16xi32>], vector<16xi32>,
      tpu.vector_store_idx %arg9[%add3A_340], %abs3A_302 {add = true} : memref<256xf32, #tpu.memory_space<vmem>>[vector<16xi32>], vector<16xf32>,
      %scan3A_347 = arith.constant 5 : i32
      %scan3A_348 = arith.addi %scan3A_76, %scan3A_347 : i32
      %mul3A_349 = arith.constant 16 : i32
      %mul3A_350 = arith.muli %scan3A_348, %mul3A_349 : i32
      %get3A_351 = arith.index_cast %mul3A_350 : i32 to index
      %get3A_352 = tpu.vector_load %arg7[%get3A_351] {strides = array<i32>} : memref<8192xf32, #tpu.memory_space<vmem>>, vector<16xf32>,
      %lt3A_353 = arith.constant 0.000000e+00 : f32
      %lt3A_354 = vector.broadcast %lt3A_353 : f32 to vector<16xf32>
      %lt3A_355 = arith.cmpf olt, %get3A_352, %lt3A_354 : vector<16xf32>
      %broadcast_in_dim3A_356 = vector.broadcast %scan3A_69 : i32 to vector<16xi32>
      %broadcast_in_dim3A_357 = vector.broadcast %scan3A_70 : i32 to vector<16xi32>
      %select_n3A_358 = arith.select %lt3A_355, %broadcast_in_dim3A_356, %broadcast_in_dim3A_357 : vector<16xi1>, vector<16xi32>
      %abs3A_359 = math.absf %get3A_352 : vector<16xf32>
      %mul3A_360 = arith.constant 1.500000e+01 : f32
      %mul3A_361 = vector.broadcast %mul3A_360 : f32 to vector<16xf32>
      %mul3A_362 = arith.mulf %abs3A_359, %mul3A_361 : vector<16xf32>
      %convert_element_type3A_363 = arith.fptosi %mul3A_362 : vector<16xf32> to vector<16xi32>
      %convert_element_type3A_364 = arith.sitofp %convert_element_type3A_363 : vector<16xi32> to vector<16xf32>
      %ne3A_365 = arith.cmpf one, %mul3A_362, %convert_element_type3A_364 : vector<16xf32>
      %broadcast_in_dim3A_366 = vector.broadcast %scan3A_69 : i32 to vector<16xi32>
      %broadcast_in_dim3A_367 = vector.broadcast %scan3A_70 : i32 to vector<16xi32>
      %select_n3A_368 = arith.select %ne3A_365, %broadcast_in_dim3A_366, %broadcast_in_dim3A_367 : vector<16xi1>, vector<16xi32>
      %add3A_369 = arith.addi %convert_element_type3A_363, %select_n3A_368 : vector<16xi32>
      %sub3A_370 = arith.constant 1 : i32
      %sub3A_371 = vector.broadcast %sub3A_370 : i32 to vector<16xi32>
      %sub3A_372 = arith.subi %add3A_369, %sub3A_371 : vector<16xi32>
      %jit3A_373 = arith.constant 0 : i32
      %jit3A_374 = arith.constant 14 : i32
      %max3A_375 = vector.broadcast %jit3A_373 : i32 to vector<16xi32>
      %max3A_376 = arith.maxsi %max3A_375, %sub3A_372 : vector<16xi32>
      %min3A_377 = vector.broadcast %jit3A_374 : i32 to vector<16xi32>
      %min3A_378 = arith.minsi %min3A_377, %max3A_376 : vector<16xi32>
      %gather3A_379 = tpu.vector_load_idx %arg6[%min3A_378] : memref<16xf32, #tpu.memory_space<vmem>>[vector<16xi32>], vector<16xf32>,
      %le3A_380 = arith.cmpf ole, %abs3A_359, %gather3A_379 : vector<16xf32>
      %broadcast_in_dim3A_381 = vector.broadcast %scan3A_69 : i32 to vector<16xi32>
      %broadcast_in_dim3A_382 = vector.broadcast %scan3A_70 : i32 to vector<16xi32>
      %select_n3A_383 = arith.select %le3A_380, %broadcast_in_dim3A_381, %broadcast_in_dim3A_382 : vector<16xi1>, vector<16xi32>
      %sub3A_384 = arith.subi %min3A_378, %select_n3A_383 : vector<16xi32>
      %add3A_385 = arith.constant 1 : i32
      %add3A_386 = vector.broadcast %add3A_385 : i32 to vector<16xi32>
      %add3A_387 = arith.addi %sub3A_384, %add3A_386 : vector<16xi32>
      %gather3A_388 = tpu.vector_load_idx %arg6[%add3A_387] : memref<16xf32, #tpu.memory_space<vmem>>[vector<16xi32>], vector<16xf32>,
      %gt3A_389 = arith.cmpf ogt, %abs3A_359, %gather3A_388 : vector<16xf32>
      %broadcast_in_dim3A_390 = vector.broadcast %scan3A_69 : i32 to vector<16xi32>
      %broadcast_in_dim3A_391 = vector.broadcast %scan3A_70 : i32 to vector<16xi32>
      %select_n3A_392 = arith.select %gt3A_389, %broadcast_in_dim3A_390, %broadcast_in_dim3A_391 : vector<16xi1>, vector<16xi32>
      %add3A_393 = arith.addi %sub3A_384, %select_n3A_392 : vector<16xi32>
      %mul3A_394 = arith.constant 16 : i32
      %mul3A_395 = vector.broadcast %mul3A_394 : i32 to vector<16xi32>
      %mul3A_396 = arith.muli %add3A_393, %mul3A_395 : vector<16xi32>
      %add3A_397 = arith.addi %mul3A_396, %iota3A : vector<16xi32>
      %mul3A_398 = arith.constant 65536 : i32
      %mul3A_399 = vector.broadcast %mul3A_398 : i32 to vector<16xi32>
      %mul3A_400 = arith.muli %select_n3A_358, %mul3A_399 : vector<16xi32>
      %add3A_401 = arith.constant 1 : i32
      %add3A_402 = vector.broadcast %add3A_401 : i32 to vector<16xi32>
      %add3A_403 = arith.addi %add3A_402, %mul3A_400 : vector<16xi32>
      tpu.vector_store_idx %arg8[%add3A_397], %add3A_403 {add = true} : memref<256xi32, #tpu.memory_space<vmem>>[vector<16xi32>], vector<16xi32>,
      tpu.vector_store_idx %arg9[%add3A_397], %abs3A_359 {add = true} : memref<256xf32, #tpu.memory_space<vmem>>[vector<16xi32>], vector<16xf32>,
      %scan3A_404 = arith.constant 6 : i32
      %scan3A_405 = arith.addi %scan3A_76, %scan3A_404 : i32
      %mul3A_406 = arith.constant 16 : i32
      %mul3A_407 = arith.muli %scan3A_405, %mul3A_406 : i32
      %get3A_408 = arith.index_cast %mul3A_407 : i32 to index
      %get3A_409 = tpu.vector_load %arg7[%get3A_408] {strides = array<i32>} : memref<8192xf32, #tpu.memory_space<vmem>>, vector<16xf32>,
      %lt3A_410 = arith.constant 0.000000e+00 : f32
      %lt3A_411 = vector.broadcast %lt3A_410 : f32 to vector<16xf32>
      %lt3A_412 = arith.cmpf olt, %get3A_409, %lt3A_411 : vector<16xf32>
      %broadcast_in_dim3A_413 = vector.broadcast %scan3A_69 : i32 to vector<16xi32>
      %broadcast_in_dim3A_414 = vector.broadcast %scan3A_70 : i32 to vector<16xi32>
      %select_n3A_415 = arith.select %lt3A_412, %broadcast_in_dim3A_413, %broadcast_in_dim3A_414 : vector<16xi1>, vector<16xi32>
      %abs3A_416 = math.absf %get3A_409 : vector<16xf32>
      %mul3A_417 = arith.constant 1.500000e+01 : f32
      %mul3A_418 = vector.broadcast %mul3A_417 : f32 to vector<16xf32>
      %mul3A_419 = arith.mulf %abs3A_416, %mul3A_418 : vector<16xf32>
      %convert_element_type3A_420 = arith.fptosi %mul3A_419 : vector<16xf32> to vector<16xi32>
      %convert_element_type3A_421 = arith.sitofp %convert_element_type3A_420 : vector<16xi32> to vector<16xf32>
      %ne3A_422 = arith.cmpf one, %mul3A_419, %convert_element_type3A_421 : vector<16xf32>
      %broadcast_in_dim3A_423 = vector.broadcast %scan3A_69 : i32 to vector<16xi32>
      %broadcast_in_dim3A_424 = vector.broadcast %scan3A_70 : i32 to vector<16xi32>
      %select_n3A_425 = arith.select %ne3A_422, %broadcast_in_dim3A_423, %broadcast_in_dim3A_424 : vector<16xi1>, vector<16xi32>
      %add3A_426 = arith.addi %convert_element_type3A_420, %select_n3A_425 : vector<16xi32>
      %sub3A_427 = arith.constant 1 : i32
      %sub3A_428 = vector.broadcast %sub3A_427 : i32 to vector<16xi32>
      %sub3A_429 = arith.subi %add3A_426, %sub3A_428 : vector<16xi32>
      %jit3A_430 = arith.constant 0 : i32
      %jit3A_431 = arith.constant 14 : i32
      %max3A_432 = vector.broadcast %jit3A_430 : i32 to vector<16xi32>
      %max3A_433 = arith.maxsi %max3A_432, %sub3A_429 : vector<16xi32>
      %min3A_434 = vector.broadcast %jit3A_431 : i32 to vector<16xi32>
      %min3A_435 = arith.minsi %min3A_434, %max3A_433 : vector<16xi32>
      %gather3A_436 = tpu.vector_load_idx %arg6[%min3A_435] : memref<16xf32, #tpu.memory_space<vmem>>[vector<16xi32>], vector<16xf32>,
      %le3A_437 = arith.cmpf ole, %abs3A_416, %gather3A_436 : vector<16xf32>
      %broadcast_in_dim3A_438 = vector.broadcast %scan3A_69 : i32 to vector<16xi32>
      %broadcast_in_dim3A_439 = vector.broadcast %scan3A_70 : i32 to vector<16xi32>
      %select_n3A_440 = arith.select %le3A_437, %broadcast_in_dim3A_438, %broadcast_in_dim3A_439 : vector<16xi1>, vector<16xi32>
      %sub3A_441 = arith.subi %min3A_435, %select_n3A_440 : vector<16xi32>
      %add3A_442 = arith.constant 1 : i32
      %add3A_443 = vector.broadcast %add3A_442 : i32 to vector<16xi32>
      %add3A_444 = arith.addi %sub3A_441, %add3A_443 : vector<16xi32>
      %gather3A_445 = tpu.vector_load_idx %arg6[%add3A_444] : memref<16xf32, #tpu.memory_space<vmem>>[vector<16xi32>], vector<16xf32>,
      %gt3A_446 = arith.cmpf ogt, %abs3A_416, %gather3A_445 : vector<16xf32>
      %broadcast_in_dim3A_447 = vector.broadcast %scan3A_69 : i32 to vector<16xi32>
      %broadcast_in_dim3A_448 = vector.broadcast %scan3A_70 : i32 to vector<16xi32>
      %select_n3A_449 = arith.select %gt3A_446, %broadcast_in_dim3A_447, %broadcast_in_dim3A_448 : vector<16xi1>, vector<16xi32>
      %add3A_450 = arith.addi %sub3A_441, %select_n3A_449 : vector<16xi32>
      %mul3A_451 = arith.constant 16 : i32
      %mul3A_452 = vector.broadcast %mul3A_451 : i32 to vector<16xi32>
      %mul3A_453 = arith.muli %add3A_450, %mul3A_452 : vector<16xi32>
      %add3A_454 = arith.addi %mul3A_453, %iota3A : vector<16xi32>
      %mul3A_455 = arith.constant 65536 : i32
      %mul3A_456 = vector.broadcast %mul3A_455 : i32 to vector<16xi32>
      %mul3A_457 = arith.muli %select_n3A_415, %mul3A_456 : vector<16xi32>
      %add3A_458 = arith.constant 1 : i32
      %add3A_459 = vector.broadcast %add3A_458 : i32 to vector<16xi32>
      %add3A_460 = arith.addi %add3A_459, %mul3A_457 : vector<16xi32>
      tpu.vector_store_idx %arg8[%add3A_454], %add3A_460 {add = true} : memref<256xi32, #tpu.memory_space<vmem>>[vector<16xi32>], vector<16xi32>,
      tpu.vector_store_idx %arg9[%add3A_454], %abs3A_416 {add = true} : memref<256xf32, #tpu.memory_space<vmem>>[vector<16xi32>], vector<16xf32>,
      %scan3A_461 = arith.constant 7 : i32
      %scan3A_462 = arith.addi %scan3A_76, %scan3A_461 : i32
      %mul3A_463 = arith.constant 16 : i32
      %mul3A_464 = arith.muli %scan3A_462, %mul3A_463 : i32
      %get3A_465 = arith.index_cast %mul3A_464 : i32 to index
      %get3A_466 = tpu.vector_load %arg7[%get3A_465] {strides = array<i32>} : memref<8192xf32, #tpu.memory_space<vmem>>, vector<16xf32>,
      %lt3A_467 = arith.constant 0.000000e+00 : f32
      %lt3A_468 = vector.broadcast %lt3A_467 : f32 to vector<16xf32>
      %lt3A_469 = arith.cmpf olt, %get3A_466, %lt3A_468 : vector<16xf32>
      %broadcast_in_dim3A_470 = vector.broadcast %scan3A_69 : i32 to vector<16xi32>
      %broadcast_in_dim3A_471 = vector.broadcast %scan3A_70 : i32 to vector<16xi32>
      %select_n3A_472 = arith.select %lt3A_469, %broadcast_in_dim3A_470, %broadcast_in_dim3A_471 : vector<16xi1>, vector<16xi32>
      %abs3A_473 = math.absf %get3A_466 : vector<16xf32>
      %mul3A_474 = arith.constant 1.500000e+01 : f32
      %mul3A_475 = vector.broadcast %mul3A_474 : f32 to vector<16xf32>
      %mul3A_476 = arith.mulf %abs3A_473, %mul3A_475 : vector<16xf32>
      %convert_element_type3A_477 = arith.fptosi %mul3A_476 : vector<16xf32> to vector<16xi32>
      %convert_element_type3A_478 = arith.sitofp %convert_element_type3A_477 : vector<16xi32> to vector<16xf32>
      %ne3A_479 = arith.cmpf one, %mul3A_476, %convert_element_type3A_478 : vector<16xf32>
      %broadcast_in_dim3A_480 = vector.broadcast %scan3A_69 : i32 to vector<16xi32>
      %broadcast_in_dim3A_481 = vector.broadcast %scan3A_70 : i32 to vector<16xi32>
      %select_n3A_482 = arith.select %ne3A_479, %broadcast_in_dim3A_480, %broadcast_in_dim3A_481 : vector<16xi1>, vector<16xi32>
      %add3A_483 = arith.addi %convert_element_type3A_477, %select_n3A_482 : vector<16xi32>
      %sub3A_484 = arith.constant 1 : i32
      %sub3A_485 = vector.broadcast %sub3A_484 : i32 to vector<16xi32>
      %sub3A_486 = arith.subi %add3A_483, %sub3A_485 : vector<16xi32>
      %jit3A_487 = arith.constant 0 : i32
      %jit3A_488 = arith.constant 14 : i32
      %max3A_489 = vector.broadcast %jit3A_487 : i32 to vector<16xi32>
      %max3A_490 = arith.maxsi %max3A_489, %sub3A_486 : vector<16xi32>
      %min3A_491 = vector.broadcast %jit3A_488 : i32 to vector<16xi32>
      %min3A_492 = arith.minsi %min3A_491, %max3A_490 : vector<16xi32>
      %gather3A_493 = tpu.vector_load_idx %arg6[%min3A_492] : memref<16xf32, #tpu.memory_space<vmem>>[vector<16xi32>], vector<16xf32>,
      %le3A_494 = arith.cmpf ole, %abs3A_473, %gather3A_493 : vector<16xf32>
      %broadcast_in_dim3A_495 = vector.broadcast %scan3A_69 : i32 to vector<16xi32>
      %broadcast_in_dim3A_496 = vector.broadcast %scan3A_70 : i32 to vector<16xi32>
      %select_n3A_497 = arith.select %le3A_494, %broadcast_in_dim3A_495, %broadcast_in_dim3A_496 : vector<16xi1>, vector<16xi32>
      %sub3A_498 = arith.subi %min3A_492, %select_n3A_497 : vector<16xi32>
      %add3A_499 = arith.constant 1 : i32
      %add3A_500 = vector.broadcast %add3A_499 : i32 to vector<16xi32>
      %add3A_501 = arith.addi %sub3A_498, %add3A_500 : vector<16xi32>
      %gather3A_502 = tpu.vector_load_idx %arg6[%add3A_501] : memref<16xf32, #tpu.memory_space<vmem>>[vector<16xi32>], vector<16xf32>,
      %gt3A_503 = arith.cmpf ogt, %abs3A_473, %gather3A_502 : vector<16xf32>
      %broadcast_in_dim3A_504 = vector.broadcast %scan3A_69 : i32 to vector<16xi32>
      %broadcast_in_dim3A_505 = vector.broadcast %scan3A_70 : i32 to vector<16xi32>
      %select_n3A_506 = arith.select %gt3A_503, %broadcast_in_dim3A_504, %broadcast_in_dim3A_505 : vector<16xi1>, vector<16xi32>
      %add3A_507 = arith.addi %sub3A_498, %select_n3A_506 : vector<16xi32>
      %mul3A_508 = arith.constant 16 : i32
      %mul3A_509 = vector.broadcast %mul3A_508 : i32 to vector<16xi32>
      %mul3A_510 = arith.muli %add3A_507, %mul3A_509 : vector<16xi32>
      %add3A_511 = arith.addi %mul3A_510, %iota3A : vector<16xi32>
      %mul3A_512 = arith.constant 65536 : i32
      %mul3A_513 = vector.broadcast %mul3A_512 : i32 to vector<16xi32>
      %mul3A_514 = arith.muli %select_n3A_472, %mul3A_513 : vector<16xi32>
      %add3A_515 = arith.constant 1 : i32
      %add3A_516 = vector.broadcast %add3A_515 : i32 to vector<16xi32>
      %add3A_517 = arith.addi %add3A_516, %mul3A_514 : vector<16xi32>
      tpu.vector_store_idx %arg8[%add3A_511], %add3A_517 {add = true} : memref<256xi32, #tpu.memory_space<vmem>>[vector<16xi32>], vector<16xi32>,
      tpu.vector_store_idx %arg9[%add3A_511], %abs3A_473 {add = true} : memref<256xf32, #tpu.memory_space<vmem>>[vector<16xi32>], vector<16xf32>,
    }
    %scan3A_75 = arith.constant 512 : i32
    "tpu.region"() ({
      %run_scoped3A = tpu.sem_alloc : memref<!tpu.dma_semaphore, #tpu.memory_space<semaphore_mem>>
      %dma_start3A = arith.constant 0 : i32
      %dma_start3A_76 = tpu.memref_slice %arg4[%add3A, %dma_start3A] : memref<32x256xi32, #tpu.memory_space<hbm>> -> memref<1x256xi32, #tpu.memory_space<hbm>>
      %dma_start3A_77 = tpu.memref_squeeze %dma_start3A_76 : memref<1x256xi32, #tpu.memory_space<hbm>> -> memref<256xi32, #tpu.memory_space<hbm>>
      %dma_start3A_78 = arith.constant 0 : i32
      %dma_start3A_79 = tpu.memref_slice %arg4[%add3A, %dma_start3A_78] : memref<32x256xi32, #tpu.memory_space<hbm>> -> memref<1x256xi32, #tpu.memory_space<hbm>>
      %dma_start3A_80 = tpu.memref_squeeze %dma_start3A_79 : memref<1x256xi32, #tpu.memory_space<hbm>> -> memref<256xi32, #tpu.memory_space<hbm>>
      tpu.enqueue_dma source(%arg8 : memref<256xi32, #tpu.memory_space<vmem>>) target(%dma_start3A_80 : memref<256xi32, #tpu.memory_space<hbm>>) target_semaphore(%run_scoped3A : memref<!tpu.dma_semaphore, #tpu.memory_space<semaphore_mem>>)
      %dma_wait3A = arith.constant 0 : i32
      %dma_wait3A_81 = tpu.memref_slice %arg4[%add3A, %dma_wait3A] : memref<32x256xi32, #tpu.memory_space<hbm>> -> memref<1x256xi32, #tpu.memory_space<hbm>>
      %dma_wait3A_82 = tpu.memref_squeeze %dma_wait3A_81 : memref<1x256xi32, #tpu.memory_space<hbm>> -> memref<256xi32, #tpu.memory_space<hbm>>
      %dma_wait3A_83 = arith.constant 0 : i32
      %dma_wait3A_84 = tpu.memref_slice %arg4[%add3A, %dma_wait3A_83] : memref<32x256xi32, #tpu.memory_space<hbm>> -> memref<1x256xi32, #tpu.memory_space<hbm>>
      %dma_wait3A_85 = tpu.memref_squeeze %dma_wait3A_84 : memref<1x256xi32, #tpu.memory_space<hbm>> -> memref<256xi32, #tpu.memory_space<hbm>>
      tpu.wait_dma2 semaphore(%run_scoped3A : memref<!tpu.dma_semaphore, #tpu.memory_space<semaphore_mem>>) src(%arg8 : memref<256xi32, #tpu.memory_space<vmem>>) dst(%dma_wait3A_85 : memref<256xi32, #tpu.memory_space<hbm>>)
      tpu.yield
    }) : () -> ()
    "tpu.region"() ({
      %run_scoped3A = tpu.sem_alloc : memref<!tpu.dma_semaphore, #tpu.memory_space<semaphore_mem>>
      %dma_start3A = arith.constant 0 : i32
      %dma_start3A_76 = tpu.memref_slice %arg5[%add3A, %dma_start3A] : memref<32x256xf32, #tpu.memory_space<hbm>> -> memref<1x256xf32, #tpu.memory_space<hbm>>
      %dma_start3A_77 = tpu.memref_squeeze %dma_start3A_76 : memref<1x256xf32, #tpu.memory_space<hbm>> -> memref<256xf32, #tpu.memory_space<hbm>>
      %dma_start3A_78 = arith.constant 0 : i32
      %dma_start3A_79 = tpu.memref_slice %arg5[%add3A, %dma_start3A_78] : memref<32x256xf32, #tpu.memory_space<hbm>> -> memref<1x256xf32, #tpu.memory_space<hbm>>
      %dma_start3A_80 = tpu.memref_squeeze %dma_start3A_79 : memref<1x256xf32, #tpu.memory_space<hbm>> -> memref<256xf32, #tpu.memory_space<hbm>>
      tpu.enqueue_dma source(%arg9 : memref<256xf32, #tpu.memory_space<vmem>>) target(%dma_start3A_80 : memref<256xf32, #tpu.memory_space<hbm>>) target_semaphore(%run_scoped3A : memref<!tpu.dma_semaphore, #tpu.memory_space<semaphore_mem>>)
      %dma_wait3A = arith.constant 0 : i32
      %dma_wait3A_81 = tpu.memref_slice %arg5[%add3A, %dma_wait3A] : memref<32x256xf32, #tpu.memory_space<hbm>> -> memref<1x256xf32, #tpu.memory_space<hbm>>
      %dma_wait3A_82 = tpu.memref_squeeze %dma_wait3A_81 : memref<1x256xf32, #tpu.memory_space<hbm>> -> memref<256xf32, #tpu.memory_space<hbm>>
      %dma_wait3A_83 = arith.constant 0 : i32
      %dma_wait3A_84 = tpu.memref_slice %arg5[%add3A, %dma_wait3A_83] : memref<32x256xf32, #tpu.memory_space<hbm>> -> memref<1x256xf32, #tpu.memory_space<hbm>>
      %dma_wait3A_85 = tpu.memref_squeeze %dma_wait3A_84 : memref<1x256xf32, #tpu.memory_space<hbm>> -> memref<256xf32, #tpu.memory_space<hbm>>
      tpu.wait_dma2 semaphore(%run_scoped3A : memref<!tpu.dma_semaphore, #tpu.memory_space<semaphore_mem>>) src(%arg9 : memref<256xf32, #tpu.memory_space<vmem>>) dst(%dma_wait3A_85 : memref<256xf32, #tpu.memory_space<hbm>>)
      tpu.yield
    }) : () -> ()
    return
  }
}

#map = affine_map<(d0, d1) -> (0)>
#map1 = affine_map<(d0, d1) -> (0, 0)>
module attributes {stable_mosaic.version = 14 : i64} {
  func.func @_sc_hist(%arg0: i32, %arg1: i32, %arg2: memref<16xf32, #tpu.memory_space<hbm>>, %arg3: memref<262144xf32, #tpu.memory_space<hbm>>, %arg4: memref<32x256xi32, #tpu.memory_space<hbm>>, %arg5: memref<32x256xf32, #tpu.memory_space<hbm>>, %arg6: memref<16xf32, #tpu.memory_space<vmem>>, %arg7: memref<8192xf32, #tpu.memory_space<vmem>>, %arg8: memref<256xi32, #tpu.memory_space<vmem>>, %arg9: memref<256xf32, #tpu.memory_space<vmem>>) attributes {dimension_semantics = [#tpu.dimension_semantics<core_parallel>, #tpu.dimension_semantics<subcore_parallel>], iteration_bounds = array<i64: 2, 16>, scalar_prefetch = 0 : i64, scratch_operands = 4 : i64, tpu.core_type = #tpu.core_type<sc_vector_subcore>, window_params = [{transform_indices = #map}, {transform_indices = #map}, {transform_indices = #map1}, {transform_indices = #map1}]} {
    %mul3A = arith.constant 2 : i32
    %mul3A_0 = arith.muli %arg1, %mul3A : i32
    %add3A = arith.addi %mul3A_0, %arg0 : i32
    "tpu.region"() ({
      %run_scoped3A = tpu.sem_alloc : memref<!tpu.dma_semaphore, #tpu.memory_space<semaphore_mem>>
      tpu.enqueue_dma source(%arg2 : memref<16xf32, #tpu.memory_space<hbm>>) target(%arg6 : memref<16xf32, #tpu.memory_space<vmem>>) target_semaphore(%run_scoped3A : memref<!tpu.dma_semaphore, #tpu.memory_space<semaphore_mem>>)
      tpu.wait_dma2 semaphore(%run_scoped3A : memref<!tpu.dma_semaphore, #tpu.memory_space<semaphore_mem>>) src(%arg2 : memref<16xf32, #tpu.memory_space<hbm>>) dst(%arg6 : memref<16xf32, #tpu.memory_space<vmem>>)
      tpu.yield
    }) : () -> ()
    %mul3A_1 = arith.constant 8192 : i32
    %mul3A_2 = arith.muli %add3A, %mul3A_1 : i32
    "tpu.region"() ({
      %run_scoped3A = tpu.sem_alloc : memref<!tpu.dma_semaphore, #tpu.memory_space<semaphore_mem>>
      %dma_start3A = tpu.memref_slice %arg3[%mul3A_2] : memref<262144xf32, #tpu.memory_space<hbm>> -> memref<8192xf32, #tpu.memory_space<hbm>>
      %dma_start3A_76 = tpu.memref_slice %arg3[%mul3A_2] : memref<262144xf32, #tpu.memory_space<hbm>> -> memref<8192xf32, #tpu.memory_space<hbm>>
      tpu.enqueue_dma source(%dma_start3A_76 : memref<8192xf32, #tpu.memory_space<hbm>>) target(%arg7 : memref<8192xf32, #tpu.memory_space<vmem>>) target_semaphore(%run_scoped3A : memref<!tpu.dma_semaphore, #tpu.memory_space<semaphore_mem>>)
      %dma_wait3A = tpu.memref_slice %arg3[%mul3A_2] : memref<262144xf32, #tpu.memory_space<hbm>> -> memref<8192xf32, #tpu.memory_space<hbm>>
      %dma_wait3A_77 = tpu.memref_slice %arg3[%mul3A_2] : memref<262144xf32, #tpu.memory_space<hbm>> -> memref<8192xf32, #tpu.memory_space<hbm>>
      tpu.wait_dma2 semaphore(%run_scoped3A : memref<!tpu.dma_semaphore, #tpu.memory_space<semaphore_mem>>) src(%dma_wait3A_77 : memref<8192xf32, #tpu.memory_space<hbm>>) dst(%arg7 : memref<8192xf32, #tpu.memory_space<vmem>>)
      tpu.yield
    }) : () -> ()
    %broadcast_in_dim3A = arith.constant 0 : i32
    %broadcast_in_dim3A_3 = vector.broadcast %broadcast_in_dim3A : i32 to vector<16xi32>
    %broadcast_in_dim3A_4 = arith.constant 0.000000e+00 : f32
    %broadcast_in_dim3A_5 = vector.broadcast %broadcast_in_dim3A_4 : f32 to vector<16xf32>
    %swap3A = arith.constant 0 : index
    %swap3A_6 = tpu.vector_load %arg8[%swap3A] {strides = array<i32>} : memref<256xi32, #tpu.memory_space<vmem>>, vector<16xi32>,
    tpu.vector_store %arg8[%swap3A], %broadcast_in_dim3A_3 {strides = array<i32>} : memref<256xi32, #tpu.memory_space<vmem>>, vector<16xi32>,
    %swap3A_7 = arith.constant 0 : index
    %swap3A_8 = tpu.vector_load %arg9[%swap3A_7] {strides = array<i32>} : memref<256xf32, #tpu.memory_space<vmem>>, vector<16xf32>,
    tpu.vector_store %arg9[%swap3A_7], %broadcast_in_dim3A_5 {strides = array<i32>} : memref<256xf32, #tpu.memory_space<vmem>>, vector<16xf32>,
    %swap3A_9 = arith.constant 16 : index
    %swap3A_10 = tpu.vector_load %arg8[%swap3A_9] {strides = array<i32>} : memref<256xi32, #tpu.memory_space<vmem>>, vector<16xi32>,
    tpu.vector_store %arg8[%swap3A_9], %broadcast_in_dim3A_3 {strides = array<i32>} : memref<256xi32, #tpu.memory_space<vmem>>, vector<16xi32>,
    %swap3A_11 = arith.constant 16 : index
    %swap3A_12 = tpu.vector_load %arg9[%swap3A_11] {strides = array<i32>} : memref<256xf32, #tpu.memory_space<vmem>>, vector<16xf32>,
    tpu.vector_store %arg9[%swap3A_11], %broadcast_in_dim3A_5 {strides = array<i32>} : memref<256xf32, #tpu.memory_space<vmem>>, vector<16xf32>,
    %swap3A_13 = arith.constant 32 : index
    %swap3A_14 = tpu.vector_load %arg8[%swap3A_13] {strides = array<i32>} : memref<256xi32, #tpu.memory_space<vmem>>, vector<16xi32>,
    tpu.vector_store %arg8[%swap3A_13], %broadcast_in_dim3A_3 {strides = array<i32>} : memref<256xi32, #tpu.memory_space<vmem>>, vector<16xi32>,
    %swap3A_15 = arith.constant 32 : index
    %swap3A_16 = tpu.vector_load %arg9[%swap3A_15] {strides = array<i32>} : memref<256xf32, #tpu.memory_space<vmem>>, vector<16xf32>,
    tpu.vector_store %arg9[%swap3A_15], %broadcast_in_dim3A_5 {strides = array<i32>} : memref<256xf32, #tpu.memory_space<vmem>>, vector<16xf32>,
    %swap3A_17 = arith.constant 48 : index
    %swap3A_18 = tpu.vector_load %arg8[%swap3A_17] {strides = array<i32>} : memref<256xi32, #tpu.memory_space<vmem>>, vector<16xi32>,
    tpu.vector_store %arg8[%swap3A_17], %broadcast_in_dim3A_3 {strides = array<i32>} : memref<256xi32, #tpu.memory_space<vmem>>, vector<16xi32>,
    %swap3A_19 = arith.constant 48 : index
    %swap3A_20 = tpu.vector_load %arg9[%swap3A_19] {strides = array<i32>} : memref<256xf32, #tpu.memory_space<vmem>>, vector<16xf32>,
    tpu.vector_store %arg9[%swap3A_19], %broadcast_in_dim3A_5 {strides = array<i32>} : memref<256xf32, #tpu.memory_space<vmem>>, vector<16xf32>,
    %swap3A_21 = arith.constant 64 : index
    %swap3A_22 = tpu.vector_load %arg8[%swap3A_21] {strides = array<i32>} : memref<256xi32, #tpu.memory_space<vmem>>, vector<16xi32>,
    tpu.vector_store %arg8[%swap3A_21], %broadcast_in_dim3A_3 {strides = array<i32>} : memref<256xi32, #tpu.memory_space<vmem>>, vector<16xi32>,
    %swap3A_23 = arith.constant 64 : index
    %swap3A_24 = tpu.vector_load %arg9[%swap3A_23] {strides = array<i32>} : memref<256xf32, #tpu.memory_space<vmem>>, vector<16xf32>,
    tpu.vector_store %arg9[%swap3A_23], %broadcast_in_dim3A_5 {strides = array<i32>} : memref<256xf32, #tpu.memory_space<vmem>>, vector<16xf32>,
    %swap3A_25 = arith.constant 80 : index
    %swap3A_26 = tpu.vector_load %arg8[%swap3A_25] {strides = array<i32>} : memref<256xi32, #tpu.memory_space<vmem>>, vector<16xi32>,
    tpu.vector_store %arg8[%swap3A_25], %broadcast_in_dim3A_3 {strides = array<i32>} : memref<256xi32, #tpu.memory_space<vmem>>, vector<16xi32>,
    %swap3A_27 = arith.constant 80 : index
    %swap3A_28 = tpu.vector_load %arg9[%swap3A_27] {strides = array<i32>} : memref<256xf32, #tpu.memory_space<vmem>>, vector<16xf32>,
    tpu.vector_store %arg9[%swap3A_27], %broadcast_in_dim3A_5 {strides = array<i32>} : memref<256xf32, #tpu.memory_space<vmem>>, vector<16xf32>,
    %swap3A_29 = arith.constant 96 : index
    %swap3A_30 = tpu.vector_load %arg8[%swap3A_29] {strides = array<i32>} : memref<256xi32, #tpu.memory_space<vmem>>, vector<16xi32>,
    tpu.vector_store %arg8[%swap3A_29], %broadcast_in_dim3A_3 {strides = array<i32>} : memref<256xi32, #tpu.memory_space<vmem>>, vector<16xi32>,
    %swap3A_31 = arith.constant 96 : index
    %swap3A_32 = tpu.vector_load %arg9[%swap3A_31] {strides = array<i32>} : memref<256xf32, #tpu.memory_space<vmem>>, vector<16xf32>,
    tpu.vector_store %arg9[%swap3A_31], %broadcast_in_dim3A_5 {strides = array<i32>} : memref<256xf32, #tpu.memory_space<vmem>>, vector<16xf32>,
    %swap3A_33 = arith.constant 112 : index
    %swap3A_34 = tpu.vector_load %arg8[%swap3A_33] {strides = array<i32>} : memref<256xi32, #tpu.memory_space<vmem>>, vector<16xi32>,
    tpu.vector_store %arg8[%swap3A_33], %broadcast_in_dim3A_3 {strides = array<i32>} : memref<256xi32, #tpu.memory_space<vmem>>, vector<16xi32>,
    %swap3A_35 = arith.constant 112 : index
    %swap3A_36 = tpu.vector_load %arg9[%swap3A_35] {strides = array<i32>} : memref<256xf32, #tpu.memory_space<vmem>>, vector<16xf32>,
    tpu.vector_store %arg9[%swap3A_35], %broadcast_in_dim3A_5 {strides = array<i32>} : memref<256xf32, #tpu.memory_space<vmem>>, vector<16xf32>,
    %swap3A_37 = arith.constant 128 : index
    %swap3A_38 = tpu.vector_load %arg8[%swap3A_37] {strides = array<i32>} : memref<256xi32, #tpu.memory_space<vmem>>, vector<16xi32>,
    tpu.vector_store %arg8[%swap3A_37], %broadcast_in_dim3A_3 {strides = array<i32>} : memref<256xi32, #tpu.memory_space<vmem>>, vector<16xi32>,
    %swap3A_39 = arith.constant 128 : index
    %swap3A_40 = tpu.vector_load %arg9[%swap3A_39] {strides = array<i32>} : memref<256xf32, #tpu.memory_space<vmem>>, vector<16xf32>,
    tpu.vector_store %arg9[%swap3A_39], %broadcast_in_dim3A_5 {strides = array<i32>} : memref<256xf32, #tpu.memory_space<vmem>>, vector<16xf32>,
    %swap3A_41 = arith.constant 144 : index
    %swap3A_42 = tpu.vector_load %arg8[%swap3A_41] {strides = array<i32>} : memref<256xi32, #tpu.memory_space<vmem>>, vector<16xi32>,
    tpu.vector_store %arg8[%swap3A_41], %broadcast_in_dim3A_3 {strides = array<i32>} : memref<256xi32, #tpu.memory_space<vmem>>, vector<16xi32>,
    %swap3A_43 = arith.constant 144 : index
    %swap3A_44 = tpu.vector_load %arg9[%swap3A_43] {strides = array<i32>} : memref<256xf32, #tpu.memory_space<vmem>>, vector<16xf32>,
    tpu.vector_store %arg9[%swap3A_43], %broadcast_in_dim3A_5 {strides = array<i32>} : memref<256xf32, #tpu.memory_space<vmem>>, vector<16xf32>,
    %swap3A_45 = arith.constant 160 : index
    %swap3A_46 = tpu.vector_load %arg8[%swap3A_45] {strides = array<i32>} : memref<256xi32, #tpu.memory_space<vmem>>, vector<16xi32>,
    tpu.vector_store %arg8[%swap3A_45], %broadcast_in_dim3A_3 {strides = array<i32>} : memref<256xi32, #tpu.memory_space<vmem>>, vector<16xi32>,
    %swap3A_47 = arith.constant 160 : index
    %swap3A_48 = tpu.vector_load %arg9[%swap3A_47] {strides = array<i32>} : memref<256xf32, #tpu.memory_space<vmem>>, vector<16xf32>,
    tpu.vector_store %arg9[%swap3A_47], %broadcast_in_dim3A_5 {strides = array<i32>} : memref<256xf32, #tpu.memory_space<vmem>>, vector<16xf32>,
    %swap3A_49 = arith.constant 176 : index
    %swap3A_50 = tpu.vector_load %arg8[%swap3A_49] {strides = array<i32>} : memref<256xi32, #tpu.memory_space<vmem>>, vector<16xi32>,
    tpu.vector_store %arg8[%swap3A_49], %broadcast_in_dim3A_3 {strides = array<i32>} : memref<256xi32, #tpu.memory_space<vmem>>, vector<16xi32>,
    %swap3A_51 = arith.constant 176 : index
    %swap3A_52 = tpu.vector_load %arg9[%swap3A_51] {strides = array<i32>} : memref<256xf32, #tpu.memory_space<vmem>>, vector<16xf32>,
    tpu.vector_store %arg9[%swap3A_51], %broadcast_in_dim3A_5 {strides = array<i32>} : memref<256xf32, #tpu.memory_space<vmem>>, vector<16xf32>,
    %swap3A_53 = arith.constant 192 : index
    %swap3A_54 = tpu.vector_load %arg8[%swap3A_53] {strides = array<i32>} : memref<256xi32, #tpu.memory_space<vmem>>, vector<16xi32>,
    tpu.vector_store %arg8[%swap3A_53], %broadcast_in_dim3A_3 {strides = array<i32>} : memref<256xi32, #tpu.memory_space<vmem>>, vector<16xi32>,
    %swap3A_55 = arith.constant 192 : index
    %swap3A_56 = tpu.vector_load %arg9[%swap3A_55] {strides = array<i32>} : memref<256xf32, #tpu.memory_space<vmem>>, vector<16xf32>,
    tpu.vector_store %arg9[%swap3A_55], %broadcast_in_dim3A_5 {strides = array<i32>} : memref<256xf32, #tpu.memory_space<vmem>>, vector<16xf32>,
    %swap3A_57 = arith.constant 208 : index
    %swap3A_58 = tpu.vector_load %arg8[%swap3A_57] {strides = array<i32>} : memref<256xi32, #tpu.memory_space<vmem>>, vector<16xi32>,
    tpu.vector_store %arg8[%swap3A_57], %broadcast_in_dim3A_3 {strides = array<i32>} : memref<256xi32, #tpu.memory_space<vmem>>, vector<16xi32>,
    %swap3A_59 = arith.constant 208 : index
    %swap3A_60 = tpu.vector_load %arg9[%swap3A_59] {strides = array<i32>} : memref<256xf32, #tpu.memory_space<vmem>>, vector<16xf32>,
    tpu.vector_store %arg9[%swap3A_59], %broadcast_in_dim3A_5 {strides = array<i32>} : memref<256xf32, #tpu.memory_space<vmem>>, vector<16xf32>,
    %swap3A_61 = arith.constant 224 : index
    %swap3A_62 = tpu.vector_load %arg8[%swap3A_61] {strides = array<i32>} : memref<256xi32, #tpu.memory_space<vmem>>, vector<16xi32>,
    tpu.vector_store %arg8[%swap3A_61], %broadcast_in_dim3A_3 {strides = array<i32>} : memref<256xi32, #tpu.memory_space<vmem>>, vector<16xi32>,
    %swap3A_63 = arith.constant 224 : index
    %swap3A_64 = tpu.vector_load %arg9[%swap3A_63] {strides = array<i32>} : memref<256xf32, #tpu.memory_space<vmem>>, vector<16xf32>,
    tpu.vector_store %arg9[%swap3A_63], %broadcast_in_dim3A_5 {strides = array<i32>} : memref<256xf32, #tpu.memory_space<vmem>>, vector<16xf32>,
    %swap3A_65 = arith.constant 240 : index
    %swap3A_66 = tpu.vector_load %arg8[%swap3A_65] {strides = array<i32>} : memref<256xi32, #tpu.memory_space<vmem>>, vector<16xi32>,
    tpu.vector_store %arg8[%swap3A_65], %broadcast_in_dim3A_3 {strides = array<i32>} : memref<256xi32, #tpu.memory_space<vmem>>, vector<16xi32>,
    %swap3A_67 = arith.constant 240 : index
    %swap3A_68 = tpu.vector_load %arg9[%swap3A_67] {strides = array<i32>} : memref<256xf32, #tpu.memory_space<vmem>>, vector<16xf32>,
    tpu.vector_store %arg9[%swap3A_67], %broadcast_in_dim3A_5 {strides = array<i32>} : memref<256xf32, #tpu.memory_space<vmem>>, vector<16xf32>,
    %iota3A = tpu.iota {dimensions = array<i32: 0>} : vector<16xi32>
    %scan3A = arith.constant 0 : i32
    %scan3A_69 = arith.constant 1 : i32
    %scan3A_70 = arith.constant 0 : i32
    %scan3A_71 = arith.constant 0 : i32
    %scan3A_72 = arith.constant 512 : i32
    %scan3A_73 = arith.addi %scan3A_71, %scan3A_72 : i32
    %scan3A_74 = arith.constant 8 : i32
    scf.for %scan3A_76 = %scan3A_71 to %scan3A_73 step %scan3A_74  : i32 {
      %mul3A_77 = arith.constant 16 : i32
      %mul3A_78 = arith.muli %scan3A_76, %mul3A_77 : i32
      %get3A = arith.index_cast %mul3A_78 : i32 to index
      %get3A_79 = tpu.vector_load %arg7[%get3A] {strides = array<i32>} : memref<8192xf32, #tpu.memory_space<vmem>>, vector<16xf32>,
      %lt3A = arith.constant 0.000000e+00 : f32
      %lt3A_80 = vector.broadcast %lt3A : f32 to vector<16xf32>
      %lt3A_81 = arith.cmpf olt, %get3A_79, %lt3A_80 : vector<16xf32>
      %broadcast_in_dim3A_82 = vector.broadcast %scan3A_69 : i32 to vector<16xi32>
      %broadcast_in_dim3A_83 = vector.broadcast %scan3A_70 : i32 to vector<16xi32>
      %select_n3A = arith.select %lt3A_81, %broadcast_in_dim3A_82, %broadcast_in_dim3A_83 : vector<16xi1>, vector<16xi32>
      %abs3A = math.absf %get3A_79 : vector<16xf32>
      %mul3A_84 = arith.constant 1.500000e+01 : f32
      %mul3A_85 = vector.broadcast %mul3A_84 : f32 to vector<16xf32>
      %mul3A_86 = arith.mulf %abs3A, %mul3A_85 : vector<16xf32>
      %convert_element_type3A = arith.fptosi %mul3A_86 : vector<16xf32> to vector<16xi32>
      %convert_element_type3A_87 = arith.sitofp %convert_element_type3A : vector<16xi32> to vector<16xf32>
      %ne3A = arith.cmpf one, %mul3A_86, %convert_element_type3A_87 : vector<16xf32>
      %broadcast_in_dim3A_88 = vector.broadcast %scan3A_69 : i32 to vector<16xi32>
      %broadcast_in_dim3A_89 = vector.broadcast %scan3A_70 : i32 to vector<16xi32>
      %select_n3A_90 = arith.select %ne3A, %broadcast_in_dim3A_88, %broadcast_in_dim3A_89 : vector<16xi1>, vector<16xi32>
      %add3A_91 = arith.addi %convert_element_type3A, %select_n3A_90 : vector<16xi32>
      %sub3A = arith.constant 1 : i32
      %sub3A_92 = vector.broadcast %sub3A : i32 to vector<16xi32>
      %sub3A_93 = arith.subi %add3A_91, %sub3A_92 : vector<16xi32>
      %jit3A = arith.constant 0 : i32
      %jit3A_94 = arith.constant 14 : i32
      %max3A = vector.broadcast %jit3A : i32 to vector<16xi32>
      %max3A_95 = arith.maxsi %max3A, %sub3A_93 : vector<16xi32>
      %min3A = vector.broadcast %jit3A_94 : i32 to vector<16xi32>
      %min3A_96 = arith.minsi %min3A, %max3A_95 : vector<16xi32>
      %gather3A = tpu.vector_load_idx %arg6[%min3A_96] : memref<16xf32, #tpu.memory_space<vmem>>[vector<16xi32>], vector<16xf32>,
      %le3A = arith.cmpf ole, %abs3A, %gather3A : vector<16xf32>
      %broadcast_in_dim3A_97 = vector.broadcast %scan3A_69 : i32 to vector<16xi32>
      %broadcast_in_dim3A_98 = vector.broadcast %scan3A_70 : i32 to vector<16xi32>
      %select_n3A_99 = arith.select %le3A, %broadcast_in_dim3A_97, %broadcast_in_dim3A_98 : vector<16xi1>, vector<16xi32>
      %sub3A_100 = arith.subi %min3A_96, %select_n3A_99 : vector<16xi32>
      %add3A_101 = arith.constant 1 : i32
      %add3A_102 = vector.broadcast %add3A_101 : i32 to vector<16xi32>
      %add3A_103 = arith.addi %sub3A_100, %add3A_102 : vector<16xi32>
      %gather3A_104 = tpu.vector_load_idx %arg6[%add3A_103] : memref<16xf32, #tpu.memory_space<vmem>>[vector<16xi32>], vector<16xf32>,
      %gt3A = arith.cmpf ogt, %abs3A, %gather3A_104 : vector<16xf32>
      %broadcast_in_dim3A_105 = vector.broadcast %scan3A_69 : i32 to vector<16xi32>
      %broadcast_in_dim3A_106 = vector.broadcast %scan3A_70 : i32 to vector<16xi32>
      %select_n3A_107 = arith.select %gt3A, %broadcast_in_dim3A_105, %broadcast_in_dim3A_106 : vector<16xi1>, vector<16xi32>
      %add3A_108 = arith.addi %sub3A_100, %select_n3A_107 : vector<16xi32>
      %mul3A_109 = arith.constant 16 : i32
      %mul3A_110 = vector.broadcast %mul3A_109 : i32 to vector<16xi32>
      %mul3A_111 = arith.muli %add3A_108, %mul3A_110 : vector<16xi32>
      %add3A_112 = arith.addi %mul3A_111, %iota3A : vector<16xi32>
      %mul3A_113 = arith.constant 65536 : i32
      %mul3A_114 = vector.broadcast %mul3A_113 : i32 to vector<16xi32>
      %mul3A_115 = arith.muli %select_n3A, %mul3A_114 : vector<16xi32>
      %add3A_116 = arith.constant 1 : i32
      %add3A_117 = vector.broadcast %add3A_116 : i32 to vector<16xi32>
      %add3A_118 = arith.addi %add3A_117, %mul3A_115 : vector<16xi32>
      tpu.vector_store_idx %arg8[%add3A_112], %add3A_118 {add = true} : memref<256xi32, #tpu.memory_space<vmem>>[vector<16xi32>], vector<16xi32>,
      tpu.vector_store_idx %arg9[%add3A_112], %abs3A {add = true} : memref<256xf32, #tpu.memory_space<vmem>>[vector<16xi32>], vector<16xf32>,
      %scan3A_119 = arith.constant 1 : i32
      %scan3A_120 = arith.addi %scan3A_76, %scan3A_119 : i32
      %mul3A_121 = arith.constant 16 : i32
      %mul3A_122 = arith.muli %scan3A_120, %mul3A_121 : i32
      %get3A_123 = arith.index_cast %mul3A_122 : i32 to index
      %get3A_124 = tpu.vector_load %arg7[%get3A_123] {strides = array<i32>} : memref<8192xf32, #tpu.memory_space<vmem>>, vector<16xf32>,
      %lt3A_125 = arith.constant 0.000000e+00 : f32
      %lt3A_126 = vector.broadcast %lt3A_125 : f32 to vector<16xf32>
      %lt3A_127 = arith.cmpf olt, %get3A_124, %lt3A_126 : vector<16xf32>
      %broadcast_in_dim3A_128 = vector.broadcast %scan3A_69 : i32 to vector<16xi32>
      %broadcast_in_dim3A_129 = vector.broadcast %scan3A_70 : i32 to vector<16xi32>
      %select_n3A_130 = arith.select %lt3A_127, %broadcast_in_dim3A_128, %broadcast_in_dim3A_129 : vector<16xi1>, vector<16xi32>
      %abs3A_131 = math.absf %get3A_124 : vector<16xf32>
      %mul3A_132 = arith.constant 1.500000e+01 : f32
      %mul3A_133 = vector.broadcast %mul3A_132 : f32 to vector<16xf32>
      %mul3A_134 = arith.mulf %abs3A_131, %mul3A_133 : vector<16xf32>
      %convert_element_type3A_135 = arith.fptosi %mul3A_134 : vector<16xf32> to vector<16xi32>
      %convert_element_type3A_136 = arith.sitofp %convert_element_type3A_135 : vector<16xi32> to vector<16xf32>
      %ne3A_137 = arith.cmpf one, %mul3A_134, %convert_element_type3A_136 : vector<16xf32>
      %broadcast_in_dim3A_138 = vector.broadcast %scan3A_69 : i32 to vector<16xi32>
      %broadcast_in_dim3A_139 = vector.broadcast %scan3A_70 : i32 to vector<16xi32>
      %select_n3A_140 = arith.select %ne3A_137, %broadcast_in_dim3A_138, %broadcast_in_dim3A_139 : vector<16xi1>, vector<16xi32>
      %add3A_141 = arith.addi %convert_element_type3A_135, %select_n3A_140 : vector<16xi32>
      %sub3A_142 = arith.constant 1 : i32
      %sub3A_143 = vector.broadcast %sub3A_142 : i32 to vector<16xi32>
      %sub3A_144 = arith.subi %add3A_141, %sub3A_143 : vector<16xi32>
      %jit3A_145 = arith.constant 0 : i32
      %jit3A_146 = arith.constant 14 : i32
      %max3A_147 = vector.broadcast %jit3A_145 : i32 to vector<16xi32>
      %max3A_148 = arith.maxsi %max3A_147, %sub3A_144 : vector<16xi32>
      %min3A_149 = vector.broadcast %jit3A_146 : i32 to vector<16xi32>
      %min3A_150 = arith.minsi %min3A_149, %max3A_148 : vector<16xi32>
      %gather3A_151 = tpu.vector_load_idx %arg6[%min3A_150] : memref<16xf32, #tpu.memory_space<vmem>>[vector<16xi32>], vector<16xf32>,
      %le3A_152 = arith.cmpf ole, %abs3A_131, %gather3A_151 : vector<16xf32>
      %broadcast_in_dim3A_153 = vector.broadcast %scan3A_69 : i32 to vector<16xi32>
      %broadcast_in_dim3A_154 = vector.broadcast %scan3A_70 : i32 to vector<16xi32>
      %select_n3A_155 = arith.select %le3A_152, %broadcast_in_dim3A_153, %broadcast_in_dim3A_154 : vector<16xi1>, vector<16xi32>
      %sub3A_156 = arith.subi %min3A_150, %select_n3A_155 : vector<16xi32>
      %add3A_157 = arith.constant 1 : i32
      %add3A_158 = vector.broadcast %add3A_157 : i32 to vector<16xi32>
      %add3A_159 = arith.addi %sub3A_156, %add3A_158 : vector<16xi32>
      %gather3A_160 = tpu.vector_load_idx %arg6[%add3A_159] : memref<16xf32, #tpu.memory_space<vmem>>[vector<16xi32>], vector<16xf32>,
      %gt3A_161 = arith.cmpf ogt, %abs3A_131, %gather3A_160 : vector<16xf32>
      %broadcast_in_dim3A_162 = vector.broadcast %scan3A_69 : i32 to vector<16xi32>
      %broadcast_in_dim3A_163 = vector.broadcast %scan3A_70 : i32 to vector<16xi32>
      %select_n3A_164 = arith.select %gt3A_161, %broadcast_in_dim3A_162, %broadcast_in_dim3A_163 : vector<16xi1>, vector<16xi32>
      %add3A_165 = arith.addi %sub3A_156, %select_n3A_164 : vector<16xi32>
      %mul3A_166 = arith.constant 16 : i32
      %mul3A_167 = vector.broadcast %mul3A_166 : i32 to vector<16xi32>
      %mul3A_168 = arith.muli %add3A_165, %mul3A_167 : vector<16xi32>
      %add3A_169 = arith.addi %mul3A_168, %iota3A : vector<16xi32>
      %mul3A_170 = arith.constant 65536 : i32
      %mul3A_171 = vector.broadcast %mul3A_170 : i32 to vector<16xi32>
      %mul3A_172 = arith.muli %select_n3A_130, %mul3A_171 : vector<16xi32>
      %add3A_173 = arith.constant 1 : i32
      %add3A_174 = vector.broadcast %add3A_173 : i32 to vector<16xi32>
      %add3A_175 = arith.addi %add3A_174, %mul3A_172 : vector<16xi32>
      tpu.vector_store_idx %arg8[%add3A_169], %add3A_175 {add = true} : memref<256xi32, #tpu.memory_space<vmem>>[vector<16xi32>], vector<16xi32>,
      tpu.vector_store_idx %arg9[%add3A_169], %abs3A_131 {add = true} : memref<256xf32, #tpu.memory_space<vmem>>[vector<16xi32>], vector<16xf32>,
      %scan3A_176 = arith.constant 2 : i32
      %scan3A_177 = arith.addi %scan3A_76, %scan3A_176 : i32
      %mul3A_178 = arith.constant 16 : i32
      %mul3A_179 = arith.muli %scan3A_177, %mul3A_178 : i32
      %get3A_180 = arith.index_cast %mul3A_179 : i32 to index
      %get3A_181 = tpu.vector_load %arg7[%get3A_180] {strides = array<i32>} : memref<8192xf32, #tpu.memory_space<vmem>>, vector<16xf32>,
      %lt3A_182 = arith.constant 0.000000e+00 : f32
      %lt3A_183 = vector.broadcast %lt3A_182 : f32 to vector<16xf32>
      %lt3A_184 = arith.cmpf olt, %get3A_181, %lt3A_183 : vector<16xf32>
      %broadcast_in_dim3A_185 = vector.broadcast %scan3A_69 : i32 to vector<16xi32>
      %broadcast_in_dim3A_186 = vector.broadcast %scan3A_70 : i32 to vector<16xi32>
      %select_n3A_187 = arith.select %lt3A_184, %broadcast_in_dim3A_185, %broadcast_in_dim3A_186 : vector<16xi1>, vector<16xi32>
      %abs3A_188 = math.absf %get3A_181 : vector<16xf32>
      %mul3A_189 = arith.constant 1.500000e+01 : f32
      %mul3A_190 = vector.broadcast %mul3A_189 : f32 to vector<16xf32>
      %mul3A_191 = arith.mulf %abs3A_188, %mul3A_190 : vector<16xf32>
      %convert_element_type3A_192 = arith.fptosi %mul3A_191 : vector<16xf32> to vector<16xi32>
      %convert_element_type3A_193 = arith.sitofp %convert_element_type3A_192 : vector<16xi32> to vector<16xf32>
      %ne3A_194 = arith.cmpf one, %mul3A_191, %convert_element_type3A_193 : vector<16xf32>
      %broadcast_in_dim3A_195 = vector.broadcast %scan3A_69 : i32 to vector<16xi32>
      %broadcast_in_dim3A_196 = vector.broadcast %scan3A_70 : i32 to vector<16xi32>
      %select_n3A_197 = arith.select %ne3A_194, %broadcast_in_dim3A_195, %broadcast_in_dim3A_196 : vector<16xi1>, vector<16xi32>
      %add3A_198 = arith.addi %convert_element_type3A_192, %select_n3A_197 : vector<16xi32>
      %sub3A_199 = arith.constant 1 : i32
      %sub3A_200 = vector.broadcast %sub3A_199 : i32 to vector<16xi32>
      %sub3A_201 = arith.subi %add3A_198, %sub3A_200 : vector<16xi32>
      %jit3A_202 = arith.constant 0 : i32
      %jit3A_203 = arith.constant 14 : i32
      %max3A_204 = vector.broadcast %jit3A_202 : i32 to vector<16xi32>
      %max3A_205 = arith.maxsi %max3A_204, %sub3A_201 : vector<16xi32>
      %min3A_206 = vector.broadcast %jit3A_203 : i32 to vector<16xi32>
      %min3A_207 = arith.minsi %min3A_206, %max3A_205 : vector<16xi32>
      %gather3A_208 = tpu.vector_load_idx %arg6[%min3A_207] : memref<16xf32, #tpu.memory_space<vmem>>[vector<16xi32>], vector<16xf32>,
      %le3A_209 = arith.cmpf ole, %abs3A_188, %gather3A_208 : vector<16xf32>
      %broadcast_in_dim3A_210 = vector.broadcast %scan3A_69 : i32 to vector<16xi32>
      %broadcast_in_dim3A_211 = vector.broadcast %scan3A_70 : i32 to vector<16xi32>
      %select_n3A_212 = arith.select %le3A_209, %broadcast_in_dim3A_210, %broadcast_in_dim3A_211 : vector<16xi1>, vector<16xi32>
      %sub3A_213 = arith.subi %min3A_207, %select_n3A_212 : vector<16xi32>
      %add3A_214 = arith.constant 1 : i32
      %add3A_215 = vector.broadcast %add3A_214 : i32 to vector<16xi32>
      %add3A_216 = arith.addi %sub3A_213, %add3A_215 : vector<16xi32>
      %gather3A_217 = tpu.vector_load_idx %arg6[%add3A_216] : memref<16xf32, #tpu.memory_space<vmem>>[vector<16xi32>], vector<16xf32>,
      %gt3A_218 = arith.cmpf ogt, %abs3A_188, %gather3A_217 : vector<16xf32>
      %broadcast_in_dim3A_219 = vector.broadcast %scan3A_69 : i32 to vector<16xi32>
      %broadcast_in_dim3A_220 = vector.broadcast %scan3A_70 : i32 to vector<16xi32>
      %select_n3A_221 = arith.select %gt3A_218, %broadcast_in_dim3A_219, %broadcast_in_dim3A_220 : vector<16xi1>, vector<16xi32>
      %add3A_222 = arith.addi %sub3A_213, %select_n3A_221 : vector<16xi32>
      %mul3A_223 = arith.constant 16 : i32
      %mul3A_224 = vector.broadcast %mul3A_223 : i32 to vector<16xi32>
      %mul3A_225 = arith.muli %add3A_222, %mul3A_224 : vector<16xi32>
      %add3A_226 = arith.addi %mul3A_225, %iota3A : vector<16xi32>
      %mul3A_227 = arith.constant 65536 : i32
      %mul3A_228 = vector.broadcast %mul3A_227 : i32 to vector<16xi32>
      %mul3A_229 = arith.muli %select_n3A_187, %mul3A_228 : vector<16xi32>
      %add3A_230 = arith.constant 1 : i32
      %add3A_231 = vector.broadcast %add3A_230 : i32 to vector<16xi32>
      %add3A_232 = arith.addi %add3A_231, %mul3A_229 : vector<16xi32>
      tpu.vector_store_idx %arg8[%add3A_226], %add3A_232 {add = true} : memref<256xi32, #tpu.memory_space<vmem>>[vector<16xi32>], vector<16xi32>,
      tpu.vector_store_idx %arg9[%add3A_226], %abs3A_188 {add = true} : memref<256xf32, #tpu.memory_space<vmem>>[vector<16xi32>], vector<16xf32>,
      %scan3A_233 = arith.constant 3 : i32
      %scan3A_234 = arith.addi %scan3A_76, %scan3A_233 : i32
      %mul3A_235 = arith.constant 16 : i32
      %mul3A_236 = arith.muli %scan3A_234, %mul3A_235 : i32
      %get3A_237 = arith.index_cast %mul3A_236 : i32 to index
      %get3A_238 = tpu.vector_load %arg7[%get3A_237] {strides = array<i32>} : memref<8192xf32, #tpu.memory_space<vmem>>, vector<16xf32>,
      %lt3A_239 = arith.constant 0.000000e+00 : f32
      %lt3A_240 = vector.broadcast %lt3A_239 : f32 to vector<16xf32>
      %lt3A_241 = arith.cmpf olt, %get3A_238, %lt3A_240 : vector<16xf32>
      %broadcast_in_dim3A_242 = vector.broadcast %scan3A_69 : i32 to vector<16xi32>
      %broadcast_in_dim3A_243 = vector.broadcast %scan3A_70 : i32 to vector<16xi32>
      %select_n3A_244 = arith.select %lt3A_241, %broadcast_in_dim3A_242, %broadcast_in_dim3A_243 : vector<16xi1>, vector<16xi32>
      %abs3A_245 = math.absf %get3A_238 : vector<16xf32>
      %mul3A_246 = arith.constant 1.500000e+01 : f32
      %mul3A_247 = vector.broadcast %mul3A_246 : f32 to vector<16xf32>
      %mul3A_248 = arith.mulf %abs3A_245, %mul3A_247 : vector<16xf32>
      %convert_element_type3A_249 = arith.fptosi %mul3A_248 : vector<16xf32> to vector<16xi32>
      %convert_element_type3A_250 = arith.sitofp %convert_element_type3A_249 : vector<16xi32> to vector<16xf32>
      %ne3A_251 = arith.cmpf one, %mul3A_248, %convert_element_type3A_250 : vector<16xf32>
      %broadcast_in_dim3A_252 = vector.broadcast %scan3A_69 : i32 to vector<16xi32>
      %broadcast_in_dim3A_253 = vector.broadcast %scan3A_70 : i32 to vector<16xi32>
      %select_n3A_254 = arith.select %ne3A_251, %broadcast_in_dim3A_252, %broadcast_in_dim3A_253 : vector<16xi1>, vector<16xi32>
      %add3A_255 = arith.addi %convert_element_type3A_249, %select_n3A_254 : vector<16xi32>
      %sub3A_256 = arith.constant 1 : i32
      %sub3A_257 = vector.broadcast %sub3A_256 : i32 to vector<16xi32>
      %sub3A_258 = arith.subi %add3A_255, %sub3A_257 : vector<16xi32>
      %jit3A_259 = arith.constant 0 : i32
      %jit3A_260 = arith.constant 14 : i32
      %max3A_261 = vector.broadcast %jit3A_259 : i32 to vector<16xi32>
      %max3A_262 = arith.maxsi %max3A_261, %sub3A_258 : vector<16xi32>
      %min3A_263 = vector.broadcast %jit3A_260 : i32 to vector<16xi32>
      %min3A_264 = arith.minsi %min3A_263, %max3A_262 : vector<16xi32>
      %gather3A_265 = tpu.vector_load_idx %arg6[%min3A_264] : memref<16xf32, #tpu.memory_space<vmem>>[vector<16xi32>], vector<16xf32>,
      %le3A_266 = arith.cmpf ole, %abs3A_245, %gather3A_265 : vector<16xf32>
      %broadcast_in_dim3A_267 = vector.broadcast %scan3A_69 : i32 to vector<16xi32>
      %broadcast_in_dim3A_268 = vector.broadcast %scan3A_70 : i32 to vector<16xi32>
      %select_n3A_269 = arith.select %le3A_266, %broadcast_in_dim3A_267, %broadcast_in_dim3A_268 : vector<16xi1>, vector<16xi32>
      %sub3A_270 = arith.subi %min3A_264, %select_n3A_269 : vector<16xi32>
      %add3A_271 = arith.constant 1 : i32
      %add3A_272 = vector.broadcast %add3A_271 : i32 to vector<16xi32>
      %add3A_273 = arith.addi %sub3A_270, %add3A_272 : vector<16xi32>
      %gather3A_274 = tpu.vector_load_idx %arg6[%add3A_273] : memref<16xf32, #tpu.memory_space<vmem>>[vector<16xi32>], vector<16xf32>,
      %gt3A_275 = arith.cmpf ogt, %abs3A_245, %gather3A_274 : vector<16xf32>
      %broadcast_in_dim3A_276 = vector.broadcast %scan3A_69 : i32 to vector<16xi32>
      %broadcast_in_dim3A_277 = vector.broadcast %scan3A_70 : i32 to vector<16xi32>
      %select_n3A_278 = arith.select %gt3A_275, %broadcast_in_dim3A_276, %broadcast_in_dim3A_277 : vector<16xi1>, vector<16xi32>
      %add3A_279 = arith.addi %sub3A_270, %select_n3A_278 : vector<16xi32>
      %mul3A_280 = arith.constant 16 : i32
      %mul3A_281 = vector.broadcast %mul3A_280 : i32 to vector<16xi32>
      %mul3A_282 = arith.muli %add3A_279, %mul3A_281 : vector<16xi32>
      %add3A_283 = arith.addi %mul3A_282, %iota3A : vector<16xi32>
      %mul3A_284 = arith.constant 65536 : i32
      %mul3A_285 = vector.broadcast %mul3A_284 : i32 to vector<16xi32>
      %mul3A_286 = arith.muli %select_n3A_244, %mul3A_285 : vector<16xi32>
      %add3A_287 = arith.constant 1 : i32
      %add3A_288 = vector.broadcast %add3A_287 : i32 to vector<16xi32>
      %add3A_289 = arith.addi %add3A_288, %mul3A_286 : vector<16xi32>
      tpu.vector_store_idx %arg8[%add3A_283], %add3A_289 {add = true} : memref<256xi32, #tpu.memory_space<vmem>>[vector<16xi32>], vector<16xi32>,
      tpu.vector_store_idx %arg9[%add3A_283], %abs3A_245 {add = true} : memref<256xf32, #tpu.memory_space<vmem>>[vector<16xi32>], vector<16xf32>,
      %scan3A_290 = arith.constant 4 : i32
      %scan3A_291 = arith.addi %scan3A_76, %scan3A_290 : i32
      %mul3A_292 = arith.constant 16 : i32
      %mul3A_293 = arith.muli %scan3A_291, %mul3A_292 : i32
      %get3A_294 = arith.index_cast %mul3A_293 : i32 to index
      %get3A_295 = tpu.vector_load %arg7[%get3A_294] {strides = array<i32>} : memref<8192xf32, #tpu.memory_space<vmem>>, vector<16xf32>,
      %lt3A_296 = arith.constant 0.000000e+00 : f32
      %lt3A_297 = vector.broadcast %lt3A_296 : f32 to vector<16xf32>
      %lt3A_298 = arith.cmpf olt, %get3A_295, %lt3A_297 : vector<16xf32>
      %broadcast_in_dim3A_299 = vector.broadcast %scan3A_69 : i32 to vector<16xi32>
      %broadcast_in_dim3A_300 = vector.broadcast %scan3A_70 : i32 to vector<16xi32>
      %select_n3A_301 = arith.select %lt3A_298, %broadcast_in_dim3A_299, %broadcast_in_dim3A_300 : vector<16xi1>, vector<16xi32>
      %abs3A_302 = math.absf %get3A_295 : vector<16xf32>
      %mul3A_303 = arith.constant 1.500000e+01 : f32
      %mul3A_304 = vector.broadcast %mul3A_303 : f32 to vector<16xf32>
      %mul3A_305 = arith.mulf %abs3A_302, %mul3A_304 : vector<16xf32>
      %convert_element_type3A_306 = arith.fptosi %mul3A_305 : vector<16xf32> to vector<16xi32>
      %convert_element_type3A_307 = arith.sitofp %convert_element_type3A_306 : vector<16xi32> to vector<16xf32>
      %ne3A_308 = arith.cmpf one, %mul3A_305, %convert_element_type3A_307 : vector<16xf32>
      %broadcast_in_dim3A_309 = vector.broadcast %scan3A_69 : i32 to vector<16xi32>
      %broadcast_in_dim3A_310 = vector.broadcast %scan3A_70 : i32 to vector<16xi32>
      %select_n3A_311 = arith.select %ne3A_308, %broadcast_in_dim3A_309, %broadcast_in_dim3A_310 : vector<16xi1>, vector<16xi32>
      %add3A_312 = arith.addi %convert_element_type3A_306, %select_n3A_311 : vector<16xi32>
      %sub3A_313 = arith.constant 1 : i32
      %sub3A_314 = vector.broadcast %sub3A_313 : i32 to vector<16xi32>
      %sub3A_315 = arith.subi %add3A_312, %sub3A_314 : vector<16xi32>
      %jit3A_316 = arith.constant 0 : i32
      %jit3A_317 = arith.constant 14 : i32
      %max3A_318 = vector.broadcast %jit3A_316 : i32 to vector<16xi32>
      %max3A_319 = arith.maxsi %max3A_318, %sub3A_315 : vector<16xi32>
      %min3A_320 = vector.broadcast %jit3A_317 : i32 to vector<16xi32>
      %min3A_321 = arith.minsi %min3A_320, %max3A_319 : vector<16xi32>
      %gather3A_322 = tpu.vector_load_idx %arg6[%min3A_321] : memref<16xf32, #tpu.memory_space<vmem>>[vector<16xi32>], vector<16xf32>,
      %le3A_323 = arith.cmpf ole, %abs3A_302, %gather3A_322 : vector<16xf32>
      %broadcast_in_dim3A_324 = vector.broadcast %scan3A_69 : i32 to vector<16xi32>
      %broadcast_in_dim3A_325 = vector.broadcast %scan3A_70 : i32 to vector<16xi32>
      %select_n3A_326 = arith.select %le3A_323, %broadcast_in_dim3A_324, %broadcast_in_dim3A_325 : vector<16xi1>, vector<16xi32>
      %sub3A_327 = arith.subi %min3A_321, %select_n3A_326 : vector<16xi32>
      %add3A_328 = arith.constant 1 : i32
      %add3A_329 = vector.broadcast %add3A_328 : i32 to vector<16xi32>
      %add3A_330 = arith.addi %sub3A_327, %add3A_329 : vector<16xi32>
      %gather3A_331 = tpu.vector_load_idx %arg6[%add3A_330] : memref<16xf32, #tpu.memory_space<vmem>>[vector<16xi32>], vector<16xf32>,
      %gt3A_332 = arith.cmpf ogt, %abs3A_302, %gather3A_331 : vector<16xf32>
      %broadcast_in_dim3A_333 = vector.broadcast %scan3A_69 : i32 to vector<16xi32>
      %broadcast_in_dim3A_334 = vector.broadcast %scan3A_70 : i32 to vector<16xi32>
      %select_n3A_335 = arith.select %gt3A_332, %broadcast_in_dim3A_333, %broadcast_in_dim3A_334 : vector<16xi1>, vector<16xi32>
      %add3A_336 = arith.addi %sub3A_327, %select_n3A_335 : vector<16xi32>
      %mul3A_337 = arith.constant 16 : i32
      %mul3A_338 = vector.broadcast %mul3A_337 : i32 to vector<16xi32>
      %mul3A_339 = arith.muli %add3A_336, %mul3A_338 : vector<16xi32>
      %add3A_340 = arith.addi %mul3A_339, %iota3A : vector<16xi32>
      %mul3A_341 = arith.constant 65536 : i32
      %mul3A_342 = vector.broadcast %mul3A_341 : i32 to vector<16xi32>
      %mul3A_343 = arith.muli %select_n3A_301, %mul3A_342 : vector<16xi32>
      %add3A_344 = arith.constant 1 : i32
      %add3A_345 = vector.broadcast %add3A_344 : i32 to vector<16xi32>
      %add3A_346 = arith.addi %add3A_345, %mul3A_343 : vector<16xi32>
      tpu.vector_store_idx %arg8[%add3A_340], %add3A_346 {add = true} : memref<256xi32, #tpu.memory_space<vmem>>[vector<16xi32>], vector<16xi32>,
      tpu.vector_store_idx %arg9[%add3A_340], %abs3A_302 {add = true} : memref<256xf32, #tpu.memory_space<vmem>>[vector<16xi32>], vector<16xf32>,
      %scan3A_347 = arith.constant 5 : i32
      %scan3A_348 = arith.addi %scan3A_76, %scan3A_347 : i32
      %mul3A_349 = arith.constant 16 : i32
      %mul3A_350 = arith.muli %scan3A_348, %mul3A_349 : i32
      %get3A_351 = arith.index_cast %mul3A_350 : i32 to index
      %get3A_352 = tpu.vector_load %arg7[%get3A_351] {strides = array<i32>} : memref<8192xf32, #tpu.memory_space<vmem>>, vector<16xf32>,
      %lt3A_353 = arith.constant 0.000000e+00 : f32
      %lt3A_354 = vector.broadcast %lt3A_353 : f32 to vector<16xf32>
      %lt3A_355 = arith.cmpf olt, %get3A_352, %lt3A_354 : vector<16xf32>
      %broadcast_in_dim3A_356 = vector.broadcast %scan3A_69 : i32 to vector<16xi32>
      %broadcast_in_dim3A_357 = vector.broadcast %scan3A_70 : i32 to vector<16xi32>
      %select_n3A_358 = arith.select %lt3A_355, %broadcast_in_dim3A_356, %broadcast_in_dim3A_357 : vector<16xi1>, vector<16xi32>
      %abs3A_359 = math.absf %get3A_352 : vector<16xf32>
      %mul3A_360 = arith.constant 1.500000e+01 : f32
      %mul3A_361 = vector.broadcast %mul3A_360 : f32 to vector<16xf32>
      %mul3A_362 = arith.mulf %abs3A_359, %mul3A_361 : vector<16xf32>
      %convert_element_type3A_363 = arith.fptosi %mul3A_362 : vector<16xf32> to vector<16xi32>
      %convert_element_type3A_364 = arith.sitofp %convert_element_type3A_363 : vector<16xi32> to vector<16xf32>
      %ne3A_365 = arith.cmpf one, %mul3A_362, %convert_element_type3A_364 : vector<16xf32>
      %broadcast_in_dim3A_366 = vector.broadcast %scan3A_69 : i32 to vector<16xi32>
      %broadcast_in_dim3A_367 = vector.broadcast %scan3A_70 : i32 to vector<16xi32>
      %select_n3A_368 = arith.select %ne3A_365, %broadcast_in_dim3A_366, %broadcast_in_dim3A_367 : vector<16xi1>, vector<16xi32>
      %add3A_369 = arith.addi %convert_element_type3A_363, %select_n3A_368 : vector<16xi32>
      %sub3A_370 = arith.constant 1 : i32
      %sub3A_371 = vector.broadcast %sub3A_370 : i32 to vector<16xi32>
      %sub3A_372 = arith.subi %add3A_369, %sub3A_371 : vector<16xi32>
      %jit3A_373 = arith.constant 0 : i32
      %jit3A_374 = arith.constant 14 : i32
      %max3A_375 = vector.broadcast %jit3A_373 : i32 to vector<16xi32>
      %max3A_376 = arith.maxsi %max3A_375, %sub3A_372 : vector<16xi32>
      %min3A_377 = vector.broadcast %jit3A_374 : i32 to vector<16xi32>
      %min3A_378 = arith.minsi %min3A_377, %max3A_376 : vector<16xi32>
      %gather3A_379 = tpu.vector_load_idx %arg6[%min3A_378] : memref<16xf32, #tpu.memory_space<vmem>>[vector<16xi32>], vector<16xf32>,
      %le3A_380 = arith.cmpf ole, %abs3A_359, %gather3A_379 : vector<16xf32>
      %broadcast_in_dim3A_381 = vector.broadcast %scan3A_69 : i32 to vector<16xi32>
      %broadcast_in_dim3A_382 = vector.broadcast %scan3A_70 : i32 to vector<16xi32>
      %select_n3A_383 = arith.select %le3A_380, %broadcast_in_dim3A_381, %broadcast_in_dim3A_382 : vector<16xi1>, vector<16xi32>
      %sub3A_384 = arith.subi %min3A_378, %select_n3A_383 : vector<16xi32>
      %add3A_385 = arith.constant 1 : i32
      %add3A_386 = vector.broadcast %add3A_385 : i32 to vector<16xi32>
      %add3A_387 = arith.addi %sub3A_384, %add3A_386 : vector<16xi32>
      %gather3A_388 = tpu.vector_load_idx %arg6[%add3A_387] : memref<16xf32, #tpu.memory_space<vmem>>[vector<16xi32>], vector<16xf32>,
      %gt3A_389 = arith.cmpf ogt, %abs3A_359, %gather3A_388 : vector<16xf32>
      %broadcast_in_dim3A_390 = vector.broadcast %scan3A_69 : i32 to vector<16xi32>
      %broadcast_in_dim3A_391 = vector.broadcast %scan3A_70 : i32 to vector<16xi32>
      %select_n3A_392 = arith.select %gt3A_389, %broadcast_in_dim3A_390, %broadcast_in_dim3A_391 : vector<16xi1>, vector<16xi32>
      %add3A_393 = arith.addi %sub3A_384, %select_n3A_392 : vector<16xi32>
      %mul3A_394 = arith.constant 16 : i32
      %mul3A_395 = vector.broadcast %mul3A_394 : i32 to vector<16xi32>
      %mul3A_396 = arith.muli %add3A_393, %mul3A_395 : vector<16xi32>
      %add3A_397 = arith.addi %mul3A_396, %iota3A : vector<16xi32>
      %mul3A_398 = arith.constant 65536 : i32
      %mul3A_399 = vector.broadcast %mul3A_398 : i32 to vector<16xi32>
      %mul3A_400 = arith.muli %select_n3A_358, %mul3A_399 : vector<16xi32>
      %add3A_401 = arith.constant 1 : i32
      %add3A_402 = vector.broadcast %add3A_401 : i32 to vector<16xi32>
      %add3A_403 = arith.addi %add3A_402, %mul3A_400 : vector<16xi32>
      tpu.vector_store_idx %arg8[%add3A_397], %add3A_403 {add = true} : memref<256xi32, #tpu.memory_space<vmem>>[vector<16xi32>], vector<16xi32>,
      tpu.vector_store_idx %arg9[%add3A_397], %abs3A_359 {add = true} : memref<256xf32, #tpu.memory_space<vmem>>[vector<16xi32>], vector<16xf32>,
      %scan3A_404 = arith.constant 6 : i32
      %scan3A_405 = arith.addi %scan3A_76, %scan3A_404 : i32
      %mul3A_406 = arith.constant 16 : i32
      %mul3A_407 = arith.muli %scan3A_405, %mul3A_406 : i32
      %get3A_408 = arith.index_cast %mul3A_407 : i32 to index
      %get3A_409 = tpu.vector_load %arg7[%get3A_408] {strides = array<i32>} : memref<8192xf32, #tpu.memory_space<vmem>>, vector<16xf32>,
      %lt3A_410 = arith.constant 0.000000e+00 : f32
      %lt3A_411 = vector.broadcast %lt3A_410 : f32 to vector<16xf32>
      %lt3A_412 = arith.cmpf olt, %get3A_409, %lt3A_411 : vector<16xf32>
      %broadcast_in_dim3A_413 = vector.broadcast %scan3A_69 : i32 to vector<16xi32>
      %broadcast_in_dim3A_414 = vector.broadcast %scan3A_70 : i32 to vector<16xi32>
      %select_n3A_415 = arith.select %lt3A_412, %broadcast_in_dim3A_413, %broadcast_in_dim3A_414 : vector<16xi1>, vector<16xi32>
      %abs3A_416 = math.absf %get3A_409 : vector<16xf32>
      %mul3A_417 = arith.constant 1.500000e+01 : f32
      %mul3A_418 = vector.broadcast %mul3A_417 : f32 to vector<16xf32>
      %mul3A_419 = arith.mulf %abs3A_416, %mul3A_418 : vector<16xf32>
      %convert_element_type3A_420 = arith.fptosi %mul3A_419 : vector<16xf32> to vector<16xi32>
      %convert_element_type3A_421 = arith.sitofp %convert_element_type3A_420 : vector<16xi32> to vector<16xf32>
      %ne3A_422 = arith.cmpf one, %mul3A_419, %convert_element_type3A_421 : vector<16xf32>
      %broadcast_in_dim3A_423 = vector.broadcast %scan3A_69 : i32 to vector<16xi32>
      %broadcast_in_dim3A_424 = vector.broadcast %scan3A_70 : i32 to vector<16xi32>
      %select_n3A_425 = arith.select %ne3A_422, %broadcast_in_dim3A_423, %broadcast_in_dim3A_424 : vector<16xi1>, vector<16xi32>
      %add3A_426 = arith.addi %convert_element_type3A_420, %select_n3A_425 : vector<16xi32>
      %sub3A_427 = arith.constant 1 : i32
      %sub3A_428 = vector.broadcast %sub3A_427 : i32 to vector<16xi32>
      %sub3A_429 = arith.subi %add3A_426, %sub3A_428 : vector<16xi32>
      %jit3A_430 = arith.constant 0 : i32
      %jit3A_431 = arith.constant 14 : i32
      %max3A_432 = vector.broadcast %jit3A_430 : i32 to vector<16xi32>
      %max3A_433 = arith.maxsi %max3A_432, %sub3A_429 : vector<16xi32>
      %min3A_434 = vector.broadcast %jit3A_431 : i32 to vector<16xi32>
      %min3A_435 = arith.minsi %min3A_434, %max3A_433 : vector<16xi32>
      %gather3A_436 = tpu.vector_load_idx %arg6[%min3A_435] : memref<16xf32, #tpu.memory_space<vmem>>[vector<16xi32>], vector<16xf32>,
      %le3A_437 = arith.cmpf ole, %abs3A_416, %gather3A_436 : vector<16xf32>
      %broadcast_in_dim3A_438 = vector.broadcast %scan3A_69 : i32 to vector<16xi32>
      %broadcast_in_dim3A_439 = vector.broadcast %scan3A_70 : i32 to vector<16xi32>
      %select_n3A_440 = arith.select %le3A_437, %broadcast_in_dim3A_438, %broadcast_in_dim3A_439 : vector<16xi1>, vector<16xi32>
      %sub3A_441 = arith.subi %min3A_435, %select_n3A_440 : vector<16xi32>
      %add3A_442 = arith.constant 1 : i32
      %add3A_443 = vector.broadcast %add3A_442 : i32 to vector<16xi32>
      %add3A_444 = arith.addi %sub3A_441, %add3A_443 : vector<16xi32>
      %gather3A_445 = tpu.vector_load_idx %arg6[%add3A_444] : memref<16xf32, #tpu.memory_space<vmem>>[vector<16xi32>], vector<16xf32>,
      %gt3A_446 = arith.cmpf ogt, %abs3A_416, %gather3A_445 : vector<16xf32>
      %broadcast_in_dim3A_447 = vector.broadcast %scan3A_69 : i32 to vector<16xi32>
      %broadcast_in_dim3A_448 = vector.broadcast %scan3A_70 : i32 to vector<16xi32>
      %select_n3A_449 = arith.select %gt3A_446, %broadcast_in_dim3A_447, %broadcast_in_dim3A_448 : vector<16xi1>, vector<16xi32>
      %add3A_450 = arith.addi %sub3A_441, %select_n3A_449 : vector<16xi32>
      %mul3A_451 = arith.constant 16 : i32
      %mul3A_452 = vector.broadcast %mul3A_451 : i32 to vector<16xi32>
      %mul3A_453 = arith.muli %add3A_450, %mul3A_452 : vector<16xi32>
      %add3A_454 = arith.addi %mul3A_453, %iota3A : vector<16xi32>
      %mul3A_455 = arith.constant 65536 : i32
      %mul3A_456 = vector.broadcast %mul3A_455 : i32 to vector<16xi32>
      %mul3A_457 = arith.muli %select_n3A_415, %mul3A_456 : vector<16xi32>
      %add3A_458 = arith.constant 1 : i32
      %add3A_459 = vector.broadcast %add3A_458 : i32 to vector<16xi32>
      %add3A_460 = arith.addi %add3A_459, %mul3A_457 : vector<16xi32>
      tpu.vector_store_idx %arg8[%add3A_454], %add3A_460 {add = true} : memref<256xi32, #tpu.memory_space<vmem>>[vector<16xi32>], vector<16xi32>,
      tpu.vector_store_idx %arg9[%add3A_454], %abs3A_416 {add = true} : memref<256xf32, #tpu.memory_space<vmem>>[vector<16xi32>], vector<16xf32>,
      %scan3A_461 = arith.constant 7 : i32
      %scan3A_462 = arith.addi %scan3A_76, %scan3A_461 : i32
      %mul3A_463 = arith.constant 16 : i32
      %mul3A_464 = arith.muli %scan3A_462, %mul3A_463 : i32
      %get3A_465 = arith.index_cast %mul3A_464 : i32 to index
      %get3A_466 = tpu.vector_load %arg7[%get3A_465] {strides = array<i32>} : memref<8192xf32, #tpu.memory_space<vmem>>, vector<16xf32>,
      %lt3A_467 = arith.constant 0.000000e+00 : f32
      %lt3A_468 = vector.broadcast %lt3A_467 : f32 to vector<16xf32>
      %lt3A_469 = arith.cmpf olt, %get3A_466, %lt3A_468 : vector<16xf32>
      %broadcast_in_dim3A_470 = vector.broadcast %scan3A_69 : i32 to vector<16xi32>
      %broadcast_in_dim3A_471 = vector.broadcast %scan3A_70 : i32 to vector<16xi32>
      %select_n3A_472 = arith.select %lt3A_469, %broadcast_in_dim3A_470, %broadcast_in_dim3A_471 : vector<16xi1>, vector<16xi32>
      %abs3A_473 = math.absf %get3A_466 : vector<16xf32>
      %mul3A_474 = arith.constant 1.500000e+01 : f32
      %mul3A_475 = vector.broadcast %mul3A_474 : f32 to vector<16xf32>
      %mul3A_476 = arith.mulf %abs3A_473, %mul3A_475 : vector<16xf32>
      %convert_element_type3A_477 = arith.fptosi %mul3A_476 : vector<16xf32> to vector<16xi32>
      %convert_element_type3A_478 = arith.sitofp %convert_element_type3A_477 : vector<16xi32> to vector<16xf32>
      %ne3A_479 = arith.cmpf one, %mul3A_476, %convert_element_type3A_478 : vector<16xf32>
      %broadcast_in_dim3A_480 = vector.broadcast %scan3A_69 : i32 to vector<16xi32>
      %broadcast_in_dim3A_481 = vector.broadcast %scan3A_70 : i32 to vector<16xi32>
      %select_n3A_482 = arith.select %ne3A_479, %broadcast_in_dim3A_480, %broadcast_in_dim3A_481 : vector<16xi1>, vector<16xi32>
      %add3A_483 = arith.addi %convert_element_type3A_477, %select_n3A_482 : vector<16xi32>
      %sub3A_484 = arith.constant 1 : i32
      %sub3A_485 = vector.broadcast %sub3A_484 : i32 to vector<16xi32>
      %sub3A_486 = arith.subi %add3A_483, %sub3A_485 : vector<16xi32>
      %jit3A_487 = arith.constant 0 : i32
      %jit3A_488 = arith.constant 14 : i32
      %max3A_489 = vector.broadcast %jit3A_487 : i32 to vector<16xi32>
      %max3A_490 = arith.maxsi %max3A_489, %sub3A_486 : vector<16xi32>
      %min3A_491 = vector.broadcast %jit3A_488 : i32 to vector<16xi32>
      %min3A_492 = arith.minsi %min3A_491, %max3A_490 : vector<16xi32>
      %gather3A_493 = tpu.vector_load_idx %arg6[%min3A_492] : memref<16xf32, #tpu.memory_space<vmem>>[vector<16xi32>], vector<16xf32>,
      %le3A_494 = arith.cmpf ole, %abs3A_473, %gather3A_493 : vector<16xf32>
      %broadcast_in_dim3A_495 = vector.broadcast %scan3A_69 : i32 to vector<16xi32>
      %broadcast_in_dim3A_496 = vector.broadcast %scan3A_70 : i32 to vector<16xi32>
      %select_n3A_497 = arith.select %le3A_494, %broadcast_in_dim3A_495, %broadcast_in_dim3A_496 : vector<16xi1>, vector<16xi32>
      %sub3A_498 = arith.subi %min3A_492, %select_n3A_497 : vector<16xi32>
      %add3A_499 = arith.constant 1 : i32
      %add3A_500 = vector.broadcast %add3A_499 : i32 to vector<16xi32>
      %add3A_501 = arith.addi %sub3A_498, %add3A_500 : vector<16xi32>
      %gather3A_502 = tpu.vector_load_idx %arg6[%add3A_501] : memref<16xf32, #tpu.memory_space<vmem>>[vector<16xi32>], vector<16xf32>,
      %gt3A_503 = arith.cmpf ogt, %abs3A_473, %gather3A_502 : vector<16xf32>
      %broadcast_in_dim3A_504 = vector.broadcast %scan3A_69 : i32 to vector<16xi32>
      %broadcast_in_dim3A_505 = vector.broadcast %scan3A_70 : i32 to vector<16xi32>
      %select_n3A_506 = arith.select %gt3A_503, %broadcast_in_dim3A_504, %broadcast_in_dim3A_505 : vector<16xi1>, vector<16xi32>
      %add3A_507 = arith.addi %sub3A_498, %select_n3A_506 : vector<16xi32>
      %mul3A_508 = arith.constant 16 : i32
      %mul3A_509 = vector.broadcast %mul3A_508 : i32 to vector<16xi32>
      %mul3A_510 = arith.muli %add3A_507, %mul3A_509 : vector<16xi32>
      %add3A_511 = arith.addi %mul3A_510, %iota3A : vector<16xi32>
      %mul3A_512 = arith.constant 65536 : i32
      %mul3A_513 = vector.broadcast %mul3A_512 : i32 to vector<16xi32>
      %mul3A_514 = arith.muli %select_n3A_472, %mul3A_513 : vector<16xi32>
      %add3A_515 = arith.constant 1 : i32
      %add3A_516 = vector.broadcast %add3A_515 : i32 to vector<16xi32>
      %add3A_517 = arith.addi %add3A_516, %mul3A_514 : vector<16xi32>
      tpu.vector_store_idx %arg8[%add3A_511], %add3A_517 {add = true} : memref<256xi32, #tpu.memory_space<vmem>>[vector<16xi32>], vector<16xi32>,
      tpu.vector_store_idx %arg9[%add3A_511], %abs3A_473 {add = true} : memref<256xf32, #tpu.memory_space<vmem>>[vector<16xi32>], vector<16xf32>,
    }
    %scan3A_75 = arith.constant 512 : i32
    "tpu.region"() ({
      %run_scoped3A = tpu.sem_alloc : memref<!tpu.dma_semaphore, #tpu.memory_space<semaphore_mem>>
      %dma_start3A = arith.constant 0 : i32
      %dma_start3A_76 = tpu.memref_slice %arg4[%add3A, %dma_start3A] : memref<32x256xi32, #tpu.memory_space<hbm>> -> memref<1x256xi32, #tpu.memory_space<hbm>>
      %dma_start3A_77 = tpu.memref_squeeze %dma_start3A_76 : memref<1x256xi32, #tpu.memory_space<hbm>> -> memref<256xi32, #tpu.memory_space<hbm>>
      %dma_start3A_78 = arith.constant 0 : i32
      %dma_start3A_79 = tpu.memref_slice %arg4[%add3A, %dma_start3A_78] : memref<32x256xi32, #tpu.memory_space<hbm>> -> memref<1x256xi32, #tpu.memory_space<hbm>>
      %dma_start3A_80 = tpu.memref_squeeze %dma_start3A_79 : memref<1x256xi32, #tpu.memory_space<hbm>> -> memref<256xi32, #tpu.memory_space<hbm>>
      tpu.enqueue_dma source(%arg8 : memref<256xi32, #tpu.memory_space<vmem>>) target(%dma_start3A_80 : memref<256xi32, #tpu.memory_space<hbm>>) target_semaphore(%run_scoped3A : memref<!tpu.dma_semaphore, #tpu.memory_space<semaphore_mem>>)
      %dma_wait3A = arith.constant 0 : i32
      %dma_wait3A_81 = tpu.memref_slice %arg4[%add3A, %dma_wait3A] : memref<32x256xi32, #tpu.memory_space<hbm>> -> memref<1x256xi32, #tpu.memory_space<hbm>>
      %dma_wait3A_82 = tpu.memref_squeeze %dma_wait3A_81 : memref<1x256xi32, #tpu.memory_space<hbm>> -> memref<256xi32, #tpu.memory_space<hbm>>
      %dma_wait3A_83 = arith.constant 0 : i32
      %dma_wait3A_84 = tpu.memref_slice %arg4[%add3A, %dma_wait3A_83] : memref<32x256xi32, #tpu.memory_space<hbm>> -> memref<1x256xi32, #tpu.memory_space<hbm>>
      %dma_wait3A_85 = tpu.memref_squeeze %dma_wait3A_84 : memref<1x256xi32, #tpu.memory_space<hbm>> -> memref<256xi32, #tpu.memory_space<hbm>>
      tpu.wait_dma2 semaphore(%run_scoped3A : memref<!tpu.dma_semaphore, #tpu.memory_space<semaphore_mem>>) src(%arg8 : memref<256xi32, #tpu.memory_space<vmem>>) dst(%dma_wait3A_85 : memref<256xi32, #tpu.memory_space<hbm>>)
      tpu.yield
    }) : () -> ()
    "tpu.region"() ({
      %run_scoped3A = tpu.sem_alloc : memref<!tpu.dma_semaphore, #tpu.memory_space<semaphore_mem>>
      %dma_start3A = arith.constant 0 : i32
      %dma_start3A_76 = tpu.memref_slice %arg5[%add3A, %dma_start3A] : memref<32x256xf32, #tpu.memory_space<hbm>> -> memref<1x256xf32, #tpu.memory_space<hbm>>
      %dma_start3A_77 = tpu.memref_squeeze %dma_start3A_76 : memref<1x256xf32, #tpu.memory_space<hbm>> -> memref<256xf32, #tpu.memory_space<hbm>>
      %dma_start3A_78 = arith.constant 0 : i32
      %dma_start3A_79 = tpu.memref_slice %arg5[%add3A, %dma_start3A_78] : memref<32x256xf32, #tpu.memory_space<hbm>> -> memref<1x256xf32, #tpu.memory_space<hbm>>
      %dma_start3A_80 = tpu.memref_squeeze %dma_start3A_79 : memref<1x256xf32, #tpu.memory_space<hbm>> -> memref<256xf32, #tpu.memory_space<hbm>>
      tpu.enqueue_dma source(%arg9 : memref<256xf32, #tpu.memory_space<vmem>>) target(%dma_start3A_80 : memref<256xf32, #tpu.memory_space<hbm>>) target_semaphore(%run_scoped3A : memref<!tpu.dma_semaphore, #tpu.memory_space<semaphore_mem>>)
      %dma_wait3A = arith.constant 0 : i32
      %dma_wait3A_81 = tpu.memref_slice %arg5[%add3A, %dma_wait3A] : memref<32x256xf32, #tpu.memory_space<hbm>> -> memref<1x256xf32, #tpu.memory_space<hbm>>
      %dma_wait3A_82 = tpu.memref_squeeze %dma_wait3A_81 : memref<1x256xf32, #tpu.memory_space<hbm>> -> memref<256xf32, #tpu.memory_space<hbm>>
      %dma_wait3A_83 = arith.constant 0 : i32
      %dma_wait3A_84 = tpu.memref_slice %arg5[%add3A, %dma_wait3A_83] : memref<32x256xf32, #tpu.memory_space<hbm>> -> memref<1x256xf32, #tpu.memory_space<hbm>>
      %dma_wait3A_85 = tpu.memref_squeeze %dma_wait3A_84 : memref<1x256xf32, #tpu.memory_space<hbm>> -> memref<256xf32, #tpu.memory_space<hbm>>
      tpu.wait_dma2 semaphore(%run_scoped3A : memref<!tpu.dma_semaphore, #tpu.memory_space<semaphore_mem>>) src(%arg9 : memref<256xf32, #tpu.memory_space<vmem>>) dst(%dma_wait3A_85 : memref<256xf32, #tpu.memory_space<hbm>>)
      tpu.yield
    }) : () -> ()
    return
  }
}

module attributes {stable_mosaic.version = 14 : i64} {
  func.func @_dense_body(%arg0: i32, %arg1: memref<16384x64xf32, #tpu.memory_space<vmem>>, %arg2: memref<128x128xi32, #tpu.memory_space<vmem>>, %arg3: memref<128x128xf32, #tpu.memory_space<vmem>>) attributes {dimension_semantics = [#tpu.dimension_semantics<arbitrary>], iteration_bounds = array<i64: 16>, scalar_prefetch = 0 : i64, scratch_operands = 0 : i64, tpu.core_type = #tpu.core_type<tc>, window_params = [{transform_indices = @transform_0, window_bounds = array<i64: 16384, 64>}, {transform_indices = @transform_1, window_bounds = array<i64: 128, 128>}, {transform_indices = @transform_2, window_bounds = array<i64: 128, 128>}]} {
    %get3A = arith.constant 0 : index
    %get3A_0 = arith.constant 0 : index
    %get3A_1 = vector.load %arg1[%get3A, %get3A_0] : memref<16384x64xf32, #tpu.memory_space<vmem>>, vector<16384x64xf32>
    %transpose3A = tpu.transpose %get3A_1, [1, 0] : vector<16384x64xf32> -> vector<64x16384xf32>
    %reduce_max3A = arith.constant dense<0xFF800000> : vector<16384xf32>
    %reduce_max3A_2 = vector.multi_reduction <maximumf>, %transpose3A, %reduce_max3A [0] : vector<64x16384xf32> to vector<16384xf32>
    %broadcast_in_dim3A = vector.shape_cast %reduce_max3A_2 : vector<16384xf32> to vector<1x16384xf32>
    %sub3A = vector.broadcast %broadcast_in_dim3A : vector<1x16384xf32> to vector<64x16384xf32>
    %sub3A_3 = arith.subf %transpose3A, %sub3A : vector<64x16384xf32>
    %exp3A = math.exp %sub3A_3 : vector<64x16384xf32>
    %reduce_sum3A = arith.constant dense<0.000000e+00> : vector<16384xf32>
    %reduce_sum3A_4 = vector.multi_reduction <add>, %exp3A, %reduce_sum3A [0] : vector<64x16384xf32> to vector<16384xf32>
    %broadcast_in_dim3A_5 = vector.shape_cast %reduce_sum3A_4 : vector<16384xf32> to vector<1x16384xf32>
    %div3A = arith.constant 1.000000e+00 : f32
    %div3A_6 = vector.broadcast %div3A : f32 to vector<1x16384xf32>
    %div3A_7 = arith.divf %div3A_6, %broadcast_in_dim3A_5 : vector<1x16384xf32>
    %iota3A = tpu.iota {dimensions = array<i32: 0>} : vector<64x16384xi32>
    %eq3A = vector.broadcast %broadcast_in_dim3A : vector<1x16384xf32> to vector<64x16384xf32>
    %eq3A_8 = arith.cmpf oeq, %transpose3A, %eq3A : vector<64x16384xf32>
    %jit3A = arith.constant 64 : i32
    %broadcast_in_dim3A_9 = vector.broadcast %jit3A : i32 to vector<64x16384xi32>
    %select_n3A = arith.select %eq3A_8, %iota3A, %broadcast_in_dim3A_9 : vector<64x16384xi1>, vector<64x16384xi32>
    %reduce_min3A = arith.constant dense<2147483647> : vector<16384xi32>
    %reduce_min3A_10 = vector.multi_reduction <minsi>, %select_n3A, %reduce_min3A [0] : vector<64x16384xi32> to vector<16384xi32>
    %broadcast_in_dim3A_11 = vector.shape_cast %reduce_min3A_10 : vector<16384xi32> to vector<1x16384xi32>
    %reshape3A = vector.shape_cast %div3A_7 : vector<1x16384xf32> to vector<128x128xf32>
    %reshape3A_12 = vector.shape_cast %broadcast_in_dim3A_11 : vector<1x16384xi32> to vector<128x128xi32>
    %get3A_13 = arith.constant 0 : index
    %get3A_14 = arith.constant 0 : index
    %get3A_15 = vector.load %arg2[%get3A_13, %get3A_14] : memref<128x128xi32, #tpu.memory_space<vmem>>, vector<128x128xi32>
    %eq3A_16 = arith.cmpi eq, %reshape3A_12, %get3A_15 : vector<128x128xi32>
    %neg3A = arith.constant 0.000000e+00 : f32
    %neg3A_17 = vector.broadcast %neg3A : f32 to vector<128x128xf32>
    %neg3A_18 = arith.subf %neg3A_17, %reshape3A : vector<128x128xf32>
    %select_n3A_19 = arith.select %eq3A_16, %neg3A_18, %reshape3A : vector<128x128xi1>, vector<128x128xf32>
    %swap3A = arith.constant 0 : index
    %swap3A_20 = arith.constant 0 : index
    %swap3A_21 = vector.load %arg3[%swap3A, %swap3A_20] : memref<128x128xf32, #tpu.memory_space<vmem>>, vector<128x128xf32>
    tpu.vector_store %arg3[%swap3A, %swap3A_20], %select_n3A_19 {strides = array<i32>} : memref<128x128xf32, #tpu.memory_space<vmem>>, vector<128x128xf32>,
    return
  }
  func.func @transform_0(%arg0: i32) -> (i32, i32) {
    %add3A = arith.constant 0 : i32
    %add3A_0 = arith.addi %add3A, %arg0 : i32
    %c0_i32 = arith.constant 0 : i32
    %c0_i32_1 = arith.constant 0 : i32
    return %add3A_0, %c0_i32 : i32, i32
  }
  func.func @transform_1(%arg0: i32) -> (i32, i32) {
    %add3A = arith.constant 0 : i32
    %add3A_0 = arith.addi %add3A, %arg0 : i32
    %c0_i32 = arith.constant 0 : i32
    %c0_i32_1 = arith.constant 0 : i32
    return %add3A_0, %c0_i32 : i32, i32
  }
  func.func @transform_2(%arg0: i32) -> (i32, i32) {
    %c0_i32 = arith.constant 0 : i32
    %c0_i32_0 = arith.constant 0 : i32
    return %arg0, %c0_i32 : i32, i32
  }
}

module attributes {stable_mosaic.version = 14 : i64} {
  func.func @_dense_body(%arg0: i32, %arg1: memref<16384x64xf32, #tpu.memory_space<vmem>>, %arg2: memref<128x128xi32, #tpu.memory_space<vmem>>, %arg3: memref<128x128xf32, #tpu.memory_space<vmem>>) attributes {dimension_semantics = [#tpu.dimension_semantics<arbitrary>], iteration_bounds = array<i64: 16>, scalar_prefetch = 0 : i64, scratch_operands = 0 : i64, tpu.core_type = #tpu.core_type<tc>, window_params = [{transform_indices = @transform_0, window_bounds = array<i64: 16384, 64>}, {transform_indices = @transform_1, window_bounds = array<i64: 128, 128>}, {transform_indices = @transform_2, window_bounds = array<i64: 128, 128>}]} {
    %get3A = arith.constant 0 : index
    %get3A_0 = arith.constant 0 : index
    %get3A_1 = vector.load %arg1[%get3A, %get3A_0] : memref<16384x64xf32, #tpu.memory_space<vmem>>, vector<16384x64xf32>
    %transpose3A = tpu.transpose %get3A_1, [1, 0] : vector<16384x64xf32> -> vector<64x16384xf32>
    %reduce_max3A = arith.constant dense<0xFF800000> : vector<16384xf32>
    %reduce_max3A_2 = vector.multi_reduction <maximumf>, %transpose3A, %reduce_max3A [0] : vector<64x16384xf32> to vector<16384xf32>
    %broadcast_in_dim3A = vector.shape_cast %reduce_max3A_2 : vector<16384xf32> to vector<1x16384xf32>
    %sub3A = vector.broadcast %broadcast_in_dim3A : vector<1x16384xf32> to vector<64x16384xf32>
    %sub3A_3 = arith.subf %transpose3A, %sub3A : vector<64x16384xf32>
    %exp3A = math.exp %sub3A_3 : vector<64x16384xf32>
    %reduce_sum3A = arith.constant dense<0.000000e+00> : vector<16384xf32>
    %reduce_sum3A_4 = vector.multi_reduction <add>, %exp3A, %reduce_sum3A [0] : vector<64x16384xf32> to vector<16384xf32>
    %broadcast_in_dim3A_5 = vector.shape_cast %reduce_sum3A_4 : vector<16384xf32> to vector<1x16384xf32>
    %div3A = arith.constant 1.000000e+00 : f32
    %div3A_6 = vector.broadcast %div3A : f32 to vector<1x16384xf32>
    %div3A_7 = arith.divf %div3A_6, %broadcast_in_dim3A_5 : vector<1x16384xf32>
    %iota3A = tpu.iota {dimensions = array<i32: 0>} : vector<64x16384xi32>
    %eq3A = vector.broadcast %broadcast_in_dim3A : vector<1x16384xf32> to vector<64x16384xf32>
    %eq3A_8 = arith.cmpf oeq, %transpose3A, %eq3A : vector<64x16384xf32>
    %jit3A = arith.constant 64 : i32
    %broadcast_in_dim3A_9 = vector.broadcast %jit3A : i32 to vector<64x16384xi32>
    %select_n3A = arith.select %eq3A_8, %iota3A, %broadcast_in_dim3A_9 : vector<64x16384xi1>, vector<64x16384xi32>
    %reduce_min3A = arith.constant dense<2147483647> : vector<16384xi32>
    %reduce_min3A_10 = vector.multi_reduction <minsi>, %select_n3A, %reduce_min3A [0] : vector<64x16384xi32> to vector<16384xi32>
    %broadcast_in_dim3A_11 = vector.shape_cast %reduce_min3A_10 : vector<16384xi32> to vector<1x16384xi32>
    %reshape3A = vector.shape_cast %div3A_7 : vector<1x16384xf32> to vector<128x128xf32>
    %reshape3A_12 = vector.shape_cast %broadcast_in_dim3A_11 : vector<1x16384xi32> to vector<128x128xi32>
    %get3A_13 = arith.constant 0 : index
    %get3A_14 = arith.constant 0 : index
    %get3A_15 = vector.load %arg2[%get3A_13, %get3A_14] : memref<128x128xi32, #tpu.memory_space<vmem>>, vector<128x128xi32>
    %eq3A_16 = arith.cmpi eq, %reshape3A_12, %get3A_15 : vector<128x128xi32>
    %neg3A = arith.constant 0.000000e+00 : f32
    %neg3A_17 = vector.broadcast %neg3A : f32 to vector<128x128xf32>
    %neg3A_18 = arith.subf %neg3A_17, %reshape3A : vector<128x128xf32>
    %select_n3A_19 = arith.select %eq3A_16, %neg3A_18, %reshape3A : vector<128x128xi1>, vector<128x128xf32>
    %swap3A = arith.constant 0 : index
    %swap3A_20 = arith.constant 0 : index
    %swap3A_21 = vector.load %arg3[%swap3A, %swap3A_20] : memref<128x128xf32, #tpu.memory_space<vmem>>, vector<128x128xf32>
    tpu.vector_store %arg3[%swap3A, %swap3A_20], %select_n3A_19 {strides = array<i32>} : memref<128x128xf32, #tpu.memory_space<vmem>>, vector<128x128xf32>,
    return
  }
  func.func @transform_0(%arg0: i32) -> (i32, i32) {
    %add3A = arith.constant 16 : i32
    %add3A_0 = arith.addi %add3A, %arg0 : i32
    %c0_i32 = arith.constant 0 : i32
    %c0_i32_1 = arith.constant 0 : i32
    return %add3A_0, %c0_i32 : i32, i32
  }
  func.func @transform_1(%arg0: i32) -> (i32, i32) {
    %add3A = arith.constant 16 : i32
    %add3A_0 = arith.addi %add3A, %arg0 : i32
    %c0_i32 = arith.constant 0 : i32
    %c0_i32_1 = arith.constant 0 : i32
    return %add3A_0, %c0_i32 : i32, i32
  }
  func.func @transform_2(%arg0: i32) -> (i32, i32) {
    %c0_i32 = arith.constant 0 : i32
    %c0_i32_0 = arith.constant 0 : i32
    return %arg0, %c0_i32 : i32, i32
  }
}

module attributes {stable_mosaic.version = 14 : i64} {
  func.func @_dense_body(%arg0: i32, %arg1: memref<16384x64xf32, #tpu.memory_space<vmem>>, %arg2: memref<128x128xi32, #tpu.memory_space<vmem>>, %arg3: memref<128x128xf32, #tpu.memory_space<vmem>>) attributes {dimension_semantics = [#tpu.dimension_semantics<arbitrary>], iteration_bounds = array<i64: 16>, scalar_prefetch = 0 : i64, scratch_operands = 0 : i64, tpu.core_type = #tpu.core_type<tc>, window_params = [{transform_indices = @transform_0, window_bounds = array<i64: 16384, 64>}, {transform_indices = @transform_1, window_bounds = array<i64: 128, 128>}, {transform_indices = @transform_2, window_bounds = array<i64: 128, 128>}]} {
    %get3A = arith.constant 0 : index
    %get3A_0 = arith.constant 0 : index
    %get3A_1 = vector.load %arg1[%get3A, %get3A_0] : memref<16384x64xf32, #tpu.memory_space<vmem>>, vector<16384x64xf32>
    %transpose3A = tpu.transpose %get3A_1, [1, 0] : vector<16384x64xf32> -> vector<64x16384xf32>
    %reduce_max3A = arith.constant dense<0xFF800000> : vector<16384xf32>
    %reduce_max3A_2 = vector.multi_reduction <maximumf>, %transpose3A, %reduce_max3A [0] : vector<64x16384xf32> to vector<16384xf32>
    %broadcast_in_dim3A = vector.shape_cast %reduce_max3A_2 : vector<16384xf32> to vector<1x16384xf32>
    %sub3A = vector.broadcast %broadcast_in_dim3A : vector<1x16384xf32> to vector<64x16384xf32>
    %sub3A_3 = arith.subf %transpose3A, %sub3A : vector<64x16384xf32>
    %exp3A = math.exp %sub3A_3 : vector<64x16384xf32>
    %reduce_sum3A = arith.constant dense<0.000000e+00> : vector<16384xf32>
    %reduce_sum3A_4 = vector.multi_reduction <add>, %exp3A, %reduce_sum3A [0] : vector<64x16384xf32> to vector<16384xf32>
    %broadcast_in_dim3A_5 = vector.shape_cast %reduce_sum3A_4 : vector<16384xf32> to vector<1x16384xf32>
    %div3A = arith.constant 1.000000e+00 : f32
    %div3A_6 = vector.broadcast %div3A : f32 to vector<1x16384xf32>
    %div3A_7 = arith.divf %div3A_6, %broadcast_in_dim3A_5 : vector<1x16384xf32>
    %iota3A = tpu.iota {dimensions = array<i32: 0>} : vector<64x16384xi32>
    %eq3A = vector.broadcast %broadcast_in_dim3A : vector<1x16384xf32> to vector<64x16384xf32>
    %eq3A_8 = arith.cmpf oeq, %transpose3A, %eq3A : vector<64x16384xf32>
    %jit3A = arith.constant 64 : i32
    %broadcast_in_dim3A_9 = vector.broadcast %jit3A : i32 to vector<64x16384xi32>
    %select_n3A = arith.select %eq3A_8, %iota3A, %broadcast_in_dim3A_9 : vector<64x16384xi1>, vector<64x16384xi32>
    %reduce_min3A = arith.constant dense<2147483647> : vector<16384xi32>
    %reduce_min3A_10 = vector.multi_reduction <minsi>, %select_n3A, %reduce_min3A [0] : vector<64x16384xi32> to vector<16384xi32>
    %broadcast_in_dim3A_11 = vector.shape_cast %reduce_min3A_10 : vector<16384xi32> to vector<1x16384xi32>
    %reshape3A = vector.shape_cast %div3A_7 : vector<1x16384xf32> to vector<128x128xf32>
    %reshape3A_12 = vector.shape_cast %broadcast_in_dim3A_11 : vector<1x16384xi32> to vector<128x128xi32>
    %get3A_13 = arith.constant 0 : index
    %get3A_14 = arith.constant 0 : index
    %get3A_15 = vector.load %arg2[%get3A_13, %get3A_14] : memref<128x128xi32, #tpu.memory_space<vmem>>, vector<128x128xi32>
    %eq3A_16 = arith.cmpi eq, %reshape3A_12, %get3A_15 : vector<128x128xi32>
    %neg3A = arith.constant 0.000000e+00 : f32
    %neg3A_17 = vector.broadcast %neg3A : f32 to vector<128x128xf32>
    %neg3A_18 = arith.subf %neg3A_17, %reshape3A : vector<128x128xf32>
    %select_n3A_19 = arith.select %eq3A_16, %neg3A_18, %reshape3A : vector<128x128xi1>, vector<128x128xf32>
    %swap3A = arith.constant 0 : index
    %swap3A_20 = arith.constant 0 : index
    %swap3A_21 = vector.load %arg3[%swap3A, %swap3A_20] : memref<128x128xf32, #tpu.memory_space<vmem>>, vector<128x128xf32>
    tpu.vector_store %arg3[%swap3A, %swap3A_20], %select_n3A_19 {strides = array<i32>} : memref<128x128xf32, #tpu.memory_space<vmem>>, vector<128x128xf32>,
    return
  }
  func.func @transform_0(%arg0: i32) -> (i32, i32) {
    %add3A = arith.constant 32 : i32
    %add3A_0 = arith.addi %add3A, %arg0 : i32
    %c0_i32 = arith.constant 0 : i32
    %c0_i32_1 = arith.constant 0 : i32
    return %add3A_0, %c0_i32 : i32, i32
  }
  func.func @transform_1(%arg0: i32) -> (i32, i32) {
    %add3A = arith.constant 32 : i32
    %add3A_0 = arith.addi %add3A, %arg0 : i32
    %c0_i32 = arith.constant 0 : i32
    %c0_i32_1 = arith.constant 0 : i32
    return %add3A_0, %c0_i32 : i32, i32
  }
  func.func @transform_2(%arg0: i32) -> (i32, i32) {
    %c0_i32 = arith.constant 0 : i32
    %c0_i32_0 = arith.constant 0 : i32
    return %arg0, %c0_i32 : i32, i32
  }
}

module attributes {stable_mosaic.version = 14 : i64} {
  func.func @_dense_body(%arg0: i32, %arg1: memref<16384x64xf32, #tpu.memory_space<vmem>>, %arg2: memref<128x128xi32, #tpu.memory_space<vmem>>, %arg3: memref<128x128xf32, #tpu.memory_space<vmem>>) attributes {dimension_semantics = [#tpu.dimension_semantics<arbitrary>], iteration_bounds = array<i64: 16>, scalar_prefetch = 0 : i64, scratch_operands = 0 : i64, tpu.core_type = #tpu.core_type<tc>, window_params = [{transform_indices = @transform_0, window_bounds = array<i64: 16384, 64>}, {transform_indices = @transform_1, window_bounds = array<i64: 128, 128>}, {transform_indices = @transform_2, window_bounds = array<i64: 128, 128>}]} {
    %get3A = arith.constant 0 : index
    %get3A_0 = arith.constant 0 : index
    %get3A_1 = vector.load %arg1[%get3A, %get3A_0] : memref<16384x64xf32, #tpu.memory_space<vmem>>, vector<16384x64xf32>
    %transpose3A = tpu.transpose %get3A_1, [1, 0] : vector<16384x64xf32> -> vector<64x16384xf32>
    %reduce_max3A = arith.constant dense<0xFF800000> : vector<16384xf32>
    %reduce_max3A_2 = vector.multi_reduction <maximumf>, %transpose3A, %reduce_max3A [0] : vector<64x16384xf32> to vector<16384xf32>
    %broadcast_in_dim3A = vector.shape_cast %reduce_max3A_2 : vector<16384xf32> to vector<1x16384xf32>
    %sub3A = vector.broadcast %broadcast_in_dim3A : vector<1x16384xf32> to vector<64x16384xf32>
    %sub3A_3 = arith.subf %transpose3A, %sub3A : vector<64x16384xf32>
    %exp3A = math.exp %sub3A_3 : vector<64x16384xf32>
    %reduce_sum3A = arith.constant dense<0.000000e+00> : vector<16384xf32>
    %reduce_sum3A_4 = vector.multi_reduction <add>, %exp3A, %reduce_sum3A [0] : vector<64x16384xf32> to vector<16384xf32>
    %broadcast_in_dim3A_5 = vector.shape_cast %reduce_sum3A_4 : vector<16384xf32> to vector<1x16384xf32>
    %div3A = arith.constant 1.000000e+00 : f32
    %div3A_6 = vector.broadcast %div3A : f32 to vector<1x16384xf32>
    %div3A_7 = arith.divf %div3A_6, %broadcast_in_dim3A_5 : vector<1x16384xf32>
    %iota3A = tpu.iota {dimensions = array<i32: 0>} : vector<64x16384xi32>
    %eq3A = vector.broadcast %broadcast_in_dim3A : vector<1x16384xf32> to vector<64x16384xf32>
    %eq3A_8 = arith.cmpf oeq, %transpose3A, %eq3A : vector<64x16384xf32>
    %jit3A = arith.constant 64 : i32
    %broadcast_in_dim3A_9 = vector.broadcast %jit3A : i32 to vector<64x16384xi32>
    %select_n3A = arith.select %eq3A_8, %iota3A, %broadcast_in_dim3A_9 : vector<64x16384xi1>, vector<64x16384xi32>
    %reduce_min3A = arith.constant dense<2147483647> : vector<16384xi32>
    %reduce_min3A_10 = vector.multi_reduction <minsi>, %select_n3A, %reduce_min3A [0] : vector<64x16384xi32> to vector<16384xi32>
    %broadcast_in_dim3A_11 = vector.shape_cast %reduce_min3A_10 : vector<16384xi32> to vector<1x16384xi32>
    %reshape3A = vector.shape_cast %div3A_7 : vector<1x16384xf32> to vector<128x128xf32>
    %reshape3A_12 = vector.shape_cast %broadcast_in_dim3A_11 : vector<1x16384xi32> to vector<128x128xi32>
    %get3A_13 = arith.constant 0 : index
    %get3A_14 = arith.constant 0 : index
    %get3A_15 = vector.load %arg2[%get3A_13, %get3A_14] : memref<128x128xi32, #tpu.memory_space<vmem>>, vector<128x128xi32>
    %eq3A_16 = arith.cmpi eq, %reshape3A_12, %get3A_15 : vector<128x128xi32>
    %neg3A = arith.constant 0.000000e+00 : f32
    %neg3A_17 = vector.broadcast %neg3A : f32 to vector<128x128xf32>
    %neg3A_18 = arith.subf %neg3A_17, %reshape3A : vector<128x128xf32>
    %select_n3A_19 = arith.select %eq3A_16, %neg3A_18, %reshape3A : vector<128x128xi1>, vector<128x128xf32>
    %swap3A = arith.constant 0 : index
    %swap3A_20 = arith.constant 0 : index
    %swap3A_21 = vector.load %arg3[%swap3A, %swap3A_20] : memref<128x128xf32, #tpu.memory_space<vmem>>, vector<128x128xf32>
    tpu.vector_store %arg3[%swap3A, %swap3A_20], %select_n3A_19 {strides = array<i32>} : memref<128x128xf32, #tpu.memory_space<vmem>>, vector<128x128xf32>,
    return
  }
  func.func @transform_0(%arg0: i32) -> (i32, i32) {
    %add3A = arith.constant 48 : i32
    %add3A_0 = arith.addi %add3A, %arg0 : i32
    %c0_i32 = arith.constant 0 : i32
    %c0_i32_1 = arith.constant 0 : i32
    return %add3A_0, %c0_i32 : i32, i32
  }
  func.func @transform_1(%arg0: i32) -> (i32, i32) {
    %add3A = arith.constant 48 : i32
    %add3A_0 = arith.addi %add3A, %arg0 : i32
    %c0_i32 = arith.constant 0 : i32
    %c0_i32_1 = arith.constant 0 : i32
    return %add3A_0, %c0_i32 : i32, i32
  }
  func.func @transform_2(%arg0: i32) -> (i32, i32) {
    %c0_i32 = arith.constant 0 : i32
    %c0_i32_0 = arith.constant 0 : i32
    return %arg0, %c0_i32 : i32, i32
  }
}

module attributes {stable_mosaic.version = 14 : i64} {
  func.func @_final_body(%arg0: i32, %arg1: memref<128x256xi32, #tpu.memory_space<vmem>>, %arg2: memref<128x256xf32, #tpu.memory_space<vmem>>, %arg3: memref<1x128xf32, #tpu.memory_space<vmem>>) attributes {dimension_semantics = [#tpu.dimension_semantics<arbitrary>], iteration_bounds = array<i64: 1>, scalar_prefetch = 0 : i64, scratch_operands = 0 : i64, tpu.core_type = #tpu.core_type<tc>, window_params = [{pipeline_mode = #tpu.pipeline_mode<synchronous>, transform_indices = @transform_0, window_bounds = array<i64: 128, 256>}, {pipeline_mode = #tpu.pipeline_mode<synchronous>, transform_indices = @transform_1, window_bounds = array<i64: 128, 256>}, {pipeline_mode = #tpu.pipeline_mode<synchronous>, transform_indices = @transform_2, window_bounds = array<i64: 1, 128>}]} {
    %get3A = arith.constant 0 : index
    %get3A_0 = arith.constant 0 : index
    %get3A_1 = vector.load %arg1[%get3A, %get3A_0] : memref<128x256xi32, #tpu.memory_space<vmem>>, vector<128x256xi32>
    %and3A = arith.constant 65535 : i32
    %and3A_2 = vector.broadcast %and3A : i32 to vector<128x256xi32>
    %and3A_3 = arith.andi %get3A_1, %and3A_2 : vector<128x256xi32>
    %convert_element_type3A = arith.sitofp %and3A_3 : vector<128x256xi32> to vector<128x256xf32>
    %shift_right_arithmetic3A = arith.constant 16 : i32
    %shift_right_arithmetic3A_4 = vector.broadcast %shift_right_arithmetic3A : i32 to vector<128x256xi32>
    %shift_right_arithmetic3A_5 = arith.shrsi %get3A_1, %shift_right_arithmetic3A_4 : vector<128x256xi32>
    %convert_element_type3A_6 = arith.sitofp %shift_right_arithmetic3A_5 : vector<128x256xi32> to vector<128x256xf32>
    %get3A_7 = arith.constant 0 : index
    %get3A_8 = arith.constant 0 : index
    %get3A_9 = vector.load %arg2[%get3A_7, %get3A_8] : memref<128x256xf32, #tpu.memory_space<vmem>>, vector<128x256xf32>
    %reduce_sum3A = arith.constant dense<0.000000e+00> : vector<256xf32>
    %reduce_sum3A_10 = vector.multi_reduction <add>, %convert_element_type3A, %reduce_sum3A [0] : vector<128x256xf32> to vector<256xf32>
    %broadcast_in_dim3A = vector.shape_cast %reduce_sum3A_10 : vector<256xf32> to vector<1x256xf32>
    %reduce_sum3A_11 = arith.constant dense<0.000000e+00> : vector<256xf32>
    %reduce_sum3A_12 = vector.multi_reduction <add>, %convert_element_type3A_6, %reduce_sum3A_11 [0] : vector<128x256xf32> to vector<256xf32>
    %broadcast_in_dim3A_13 = vector.shape_cast %reduce_sum3A_12 : vector<256xf32> to vector<1x256xf32>
    %reduce_sum3A_14 = arith.constant dense<0.000000e+00> : vector<256xf32>
    %reduce_sum3A_15 = vector.multi_reduction <add>, %get3A_9, %reduce_sum3A_14 [0] : vector<128x256xf32> to vector<256xf32>
    %broadcast_in_dim3A_16 = vector.shape_cast %reduce_sum3A_15 : vector<256xf32> to vector<1x256xf32>
    %slice3A = vector.extract_strided_slice %broadcast_in_dim3A {offsets = [0, 0], sizes = [1, 16], strides = [1, 1]} : vector<1x256xf32> to vector<1x16xf32>
    %reduce_sum3A_17 = arith.constant dense<0.000000e+00> : vector<1xf32>
    %reduce_sum3A_18 = vector.multi_reduction <add>, %slice3A, %reduce_sum3A_17 [1] : vector<1x16xf32> to vector<1xf32>
    %broadcast_in_dim3A_19 = vector.shape_cast %reduce_sum3A_18 : vector<1xf32> to vector<1x1xf32>
    %slice3A_20 = vector.extract_strided_slice %broadcast_in_dim3A {offsets = [0, 16], sizes = [1, 16], strides = [1, 1]} : vector<1x256xf32> to vector<1x16xf32>
    %reduce_sum3A_21 = arith.constant dense<0.000000e+00> : vector<1xf32>
    %reduce_sum3A_22 = vector.multi_reduction <add>, %slice3A_20, %reduce_sum3A_21 [1] : vector<1x16xf32> to vector<1xf32>
    %broadcast_in_dim3A_23 = vector.shape_cast %reduce_sum3A_22 : vector<1xf32> to vector<1x1xf32>
    %slice3A_24 = vector.extract_strided_slice %broadcast_in_dim3A {offsets = [0, 32], sizes = [1, 16], strides = [1, 1]} : vector<1x256xf32> to vector<1x16xf32>
    %reduce_sum3A_25 = arith.constant dense<0.000000e+00> : vector<1xf32>
    %reduce_sum3A_26 = vector.multi_reduction <add>, %slice3A_24, %reduce_sum3A_25 [1] : vector<1x16xf32> to vector<1xf32>
    %broadcast_in_dim3A_27 = vector.shape_cast %reduce_sum3A_26 : vector<1xf32> to vector<1x1xf32>
    %slice3A_28 = vector.extract_strided_slice %broadcast_in_dim3A {offsets = [0, 48], sizes = [1, 16], strides = [1, 1]} : vector<1x256xf32> to vector<1x16xf32>
    %reduce_sum3A_29 = arith.constant dense<0.000000e+00> : vector<1xf32>
    %reduce_sum3A_30 = vector.multi_reduction <add>, %slice3A_28, %reduce_sum3A_29 [1] : vector<1x16xf32> to vector<1xf32>
    %broadcast_in_dim3A_31 = vector.shape_cast %reduce_sum3A_30 : vector<1xf32> to vector<1x1xf32>
    %slice3A_32 = vector.extract_strided_slice %broadcast_in_dim3A {offsets = [0, 64], sizes = [1, 16], strides = [1, 1]} : vector<1x256xf32> to vector<1x16xf32>
    %reduce_sum3A_33 = arith.constant dense<0.000000e+00> : vector<1xf32>
    %reduce_sum3A_34 = vector.multi_reduction <add>, %slice3A_32, %reduce_sum3A_33 [1] : vector<1x16xf32> to vector<1xf32>
    %broadcast_in_dim3A_35 = vector.shape_cast %reduce_sum3A_34 : vector<1xf32> to vector<1x1xf32>
    %slice3A_36 = vector.extract_strided_slice %broadcast_in_dim3A {offsets = [0, 80], sizes = [1, 16], strides = [1, 1]} : vector<1x256xf32> to vector<1x16xf32>
    %reduce_sum3A_37 = arith.constant dense<0.000000e+00> : vector<1xf32>
    %reduce_sum3A_38 = vector.multi_reduction <add>, %slice3A_36, %reduce_sum3A_37 [1] : vector<1x16xf32> to vector<1xf32>
    %broadcast_in_dim3A_39 = vector.shape_cast %reduce_sum3A_38 : vector<1xf32> to vector<1x1xf32>
    %slice3A_40 = vector.extract_strided_slice %broadcast_in_dim3A {offsets = [0, 96], sizes = [1, 16], strides = [1, 1]} : vector<1x256xf32> to vector<1x16xf32>
    %reduce_sum3A_41 = arith.constant dense<0.000000e+00> : vector<1xf32>
    %reduce_sum3A_42 = vector.multi_reduction <add>, %slice3A_40, %reduce_sum3A_41 [1] : vector<1x16xf32> to vector<1xf32>
    %broadcast_in_dim3A_43 = vector.shape_cast %reduce_sum3A_42 : vector<1xf32> to vector<1x1xf32>
    %slice3A_44 = vector.extract_strided_slice %broadcast_in_dim3A {offsets = [0, 112], sizes = [1, 16], strides = [1, 1]} : vector<1x256xf32> to vector<1x16xf32>
    %reduce_sum3A_45 = arith.constant dense<0.000000e+00> : vector<1xf32>
    %reduce_sum3A_46 = vector.multi_reduction <add>, %slice3A_44, %reduce_sum3A_45 [1] : vector<1x16xf32> to vector<1xf32>
    %broadcast_in_dim3A_47 = vector.shape_cast %reduce_sum3A_46 : vector<1xf32> to vector<1x1xf32>
    %slice3A_48 = vector.extract_strided_slice %broadcast_in_dim3A {offsets = [0, 128], sizes = [1, 16], strides = [1, 1]} : vector<1x256xf32> to vector<1x16xf32>
    %reduce_sum3A_49 = arith.constant dense<0.000000e+00> : vector<1xf32>
    %reduce_sum3A_50 = vector.multi_reduction <add>, %slice3A_48, %reduce_sum3A_49 [1] : vector<1x16xf32> to vector<1xf32>
    %broadcast_in_dim3A_51 = vector.shape_cast %reduce_sum3A_50 : vector<1xf32> to vector<1x1xf32>
    %slice3A_52 = vector.extract_strided_slice %broadcast_in_dim3A {offsets = [0, 144], sizes = [1, 16], strides = [1, 1]} : vector<1x256xf32> to vector<1x16xf32>
    %reduce_sum3A_53 = arith.constant dense<0.000000e+00> : vector<1xf32>
    %reduce_sum3A_54 = vector.multi_reduction <add>, %slice3A_52, %reduce_sum3A_53 [1] : vector<1x16xf32> to vector<1xf32>
    %broadcast_in_dim3A_55 = vector.shape_cast %reduce_sum3A_54 : vector<1xf32> to vector<1x1xf32>
    %slice3A_56 = vector.extract_strided_slice %broadcast_in_dim3A {offsets = [0, 160], sizes = [1, 16], strides = [1, 1]} : vector<1x256xf32> to vector<1x16xf32>
    %reduce_sum3A_57 = arith.constant dense<0.000000e+00> : vector<1xf32>
    %reduce_sum3A_58 = vector.multi_reduction <add>, %slice3A_56, %reduce_sum3A_57 [1] : vector<1x16xf32> to vector<1xf32>
    %broadcast_in_dim3A_59 = vector.shape_cast %reduce_sum3A_58 : vector<1xf32> to vector<1x1xf32>
    %slice3A_60 = vector.extract_strided_slice %broadcast_in_dim3A {offsets = [0, 176], sizes = [1, 16], strides = [1, 1]} : vector<1x256xf32> to vector<1x16xf32>
    %reduce_sum3A_61 = arith.constant dense<0.000000e+00> : vector<1xf32>
    %reduce_sum3A_62 = vector.multi_reduction <add>, %slice3A_60, %reduce_sum3A_61 [1] : vector<1x16xf32> to vector<1xf32>
    %broadcast_in_dim3A_63 = vector.shape_cast %reduce_sum3A_62 : vector<1xf32> to vector<1x1xf32>
    %slice3A_64 = vector.extract_strided_slice %broadcast_in_dim3A {offsets = [0, 192], sizes = [1, 16], strides = [1, 1]} : vector<1x256xf32> to vector<1x16xf32>
    %reduce_sum3A_65 = arith.constant dense<0.000000e+00> : vector<1xf32>
    %reduce_sum3A_66 = vector.multi_reduction <add>, %slice3A_64, %reduce_sum3A_65 [1] : vector<1x16xf32> to vector<1xf32>
    %broadcast_in_dim3A_67 = vector.shape_cast %reduce_sum3A_66 : vector<1xf32> to vector<1x1xf32>
    %slice3A_68 = vector.extract_strided_slice %broadcast_in_dim3A {offsets = [0, 208], sizes = [1, 16], strides = [1, 1]} : vector<1x256xf32> to vector<1x16xf32>
    %reduce_sum3A_69 = arith.constant dense<0.000000e+00> : vector<1xf32>
    %reduce_sum3A_70 = vector.multi_reduction <add>, %slice3A_68, %reduce_sum3A_69 [1] : vector<1x16xf32> to vector<1xf32>
    %broadcast_in_dim3A_71 = vector.shape_cast %reduce_sum3A_70 : vector<1xf32> to vector<1x1xf32>
    %slice3A_72 = vector.extract_strided_slice %broadcast_in_dim3A {offsets = [0, 224], sizes = [1, 16], strides = [1, 1]} : vector<1x256xf32> to vector<1x16xf32>
    %reduce_sum3A_73 = arith.constant dense<0.000000e+00> : vector<1xf32>
    %reduce_sum3A_74 = vector.multi_reduction <add>, %slice3A_72, %reduce_sum3A_73 [1] : vector<1x16xf32> to vector<1xf32>
    %broadcast_in_dim3A_75 = vector.shape_cast %reduce_sum3A_74 : vector<1xf32> to vector<1x1xf32>
    %slice3A_76 = vector.extract_strided_slice %broadcast_in_dim3A {offsets = [0, 240], sizes = [1, 16], strides = [1, 1]} : vector<1x256xf32> to vector<1x16xf32>
    %reduce_sum3A_77 = arith.constant dense<0.000000e+00> : vector<1xf32>
    %reduce_sum3A_78 = vector.multi_reduction <add>, %slice3A_76, %reduce_sum3A_77 [1] : vector<1x16xf32> to vector<1xf32>
    %broadcast_in_dim3A_79 = vector.shape_cast %reduce_sum3A_78 : vector<1xf32> to vector<1x1xf32>
    %concatenate3A = tpu.concatenate %broadcast_in_dim3A_19, %broadcast_in_dim3A_23, %broadcast_in_dim3A_27, %broadcast_in_dim3A_31, %broadcast_in_dim3A_35, %broadcast_in_dim3A_39, %broadcast_in_dim3A_43, %broadcast_in_dim3A_47, %broadcast_in_dim3A_51, %broadcast_in_dim3A_55, %broadcast_in_dim3A_59, %broadcast_in_dim3A_63, %broadcast_in_dim3A_67, %broadcast_in_dim3A_71, %broadcast_in_dim3A_75, %broadcast_in_dim3A_79 in 0 : vector<1x1xf32>, vector<1x1xf32>, vector<1x1xf32>, vector<1x1xf32>, vector<1x1xf32>, vector<1x1xf32>, vector<1x1xf32>, vector<1x1xf32>, vector<1x1xf32>, vector<1x1xf32>, vector<1x1xf32>, vector<1x1xf32>, vector<1x1xf32>, vector<1x1xf32>, vector<1x1xf32>, vector<1x1xf32> -> vector<16x1xf32>
    %slice3A_80 = vector.extract_strided_slice %broadcast_in_dim3A_13 {offsets = [0, 0], sizes = [1, 16], strides = [1, 1]} : vector<1x256xf32> to vector<1x16xf32>
    %reduce_sum3A_81 = arith.constant dense<0.000000e+00> : vector<1xf32>
    %reduce_sum3A_82 = vector.multi_reduction <add>, %slice3A_80, %reduce_sum3A_81 [1] : vector<1x16xf32> to vector<1xf32>
    %broadcast_in_dim3A_83 = vector.shape_cast %reduce_sum3A_82 : vector<1xf32> to vector<1x1xf32>
    %slice3A_84 = vector.extract_strided_slice %broadcast_in_dim3A_13 {offsets = [0, 16], sizes = [1, 16], strides = [1, 1]} : vector<1x256xf32> to vector<1x16xf32>
    %reduce_sum3A_85 = arith.constant dense<0.000000e+00> : vector<1xf32>
    %reduce_sum3A_86 = vector.multi_reduction <add>, %slice3A_84, %reduce_sum3A_85 [1] : vector<1x16xf32> to vector<1xf32>
    %broadcast_in_dim3A_87 = vector.shape_cast %reduce_sum3A_86 : vector<1xf32> to vector<1x1xf32>
    %slice3A_88 = vector.extract_strided_slice %broadcast_in_dim3A_13 {offsets = [0, 32], sizes = [1, 16], strides = [1, 1]} : vector<1x256xf32> to vector<1x16xf32>
    %reduce_sum3A_89 = arith.constant dense<0.000000e+00> : vector<1xf32>
    %reduce_sum3A_90 = vector.multi_reduction <add>, %slice3A_88, %reduce_sum3A_89 [1] : vector<1x16xf32> to vector<1xf32>
    %broadcast_in_dim3A_91 = vector.shape_cast %reduce_sum3A_90 : vector<1xf32> to vector<1x1xf32>
    %slice3A_92 = vector.extract_strided_slice %broadcast_in_dim3A_13 {offsets = [0, 48], sizes = [1, 16], strides = [1, 1]} : vector<1x256xf32> to vector<1x16xf32>
    %reduce_sum3A_93 = arith.constant dense<0.000000e+00> : vector<1xf32>
    %reduce_sum3A_94 = vector.multi_reduction <add>, %slice3A_92, %reduce_sum3A_93 [1] : vector<1x16xf32> to vector<1xf32>
    %broadcast_in_dim3A_95 = vector.shape_cast %reduce_sum3A_94 : vector<1xf32> to vector<1x1xf32>
    %slice3A_96 = vector.extract_strided_slice %broadcast_in_dim3A_13 {offsets = [0, 64], sizes = [1, 16], strides = [1, 1]} : vector<1x256xf32> to vector<1x16xf32>
    %reduce_sum3A_97 = arith.constant dense<0.000000e+00> : vector<1xf32>
    %reduce_sum3A_98 = vector.multi_reduction <add>, %slice3A_96, %reduce_sum3A_97 [1] : vector<1x16xf32> to vector<1xf32>
    %broadcast_in_dim3A_99 = vector.shape_cast %reduce_sum3A_98 : vector<1xf32> to vector<1x1xf32>
    %slice3A_100 = vector.extract_strided_slice %broadcast_in_dim3A_13 {offsets = [0, 80], sizes = [1, 16], strides = [1, 1]} : vector<1x256xf32> to vector<1x16xf32>
    %reduce_sum3A_101 = arith.constant dense<0.000000e+00> : vector<1xf32>
    %reduce_sum3A_102 = vector.multi_reduction <add>, %slice3A_100, %reduce_sum3A_101 [1] : vector<1x16xf32> to vector<1xf32>
    %broadcast_in_dim3A_103 = vector.shape_cast %reduce_sum3A_102 : vector<1xf32> to vector<1x1xf32>
    %slice3A_104 = vector.extract_strided_slice %broadcast_in_dim3A_13 {offsets = [0, 96], sizes = [1, 16], strides = [1, 1]} : vector<1x256xf32> to vector<1x16xf32>
    %reduce_sum3A_105 = arith.constant dense<0.000000e+00> : vector<1xf32>
    %reduce_sum3A_106 = vector.multi_reduction <add>, %slice3A_104, %reduce_sum3A_105 [1] : vector<1x16xf32> to vector<1xf32>
    %broadcast_in_dim3A_107 = vector.shape_cast %reduce_sum3A_106 : vector<1xf32> to vector<1x1xf32>
    %slice3A_108 = vector.extract_strided_slice %broadcast_in_dim3A_13 {offsets = [0, 112], sizes = [1, 16], strides = [1, 1]} : vector<1x256xf32> to vector<1x16xf32>
    %reduce_sum3A_109 = arith.constant dense<0.000000e+00> : vector<1xf32>
    %reduce_sum3A_110 = vector.multi_reduction <add>, %slice3A_108, %reduce_sum3A_109 [1] : vector<1x16xf32> to vector<1xf32>
    %broadcast_in_dim3A_111 = vector.shape_cast %reduce_sum3A_110 : vector<1xf32> to vector<1x1xf32>
    %slice3A_112 = vector.extract_strided_slice %broadcast_in_dim3A_13 {offsets = [0, 128], sizes = [1, 16], strides = [1, 1]} : vector<1x256xf32> to vector<1x16xf32>
    %reduce_sum3A_113 = arith.constant dense<0.000000e+00> : vector<1xf32>
    %reduce_sum3A_114 = vector.multi_reduction <add>, %slice3A_112, %reduce_sum3A_113 [1] : vector<1x16xf32> to vector<1xf32>
    %broadcast_in_dim3A_115 = vector.shape_cast %reduce_sum3A_114 : vector<1xf32> to vector<1x1xf32>
    %slice3A_116 = vector.extract_strided_slice %broadcast_in_dim3A_13 {offsets = [0, 144], sizes = [1, 16], strides = [1, 1]} : vector<1x256xf32> to vector<1x16xf32>
    %reduce_sum3A_117 = arith.constant dense<0.000000e+00> : vector<1xf32>
    %reduce_sum3A_118 = vector.multi_reduction <add>, %slice3A_116, %reduce_sum3A_117 [1] : vector<1x16xf32> to vector<1xf32>
    %broadcast_in_dim3A_119 = vector.shape_cast %reduce_sum3A_118 : vector<1xf32> to vector<1x1xf32>
    %slice3A_120 = vector.extract_strided_slice %broadcast_in_dim3A_13 {offsets = [0, 160], sizes = [1, 16], strides = [1, 1]} : vector<1x256xf32> to vector<1x16xf32>
    %reduce_sum3A_121 = arith.constant dense<0.000000e+00> : vector<1xf32>
    %reduce_sum3A_122 = vector.multi_reduction <add>, %slice3A_120, %reduce_sum3A_121 [1] : vector<1x16xf32> to vector<1xf32>
    %broadcast_in_dim3A_123 = vector.shape_cast %reduce_sum3A_122 : vector<1xf32> to vector<1x1xf32>
    %slice3A_124 = vector.extract_strided_slice %broadcast_in_dim3A_13 {offsets = [0, 176], sizes = [1, 16], strides = [1, 1]} : vector<1x256xf32> to vector<1x16xf32>
    %reduce_sum3A_125 = arith.constant dense<0.000000e+00> : vector<1xf32>
    %reduce_sum3A_126 = vector.multi_reduction <add>, %slice3A_124, %reduce_sum3A_125 [1] : vector<1x16xf32> to vector<1xf32>
    %broadcast_in_dim3A_127 = vector.shape_cast %reduce_sum3A_126 : vector<1xf32> to vector<1x1xf32>
    %slice3A_128 = vector.extract_strided_slice %broadcast_in_dim3A_13 {offsets = [0, 192], sizes = [1, 16], strides = [1, 1]} : vector<1x256xf32> to vector<1x16xf32>
    %reduce_sum3A_129 = arith.constant dense<0.000000e+00> : vector<1xf32>
    %reduce_sum3A_130 = vector.multi_reduction <add>, %slice3A_128, %reduce_sum3A_129 [1] : vector<1x16xf32> to vector<1xf32>
    %broadcast_in_dim3A_131 = vector.shape_cast %reduce_sum3A_130 : vector<1xf32> to vector<1x1xf32>
    %slice3A_132 = vector.extract_strided_slice %broadcast_in_dim3A_13 {offsets = [0, 208], sizes = [1, 16], strides = [1, 1]} : vector<1x256xf32> to vector<1x16xf32>
    %reduce_sum3A_133 = arith.constant dense<0.000000e+00> : vector<1xf32>
    %reduce_sum3A_134 = vector.multi_reduction <add>, %slice3A_132, %reduce_sum3A_133 [1] : vector<1x16xf32> to vector<1xf32>
    %broadcast_in_dim3A_135 = vector.shape_cast %reduce_sum3A_134 : vector<1xf32> to vector<1x1xf32>
    %slice3A_136 = vector.extract_strided_slice %broadcast_in_dim3A_13 {offsets = [0, 224], sizes = [1, 16], strides = [1, 1]} : vector<1x256xf32> to vector<1x16xf32>
    %reduce_sum3A_137 = arith.constant dense<0.000000e+00> : vector<1xf32>
    %reduce_sum3A_138 = vector.multi_reduction <add>, %slice3A_136, %reduce_sum3A_137 [1] : vector<1x16xf32> to vector<1xf32>
    %broadcast_in_dim3A_139 = vector.shape_cast %reduce_sum3A_138 : vector<1xf32> to vector<1x1xf32>
    %slice3A_140 = vector.extract_strided_slice %broadcast_in_dim3A_13 {offsets = [0, 240], sizes = [1, 16], strides = [1, 1]} : vector<1x256xf32> to vector<1x16xf32>
    %reduce_sum3A_141 = arith.constant dense<0.000000e+00> : vector<1xf32>
    %reduce_sum3A_142 = vector.multi_reduction <add>, %slice3A_140, %reduce_sum3A_141 [1] : vector<1x16xf32> to vector<1xf32>
    %broadcast_in_dim3A_143 = vector.shape_cast %reduce_sum3A_142 : vector<1xf32> to vector<1x1xf32>
    %concatenate3A_144 = tpu.concatenate %broadcast_in_dim3A_83, %broadcast_in_dim3A_87, %broadcast_in_dim3A_91, %broadcast_in_dim3A_95, %broadcast_in_dim3A_99, %broadcast_in_dim3A_103, %broadcast_in_dim3A_107, %broadcast_in_dim3A_111, %broadcast_in_dim3A_115, %broadcast_in_dim3A_119, %broadcast_in_dim3A_123, %broadcast_in_dim3A_127, %broadcast_in_dim3A_131, %broadcast_in_dim3A_135, %broadcast_in_dim3A_139, %broadcast_in_dim3A_143 in 0 : vector<1x1xf32>, vector<1x1xf32>, vector<1x1xf32>, vector<1x1xf32>, vector<1x1xf32>, vector<1x1xf32>, vector<1x1xf32>, vector<1x1xf32>, vector<1x1xf32>, vector<1x1xf32>, vector<1x1xf32>, vector<1x1xf32>, vector<1x1xf32>, vector<1x1xf32>, vector<1x1xf32>, vector<1x1xf32> -> vector<16x1xf32>
    %slice3A_145 = vector.extract_strided_slice %broadcast_in_dim3A_16 {offsets = [0, 0], sizes = [1, 16], strides = [1, 1]} : vector<1x256xf32> to vector<1x16xf32>
    %reduce_sum3A_146 = arith.constant dense<0.000000e+00> : vector<1xf32>
    %reduce_sum3A_147 = vector.multi_reduction <add>, %slice3A_145, %reduce_sum3A_146 [1] : vector<1x16xf32> to vector<1xf32>
    %broadcast_in_dim3A_148 = vector.shape_cast %reduce_sum3A_147 : vector<1xf32> to vector<1x1xf32>
    %slice3A_149 = vector.extract_strided_slice %broadcast_in_dim3A_16 {offsets = [0, 16], sizes = [1, 16], strides = [1, 1]} : vector<1x256xf32> to vector<1x16xf32>
    %reduce_sum3A_150 = arith.constant dense<0.000000e+00> : vector<1xf32>
    %reduce_sum3A_151 = vector.multi_reduction <add>, %slice3A_149, %reduce_sum3A_150 [1] : vector<1x16xf32> to vector<1xf32>
    %broadcast_in_dim3A_152 = vector.shape_cast %reduce_sum3A_151 : vector<1xf32> to vector<1x1xf32>
    %slice3A_153 = vector.extract_strided_slice %broadcast_in_dim3A_16 {offsets = [0, 32], sizes = [1, 16], strides = [1, 1]} : vector<1x256xf32> to vector<1x16xf32>
    %reduce_sum3A_154 = arith.constant dense<0.000000e+00> : vector<1xf32>
    %reduce_sum3A_155 = vector.multi_reduction <add>, %slice3A_153, %reduce_sum3A_154 [1] : vector<1x16xf32> to vector<1xf32>
    %broadcast_in_dim3A_156 = vector.shape_cast %reduce_sum3A_155 : vector<1xf32> to vector<1x1xf32>
    %slice3A_157 = vector.extract_strided_slice %broadcast_in_dim3A_16 {offsets = [0, 48], sizes = [1, 16], strides = [1, 1]} : vector<1x256xf32> to vector<1x16xf32>
    %reduce_sum3A_158 = arith.constant dense<0.000000e+00> : vector<1xf32>
    %reduce_sum3A_159 = vector.multi_reduction <add>, %slice3A_157, %reduce_sum3A_158 [1] : vector<1x16xf32> to vector<1xf32>
    %broadcast_in_dim3A_160 = vector.shape_cast %reduce_sum3A_159 : vector<1xf32> to vector<1x1xf32>
    %slice3A_161 = vector.extract_strided_slice %broadcast_in_dim3A_16 {offsets = [0, 64], sizes = [1, 16], strides = [1, 1]} : vector<1x256xf32> to vector<1x16xf32>
    %reduce_sum3A_162 = arith.constant dense<0.000000e+00> : vector<1xf32>
    %reduce_sum3A_163 = vector.multi_reduction <add>, %slice3A_161, %reduce_sum3A_162 [1] : vector<1x16xf32> to vector<1xf32>
    %broadcast_in_dim3A_164 = vector.shape_cast %reduce_sum3A_163 : vector<1xf32> to vector<1x1xf32>
    %slice3A_165 = vector.extract_strided_slice %broadcast_in_dim3A_16 {offsets = [0, 80], sizes = [1, 16], strides = [1, 1]} : vector<1x256xf32> to vector<1x16xf32>
    %reduce_sum3A_166 = arith.constant dense<0.000000e+00> : vector<1xf32>
    %reduce_sum3A_167 = vector.multi_reduction <add>, %slice3A_165, %reduce_sum3A_166 [1] : vector<1x16xf32> to vector<1xf32>
    %broadcast_in_dim3A_168 = vector.shape_cast %reduce_sum3A_167 : vector<1xf32> to vector<1x1xf32>
    %slice3A_169 = vector.extract_strided_slice %broadcast_in_dim3A_16 {offsets = [0, 96], sizes = [1, 16], strides = [1, 1]} : vector<1x256xf32> to vector<1x16xf32>
    %reduce_sum3A_170 = arith.constant dense<0.000000e+00> : vector<1xf32>
    %reduce_sum3A_171 = vector.multi_reduction <add>, %slice3A_169, %reduce_sum3A_170 [1] : vector<1x16xf32> to vector<1xf32>
    %broadcast_in_dim3A_172 = vector.shape_cast %reduce_sum3A_171 : vector<1xf32> to vector<1x1xf32>
    %slice3A_173 = vector.extract_strided_slice %broadcast_in_dim3A_16 {offsets = [0, 112], sizes = [1, 16], strides = [1, 1]} : vector<1x256xf32> to vector<1x16xf32>
    %reduce_sum3A_174 = arith.constant dense<0.000000e+00> : vector<1xf32>
    %reduce_sum3A_175 = vector.multi_reduction <add>, %slice3A_173, %reduce_sum3A_174 [1] : vector<1x16xf32> to vector<1xf32>
    %broadcast_in_dim3A_176 = vector.shape_cast %reduce_sum3A_175 : vector<1xf32> to vector<1x1xf32>
    %slice3A_177 = vector.extract_strided_slice %broadcast_in_dim3A_16 {offsets = [0, 128], sizes = [1, 16], strides = [1, 1]} : vector<1x256xf32> to vector<1x16xf32>
    %reduce_sum3A_178 = arith.constant dense<0.000000e+00> : vector<1xf32>
    %reduce_sum3A_179 = vector.multi_reduction <add>, %slice3A_177, %reduce_sum3A_178 [1] : vector<1x16xf32> to vector<1xf32>
    %broadcast_in_dim3A_180 = vector.shape_cast %reduce_sum3A_179 : vector<1xf32> to vector<1x1xf32>
    %slice3A_181 = vector.extract_strided_slice %broadcast_in_dim3A_16 {offsets = [0, 144], sizes = [1, 16], strides = [1, 1]} : vector<1x256xf32> to vector<1x16xf32>
    %reduce_sum3A_182 = arith.constant dense<0.000000e+00> : vector<1xf32>
    %reduce_sum3A_183 = vector.multi_reduction <add>, %slice3A_181, %reduce_sum3A_182 [1] : vector<1x16xf32> to vector<1xf32>
    %broadcast_in_dim3A_184 = vector.shape_cast %reduce_sum3A_183 : vector<1xf32> to vector<1x1xf32>
    %slice3A_185 = vector.extract_strided_slice %broadcast_in_dim3A_16 {offsets = [0, 160], sizes = [1, 16], strides = [1, 1]} : vector<1x256xf32> to vector<1x16xf32>
    %reduce_sum3A_186 = arith.constant dense<0.000000e+00> : vector<1xf32>
    %reduce_sum3A_187 = vector.multi_reduction <add>, %slice3A_185, %reduce_sum3A_186 [1] : vector<1x16xf32> to vector<1xf32>
    %broadcast_in_dim3A_188 = vector.shape_cast %reduce_sum3A_187 : vector<1xf32> to vector<1x1xf32>
    %slice3A_189 = vector.extract_strided_slice %broadcast_in_dim3A_16 {offsets = [0, 176], sizes = [1, 16], strides = [1, 1]} : vector<1x256xf32> to vector<1x16xf32>
    %reduce_sum3A_190 = arith.constant dense<0.000000e+00> : vector<1xf32>
    %reduce_sum3A_191 = vector.multi_reduction <add>, %slice3A_189, %reduce_sum3A_190 [1] : vector<1x16xf32> to vector<1xf32>
    %broadcast_in_dim3A_192 = vector.shape_cast %reduce_sum3A_191 : vector<1xf32> to vector<1x1xf32>
    %slice3A_193 = vector.extract_strided_slice %broadcast_in_dim3A_16 {offsets = [0, 192], sizes = [1, 16], strides = [1, 1]} : vector<1x256xf32> to vector<1x16xf32>
    %reduce_sum3A_194 = arith.constant dense<0.000000e+00> : vector<1xf32>
    %reduce_sum3A_195 = vector.multi_reduction <add>, %slice3A_193, %reduce_sum3A_194 [1] : vector<1x16xf32> to vector<1xf32>
    %broadcast_in_dim3A_196 = vector.shape_cast %reduce_sum3A_195 : vector<1xf32> to vector<1x1xf32>
    %slice3A_197 = vector.extract_strided_slice %broadcast_in_dim3A_16 {offsets = [0, 208], sizes = [1, 16], strides = [1, 1]} : vector<1x256xf32> to vector<1x16xf32>
    %reduce_sum3A_198 = arith.constant dense<0.000000e+00> : vector<1xf32>
    %reduce_sum3A_199 = vector.multi_reduction <add>, %slice3A_197, %reduce_sum3A_198 [1] : vector<1x16xf32> to vector<1xf32>
    %broadcast_in_dim3A_200 = vector.shape_cast %reduce_sum3A_199 : vector<1xf32> to vector<1x1xf32>
    %slice3A_201 = vector.extract_strided_slice %broadcast_in_dim3A_16 {offsets = [0, 224], sizes = [1, 16], strides = [1, 1]} : vector<1x256xf32> to vector<1x16xf32>
    %reduce_sum3A_202 = arith.constant dense<0.000000e+00> : vector<1xf32>
    %reduce_sum3A_203 = vector.multi_reduction <add>, %slice3A_201, %reduce_sum3A_202 [1] : vector<1x16xf32> to vector<1xf32>
    %broadcast_in_dim3A_204 = vector.shape_cast %reduce_sum3A_203 : vector<1xf32> to vector<1x1xf32>
    %slice3A_205 = vector.extract_strided_slice %broadcast_in_dim3A_16 {offsets = [0, 240], sizes = [1, 16], strides = [1, 1]} : vector<1x256xf32> to vector<1x16xf32>
    %reduce_sum3A_206 = arith.constant dense<0.000000e+00> : vector<1xf32>
    %reduce_sum3A_207 = vector.multi_reduction <add>, %slice3A_205, %reduce_sum3A_206 [1] : vector<1x16xf32> to vector<1xf32>
    %broadcast_in_dim3A_208 = vector.shape_cast %reduce_sum3A_207 : vector<1xf32> to vector<1x1xf32>
    %concatenate3A_209 = tpu.concatenate %broadcast_in_dim3A_148, %broadcast_in_dim3A_152, %broadcast_in_dim3A_156, %broadcast_in_dim3A_160, %broadcast_in_dim3A_164, %broadcast_in_dim3A_168, %broadcast_in_dim3A_172, %broadcast_in_dim3A_176, %broadcast_in_dim3A_180, %broadcast_in_dim3A_184, %broadcast_in_dim3A_188, %broadcast_in_dim3A_192, %broadcast_in_dim3A_196, %broadcast_in_dim3A_200, %broadcast_in_dim3A_204, %broadcast_in_dim3A_208 in 0 : vector<1x1xf32>, vector<1x1xf32>, vector<1x1xf32>, vector<1x1xf32>, vector<1x1xf32>, vector<1x1xf32>, vector<1x1xf32>, vector<1x1xf32>, vector<1x1xf32>, vector<1x1xf32>, vector<1x1xf32>, vector<1x1xf32>, vector<1x1xf32>, vector<1x1xf32>, vector<1x1xf32>, vector<1x1xf32> -> vector<16x1xf32>
    %max3A = arith.constant 1.000000e+00 : f32
    %max3A_210 = vector.broadcast %max3A : f32 to vector<16x1xf32>
    %max3A_211 = arith.maximumf %concatenate3A, %max3A_210 : vector<16x1xf32>
    %div3A = arith.divf %concatenate3A_144, %max3A_211 : vector<16x1xf32>
    %div3A_212 = arith.divf %concatenate3A_209, %max3A_211 : vector<16x1xf32>
    %sub3A = arith.subf %div3A_212, %div3A : vector<16x1xf32>
    %abs3A = math.absf %sub3A : vector<16x1xf32>
    %gt3A = arith.constant 0.000000e+00 : f32
    %gt3A_213 = vector.broadcast %gt3A : f32 to vector<16x1xf32>
    %gt3A_214 = arith.cmpf ogt, %concatenate3A, %gt3A_213 : vector<16x1xf32>
    %div3A_215 = arith.constant 0x49800000 : f32
    %div3A_216 = vector.broadcast %div3A_215 : f32 to vector<16x1xf32>
    %div3A_217 = arith.divf %concatenate3A, %div3A_216 : vector<16x1xf32>
    %mul3A = arith.mulf %abs3A, %div3A_217 : vector<16x1xf32>
    %jit3A = arith.constant 0.000000e+00 : f32
    %broadcast_in_dim3A_218 = vector.broadcast %jit3A : f32 to vector<16x1xf32>
    %select_n3A = arith.select %gt3A_214, %mul3A, %broadcast_in_dim3A_218 : vector<16x1xi1>, vector<16x1xf32>
    %reduce_sum3A_219 = vector.shape_cast %select_n3A : vector<16x1xf32> to vector<1x16x1xf32>
    %reduce_sum3A_220 = arith.constant dense<0.000000e+00> : vector<1xf32>
    %reduce_sum3A_221 = vector.multi_reduction <add>, %reduce_sum3A_219, %reduce_sum3A_220 [1, 2] : vector<1x16x1xf32> to vector<1xf32>
    %reduce_sum3A_222 = vector.shape_cast %reduce_sum3A_221 : vector<1xf32> to vector<1x1x1xf32>
    %reduce_sum3A_223 = vector.extract %reduce_sum3A_222[0, 0, 0] : f32 from vector<1x1x1xf32>
    %jit3A_224 = arith.constant 0xFF800000 : f32
    %broadcast_in_dim3A_225 = vector.broadcast %jit3A_224 : f32 to vector<16x1xf32>
    %select_n3A_226 = arith.select %gt3A_214, %abs3A, %broadcast_in_dim3A_225 : vector<16x1xi1>, vector<16x1xf32>
    %reduce_max3A = vector.shape_cast %select_n3A_226 : vector<16x1xf32> to vector<1x16x1xf32>
    %reduce_max3A_227 = arith.constant dense<0xFF800000> : vector<1xf32>
    %reduce_max3A_228 = vector.multi_reduction <maximumf>, %reduce_max3A, %reduce_max3A_227 [1, 2] : vector<1x16x1xf32> to vector<1xf32>
    %reduce_max3A_229 = vector.shape_cast %reduce_max3A_228 : vector<1xf32> to vector<1x1x1xf32>
    %reduce_max3A_230 = vector.extract %reduce_max3A_229[0, 0, 0] : f32 from vector<1x1x1xf32>
    %eq3A = arith.constant 0xFF800000 : f32
    %eq3A_231 = arith.cmpf oeq, %reduce_max3A_230, %eq3A : f32
    %jit3A_232 = arith.constant 1.000000e+00 : f32
    %select_n3A_233 = arith.select %eq3A_231, %jit3A_232, %reduce_max3A_230 : f32
    %iota3A = tpu.iota {dimensions = array<i32: 1>} : vector<1x128xi32>
    %eq3A_234 = arith.constant 0 : i32
    %eq3A_235 = vector.broadcast %eq3A_234 : i32 to vector<1x128xi32>
    %eq3A_236 = arith.cmpi eq, %iota3A, %eq3A_235 : vector<1x128xi32>
    %eq3A_237 = arith.constant 1 : i32
    %eq3A_238 = vector.broadcast %eq3A_237 : i32 to vector<1x128xi32>
    %eq3A_239 = arith.cmpi eq, %iota3A, %eq3A_238 : vector<1x128xi32>
    %jit3A_240 = arith.constant 0.000000e+00 : f32
    %broadcast_in_dim3A_241 = vector.broadcast %select_n3A_233 : f32 to vector<1x128xf32>
    %broadcast_in_dim3A_242 = vector.broadcast %jit3A_240 : f32 to vector<1x128xf32>
    %select_n3A_243 = arith.select %eq3A_239, %broadcast_in_dim3A_241, %broadcast_in_dim3A_242 : vector<1x128xi1>, vector<1x128xf32>
    %broadcast_in_dim3A_244 = vector.broadcast %reduce_sum3A_223 : f32 to vector<1x128xf32>
    %select_n3A_245 = arith.select %eq3A_236, %broadcast_in_dim3A_244, %select_n3A_243 : vector<1x128xi1>, vector<1x128xf32>
    %swap3A = arith.constant 0 : index
    %swap3A_246 = arith.constant 0 : index
    %swap3A_247 = vector.load %arg3[%swap3A, %swap3A_246] : memref<1x128xf32, #tpu.memory_space<vmem>>, vector<1x128xf32>
    tpu.vector_store %arg3[%swap3A, %swap3A_246], %select_n3A_245 {strides = array<i32>} : memref<1x128xf32, #tpu.memory_space<vmem>>, vector<1x128xf32>,
    return
  }
  func.func @transform_0(%arg0: i32) -> (i32, i32) {
    %c0_i32 = arith.constant 0 : i32
    %c0_i32_0 = arith.constant 0 : i32
    %c0_i32_1 = arith.constant 0 : i32
    return %c0_i32, %c0_i32_0 : i32, i32
  }
  func.func @transform_1(%arg0: i32) -> (i32, i32) {
    %c0_i32 = arith.constant 0 : i32
    %c0_i32_0 = arith.constant 0 : i32
    %c0_i32_1 = arith.constant 0 : i32
    return %c0_i32, %c0_i32_0 : i32, i32
  }
  func.func @transform_2(%arg0: i32) -> (i32, i32) {
    %c0_i32 = arith.constant 0 : i32
    %c0_i32_0 = arith.constant 0 : i32
    %c0_i32_1 = arith.constant 0 : i32
    return %c0_i32, %c0_i32_0 : i32, i32
  }
}

</mosaic_0001>

<sc_bundles>
// kernel: kernel.11.cloned.1.call-start
scs
__scs_entry_jumppad:
0x0: {  	(pc) =	sbr.rel $0x88, $3  }
0x1: {  	(tag) =	ssettag $0x0;
	lr =	simm.s32 $0x1  }
0x2: {  	[smem:$0x3F9F] =	sst lr;
	_ =	strace $0xD0000000  }
0x3: {  	_ = 	snop  }
0x4: {  	_ = 	snop  }
0x5: {  	_ = 	snop  }
0x6: {  	_ = 	snop  }
0x7: {  	_ = 	snop  }
__scs_overlays_trampoline_lowered:
0x8: {  	[smem:$0x3FAE] =	sst s0  }
0x9: {  	[smem:$0x3FAF] =	sst s1  }
0xa: {  	[smem:$0x3FB0] =	sst s2  }
0xb: {  	[smem:$0x3FB1] =	sst s3  }
0xc: {  	[smem:$0x3FB2] =	sst s4  }
0xd: {  	[smem:$0x3FB3] =	sst s5  }
0xe: {  	[smem:$0x3FB4] =	sst s6  }
0xf: {  	[smem:$0x3FB5] =	sst s7  }
0x10: {  	[smem:$0x3FB6] =	sst s8  }
0x11: {  	[smem:$0x3FB7] =	sst s9;
	s0 =	simm.s32 @!p0 $0x0  }
0x12: {  	s1 =	sld [smem:$0x3F9D];
	s0 =	simm.s32 @p0 $0x1  }
0x13: {  	[smem:$0x3FB8] =	sst s0;
	s0 =	simm.s32 @!p1 $0x0  }
0x14: {  	s2 =	sld [smem:$0x3F9C];
	s0 =	simm.s32 @p1 $0x1  }
0x15: {  	[smem:$0x3FB9] =	sst s0;
	s0 =	simm.s32 @!p2 $0x0  }
0x16: {  	s3 =	sld [smem:$0x3FDB];
	s0 =	simm.s32 @p2 $0x1  }
0x17: {  	s4 =	simm.s32 $0x1BF5;
	[smem:$0x3FBB] =	sst s0  }
0x18: {  	s0 =	sld [smem:$0x3F9E];
	_ =	swait.ge [sflag:s4], $0x0  }
0x19: {  	s7 =	sld [smem:$0x3F9F]  }
0x1a: {  	s8 =	sadd.s32 $0xFFFFE003, lr  }
0x1b: {  	s9 =	sadd.s32 $0xFFFFFEF7, lr;
	s5 =	simm.s32 $0xFFFFFFFF;
	p2 =	slt.u32 s8, $0xFFFFF086  }
0x1c: {  	p1 =	slt.u32 s9, $0xF7A;
	s5 =	simm.s32 @!p2 $0x0  }
0x1d: {  	s5 =	simm.s32 @p1 $0x1;
	p0 =	seq.s32 s7, s2  }
0x1e: {  	s7 =	smul.u32 @!p0 $0xF7A, s2;
	p2 =	seq.s32 @!p0 s5, $0x0  }
0x1f: {  	s9 =	smul.u32 $0xF7A, s1;
	s8 =	simm.s32 @!p0 $0x1BF5;
	p2 =	por !p2, p0  }
0x20: {  	[sflag:s8] =	ssyncset.s32 @!p0 $0xFFFFF086;
	s6 =	sadd.s32 @!p0 s3, s7;
	s7 =	simm.s32 @!p0 $0x108  }
0x21: {  	s3 =	sadd.s32 s3, s9;
	s6 =	sadd.s32 @!p0 $0x88, s6;
	s7 =	simm.s32 @p2 $0x1082  }
0x22: {  	[simem:s7], [sflag:s8] =	dma.local @!p0 [hbm:s6], $0xF7A  }
0x23: {  	s9 =	sor.u32 $0xD0000000, s2;
	s6 =	simm.s32 $0x108;
	_ =	swait.ge @!p0 [sflag:s8], $0x0  }
0x24: {  	s3 =	sadd.s32 $0x88, s3;
	s6 =	simm.s32 @!p1 $0x1082;
	[sflag:s4] =	ssyncset.s32 $0xFFFFF086  }
0x25: {  	[simem:s6], [sflag:s4] =	dma.local [hbm:s3], $0xF7A  }
0x26: {  	[smem:$0x3F9F] =	sst s1;
	(tag) =	ssettag s2;
	_ =	strace s9  }
0x27: {  	s1 =	sld [smem:$0x3FAF]  }
0x28: {  	s2 =	sld [smem:$0x3FB0]  }
0x29: {  	s4 =	sld [smem:$0x3FB2]  }
0x2a: {  	p0 =	seq.s32 s5, $0x0;
	s5 =	sld [smem:$0x3FB3]  }
0x2b: {  	s6 =	sld [smem:$0x3FB4]  }
0x2c: {  	s7 =	sld [smem:$0x3FB5]  }
0x2d: {  	s3 =	simm.s32 $0x108;
	s8 =	sld [smem:$0x3FB6]  }
0x2e: {  	s3 =	simm.s32 @!p0 $0x1082;
	s9 =	sld [smem:$0x3FB7]  }
0x2f: {  	lr =	sadd.s32 s0, s3;
	s0 =	sld [smem:$0x3FAE]  }
0x30: {  	s3 =	sld [smem:$0x3FB1]  }
0x31: {  	[smem:$0x3FBA] =	sst s10  }
0x32: {  	s10 =	sld [smem:$0x3FB8];
	_ =	sdelay $0x3  }
0x33: {  	p0 =	seq.s32 s10, $0x1;
	s10 =	sld [smem:$0x3FBA];
	_ =	sdelay $0x3  }
0x34: {  	[smem:$0x3FBA] =	sst s10  }
0x35: {  	s10 =	sld [smem:$0x3FB9];
	_ =	sdelay $0x3  }
0x36: {  	p1 =	seq.s32 s10, $0x1;
	s10 =	sld [smem:$0x3FBA];
	_ =	sdelay $0x3  }
0x37: {  	[smem:$0x3FBA] =	sst s10  }
0x38: {  	s10 =	sld [smem:$0x3FBB]  }
0x39: {  	_ = 	snop;
	(pc) =	sbr.ind lr, $3  }
0x3a: {  	_ = 	snop  }
0x3b: {  	_ = 	snop  }
0x3c: {  	p2 =	seq.s32 s10, $0x1;
	s10 =	sld [smem:$0x3FBA]  }
0x3d: {  	_ =	shalt  }
0x3e: {  	_ =	shalt  }
0x3f: {  	_ =	shalt  }
0x40: {  	_ =	shalt  }
0x41: {  	_ =	shalt  }
0x42: {  	_ =	shalt  }
0x43: {  	_ =	shalt  }
0x44: {  	_ =	shalt  }
0x45: {  	_ =	shalt  }
0x46: {  	_ =	shalt  }
0x47: {  	_ =	shalt  }
0x48: {  	_ =	shalt  }
0x49: {  	_ =	shalt  }
0x4a: {  	_ =	shalt  }
0x4b: {  	_ =	shalt  }
0x4c: {  	_ =	shalt  }
0x4d: {  	_ =	shalt  }
0x4e: {  	_ =	shalt  }
0x4f: {  	_ =	shalt  }
0x50: {  	_ =	shalt  }
0x51: {  	_ =	shalt  }
0x52: {  	_ =	shalt  }
0x53: {  	_ =	shalt  }
0x54: {  	_ =	shalt  }
0x55: {  	_ =	shalt  }
0x56: {  	_ =	shalt  }
0x57: {  	_ =	shalt  }
0x58: {  	_ =	shalt  }
0x59: {  	_ =	shalt  }
0x5a: {  	_ =	shalt  }
0x5b: {  	_ =	shalt  }
0x5c: {  	_ =	shalt  }
0x5d: {  	_ =	shalt  }
0x5e: {  	_ =	shalt  }
0x5f: {  	_ =	shalt  }
0x60: {  	_ =	shalt  }
0x61: {  	_ =	shalt  }
0x62: {  	_ =	shalt  }
0x63: {  	_ =	shalt  }
0x64: {  	_ =	shalt  }
0x65: {  	_ =	shalt  }
0x66: {  	_ =	shalt  }
0x67: {  	_ =	shalt  }
0x68: {  	_ =	shalt  }
0x69: {  	_ =	shalt  }
0x6a: {  	_ =	shalt  }
0x6b: {  	_ =	shalt  }
0x6c: {  	_ =	shalt  }
0x6d: {  	_ =	shalt  }
0x6e: {  	_ =	shalt  }
0x6f: {  	_ =	shalt  }
0x70: {  	_ =	shalt  }
0x71: {  	_ =	shalt  }
0x72: {  	_ =	shalt  }
0x73: {  	_ =	shalt  }
0x74: {  	_ =	shalt  }
0x75: {  	_ =	shalt  }
0x76: {  	_ =	shalt  }
0x77: {  	_ =	shalt  }
0x78: {  	_ =	shalt  }
0x79: {  	_ =	shalt  }
0x7a: {  	_ =	shalt  }
0x7b: {  	_ =	shalt  }
0x7c: {  	_ =	shalt  }
0x7d: {  	_ =	shalt  }
0x7e: {  	_ =	shalt  }
0x7f: {  	_ =	shalt  }
0x80: {  	_ =	shalt  }
0x81: {  	_ =	shalt  }
0x82: {  	_ =	shalt  }
0x83: {  	_ =	shalt  }
0x84: {  	_ =	shalt  }
0x85: {  	_ =	shalt  }
0x86: {  	_ =	shalt  }
0x87: {  	_ =	shalt  }
.Lfunc_end0:
.L_simem_size_0:
called_computation_lowered:
.L_overlay_start_0:
0x88: {  	s2 =	sld [smem:$0x3FD9]  }
0x89: {  	s3 =	sld [smem:$0x3FFE];
	_ =	sdelay $0x1  }
0x8a: {  	s1 =	srdreg.scid  }
0x8b: {  	s0 =	sand.u32 $0x1, s1  }
0x8c: {  	s14 =	sshll.u32 s0, $0xA;
	s2 =	sadd.s32 s3, s2  }
0x8d: {  	s2 =	sadd.s32 s2, s14  }
0x8e: {  	[smem:$0x3FC6] =	sst s2  }
0x8f: {  	_ = 	snop  }
0x90: {  	s2 =	sld [smem:$0x3FD0];
	_ =	sdelay $0x2  }
0x91: {  	s15 =	simm.s32 $0xD;
	s4 =	simm.s32 $0x10  }
0x92: {  	[smem:s4], [sflag:s15] =	dma.local [hbm:s2], $0x1  }
0x93: {  	_ =	swait.eq [sflag:s15], $0x1  }
0x94: {  	[sflag:s15] =	ssyncset.done $0x0  }
0x95: {  	[sflag:s15] =	ssyncadd.s32 $0xFFFFFFFF  }
0x96: {  	s16 =	sld [smem:$0x10];
	(tm) =	ssettm $0x1  }
0x97: {  	s17 =	sld [smem:$0x3FFB];
	_ =	sdelay $0x3  }
0x98: {  	_ =	strace s17  }
0x99: {  	s3 =	sld [smem:$0x3FFC];
	_ =	sdelay $0x3  }
0x9a: {  	_ =	strace s3  }
0x9b: {  	s3 =	sld [smem:$0x3FFD];
	_ =	sdelay $0x3  }
0x9c: {  	_ =	strace s3  }
0x9d: {  	_ =	strace $0x8FFFFFFF  }
0x9e: {  	s18 =	sld [smem:$0x3FDB];
	_ =	sdelay $0x1  }
0x9f: {  	s19 =	simm.s32 $_scs_section_size  }
0xa0: {  	s5 =	simm.s32 $_size__tile_overlayer_lowered;
	s6 =	simm.s32 $_tile_overlayer_lowered  }
0xa1: {  	s22 =	simm.s32 $0x1BFF;
	s21 =	sshll.u32 s6, $0x1;
	s3 =	sadd.s32 s19, s18  }
0xa2: {  	s7 =	simm.s32 $0x0;
	s20 =	sshll.u32 s5, $0x1;
	s5 =	sadd.s32 s21, s3  }
0xa3: {  	[timem:s7], [sflag:s22] =	dma.local [hbm:s5], s20  }
0xa4: {  	_ =	swait.ge [sflag:s22], s20  }
0xa5: {  	s4 =	ssub.s32 $0x0, s20;
	[sflag:s22] =	ssyncset.done $0x0  }
0xa6: {  	[sflag:s22] =	ssyncadd.s32 s4;
	_ =	sdelay $0x1  }
0xa7: {  	s23 =	simm.s32 $0x1B8B  }
0xa8: {  	_ =	swait.ge [sflag:s23], $0x1  }
0xa9: {  	[sflag:s23] =	ssyncset.done $0x0  }
0xaa: {  	s25 =	simm.s32 $0x1B8E;
	s24 =	sld [smem:$0x3FFE];
	[sflag:s23] =	ssyncadd.s32 $0xFFFFFFFF  }
0xab: {  	s26 =	simm.s32 $execute0_lowered;
	[smem:$0x3FD2] =	sst s25  }
0xac: {  	s5 =	sshll.u32 s26, $0x1;
	_ =	strace $0x80000046;
	[dreg:$0x1] =	wrdreg $0xFFFFFFFF  }
0xad: {  	s28 =	simm.s32 $_size_execute0_lowered;
	s3 =	sadd.s32 s3, s5;
	[dreg:$0x0] =	wrdreg $0x0  }
0xae: {  	s5 =	sshll.u32 s28, $0x1;
	[dreg:$0x2] =	wrdreg s3  }
0xaf: {  	[dreg:$0x3] =	wrdreg s5  }
0xb0: {  	[dreg:$0x4] =	wrdreg $0xC0  }
0xb1: {  	_ =	task [dreg:s7], $0x5FFFF  }
0xb2: {  	[dreg:$0x1] =	wrdreg $0xFFFFFFFF  }
0xb3: {  	[dreg:$0x0] =	wrdreg $0x60  }
0xb4: {  	[dreg:$0x2] =	wrdreg s16  }
0xb5: {  	[dreg:$0x3] =	wrdreg s24  }
0xb6: {  	[dreg:$0x4] =	wrdreg $0x9  }
0xb7: {  	_ =	task.clear_ibuf [dreg:s7], $0x5FFFF;
	_ =	strace $0x90000046  }
0xb8: {  	s29 =	simm.s32 $0x9;
	_ =	strace $0x80000048  }
0xb9: {  	_ =	swait.ge [sflag:s29], $0x1  }
0xba: {  	[sflag:s29] =	ssyncadd.s32 $0xFFFFFFFF  }
0xbb: {  	_ =	strace $0x90000048  }
0xbc: {  	_ =	sfence  }
0xbd: {  	s30 =	sld [smem:$0x0];
	_ =	sdelay $0x2  }
0xbe: {  	s31 =	sshll.u32 s1, $0xD;
	s1 =	sshrl.u32 s1, $0x2  }
0xbf: {  	s3 =	sand.u32 $0x4000, s31;
	s1 =	sadd.s32 s1, s30  }
0xc0: {  	s0 =	sor.u32 s3, s0;
	s1 =	sshll.u32 s1, $0x11  }
0xc1: {  	s0 =	sor.u32 s1, s0  }
0xc2: {  	s0 =	sadd.s32 $0x8F2B, s0  }
0xc3: {  	[sflag:s0] =	ssyncadd.remote.s32 $0x1  }
0xc4: {  	_ =	sfence.sel $0xFFFF  }
0xc5: {  	[dreg:$0x0] =	wrdreg $0xFFFFFFFF;
	(pc) =	sbr.abs _section_cstart, $3  }
0xc6: {  	[dreg:$0x1] =	wrdreg $0xFFFFFFFF  }
0xc7: {  	_ =	task.clear_ibuf [dreg:s7], $0x2FFFF;
	_ =	strace $0x9FFFFFFF  }
0xc8: {  	(tm) =	ssettm $0x7FFFFFFF  }
0xc9: {  	_ =	shalt  }
tec
execute0_lowered:
.L_overlay_start_1:
0x0: {  	(tag) =	ssettag $0x1  }
0x1: {  	s1 =	rddreg [dreg:$0x0]  }
0x2: {  	s4 =	rddreg [dreg:$0x1]  }
0x3: {  	s0 =	rddreg [dreg:$0x2];
	s3 =	simm.s32 $0x0;
	s5 =	srdreg.scid  }
0x4: {  	s2 =	stileid.u32;
	s9 =	simm.s32 $0x80;
	s10 =	simm.s32 $0x2080  }
0x5: {  	s11 =	simm.s32 $0x2180;
	s12 =	simm.s32 $0x400;
	s13 =	simm.s32 $0x0  }
0x6: {  	[smem:$0x7FF] =	sst s3;
	s5 =	sand.u32 $0x1, s5;
	s6 =	sshll.u32 s2, $0x1  }
0x7: {  	s8 =	sshll.u32 s2, $0x6;
	_ =	strace $0x80000047;
	s6 =	sor.u32 s5, s6  }
0x8: {  	s5 =	ssub.s32 $0x2, s5;
	s7 =	sshll.u32 s6, $0xA;
	s6 =	sshll.u32 s6, $0x4  }
0x9: {  	s8 =	sand.u32 $0x300, s8;
	s31 =	sshrl.u32 s5, $0x1;
	s6 =	sand.u32 $0x70, s6  }
0xa: {  	s7 =	sadd.s32 s7, s4;
	s6 =	sor.u32 s8, s6;
	s8 =	ssub.s32 s5, s31  }
0xb: {  	v0 =	vimm.s32 $0x0;
	s6 =	sadd.s32 s6, s4;
	s4 =	sadd.s32 $0x1002E00, s7;
	s7 =	smax.u32 s8, $0x1  }
0xc: {  	v1 =	vimm.f32 $0.0e+00;
	v2 =	vimm.s32 $0x1;
	v3 =	vlaneseq.u32;
	s8 =	simm.s32 $0x1;
	s5 =	sadd.s32 $0x100B200, s6;
	s6 =	sadd.s32 $0x100AE00, s6  }
.LBB2_1:
0xd: {  	[tilespmem:s3], [sflag:$0x1] =	stream.linear.gather [hbm4b:s1+s3], $0x80, $0x38;
	[tilespmem:$0x2280] =	vst v63  }
0xe: {  	_ =	swait.ge [sflag:s8], $0x80  }
0xf: {  	[sflag:s8] =	ssyncset.done $0x0  }
0x10: {  	[sflag:s8] =	ssyncadd.s32 $0xFFFFFF80  }
0x11: {  	[tilespmem:s9], [sflag:$0x1] =	stream.linear.gather [hbm4b:s4+s3], $0x2000, $0x38;
	[tilespmem:$0x2280] =	vst v63  }
0x12: {  	_ =	swait.ge [sflag:s8], $0x2000  }
0x13: {  	[sflag:s8] =	ssyncset.done $0x0  }
0x14: {  	[sflag:s8] =	ssyncadd.s32 $0xFFFFE000  }
0x15: {  	[tilespmem:$0x2080] =	vst v0  }
0x16: {  	[tilespmem:$0x2180] =	vst v1  }
0x17: {  	[tilespmem:$0x2090] =	vst v0  }
0x18: {  	[tilespmem:$0x2190] =	vst v1  }
0x19: {  	[tilespmem:$0x20A0] =	vst v0  }
0x1a: {  	[tilespmem:$0x21A0] =	vst v1  }
0x1b: {  	[tilespmem:$0x20B0] =	vst v0  }
0x1c: {  	[tilespmem:$0x21B0] =	vst v1  }
0x1d: {  	[tilespmem:$0x20C0] =	vst v0  }
0x1e: {  	[tilespmem:$0x21C0] =	vst v1  }
0x1f: {  	[tilespmem:$0x20D0] =	vst v0  }
0x20: {  	[tilespmem:$0x21D0] =	vst v1  }
0x21: {  	[tilespmem:$0x20E0] =	vst v0  }
0x22: {  	[tilespmem:$0x21E0] =	vst v1  }
0x23: {  	[tilespmem:$0x20F0] =	vst v0  }
0x24: {  	[tilespmem:$0x21F0] =	vst v1  }
0x25: {  	[tilespmem:$0x2100] =	vst v0  }
0x26: {  	[tilespmem:$0x2200] =	vst v1  }
0x27: {  	[tilespmem:$0x2110] =	vst v0  }
0x28: {  	[tilespmem:$0x2210] =	vst v1  }
0x29: {  	[tilespmem:$0x2120] =	vst v0  }
0x2a: {  	[tilespmem:$0x2220] =	vst v1  }
0x2b: {  	[tilespmem:$0x2130] =	vst v0  }
0x2c: {  	[tilespmem:$0x2230] =	vst v1  }
0x2d: {  	[tilespmem:$0x2140] =	vst v0  }
0x2e: {  	[tilespmem:$0x2240] =	vst v1  }
0x2f: {  	[tilespmem:$0x2150] =	vst v0  }
0x30: {  	[tilespmem:$0x2250] =	vst v1  }
0x31: {  	[tilespmem:$0x2160] =	vst v0  }
0x32: {  	[tilespmem:$0x2260] =	vst v1  }
0x33: {  	[tilespmem:$0x2170] =	vst v0  }
0x34: {  	s14 =	simm.s32 $0xFFFFFFF8;
	s15 =	simm.s32 $0xC0;
	[tilespmem:$0x2270] =	vst v1  }
.LBB2_2:
0x35: {  	v4 =	vld [tilespmem:s15+$0xFFFFFFC0];
	_ =	sdelay $0x4  }
0x36: {  	v5 =	vand.u32 $0x7FFFFFFF, v4  }
0x37: {  	v6 =	vmul.f32 $1.500000000e+01, v5;
	_ =	sdelay $0x1  }
0x38: {  	v7 =	vtrunc.f32 v6  }
0x39: {  	vm0 =	vlt.f32 v6, v7;
	vm1 =	vgt.f32 v6, v7  }
0x3a: {  	v26 =	vcvt.f32.s32 v7;
	vm0 =	vmor vm1, vm0  }
0x3b: {  	v27 =	vsel vm0, $0x1, v0  }
0x3c: {  	v6 =	vadd.s32 v27, v26  }
0x3d: {  	v6 =	vadd.s32 $0xFFFFFFFF, v6  }
0x3e: {  	vm6 =	vgt.s32 v6, $0x0  }
0x3f: {  	v6 =	vnsel vm6, $0x0, v6  }
0x40: {  	v6 =	vmin.u32 v6, $0xE;
	_ =	sdelay $0x4  }
0x41: {  	v28 =	vld.idx.msk [tilespmem:v6+s3+$0x0], $0xffff;
	_ =	sdelay $0x4  }
0x42: {  	vm7 =	vle.f32 v5, v28  }
0x43: {  	v7 =	vsel vm7, $0xFFFFFFFF, v0  }
0x44: {  	v6 =	vadd.s32 v7, v6  }
0x45: {  	v7 =	vadd.s32 $0x1, v6;
	_ =	sdelay $0x4  }
0x46: {  	v7 =	vld.idx.msk [tilespmem:v7+s3+$0x0], $0xffff;
	_ =	sdelay $0x4  }
0x47: {  	vm8 =	vgt.f32 v5, v7  }
0x48: {  	v7 =	vsel vm8, $0x1, v0  }
0x49: {  	v6 =	vadd.s32 v7, v6  }
0x4a: {  	v6 =	vshll.u32 v6, $0x4  }
0x4b: {  	v6 =	vor.u32 v3, v6;
	_ =	sdelay $0x2  }
0x4c: {  	vm9 =	vlt.f32 v4, $0.0e+00  }
0x4d: {  	v4 =	vsel vm9, $0x10001, v2  }
0x4e: {  	[tilespmem:v6+s10+$0x0] =	vst.idx.add.s32.msk $0xffff, v4  }
0x4f: {  	[tilespmem:v6+s11+$0x0] =	vst.idx.add.f32.msk $0xffff, v5  }
0x50: {  	v4 =	vld [tilespmem:s15+$0xFFFFFFD0];
	_ =	sdelay $0x4  }
0x51: {  	v5 =	vand.u32 $0x7FFFFFFF, v4  }
0x52: {  	v29 =	vmul.f32 $1.500000000e+01, v5;
	_ =	sdelay $0x1  }
0x53: {  	v30 =	vtrunc.f32 v29  }
0x54: {  	vm10 =	vlt.f32 v29, v30;
	vm11 =	vgt.f32 v29, v30  }
0x55: {  	v31 =	vcvt.f32.s32 v30;
	vm0 =	vmor vm11, vm10  }
0x56: {  	v32 =	vsel vm0, $0x1, v0  }
0x57: {  	v6 =	vadd.s32 v32, v31  }
0x58: {  	v6 =	vadd.s32 $0xFFFFFFFF, v6  }
0x59: {  	vm12 =	vgt.s32 v6, $0x0  }
0x5a: {  	v6 =	vnsel vm12, $0x0, v6  }
0x5b: {  	v6 =	vmin.u32 v6, $0xE;
	_ =	sdelay $0x4  }
0x5c: {  	v33 =	vld.idx.msk [tilespmem:v6+s3+$0x0], $0xffff;
	_ =	sdelay $0x4  }
0x5d: {  	vm13 =	vle.f32 v5, v33  }
0x5e: {  	v7 =	vsel vm13, $0xFFFFFFFF, v0  }
0x5f: {  	v6 =	vadd.s32 v7, v6  }
0x60: {  	v7 =	vadd.s32 $0x1, v6;
	_ =	sdelay $0x4  }
0x61: {  	v7 =	vld.idx.msk [tilespmem:v7+s3+$0x0], $0xffff;
	_ =	sdelay $0x4  }
0x62: {  	vm14 =	vgt.f32 v5, v7  }
0x63: {  	v7 =	vsel vm14, $0x1, v0  }
0x64: {  	v6 =	vadd.s32 v7, v6  }
0x65: {  	v6 =	vshll.u32 v6, $0x4  }
0x66: {  	v6 =	vor.u32 v3, v6;
	_ =	sdelay $0x2  }
0x67: {  	vm15 =	vlt.f32 v4, $0.0e+00  }
0x68: {  	v4 =	vsel vm15, $0x10001, v2  }
0x69: {  	[tilespmem:v6+s10+$0x0] =	vst.idx.add.s32.msk $0xffff, v4  }
0x6a: {  	[tilespmem:v6+s11+$0x0] =	vst.idx.add.f32.msk $0xffff, v5  }
0x6b: {  	v4 =	vld [tilespmem:s15+$0xFFFFFFE0];
	_ =	sdelay $0x4  }
0x6c: {  	v5 =	vand.u32 $0x7FFFFFFF, v4  }
0x6d: {  	v34 =	vmul.f32 $1.500000000e+01, v5;
	_ =	sdelay $0x1  }
0x6e: {  	v35 =	vtrunc.f32 v34  }
0x6f: {  	vm4 =	vlt.f32 v34, v35;
	vm5 =	vgt.f32 v34, v35  }
0x70: {  	v36 =	vcvt.f32.s32 v35;
	vm0 =	vmor vm5, vm4  }
0x71: {  	v37 =	vsel vm0, $0x1, v0  }
0x72: {  	v6 =	vadd.s32 v37, v36  }
0x73: {  	v6 =	vadd.s32 $0xFFFFFFFF, v6  }
0x74: {  	vm6 =	vgt.s32 v6, $0x0  }
0x75: {  	v6 =	vnsel vm6, $0x0, v6  }
0x76: {  	v6 =	vmin.u32 v6, $0xE;
	_ =	sdelay $0x4  }
0x77: {  	v38 =	vld.idx.msk [tilespmem:v6+s3+$0x0], $0xffff;
	_ =	sdelay $0x4  }
0x78: {  	vm7 =	vle.f32 v5, v38  }
0x79: {  	v7 =	vsel vm7, $0xFFFFFFFF, v0  }
0x7a: {  	v6 =	vadd.s32 v7, v6  }
0x7b: {  	v7 =	vadd.s32 $0x1, v6;
	_ =	sdelay $0x4  }
0x7c: {  	v7 =	vld.idx.msk [tilespmem:v7+s3+$0x0], $0xffff;
	_ =	sdelay $0x4  }
0x7d: {  	vm8 =	vgt.f32 v5, v7  }
0x7e: {  	v7 =	vsel vm8, $0x1, v0  }
0x7f: {  	v6 =	vadd.s32 v7, v6  }
0x80: {  	v6 =	vshll.u32 v6, $0x4  }
0x81: {  	v6 =	vor.u32 v3, v6;
	_ =	sdelay $0x2  }
0x82: {  	vm9 =	vlt.f32 v4, $0.0e+00  }
0x83: {  	v4 =	vsel vm9, $0x10001, v2  }
0x84: {  	[tilespmem:v6+s10+$0x0] =	vst.idx.add.s32.msk $0xffff, v4  }
0x85: {  	[tilespmem:v6+s11+$0x0] =	vst.idx.add.f32.msk $0xffff, v5  }
0x86: {  	v4 =	vld [tilespmem:s15+$0xFFFFFFF0];
	_ =	sdelay $0x4  }
0x87: {  	v5 =	vand.u32 $0x7FFFFFFF, v4  }
0x88: {  	v39 =	vmul.f32 $1.500000000e+01, v5;
	_ =	sdelay $0x1  }
0x89: {  	v40 =	vtrunc.f32 v39  }
0x8a: {  	vm10 =	vlt.f32 v39, v40;
	vm11 =	vgt.f32 v39, v40  }
0x8b: {  	v41 =	vcvt.f32.s32 v40;
	vm0 =	vmor vm11, vm10  }
0x8c: {  	v42 =	vsel vm0, $0x1, v0  }
0x8d: {  	v6 =	vadd.s32 v42, v41  }
0x8e: {  	v6 =	vadd.s32 $0xFFFFFFFF, v6  }
0x8f: {  	vm12 =	vgt.s32 v6, $0x0  }
0x90: {  	v6 =	vnsel vm12, $0x0, v6  }
0x91: {  	v6 =	vmin.u32 v6, $0xE;
	_ =	sdelay $0x4  }
0x92: {  	v43 =	vld.idx.msk [tilespmem:v6+s3+$0x0], $0xffff;
	_ =	sdelay $0x4  }
0x93: {  	vm13 =	vle.f32 v5, v43  }
0x94: {  	v7 =	vsel vm13, $0xFFFFFFFF, v0  }
0x95: {  	v6 =	vadd.s32 v7, v6  }
0x96: {  	v7 =	vadd.s32 $0x1, v6;
	_ =	sdelay $0x4  }
0x97: {  	v7 =	vld.idx.msk [tilespmem:v7+s3+$0x0], $0xffff;
	_ =	sdelay $0x4  }
0x98: {  	vm14 =	vgt.f32 v5, v7  }
0x99: {  	v7 =	vsel vm14, $0x1, v0  }
0x9a: {  	v6 =	vadd.s32 v7, v6  }
0x9b: {  	v6 =	vshll.u32 v6, $0x4  }
0x9c: {  	v6 =	vor.u32 v3, v6;
	_ =	sdelay $0x2  }
0x9d: {  	vm15 =	vlt.f32 v4, $0.0e+00  }
0x9e: {  	v4 =	vsel vm15, $0x10001, v2  }
0x9f: {  	[tilespmem:v6+s10+$0x0] =	vst.idx.add.s32.msk $0xffff, v4  }
0xa0: {  	[tilespmem:v6+s11+$0x0] =	vst.idx.add.f32.msk $0xffff, v5  }
0xa1: {  	v4 =	vld [tilespmem:s15+$0x0];
	_ =	sdelay $0x4  }
0xa2: {  	v5 =	vand.u32 $0x7FFFFFFF, v4  }
0xa3: {  	v44 =	vmul.f32 $1.500000000e+01, v5;
	_ =	sdelay $0x1  }
0xa4: {  	v45 =	vtrunc.f32 v44  }
0xa5: {  	vm4 =	vlt.f32 v44, v45;
	vm5 =	vgt.f32 v44, v45  }
0xa6: {  	v46 =	vcvt.f32.s32 v45;
	vm0 =	vmor vm5, vm4  }
0xa7: {  	v47 =	vsel vm0, $0x1, v0  }
0xa8: {  	v6 =	vadd.s32 v47, v46  }
0xa9: {  	v6 =	vadd.s32 $0xFFFFFFFF, v6  }
0xaa: {  	vm6 =	vgt.s32 v6, $0x0  }
0xab: {  	v6 =	vnsel vm6, $0x0, v6  }
0xac: {  	v6 =	vmin.u32 v6, $0xE;
	_ =	sdelay $0x4  }
0xad: {  	v48 =	vld.idx.msk [tilespmem:v6+s3+$0x0], $0xffff;
	_ =	sdelay $0x4  }
0xae: {  	vm7 =	vle.f32 v5, v48  }
0xaf: {  	v7 =	vsel vm7, $0xFFFFFFFF, v0  }
0xb0: {  	v6 =	vadd.s32 v7, v6  }
0xb1: {  	v7 =	vadd.s32 $0x1, v6;
	_ =	sdelay $0x4  }
0xb2: {  	v7 =	vld.idx.msk [tilespmem:v7+s3+$0x0], $0xffff;
	_ =	sdelay $0x4  }
0xb3: {  	vm8 =	vgt.f32 v5, v7  }
0xb4: {  	v7 =	vsel vm8, $0x1, v0  }
0xb5: {  	v6 =	vadd.s32 v7, v6  }
0xb6: {  	v6 =	vshll.u32 v6, $0x4  }
0xb7: {  	v6 =	vor.u32 v3, v6;
	_ =	sdelay $0x2  }
0xb8: {  	vm9 =	vlt.f32 v4, $0.0e+00  }
0xb9: {  	v4 =	vsel vm9, $0x10001, v2  }
0xba: {  	[tilespmem:v6+s10+$0x0] =	vst.idx.add.s32.msk $0xffff, v4  }
0xbb: {  	[tilespmem:v6+s11+$0x0] =	vst.idx.add.f32.msk $0xffff, v5  }
0xbc: {  	v4 =	vld [tilespmem:s15+$0x10];
	_ =	sdelay $0x4  }
0xbd: {  	v5 =	vand.u32 $0x7FFFFFFF, v4  }
0xbe: {  	v49 =	vmul.f32 $1.500000000e+01, v5;
	_ =	sdelay $0x1  }
0xbf: {  	v50 =	vtrunc.f32 v49  }
0xc0: {  	vm10 =	vlt.f32 v49, v50;
	vm11 =	vgt.f32 v49, v50  }
0xc1: {  	v51 =	vcvt.f32.s32 v50;
	vm0 =	vmor vm11, vm10  }
0xc2: {  	v52 =	vsel vm0, $0x1, v0  }
0xc3: {  	v6 =	vadd.s32 v52, v51  }
0xc4: {  	v6 =	vadd.s32 $0xFFFFFFFF, v6  }
0xc5: {  	vm12 =	vgt.s32 v6, $0x0  }
0xc6: {  	v6 =	vnsel vm12, $0x0, v6  }
0xc7: {  	v6 =	vmin.u32 v6, $0xE;
	_ =	sdelay $0x4  }
0xc8: {  	v53 =	vld.idx.msk [tilespmem:v6+s3+$0x0], $0xffff;
	_ =	sdelay $0x4  }
0xc9: {  	vm13 =	vle.f32 v5, v53  }
0xca: {  	v7 =	vsel vm13, $0xFFFFFFFF, v0  }
0xcb: {  	v6 =	vadd.s32 v7, v6  }
0xcc: {  	v7 =	vadd.s32 $0x1, v6;
	_ =	sdelay $0x4  }
0xcd: {  	v7 =	vld.idx.msk [tilespmem:v7+s3+$0x0], $0xffff;
	_ =	sdelay $0x4  }
0xce: {  	vm14 =	vgt.f32 v5, v7  }
0xcf: {  	v7 =	vsel vm14, $0x1, v0  }
0xd0: {  	v6 =	vadd.s32 v7, v6  }
0xd1: {  	v6 =	vshll.u32 v6, $0x4  }
0xd2: {  	v6 =	vor.u32 v3, v6;
	_ =	sdelay $0x2  }
0xd3: {  	vm15 =	vlt.f32 v4, $0.0e+00  }
0xd4: {  	v4 =	vsel vm15, $0x10001, v2  }
0xd5: {  	[tilespmem:v6+s10+$0x0] =	vst.idx.add.s32.msk $0xffff, v4  }
0xd6: {  	[tilespmem:v6+s11+$0x0] =	vst.idx.add.f32.msk $0xffff, v5  }
0xd7: {  	v4 =	vld [tilespmem:s15+$0x20];
	_ =	sdelay $0x4  }
0xd8: {  	v5 =	vand.u32 $0x7FFFFFFF, v4  }
0xd9: {  	v54 =	vmul.f32 $1.500000000e+01, v5;
	_ =	sdelay $0x1  }
0xda: {  	v55 =	vtrunc.f32 v54  }
0xdb: {  	vm4 =	vlt.f32 v54, v55;
	vm5 =	vgt.f32 v54, v55  }
0xdc: {  	v56 =	vcvt.f32.s32 v55;
	vm0 =	vmor vm5, vm4  }
0xdd: {  	v57 =	vsel vm0, $0x1, v0  }
0xde: {  	v6 =	vadd.s32 v57, v56  }
0xdf: {  	v6 =	vadd.s32 $0xFFFFFFFF, v6  }
0xe0: {  	vm6 =	vgt.s32 v6, $0x0  }
0xe1: {  	v6 =	vnsel vm6, $0x0, v6  }
0xe2: {  	v6 =	vmin.u32 v6, $0xE;
	_ =	sdelay $0x4  }
0xe3: {  	v58 =	vld.idx.msk [tilespmem:v6+s3+$0x0], $0xffff;
	_ =	sdelay $0x4  }
0xe4: {  	vm7 =	vle.f32 v5, v58  }
0xe5: {  	v7 =	vsel vm7, $0xFFFFFFFF, v0  }
0xe6: {  	v6 =	vadd.s32 v7, v6  }
0xe7: {  	v7 =	vadd.s32 $0x1, v6;
	_ =	sdelay $0x4  }
0xe8: {  	v7 =	vld.idx.msk [tilespmem:v7+s3+$0x0], $0xffff;
	_ =	sdelay $0x4  }
0xe9: {  	vm8 =	vgt.f32 v5, v7  }
0xea: {  	v7 =	vsel vm8, $0x1, v0  }
0xeb: {  	v6 =	vadd.s32 v7, v6  }
0xec: {  	v6 =	vshll.u32 v6, $0x4  }
0xed: {  	v6 =	vor.u32 v3, v6;
	_ =	sdelay $0x2  }
0xee: {  	vm9 =	vlt.f32 v4, $0.0e+00  }
0xef: {  	v4 =	vsel vm9, $0x10001, v2  }
0xf0: {  	[tilespmem:v6+s10+$0x0] =	vst.idx.add.s32.msk $0xffff, v4  }
0xf1: {  	[tilespmem:v6+s11+$0x0] =	vst.idx.add.f32.msk $0xffff, v5  }
0xf2: {  	v4 =	vld [tilespmem:s15+$0x30];
	_ =	sdelay $0x4  }
0xf3: {  	v5 =	vand.u32 $0x7FFFFFFF, v4  }
0xf4: {  	v59 =	vmul.f32 $1.500000000e+01, v5;
	_ =	sdelay $0x1  }
0xf5: {  	v60 =	vtrunc.f32 v59  }
0xf6: {  	vm10 =	vlt.f32 v59, v60;
	vm11 =	vgt.f32 v59, v60  }
0xf7: {  	v61 =	vcvt.f32.s32 v60;
	vm0 =	vmor vm11, vm10  }
0xf8: {  	v62 =	vsel vm0, $0x1, v0  }
0xf9: {  	v6 =	vadd.s32 v62, v61  }
0xfa: {  	v6 =	vadd.s32 $0xFFFFFFFF, v6  }
0xfb: {  	vm12 =	vgt.s32 v6, $0x0  }
0xfc: {  	v6 =	vnsel vm12, $0x0, v6  }
0xfd: {  	v6 =	vmin.u32 v6, $0xE;
	_ =	sdelay $0x4  }
0xfe: {  	v63 =	vld.idx.msk [tilespmem:v6+s3+$0x0], $0xffff;
	_ =	sdelay $0x4  }
0xff: {  	vm13 =	vle.f32 v5, v63  }
0x100: {  	v7 =	vsel vm13, $0xFFFFFFFF, v0  }
0x101: {  	v6 =	vadd.s32 v7, v6  }
0x102: {  	v7 =	vadd.s32 $0x1, v6;
	_ =	sdelay $0x4  }
0x103: {  	v7 =	vld.idx.msk [tilespmem:v7+s3+$0x0], $0xffff;
	_ =	sdelay $0x4  }
0x104: {  	vm14 =	vgt.f32 v5, v7  }
0x105: {  	v7 =	vsel vm14, $0x1, v0  }
0x106: {  	v6 =	vadd.s32 v7, v6  }
0x107: {  	v6 =	vshll.u32 v6, $0x4  }
0x108: {  	s14 =	sadd.s32 $0x8, s14;
	v6 =	vor.u32 v3, v6  }
0x109: {  	p0 =	slt.u32 s14, $0x1F8  }
.Ltmp0:
0x10a: {  	_ = 	snop;
	(pc) =	sbr.rel @p0 .LBB2_2-.Ltmp0, $4  }
0x10b: {  	vm15 =	vlt.f32 v4, $0.0e+00  }
0x10c: {  	v4 =	vsel vm15, $0x10001, v2  }
0x10d: {  	[tilespmem:v6+s10+$0x0] =	vst.idx.add.s32.msk $0xffff, v4  }
0x10e: {  	s15 =	sadd.s32 $0x80, s15;
	[tilespmem:v6+s11+$0x0] =	vst.idx.add.f32.msk $0xffff, v5  }
0x10f: {  	[hbm4b:s5+s9] =	stream.strided.scatter [tilespmem:s10], [sflag:$0x1], $0x100, s12, s9, $0x38;
	[tilespmem:$0x2280] =	vst v63  }
0x110: {  	s13 =	sadd.s32 $0x1, s13;
	_ =	swait.ge [sflag:s8], $0x100  }
0x111: {  	p0 =	sne.s32 s13, s7;
	[sflag:s8] =	ssyncset.done $0x0  }
.Ltmp1:
0x112: {  	[sflag:s8] =	ssyncadd.s32 $0xFFFFFF00;
	(pc) =	sbr.rel @p0 .LBB2_1-.Ltmp1, $4  }
0x113: {  	[hbm4b:s6+s9] =	stream.strided.scatter [tilespmem:s11], [sflag:$0x1], $0x100, s12, s9, $0x38;
	[tilespmem:$0x2280] =	vst v63  }
0x114: {  	_ =	swait.ge [sflag:s8], $0x100  }
0x115: {  	[sflag:s8] =	ssyncset.done $0x0  }
0x116: {  	[sflag:s8] =	ssyncadd.s32 $0xFFFFFF00  }
0x117: {  	_ =	sfence.sel $0x180000  }
0x118: {  	[bflag:$0x0] =	sbarrier.arrive $0xFFFF  }
0x119: {  	p0 =	sne.s32 s2, $0x0;
	_ =	strace $0x90000047  }
0x11a: {  	s0 =	sadd.s32 @!p0 $0x100000, s0;
	[bflag:$0x2] =	sbarrier.arrive $0xFFFF  }
0x11b: {  	[sflag:s0] =	ssyncadd.tile.s32 @!p0 $0x1;
	_ =	shalt  }
.Lfunc_end2:
_tile_overlayer_lowered:
.L_overlay_start_2:
0x11c: {  	(tag) =	ssettag $0x2  }
0x11d: {  	s0 =	rddreg [dreg:$0x0];
	s2 =	stileid.u32  }
0x11e: {  	s1 =	rddreg [dreg:$0x1];
	p0 =	sne.s32 s2, $0x0  }
0x11f: {  	s3 =	rddreg [dreg:$0x2];
	[bflag:$0x3] =	sbarrier.arrive $0xFFFF;
	s2 =	simm.s32 @!p0 $0x1C01  }
0x120: {  	[timem:s3], [sflag:s2] =	dma.local @!p0 [hbm:s0], s1  }
0x121: {  	s0 =	simm.s32 @!p0 $0x1  }
0x122: {  	_ =	swait.ge @!p0 [sflag:s0], s1  }
0x123: {  	s1 =	ssub.s32 @!p0 $0x0, s1;
	[sflag:s0] =	ssyncset.done @!p0 $0x0  }
0x124: {  	[sflag:s0] =	ssyncadd.s32 @!p0 s1  }
0x125: {  	[bflag:$0x3] =	sbarrier.arrive $0xFFFF  }
0x126: {  	_ =	shalt  }

// kernel: kernel.14.cloned.1.call-start
scs
__scs_entry_jumppad:
0x0: {  	(pc) =	sbr.rel $0x88, $3  }
0x1: {  	(tag) =	ssettag $0x0;
	lr =	simm.s32 $0x1  }
0x2: {  	[smem:$0x3F9F] =	sst lr;
	_ =	strace $0xD0000000  }
0x3: {  	_ = 	snop  }
0x4: {  	_ = 	snop  }
0x5: {  	_ = 	snop  }
0x6: {  	_ = 	snop  }
0x7: {  	_ = 	snop  }
__scs_overlays_trampoline_lowered:
0x8: {  	[smem:$0x3FAE] =	sst s0  }
0x9: {  	[smem:$0x3FAF] =	sst s1  }
0xa: {  	[smem:$0x3FB0] =	sst s2  }
0xb: {  	[smem:$0x3FB1] =	sst s3  }
0xc: {  	[smem:$0x3FB2] =	sst s4  }
0xd: {  	[smem:$0x3FB3] =	sst s5  }
0xe: {  	[smem:$0x3FB4] =	sst s6  }
0xf: {  	[smem:$0x3FB5] =	sst s7  }
0x10: {  	[smem:$0x3FB6] =	sst s8  }
0x11: {  	[smem:$0x3FB7] =	sst s9;
	s0 =	simm.s32 @!p0 $0x0  }
0x12: {  	s1 =	sld [smem:$0x3F9D];
	s0 =	simm.s32 @p0 $0x1  }
0x13: {  	[smem:$0x3FB8] =	sst s0;
	s0 =	simm.s32 @!p1 $0x0  }
0x14: {  	s2 =	sld [smem:$0x3F9C];
	s0 =	simm.s32 @p1 $0x1  }
0x15: {  	[smem:$0x3FB9] =	sst s0;
	s0 =	simm.s32 @!p2 $0x0  }
0x16: {  	s3 =	sld [smem:$0x3FDB];
	s0 =	simm.s32 @p2 $0x1  }
0x17: {  	s4 =	simm.s32 $0x1BF5;
	[smem:$0x3FBB] =	sst s0  }
0x18: {  	s0 =	sld [smem:$0x3F9E];
	_ =	swait.ge [sflag:s4], $0x0  }
0x19: {  	s7 =	sld [smem:$0x3F9F]  }
0x1a: {  	s8 =	sadd.s32 $0xFFFFE003, lr  }
0x1b: {  	s9 =	sadd.s32 $0xFFFFFEF7, lr;
	s5 =	simm.s32 $0xFFFFFFFF;
	p2 =	slt.u32 s8, $0xFFFFF086  }
0x1c: {  	p1 =	slt.u32 s9, $0xF7A;
	s5 =	simm.s32 @!p2 $0x0  }
0x1d: {  	s5 =	simm.s32 @p1 $0x1;
	p0 =	seq.s32 s7, s2  }
0x1e: {  	s7 =	smul.u32 @!p0 $0xF7A, s2;
	p2 =	seq.s32 @!p0 s5, $0x0  }
0x1f: {  	s9 =	smul.u32 $0xF7A, s1;
	s8 =	simm.s32 @!p0 $0x1BF5;
	p2 =	por !p2, p0  }
0x20: {  	[sflag:s8] =	ssyncset.s32 @!p0 $0xFFFFF086;
	s6 =	sadd.s32 @!p0 s3, s7;
	s7 =	simm.s32 @!p0 $0x108  }
0x21: {  	s3 =	sadd.s32 s3, s9;
	s6 =	sadd.s32 @!p0 $0x88, s6;
	s7 =	simm.s32 @p2 $0x1082  }
0x22: {  	[simem:s7], [sflag:s8] =	dma.local @!p0 [hbm:s6], $0xF7A  }
0x23: {  	s9 =	sor.u32 $0xD0000000, s2;
	s6 =	simm.s32 $0x108;
	_ =	swait.ge @!p0 [sflag:s8], $0x0  }
0x24: {  	s3 =	sadd.s32 $0x88, s3;
	s6 =	simm.s32 @!p1 $0x1082;
	[sflag:s4] =	ssyncset.s32 $0xFFFFF086  }
0x25: {  	[simem:s6], [sflag:s4] =	dma.local [hbm:s3], $0xF7A  }
0x26: {  	[smem:$0x3F9F] =	sst s1;
	(tag) =	ssettag s2;
	_ =	strace s9  }
0x27: {  	s1 =	sld [smem:$0x3FAF]  }
0x28: {  	s2 =	sld [smem:$0x3FB0]  }
0x29: {  	s4 =	sld [smem:$0x3FB2]  }
0x2a: {  	p0 =	seq.s32 s5, $0x0;
	s5 =	sld [smem:$0x3FB3]  }
0x2b: {  	s6 =	sld [smem:$0x3FB4]  }
0x2c: {  	s7 =	sld [smem:$0x3FB5]  }
0x2d: {  	s3 =	simm.s32 $0x108;
	s8 =	sld [smem:$0x3FB6]  }
0x2e: {  	s3 =	simm.s32 @!p0 $0x1082;
	s9 =	sld [smem:$0x3FB7]  }
0x2f: {  	lr =	sadd.s32 s0, s3;
	s0 =	sld [smem:$0x3FAE]  }
0x30: {  	s3 =	sld [smem:$0x3FB1]  }
0x31: {  	[smem:$0x3FBA] =	sst s10  }
0x32: {  	s10 =	sld [smem:$0x3FB8];
	_ =	sdelay $0x3  }
0x33: {  	p0 =	seq.s32 s10, $0x1;
	s10 =	sld [smem:$0x3FBA];
	_ =	sdelay $0x3  }
0x34: {  	[smem:$0x3FBA] =	sst s10  }
0x35: {  	s10 =	sld [smem:$0x3FB9];
	_ =	sdelay $0x3  }
0x36: {  	p1 =	seq.s32 s10, $0x1;
	s10 =	sld [smem:$0x3FBA];
	_ =	sdelay $0x3  }
0x37: {  	[smem:$0x3FBA] =	sst s10  }
0x38: {  	s10 =	sld [smem:$0x3FBB]  }
0x39: {  	_ = 	snop;
	(pc) =	sbr.ind lr, $3  }
0x3a: {  	_ = 	snop  }
0x3b: {  	_ = 	snop  }
0x3c: {  	p2 =	seq.s32 s10, $0x1;
	s10 =	sld [smem:$0x3FBA]  }
0x3d: {  	_ =	shalt  }
0x3e: {  	_ =	shalt  }
0x3f: {  	_ =	shalt  }
0x40: {  	_ =	shalt  }
0x41: {  	_ =	shalt  }
0x42: {  	_ =	shalt  }
0x43: {  	_ =	shalt  }
0x44: {  	_ =	shalt  }
0x45: {  	_ =	shalt  }
0x46: {  	_ =	shalt  }
0x47: {  	_ =	shalt  }
0x48: {  	_ =	shalt  }
0x49: {  	_ =	shalt  }
0x4a: {  	_ =	shalt  }
0x4b: {  	_ =	shalt  }
0x4c: {  	_ =	shalt  }
0x4d: {  	_ =	shalt  }
0x4e: {  	_ =	shalt  }
0x4f: {  	_ =	shalt  }
0x50: {  	_ =	shalt  }
0x51: {  	_ =	shalt  }
0x52: {  	_ =	shalt  }
0x53: {  	_ =	shalt  }
0x54: {  	_ =	shalt  }
0x55: {  	_ =	shalt  }
0x56: {  	_ =	shalt  }
0x57: {  	_ =	shalt  }
0x58: {  	_ =	shalt  }
0x59: {  	_ =	shalt  }
0x5a: {  	_ =	shalt  }
0x5b: {  	_ =	shalt  }
0x5c: {  	_ =	shalt  }
0x5d: {  	_ =	shalt  }
0x5e: {  	_ =	shalt  }
0x5f: {  	_ =	shalt  }
0x60: {  	_ =	shalt  }
0x61: {  	_ =	shalt  }
0x62: {  	_ =	shalt  }
0x63: {  	_ =	shalt  }
0x64: {  	_ =	shalt  }
0x65: {  	_ =	shalt  }
0x66: {  	_ =	shalt  }
0x67: {  	_ =	shalt  }
0x68: {  	_ =	shalt  }
0x69: {  	_ =	shalt  }
0x6a: {  	_ =	shalt  }
0x6b: {  	_ =	shalt  }
0x6c: {  	_ =	shalt  }
0x6d: {  	_ =	shalt  }
0x6e: {  	_ =	shalt  }
0x6f: {  	_ =	shalt  }
0x70: {  	_ =	shalt  }
0x71: {  	_ =	shalt  }
0x72: {  	_ =	shalt  }
0x73: {  	_ =	shalt  }
0x74: {  	_ =	shalt  }
0x75: {  	_ =	shalt  }
0x76: {  	_ =	shalt  }
0x77: {  	_ =	shalt  }
0x78: {  	_ =	shalt  }
0x79: {  	_ =	shalt  }
0x7a: {  	_ =	shalt  }
0x7b: {  	_ =	shalt  }
0x7c: {  	_ =	shalt  }
0x7d: {  	_ =	shalt  }
0x7e: {  	_ =	shalt  }
0x7f: {  	_ =	shalt  }
0x80: {  	_ =	shalt  }
0x81: {  	_ =	shalt  }
0x82: {  	_ =	shalt  }
0x83: {  	_ =	shalt  }
0x84: {  	_ =	shalt  }
0x85: {  	_ =	shalt  }
0x86: {  	_ =	shalt  }
0x87: {  	_ =	shalt  }
.Lfunc_end0:
.L_simem_size_0:
called_computation.1_lowered:
.L_overlay_start_0:
0x88: {  	s2 =	sld [smem:$0x3FD9]  }
0x89: {  	s3 =	sld [smem:$0x3FFE];
	_ =	sdelay $0x1  }
0x8a: {  	s1 =	srdreg.scid  }
0x8b: {  	s0 =	sand.u32 $0x1, s1  }
0x8c: {  	s15 =	sshll.u32 s0, $0xA;
	s2 =	sadd.s32 s3, s2  }
0x8d: {  	s2 =	sadd.s32 s2, s15  }
0x8e: {  	[smem:$0x3FC6] =	sst s2  }
0x8f: {  	_ = 	snop  }
0x90: {  	s2 =	sld [smem:$0x3FD0];
	_ =	sdelay $0x2  }
0x91: {  	s16 =	simm.s32 $0xD;
	s4 =	simm.s32 $0x10  }
0x92: {  	[smem:s4], [sflag:s16] =	dma.local [hbm:s2], $0x1  }
0x93: {  	_ =	swait.eq [sflag:s16], $0x1  }
0x94: {  	[sflag:s16] =	ssyncset.done $0x0  }
0x95: {  	[sflag:s16] =	ssyncadd.s32 $0xFFFFFFFF  }
0x96: {  	s17 =	sld [smem:$0x10];
	(tm) =	ssettm $0x1  }
0x97: {  	s18 =	sld [smem:$0x3FFB];
	_ =	sdelay $0x3  }
0x98: {  	_ =	strace s18  }
0x99: {  	s2 =	sld [smem:$0x3FFC];
	_ =	sdelay $0x3  }
0x9a: {  	_ =	strace s2  }
0x9b: {  	s2 =	sld [smem:$0x3FFD];
	_ =	sdelay $0x3  }
0x9c: {  	_ =	strace s2  }
0x9d: {  	_ =	strace $0x8FFFFFFF  }
0x9e: {  	s19 =	sld [smem:$0x3FDB];
	_ =	sdelay $0x1  }
0x9f: {  	s20 =	simm.s32 $_scs_section_size  }
0xa0: {  	s5 =	simm.s32 $_size__tile_overlayer_lowered;
	s6 =	simm.s32 $_tile_overlayer_lowered  }
0xa1: {  	s7 =	simm.s32 $0x1BFF;
	s21 =	sshll.u32 s6, $0x1;
	s4 =	sadd.s32 s20, s19  }
0xa2: {  	s22 =	simm.s32 $0x0;
	s5 =	sshll.u32 s5, $0x1;
	s6 =	sadd.s32 s21, s4  }
0xa3: {  	[timem:s22], [sflag:s7] =	dma.local [hbm:s6], s5  }
0xa4: {  	_ =	swait.ge [sflag:s7], s5  }
0xa5: {  	s5 =	ssub.s32 $0x0, s5;
	[sflag:s7] =	ssyncset.done $0x0  }
0xa6: {  	[sflag:s7] =	ssyncadd.s32 s5;
	_ =	sdelay $0x1  }
0xa7: {  	s23 =	simm.s32 $0x1B8B  }
0xa8: {  	_ =	swait.ge [sflag:s23], $0x1  }
0xa9: {  	[sflag:s23] =	ssyncset.done $0x0  }
0xaa: {  	[sflag:s23] =	ssyncadd.s32 $0xFFFFFFFF  }
0xab: {  	s5 =	sld [smem:$0x0]  }
0xac: {  	s6 =	sand.u32 $0xFFFFFFFE, s1  }
0xad: {  	p0 =	sne.s32 s1, s6  }
0xae: {  	s6 =	sshll.u32 @p0 s6, $0xE  }
0xaf: {  	s6 =	sadd.s32 @p0 $0x11B8D, s6;
	s7 =	sshll.u32 @p0 s5, $0x11  }
0xb0: {  	s6 =	sor.u32 @p0 s7, s6  }
0xb1: {  	[sflag:s6] =	ssyncadd.remote.s32 @p0 $0x1;
	_ =	sdelay $0x1  }
0xb2: {  	s6 =	simm.s32 @p0 $0x1B8D  }
0xb3: {  	_ =	swait.eq @p0 [sflag:s6], $0x1  }
0xb4: {  	[sflag:s6] =	ssyncadd.s32 @p0 $0xFFFFFFFF  }
0xb5: {  	s7 =	sshll.u32 @!p0 s1, $0xE  }
0xb6: {  	s7 =	sor.u32 @!p0 $0x4000, s7;
	s6 =	simm.s32 @!p0 $0x1B8D  }
0xb7: {  	s5 =	sshll.u32 @!p0 s5, $0x11;
	s7 =	sadd.s32 @!p0 $0x11B8D, s7;
	_ =	swait.eq @!p0 [sflag:s6], $0x1  }
0xb8: {  	s5 =	sor.u32 @!p0 s5, s7;
	[sflag:s6] =	ssyncadd.s32 @!p0 $0xFFFFFFFF  }
0xb9: {  	s25 =	simm.s32 $0x1B8E;
	s24 =	sld [smem:$0x3FFE];
	[sflag:s5] =	ssyncadd.remote.s32 @!p0 $0x1  }
0xba: {  	s26 =	simm.s32 $execute0_lowered;
	[smem:$0x3FD2] =	sst s25  }
0xbb: {  	s6 =	sshll.u32 s26, $0x1;
	_ =	strace $0x80000049;
	[dreg:$0x1] =	wrdreg $0xFFFFFFFF  }
0xbc: {  	s28 =	simm.s32 $_size_execute0_lowered;
	s4 =	sadd.s32 s4, s6;
	[dreg:$0x0] =	wrdreg $0x0  }
0xbd: {  	s6 =	sshll.u32 s28, $0x1;
	[dreg:$0x2] =	wrdreg s4  }
0xbe: {  	[dreg:$0x3] =	wrdreg s6  }
0xbf: {  	[dreg:$0x4] =	wrdreg $0xC0  }
0xc0: {  	_ =	task [dreg:s22], $0x5FFFF  }
0xc1: {  	[dreg:$0x1] =	wrdreg $0xFFFFFFFF  }
0xc2: {  	[dreg:$0x0] =	wrdreg $0x60  }
0xc3: {  	[dreg:$0x2] =	wrdreg s17  }
0xc4: {  	[dreg:$0x3] =	wrdreg s24  }
0xc5: {  	[dreg:$0x4] =	wrdreg $0xA  }
0xc6: {  	_ =	task.clear_ibuf [dreg:s22], $0x5FFFF;
	_ =	strace $0x90000049  }
0xc7: {  	s29 =	simm.s32 $0xA;
	_ =	strace $0x8000004B  }
0xc8: {  	_ =	swait.ge [sflag:s29], $0x1  }
0xc9: {  	[sflag:s29] =	ssyncadd.s32 $0xFFFFFFFF  }
0xca: {  	_ =	strace $0x9000004B  }
0xcb: {  	_ =	sfence  }
0xcc: {  	s30 =	sld [smem:$0x0];
	_ =	sdelay $0x2  }
0xcd: {  	s31 =	sshll.u32 s1, $0xD;
	s1 =	sshrl.u32 s1, $0x2  }
0xce: {  	s4 =	sand.u32 $0x4000, s31;
	s1 =	sadd.s32 s1, s30  }
0xcf: {  	s0 =	sor.u32 s4, s0;
	s1 =	sshll.u32 s1, $0x11  }
0xd0: {  	s0 =	sor.u32 s1, s0  }
0xd1: {  	s0 =	sadd.s32 $0x8F2B, s0  }
0xd2: {  	[sflag:s0] =	ssyncadd.remote.s32 $0x1  }
0xd3: {  	_ =	sfence.sel $0xFFFF  }
0xd4: {  	[dreg:$0x0] =	wrdreg $0xFFFFFFFF;
	(pc) =	sbr.abs _section_cstart, $3  }
0xd5: {  	[dreg:$0x1] =	wrdreg $0xFFFFFFFF  }
0xd6: {  	_ =	task.clear_ibuf [dreg:s22], $0x2FFFF;
	_ =	strace $0x9FFFFFFF  }
0xd7: {  	(tm) =	ssettm $0x7FFFFFFF  }
tec
execute0_lowered:
.L_overlay_start_1:
0x0: {  	(tag) =	ssettag $0x1  }
0x1: {  	s1 =	rddreg [dreg:$0x0]  }
0x2: {  	s4 =	rddreg [dreg:$0x1]  }
0x3: {  	s0 =	rddreg [dreg:$0x2];
	s3 =	simm.s32 $0x0;
	s5 =	srdreg.scid  }
0x4: {  	s2 =	stileid.u32;
	s9 =	simm.s32 $0x80;
	s10 =	simm.s32 $0x2080  }
0x5: {  	s11 =	simm.s32 $0x2180;
	s12 =	simm.s32 $0x400;
	s13 =	simm.s32 $0x0  }
0x6: {  	[smem:$0x7FF] =	sst s3;
	s5 =	sand.u32 $0x1, s5;
	s6 =	sshll.u32 s2, $0x1  }
0x7: {  	s8 =	sshll.u32 s2, $0x6;
	_ =	strace $0x8000004A;
	s6 =	sor.u32 s5, s6  }
0x8: {  	s5 =	ssub.s32 $0x2, s5;
	s7 =	sshll.u32 s6, $0xA;
	s6 =	sshll.u32 s6, $0x4  }
0x9: {  	s8 =	sand.u32 $0x300, s8;
	s31 =	sshrl.u32 s5, $0x1;
	s6 =	sand.u32 $0x70, s6  }
0xa: {  	s7 =	sadd.s32 s7, s4;
	s6 =	sor.u32 s8, s6;
	s8 =	ssub.s32 s5, s31  }
0xb: {  	v0 =	vimm.s32 $0x0;
	s6 =	sadd.s32 s6, s4;
	s4 =	sadd.s32 $0x100B600, s7;
	s7 =	smax.u32 s8, $0x1  }
0xc: {  	v1 =	vimm.f32 $0.0e+00;
	v2 =	vimm.s32 $0x1;
	v3 =	vlaneseq.u32;
	s8 =	simm.s32 $0x1;
	s5 =	sadd.s32 $0x1013A00, s6;
	s6 =	sadd.s32 $0x1013600, s6  }
.LBB2_1:
0xd: {  	[tilespmem:s3], [sflag:$0x1] =	stream.linear.gather [hbm4b:s1+s3], $0x80, $0x38;
	[tilespmem:$0x2280] =	vst v63  }
0xe: {  	_ =	swait.ge [sflag:s8], $0x80  }
0xf: {  	[sflag:s8] =	ssyncset.done $0x0  }
0x10: {  	[sflag:s8] =	ssyncadd.s32 $0xFFFFFF80  }
0x11: {  	[tilespmem:s9], [sflag:$0x1] =	stream.linear.gather [hbm4b:s4+s3], $0x2000, $0x38;
	[tilespmem:$0x2280] =	vst v63  }
0x12: {  	_ =	swait.ge [sflag:s8], $0x2000  }
0x13: {  	[sflag:s8] =	ssyncset.done $0x0  }
0x14: {  	[sflag:s8] =	ssyncadd.s32 $0xFFFFE000  }
0x15: {  	[tilespmem:$0x2080] =	vst v0  }
0x16: {  	[tilespmem:$0x2180] =	vst v1  }
0x17: {  	[tilespmem:$0x2090] =	vst v0  }
0x18: {  	[tilespmem:$0x2190] =	vst v1  }
0x19: {  	[tilespmem:$0x20A0] =	vst v0  }
0x1a: {  	[tilespmem:$0x21A0] =	vst v1  }
0x1b: {  	[tilespmem:$0x20B0] =	vst v0  }
0x1c: {  	[tilespmem:$0x21B0] =	vst v1  }
0x1d: {  	[tilespmem:$0x20C0] =	vst v0  }
0x1e: {  	[tilespmem:$0x21C0] =	vst v1  }
0x1f: {  	[tilespmem:$0x20D0] =	vst v0  }
0x20: {  	[tilespmem:$0x21D0] =	vst v1  }
0x21: {  	[tilespmem:$0x20E0] =	vst v0  }
0x22: {  	[tilespmem:$0x21E0] =	vst v1  }
0x23: {  	[tilespmem:$0x20F0] =	vst v0  }
0x24: {  	[tilespmem:$0x21F0] =	vst v1  }
0x25: {  	[tilespmem:$0x2100] =	vst v0  }
0x26: {  	[tilespmem:$0x2200] =	vst v1  }
0x27: {  	[tilespmem:$0x2110] =	vst v0  }
0x28: {  	[tilespmem:$0x2210] =	vst v1  }
0x29: {  	[tilespmem:$0x2120] =	vst v0  }
0x2a: {  	[tilespmem:$0x2220] =	vst v1  }
0x2b: {  	[tilespmem:$0x2130] =	vst v0  }
0x2c: {  	[tilespmem:$0x2230] =	vst v1  }
0x2d: {  	[tilespmem:$0x2140] =	vst v0  }
0x2e: {  	[tilespmem:$0x2240] =	vst v1  }
0x2f: {  	[tilespmem:$0x2150] =	vst v0  }
0x30: {  	[tilespmem:$0x2250] =	vst v1  }
0x31: {  	[tilespmem:$0x2160] =	vst v0  }
0x32: {  	[tilespmem:$0x2260] =	vst v1  }
0x33: {  	[tilespmem:$0x2170] =	vst v0  }
0x34: {  	s14 =	simm.s32 $0xFFFFFFF8;
	s15 =	simm.s32 $0xC0;
	[tilespmem:$0x2270] =	vst v1  }
.LBB2_2:
0x35: {  	v4 =	vld [tilespmem:s15+$0xFFFFFFC0];
	_ =	sdelay $0x4  }
0x36: {  	v5 =	vand.u32 $0x7FFFFFFF, v4  }
0x37: {  	v6 =	vmul.f32 $1.500000000e+01, v5;
	_ =	sdelay $0x1  }
0x38: {  	v7 =	vtrunc.f32 v6  }
0x39: {  	vm0 =	vlt.f32 v6, v7;
	vm1 =	vgt.f32 v6, v7  }
0x3a: {  	v26 =	vcvt.f32.s32 v7;
	vm0 =	vmor vm1, vm0  }
0x3b: {  	v27 =	vsel vm0, $0x1, v0  }
0x3c: {  	v6 =	vadd.s32 v27, v26  }
0x3d: {  	v6 =	vadd.s32 $0xFFFFFFFF, v6  }
0x3e: {  	vm6 =	vgt.s32 v6, $0x0  }
0x3f: {  	v6 =	vnsel vm6, $0x0, v6  }
0x40: {  	v6 =	vmin.u32 v6, $0xE;
	_ =	sdelay $0x4  }
0x41: {  	v28 =	vld.idx.msk [tilespmem:v6+s3+$0x0], $0xffff;
	_ =	sdelay $0x4  }
0x42: {  	vm7 =	vle.f32 v5, v28  }
0x43: {  	v7 =	vsel vm7, $0xFFFFFFFF, v0  }
0x44: {  	v6 =	vadd.s32 v7, v6  }
0x45: {  	v7 =	vadd.s32 $0x1, v6;
	_ =	sdelay $0x4  }
0x46: {  	v7 =	vld.idx.msk [tilespmem:v7+s3+$0x0], $0xffff;
	_ =	sdelay $0x4  }
0x47: {  	vm8 =	vgt.f32 v5, v7  }
0x48: {  	v7 =	vsel vm8, $0x1, v0  }
0x49: {  	v6 =	vadd.s32 v7, v6  }
0x4a: {  	v6 =	vshll.u32 v6, $0x4  }
0x4b: {  	v6 =	vor.u32 v3, v6;
	_ =	sdelay $0x2  }
0x4c: {  	vm9 =	vlt.f32 v4, $0.0e+00  }
0x4d: {  	v4 =	vsel vm9, $0x10001, v2  }
0x4e: {  	[tilespmem:v6+s10+$0x0] =	vst.idx.add.s32.msk $0xffff, v4  }
0x4f: {  	[tilespmem:v6+s11+$0x0] =	vst.idx.add.f32.msk $0xffff, v5  }
0x50: {  	v4 =	vld [tilespmem:s15+$0xFFFFFFD0];
	_ =	sdelay $0x4  }
0x51: {  	v5 =	vand.u32 $0x7FFFFFFF, v4  }
0x52: {  	v29 =	vmul.f32 $1.500000000e+01, v5;
	_ =	sdelay $0x1  }
0x53: {  	v30 =	vtrunc.f32 v29  }
0x54: {  	vm10 =	vlt.f32 v29, v30;
	vm11 =	vgt.f32 v29, v30  }
0x55: {  	v31 =	vcvt.f32.s32 v30;
	vm0 =	vmor vm11, vm10  }
0x56: {  	v32 =	vsel vm0, $0x1, v0  }
0x57: {  	v6 =	vadd.s32 v32, v31  }
0x58: {  	v6 =	vadd.s32 $0xFFFFFFFF, v6  }
0x59: {  	vm12 =	vgt.s32 v6, $0x0  }
0x5a: {  	v6 =	vnsel vm12, $0x0, v6  }
0x5b: {  	v6 =	vmin.u32 v6, $0xE;
	_ =	sdelay $0x4  }
0x5c: {  	v33 =	vld.idx.msk [tilespmem:v6+s3+$0x0], $0xffff;
	_ =	sdelay $0x4  }
0x5d: {  	vm13 =	vle.f32 v5, v33  }
0x5e: {  	v7 =	vsel vm13, $0xFFFFFFFF, v0  }
0x5f: {  	v6 =	vadd.s32 v7, v6  }
0x60: {  	v7 =	vadd.s32 $0x1, v6;
	_ =	sdelay $0x4  }
0x61: {  	v7 =	vld.idx.msk [tilespmem:v7+s3+$0x0], $0xffff;
	_ =	sdelay $0x4  }
0x62: {  	vm14 =	vgt.f32 v5, v7  }
0x63: {  	v7 =	vsel vm14, $0x1, v0  }
0x64: {  	v6 =	vadd.s32 v7, v6  }
0x65: {  	v6 =	vshll.u32 v6, $0x4  }
0x66: {  	v6 =	vor.u32 v3, v6;
	_ =	sdelay $0x2  }
0x67: {  	vm15 =	vlt.f32 v4, $0.0e+00  }
0x68: {  	v4 =	vsel vm15, $0x10001, v2  }
0x69: {  	[tilespmem:v6+s10+$0x0] =	vst.idx.add.s32.msk $0xffff, v4  }
0x6a: {  	[tilespmem:v6+s11+$0x0] =	vst.idx.add.f32.msk $0xffff, v5  }
0x6b: {  	v4 =	vld [tilespmem:s15+$0xFFFFFFE0];
	_ =	sdelay $0x4  }
0x6c: {  	v5 =	vand.u32 $0x7FFFFFFF, v4  }
0x6d: {  	v34 =	vmul.f32 $1.500000000e+01, v5;
	_ =	sdelay $0x1  }
0x6e: {  	v35 =	vtrunc.f32 v34  }
0x6f: {  	vm4 =	vlt.f32 v34, v35;
	vm5 =	vgt.f32 v34, v35  }
0x70: {  	v36 =	vcvt.f32.s32 v35;
	vm0 =	vmor vm5, vm4  }
0x71: {  	v37 =	vsel vm0, $0x1, v0  }
0x72: {  	v6 =	vadd.s32 v37, v36  }
0x73: {  	v6 =	vadd.s32 $0xFFFFFFFF, v6  }
0x74: {  	vm6 =	vgt.s32 v6, $0x0  }
0x75: {  	v6 =	vnsel vm6, $0x0, v6  }
0x76: {  	v6 =	vmin.u32 v6, $0xE;
	_ =	sdelay $0x4  }
0x77: {  	v38 =	vld.idx.msk [tilespmem:v6+s3+$0x0], $0xffff;
	_ =	sdelay $0x4  }
0x78: {  	vm7 =	vle.f32 v5, v38  }
0x79: {  	v7 =	vsel vm7, $0xFFFFFFFF, v0  }
0x7a: {  	v6 =	vadd.s32 v7, v6  }
0x7b: {  	v7 =	vadd.s32 $0x1, v6;
	_ =	sdelay $0x4  }
0x7c: {  	v7 =	vld.idx.msk [tilespmem:v7+s3+$0x0], $0xffff;
	_ =	sdelay $0x4  }
0x7d: {  	vm8 =	vgt.f32 v5, v7  }
0x7e: {  	v7 =	vsel vm8, $0x1, v0  }
0x7f: {  	v6 =	vadd.s32 v7, v6  }
0x80: {  	v6 =	vshll.u32 v6, $0x4  }
0x81: {  	v6 =	vor.u32 v3, v6;
	_ =	sdelay $0x2  }
0x82: {  	vm9 =	vlt.f32 v4, $0.0e+00  }
0x83: {  	v4 =	vsel vm9, $0x10001, v2  }
0x84: {  	[tilespmem:v6+s10+$0x0] =	vst.idx.add.s32.msk $0xffff, v4  }
0x85: {  	[tilespmem:v6+s11+$0x0] =	vst.idx.add.f32.msk $0xffff, v5  }
0x86: {  	v4 =	vld [tilespmem:s15+$0xFFFFFFF0];
	_ =	sdelay $0x4  }
0x87: {  	v5 =	vand.u32 $0x7FFFFFFF, v4  }
0x88: {  	v39 =	vmul.f32 $1.500000000e+01, v5;
	_ =	sdelay $0x1  }
0x89: {  	v40 =	vtrunc.f32 v39  }
0x8a: {  	vm10 =	vlt.f32 v39, v40;
	vm11 =	vgt.f32 v39, v40  }
0x8b: {  	v41 =	vcvt.f32.s32 v40;
	vm0 =	vmor vm11, vm10  }
0x8c: {  	v42 =	vsel vm0, $0x1, v0  }
0x8d: {  	v6 =	vadd.s32 v42, v41  }
0x8e: {  	v6 =	vadd.s32 $0xFFFFFFFF, v6  }
0x8f: {  	vm12 =	vgt.s32 v6, $0x0  }
0x90: {  	v6 =	vnsel vm12, $0x0, v6  }
0x91: {  	v6 =	vmin.u32 v6, $0xE;
	_ =	sdelay $0x4  }
0x92: {  	v43 =	vld.idx.msk [tilespmem:v6+s3+$0x0], $0xffff;
	_ =	sdelay $0x4  }
0x93: {  	vm13 =	vle.f32 v5, v43  }
0x94: {  	v7 =	vsel vm13, $0xFFFFFFFF, v0  }
0x95: {  	v6 =	vadd.s32 v7, v6  }
0x96: {  	v7 =	vadd.s32 $0x1, v6;
	_ =	sdelay $0x4  }
0x97: {  	v7 =	vld.idx.msk [tilespmem:v7+s3+$0x0], $0xffff;
	_ =	sdelay $0x4  }
0x98: {  	vm14 =	vgt.f32 v5, v7  }
0x99: {  	v7 =	vsel vm14, $0x1, v0  }
0x9a: {  	v6 =	vadd.s32 v7, v6  }
0x9b: {  	v6 =	vshll.u32 v6, $0x4  }
0x9c: {  	v6 =	vor.u32 v3, v6;
	_ =	sdelay $0x2  }
0x9d: {  	vm15 =	vlt.f32 v4, $0.0e+00  }
0x9e: {  	v4 =	vsel vm15, $0x10001, v2  }
0x9f: {  	[tilespmem:v6+s10+$0x0] =	vst.idx.add.s32.msk $0xffff, v4  }
0xa0: {  	[tilespmem:v6+s11+$0x0] =	vst.idx.add.f32.msk $0xffff, v5  }
0xa1: {  	v4 =	vld [tilespmem:s15+$0x0];
	_ =	sdelay $0x4  }
0xa2: {  	v5 =	vand.u32 $0x7FFFFFFF, v4  }
0xa3: {  	v44 =	vmul.f32 $1.500000000e+01, v5;
	_ =	sdelay $0x1  }
0xa4: {  	v45 =	vtrunc.f32 v44  }
0xa5: {  	vm4 =	vlt.f32 v44, v45;
	vm5 =	vgt.f32 v44, v45  }
0xa6: {  	v46 =	vcvt.f32.s32 v45;
	vm0 =	vmor vm5, vm4  }
0xa7: {  	v47 =	vsel vm0, $0x1, v0  }
0xa8: {  	v6 =	vadd.s32 v47, v46  }
0xa9: {  	v6 =	vadd.s32 $0xFFFFFFFF, v6  }
0xaa: {  	vm6 =	vgt.s32 v6, $0x0  }
0xab: {  	v6 =	vnsel vm6, $0x0, v6  }
0xac: {  	v6 =	vmin.u32 v6, $0xE;
	_ =	sdelay $0x4  }
0xad: {  	v48 =	vld.idx.msk [tilespmem:v6+s3+$0x0], $0xffff;
	_ =	sdelay $0x4  }
0xae: {  	vm7 =	vle.f32 v5, v48  }
0xaf: {  	v7 =	vsel vm7, $0xFFFFFFFF, v0  }
0xb0: {  	v6 =	vadd.s32 v7, v6  }
0xb1: {  	v7 =	vadd.s32 $0x1, v6;
	_ =	sdelay $0x4  }
0xb2: {  	v7 =	vld.idx.msk [tilespmem:v7+s3+$0x0], $0xffff;
	_ =	sdelay $0x4  }
0xb3: {  	vm8 =	vgt.f32 v5, v7  }
0xb4: {  	v7 =	vsel vm8, $0x1, v0  }
0xb5: {  	v6 =	vadd.s32 v7, v6  }
0xb6: {  	v6 =	vshll.u32 v6, $0x4  }
0xb7: {  	v6 =	vor.u32 v3, v6;
	_ =	sdelay $0x2  }
0xb8: {  	vm9 =	vlt.f32 v4, $0.0e+00  }
0xb9: {  	v4 =	vsel vm9, $0x10001, v2  }
0xba: {  	[tilespmem:v6+s10+$0x0] =	vst.idx.add.s32.msk $0xffff, v4  }
0xbb: {  	[tilespmem:v6+s11+$0x0] =	vst.idx.add.f32.msk $0xffff, v5  }
0xbc: {  	v4 =	vld [tilespmem:s15+$0x10];
	_ =	sdelay $0x4  }
0xbd: {  	v5 =	vand.u32 $0x7FFFFFFF, v4  }
0xbe: {  	v49 =	vmul.f32 $1.500000000e+01, v5;
	_ =	sdelay $0x1  }
0xbf: {  	v50 =	vtrunc.f32 v49  }
0xc0: {  	vm10 =	vlt.f32 v49, v50;
	vm11 =	vgt.f32 v49, v50  }
0xc1: {  	v51 =	vcvt.f32.s32 v50;
	vm0 =	vmor vm11, vm10  }
0xc2: {  	v52 =	vsel vm0, $0x1, v0  }
0xc3: {  	v6 =	vadd.s32 v52, v51  }
0xc4: {  	v6 =	vadd.s32 $0xFFFFFFFF, v6  }
0xc5: {  	vm12 =	vgt.s32 v6, $0x0  }
0xc6: {  	v6 =	vnsel vm12, $0x0, v6  }
0xc7: {  	v6 =	vmin.u32 v6, $0xE;
	_ =	sdelay $0x4  }
0xc8: {  	v53 =	vld.idx.msk [tilespmem:v6+s3+$0x0], $0xffff;
	_ =	sdelay $0x4  }
0xc9: {  	vm13 =	vle.f32 v5, v53  }
0xca: {  	v7 =	vsel vm13, $0xFFFFFFFF, v0  }
0xcb: {  	v6 =	vadd.s32 v7, v6  }
0xcc: {  	v7 =	vadd.s32 $0x1, v6;
	_ =	sdelay $0x4  }
0xcd: {  	v7 =	vld.idx.msk [tilespmem:v7+s3+$0x0], $0xffff;
	_ =	sdelay $0x4  }
0xce: {  	vm14 =	vgt.f32 v5, v7  }
0xcf: {  	v7 =	vsel vm14, $0x1, v0  }
0xd0: {  	v6 =	vadd.s32 v7, v6  }
0xd1: {  	v6 =	vshll.u32 v6, $0x4  }
0xd2: {  	v6 =	vor.u32 v3, v6;
	_ =	sdelay $0x2  }
0xd3: {  	vm15 =	vlt.f32 v4, $0.0e+00  }
0xd4: {  	v4 =	vsel vm15, $0x10001, v2  }
0xd5: {  	[tilespmem:v6+s10+$0x0] =	vst.idx.add.s32.msk $0xffff, v4  }
0xd6: {  	[tilespmem:v6+s11+$0x0] =	vst.idx.add.f32.msk $0xffff, v5  }
0xd7: {  	v4 =	vld [tilespmem:s15+$0x20];
	_ =	sdelay $0x4  }
0xd8: {  	v5 =	vand.u32 $0x7FFFFFFF, v4  }
0xd9: {  	v54 =	vmul.f32 $1.500000000e+01, v5;
	_ =	sdelay $0x1  }
0xda: {  	v55 =	vtrunc.f32 v54  }
0xdb: {  	vm4 =	vlt.f32 v54, v55;
	vm5 =	vgt.f32 v54, v55  }
0xdc: {  	v56 =	vcvt.f32.s32 v55;
	vm0 =	vmor vm5, vm4  }
0xdd: {  	v57 =	vsel vm0, $0x1, v0  }
0xde: {  	v6 =	vadd.s32 v57, v56  }
0xdf: {  	v6 =	vadd.s32 $0xFFFFFFFF, v6  }
0xe0: {  	vm6 =	vgt.s32 v6, $0x0  }
0xe1: {  	v6 =	vnsel vm6, $0x0, v6  }
0xe2: {  	v6 =	vmin.u32 v6, $0xE;
	_ =	sdelay $0x4  }
0xe3: {  	v58 =	vld.idx.msk [tilespmem:v6+s3+$0x0], $0xffff;
	_ =	sdelay $0x4  }
0xe4: {  	vm7 =	vle.f32 v5, v58  }
0xe5: {  	v7 =	vsel vm7, $0xFFFFFFFF, v0  }
0xe6: {  	v6 =	vadd.s32 v7, v6  }
0xe7: {  	v7 =	vadd.s32 $0x1, v6;
	_ =	sdelay $0x4  }
0xe8: {  	v7 =	vld.idx.msk [tilespmem:v7+s3+$0x0], $0xffff;
	_ =	sdelay $0x4  }
0xe9: {  	vm8 =	vgt.f32 v5, v7  }
0xea: {  	v7 =	vsel vm8, $0x1, v0  }
0xeb: {  	v6 =	vadd.s32 v7, v6  }
0xec: {  	v6 =	vshll.u32 v6, $0x4  }
0xed: {  	v6 =	vor.u32 v3, v6;
	_ =	sdelay $0x2  }
0xee: {  	vm9 =	vlt.f32 v4, $0.0e+00  }
0xef: {  	v4 =	vsel vm9, $0x10001, v2  }
0xf0: {  	[tilespmem:v6+s10+$0x0] =	vst.idx.add.s32.msk $0xffff, v4  }
0xf1: {  	[tilespmem:v6+s11+$0x0] =	vst.idx.add.f32.msk $0xffff, v5  }
0xf2: {  	v4 =	vld [tilespmem:s15+$0x30];
	_ =	sdelay $0x4  }
0xf3: {  	v5 =	vand.u32 $0x7FFFFFFF, v4  }
0xf4: {  	v59 =	vmul.f32 $1.500000000e+01, v5;
	_ =	sdelay $0x1  }
0xf5: {  	v60 =	vtrunc.f32 v59  }
0xf6: {  	vm10 =	vlt.f32 v59, v60;
	vm11 =	vgt.f32 v59, v60  }
0xf7: {  	v61 =	vcvt.f32.s32 v60;
	vm0 =	vmor vm11, vm10  }
0xf8: {  	v62 =	vsel vm0, $0x1, v0  }
0xf9: {  	v6 =	vadd.s32 v62, v61  }
0xfa: {  	v6 =	vadd.s32 $0xFFFFFFFF, v6  }
0xfb: {  	vm12 =	vgt.s32 v6, $0x0  }
0xfc: {  	v6 =	vnsel vm12, $0x0, v6  }
0xfd: {  	v6 =	vmin.u32 v6, $0xE;
	_ =	sdelay $0x4  }
0xfe: {  	v63 =	vld.idx.msk [tilespmem:v6+s3+$0x0], $0xffff;
	_ =	sdelay $0x4  }
0xff: {  	vm13 =	vle.f32 v5, v63  }
0x100: {  	v7 =	vsel vm13, $0xFFFFFFFF, v0  }
0x101: {  	v6 =	vadd.s32 v7, v6  }
0x102: {  	v7 =	vadd.s32 $0x1, v6;
	_ =	sdelay $0x4  }
0x103: {  	v7 =	vld.idx.msk [tilespmem:v7+s3+$0x0], $0xffff;
	_ =	sdelay $0x4  }
0x104: {  	vm14 =	vgt.f32 v5, v7  }
0x105: {  	v7 =	vsel vm14, $0x1, v0  }
0x106: {  	v6 =	vadd.s32 v7, v6  }
0x107: {  	v6 =	vshll.u32 v6, $0x4  }
0x108: {  	s14 =	sadd.s32 $0x8, s14;
	v6 =	vor.u32 v3, v6  }
0x109: {  	p0 =	slt.u32 s14, $0x1F8  }
.Ltmp0:
0x10a: {  	_ = 	snop;
	(pc) =	sbr.rel @p0 .LBB2_2-.Ltmp0, $4  }
0x10b: {  	vm15 =	vlt.f32 v4, $0.0e+00  }
0x10c: {  	v4 =	vsel vm15, $0x10001, v2  }
0x10d: {  	[tilespmem:v6+s10+$0x0] =	vst.idx.add.s32.msk $0xffff, v4  }
0x10e: {  	s15 =	sadd.s32 $0x80, s15;
	[tilespmem:v6+s11+$0x0] =	vst.idx.add.f32.msk $0xffff, v5  }
0x10f: {  	[hbm4b:s5+s9] =	stream.strided.scatter [tilespmem:s10], [sflag:$0x1], $0x100, s12, s9, $0x38;
	[tilespmem:$0x2280] =	vst v63  }
0x110: {  	s13 =	sadd.s32 $0x1, s13;
	_ =	swait.ge [sflag:s8], $0x100  }
0x111: {  	p0 =	sne.s32 s13, s7;
	[sflag:s8] =	ssyncset.done $0x0  }
.Ltmp1:
0x112: {  	[sflag:s8] =	ssyncadd.s32 $0xFFFFFF00;
	(pc) =	sbr.rel @p0 .LBB2_1-.Ltmp1, $4  }
0x113: {  	[hbm4b:s6+s9] =	stream.strided.scatter [tilespmem:s11], [sflag:$0x1], $0x100, s12, s9, $0x38;
	[tilespmem:$0x2280] =	vst v63  }
0x114: {  	_ =	swait.ge [sflag:s8], $0x100  }
0x115: {  	[sflag:s8] =	ssyncset.done $0x0  }
0x116: {  	[sflag:s8] =	ssyncadd.s32 $0xFFFFFF00  }
0x117: {  	_ =	sfence.sel $0x180000  }
0x118: {  	[bflag:$0x0] =	sbarrier.arrive $0xFFFF  }
0x119: {  	p0 =	sne.s32 s2, $0x0;
	_ =	strace $0x9000004A  }
0x11a: {  	s0 =	sadd.s32 @!p0 $0x100000, s0;
	[bflag:$0x2] =	sbarrier.arrive $0xFFFF  }
0x11b: {  	[sflag:s0] =	ssyncadd.tile.s32 @!p0 $0x1;
	_ =	shalt  }
.Lfunc_end2:
_tile_overlayer_lowered:
.L_overlay_start_2:
0x11c: {  	(tag) =	ssettag $0x2  }
0x11d: {  	s0 =	rddreg [dreg:$0x0];
	s2 =	stileid.u32  }
0x11e: {  	s1 =	rddreg [dreg:$0x1];
	p0 =	sne.s32 s2, $0x0  }
0x11f: {  	s3 =	rddreg [dreg:$0x2];
	[bflag:$0x3] =	sbarrier.arrive $0xFFFF;
	s2 =	simm.s32 @!p0 $0x1C01  }
0x120: {  	[timem:s3], [sflag:s2] =	dma.local @!p0 [hbm:s0], s1  }
0x121: {  	s0 =	simm.s32 @!p0 $0x1  }
0x122: {  	_ =	swait.ge @!p0 [sflag:s0], s1  }
0x123: {  	s1 =	ssub.s32 @!p0 $0x0, s1;
	[sflag:s0] =	ssyncset.done @!p0 $0x0  }
0x124: {  	[sflag:s0] =	ssyncadd.s32 @!p0 s1  }
0x125: {  	[bflag:$0x3] =	sbarrier.arrive $0xFFFF  }
0x126: {  	_ =	shalt  }

// kernel: kernel.17.cloned.1.call-start
scs
__scs_entry_jumppad:
0x0: {  	(pc) =	sbr.rel $0x88, $3  }
0x1: {  	(tag) =	ssettag $0x0;
	lr =	simm.s32 $0x1  }
0x2: {  	[smem:$0x3F9F] =	sst lr;
	_ =	strace $0xD0000000  }
0x3: {  	_ = 	snop  }
0x4: {  	_ = 	snop  }
0x5: {  	_ = 	snop  }
0x6: {  	_ = 	snop  }
0x7: {  	_ = 	snop  }
__scs_overlays_trampoline_lowered:
0x8: {  	[smem:$0x3FAE] =	sst s0  }
0x9: {  	[smem:$0x3FAF] =	sst s1  }
0xa: {  	[smem:$0x3FB0] =	sst s2  }
0xb: {  	[smem:$0x3FB1] =	sst s3  }
0xc: {  	[smem:$0x3FB2] =	sst s4  }
0xd: {  	[smem:$0x3FB3] =	sst s5  }
0xe: {  	[smem:$0x3FB4] =	sst s6  }
0xf: {  	[smem:$0x3FB5] =	sst s7  }
0x10: {  	[smem:$0x3FB6] =	sst s8  }
0x11: {  	[smem:$0x3FB7] =	sst s9;
	s0 =	simm.s32 @!p0 $0x0  }
0x12: {  	s1 =	sld [smem:$0x3F9D];
	s0 =	simm.s32 @p0 $0x1  }
0x13: {  	[smem:$0x3FB8] =	sst s0;
	s0 =	simm.s32 @!p1 $0x0  }
0x14: {  	s2 =	sld [smem:$0x3F9C];
	s0 =	simm.s32 @p1 $0x1  }
0x15: {  	[smem:$0x3FB9] =	sst s0;
	s0 =	simm.s32 @!p2 $0x0  }
0x16: {  	s3 =	sld [smem:$0x3FDB];
	s0 =	simm.s32 @p2 $0x1  }
0x17: {  	s4 =	simm.s32 $0x1BF5;
	[smem:$0x3FBB] =	sst s0  }
0x18: {  	s0 =	sld [smem:$0x3F9E];
	_ =	swait.ge [sflag:s4], $0x0  }
0x19: {  	s7 =	sld [smem:$0x3F9F]  }
0x1a: {  	s8 =	sadd.s32 $0xFFFFE003, lr  }
0x1b: {  	s9 =	sadd.s32 $0xFFFFFEF7, lr;
	s5 =	simm.s32 $0xFFFFFFFF;
	p2 =	slt.u32 s8, $0xFFFFF086  }
0x1c: {  	p1 =	slt.u32 s9, $0xF7A;
	s5 =	simm.s32 @!p2 $0x0  }
0x1d: {  	s5 =	simm.s32 @p1 $0x1;
	p0 =	seq.s32 s7, s2  }
0x1e: {  	s7 =	smul.u32 @!p0 $0xF7A, s2;
	p2 =	seq.s32 @!p0 s5, $0x0  }
0x1f: {  	s9 =	smul.u32 $0xF7A, s1;
	s8 =	simm.s32 @!p0 $0x1BF5;
	p2 =	por !p2, p0  }
0x20: {  	[sflag:s8] =	ssyncset.s32 @!p0 $0xFFFFF086;
	s6 =	sadd.s32 @!p0 s3, s7;
	s7 =	simm.s32 @!p0 $0x108  }
0x21: {  	s3 =	sadd.s32 s3, s9;
	s6 =	sadd.s32 @!p0 $0x88, s6;
	s7 =	simm.s32 @p2 $0x1082  }
0x22: {  	[simem:s7], [sflag:s8] =	dma.local @!p0 [hbm:s6], $0xF7A  }
0x23: {  	s9 =	sor.u32 $0xD0000000, s2;
	s6 =	simm.s32 $0x108;
	_ =	swait.ge @!p0 [sflag:s8], $0x0  }
0x24: {  	s3 =	sadd.s32 $0x88, s3;
	s6 =	simm.s32 @!p1 $0x1082;
	[sflag:s4] =	ssyncset.s32 $0xFFFFF086  }
0x25: {  	[simem:s6], [sflag:s4] =	dma.local [hbm:s3], $0xF7A  }
0x26: {  	[smem:$0x3F9F] =	sst s1;
	(tag) =	ssettag s2;
	_ =	strace s9  }
0x27: {  	s1 =	sld [smem:$0x3FAF]  }
0x28: {  	s2 =	sld [smem:$0x3FB0]  }
0x29: {  	s4 =	sld [smem:$0x3FB2]  }
0x2a: {  	p0 =	seq.s32 s5, $0x0;
	s5 =	sld [smem:$0x3FB3]  }
0x2b: {  	s6 =	sld [smem:$0x3FB4]  }
0x2c: {  	s7 =	sld [smem:$0x3FB5]  }
0x2d: {  	s3 =	simm.s32 $0x108;
	s8 =	sld [smem:$0x3FB6]  }
0x2e: {  	s3 =	simm.s32 @!p0 $0x1082;
	s9 =	sld [smem:$0x3FB7]  }
0x2f: {  	lr =	sadd.s32 s0, s3;
	s0 =	sld [smem:$0x3FAE]  }
0x30: {  	s3 =	sld [smem:$0x3FB1]  }
0x31: {  	[smem:$0x3FBA] =	sst s10  }
0x32: {  	s10 =	sld [smem:$0x3FB8];
	_ =	sdelay $0x3  }
0x33: {  	p0 =	seq.s32 s10, $0x1;
	s10 =	sld [smem:$0x3FBA];
	_ =	sdelay $0x3  }
0x34: {  	[smem:$0x3FBA] =	sst s10  }
0x35: {  	s10 =	sld [smem:$0x3FB9];
	_ =	sdelay $0x3  }
0x36: {  	p1 =	seq.s32 s10, $0x1;
	s10 =	sld [smem:$0x3FBA];
	_ =	sdelay $0x3  }
0x37: {  	[smem:$0x3FBA] =	sst s10  }
0x38: {  	s10 =	sld [smem:$0x3FBB]  }
0x39: {  	_ = 	snop;
	(pc) =	sbr.ind lr, $3  }
0x3a: {  	_ = 	snop  }
0x3b: {  	_ = 	snop  }
0x3c: {  	p2 =	seq.s32 s10, $0x1;
	s10 =	sld [smem:$0x3FBA]  }
0x3d: {  	_ =	shalt  }
0x3e: {  	_ =	shalt  }
0x3f: {  	_ =	shalt  }
0x40: {  	_ =	shalt  }
0x41: {  	_ =	shalt  }
0x42: {  	_ =	shalt  }
0x43: {  	_ =	shalt  }
0x44: {  	_ =	shalt  }
0x45: {  	_ =	shalt  }
0x46: {  	_ =	shalt  }
0x47: {  	_ =	shalt  }
0x48: {  	_ =	shalt  }
0x49: {  	_ =	shalt  }
0x4a: {  	_ =	shalt  }
0x4b: {  	_ =	shalt  }
0x4c: {  	_ =	shalt  }
0x4d: {  	_ =	shalt  }
0x4e: {  	_ =	shalt  }
0x4f: {  	_ =	shalt  }
0x50: {  	_ =	shalt  }
0x51: {  	_ =	shalt  }
0x52: {  	_ =	shalt  }
0x53: {  	_ =	shalt  }
0x54: {  	_ =	shalt  }
0x55: {  	_ =	shalt  }
0x56: {  	_ =	shalt  }
0x57: {  	_ =	shalt  }
0x58: {  	_ =	shalt  }
0x59: {  	_ =	shalt  }
0x5a: {  	_ =	shalt  }
0x5b: {  	_ =	shalt  }
0x5c: {  	_ =	shalt  }
0x5d: {  	_ =	shalt  }
0x5e: {  	_ =	shalt  }
0x5f: {  	_ =	shalt  }
0x60: {  	_ =	shalt  }
0x61: {  	_ =	shalt  }
0x62: {  	_ =	shalt  }
0x63: {  	_ =	shalt  }
0x64: {  	_ =	shalt  }
0x65: {  	_ =	shalt  }
0x66: {  	_ =	shalt  }
0x67: {  	_ =	shalt  }
0x68: {  	_ =	shalt  }
0x69: {  	_ =	shalt  }
0x6a: {  	_ =	shalt  }
0x6b: {  	_ =	shalt  }
0x6c: {  	_ =	shalt  }
0x6d: {  	_ =	shalt  }
0x6e: {  	_ =	shalt  }
0x6f: {  	_ =	shalt  }
0x70: {  	_ =	shalt  }
0x71: {  	_ =	shalt  }
0x72: {  	_ =	shalt  }
0x73: {  	_ =	shalt  }
0x74: {  	_ =	shalt  }
0x75: {  	_ =	shalt  }
0x76: {  	_ =	shalt  }
0x77: {  	_ =	shalt  }
0x78: {  	_ =	shalt  }
0x79: {  	_ =	shalt  }
0x7a: {  	_ =	shalt  }
0x7b: {  	_ =	shalt  }
0x7c: {  	_ =	shalt  }
0x7d: {  	_ =	shalt  }
0x7e: {  	_ =	shalt  }
0x7f: {  	_ =	shalt  }
0x80: {  	_ =	shalt  }
0x81: {  	_ =	shalt  }
0x82: {  	_ =	shalt  }
0x83: {  	_ =	shalt  }
0x84: {  	_ =	shalt  }
0x85: {  	_ =	shalt  }
0x86: {  	_ =	shalt  }
0x87: {  	_ =	shalt  }
.Lfunc_end0:
.L_simem_size_0:
called_computation.2_lowered:
.L_overlay_start_0:
0x88: {  	s2 =	sld [smem:$0x3FD9]  }
0x89: {  	s3 =	sld [smem:$0x3FFE];
	_ =	sdelay $0x1  }
0x8a: {  	s1 =	srdreg.scid  }
0x8b: {  	s0 =	sand.u32 $0x1, s1  }
0x8c: {  	s15 =	sshll.u32 s0, $0xA;
	s2 =	sadd.s32 s3, s2  }
0x8d: {  	s2 =	sadd.s32 s2, s15  }
0x8e: {  	[smem:$0x3FC6] =	sst s2  }
0x8f: {  	_ = 	snop  }
0x90: {  	s2 =	sld [smem:$0x3FD0];
	_ =	sdelay $0x2  }
0x91: {  	s16 =	simm.s32 $0xD;
	s4 =	simm.s32 $0x10  }
0x92: {  	[smem:s4], [sflag:s16] =	dma.local [hbm:s2], $0x1  }
0x93: {  	_ =	swait.eq [sflag:s16], $0x1  }
0x94: {  	[sflag:s16] =	ssyncset.done $0x0  }
0x95: {  	[sflag:s16] =	ssyncadd.s32 $0xFFFFFFFF  }
0x96: {  	s17 =	sld [smem:$0x10];
	(tm) =	ssettm $0x1  }
0x97: {  	s18 =	sld [smem:$0x3FFB];
	_ =	sdelay $0x3  }
0x98: {  	_ =	strace s18  }
0x99: {  	s2 =	sld [smem:$0x3FFC];
	_ =	sdelay $0x3  }
0x9a: {  	_ =	strace s2  }
0x9b: {  	s2 =	sld [smem:$0x3FFD];
	_ =	sdelay $0x3  }
0x9c: {  	_ =	strace s2  }
0x9d: {  	_ =	strace $0x8FFFFFFF  }
0x9e: {  	s19 =	sld [smem:$0x3FDB];
	_ =	sdelay $0x1  }
0x9f: {  	s20 =	simm.s32 $_scs_section_size  }
0xa0: {  	s5 =	simm.s32 $_size__tile_overlayer_lowered;
	s6 =	simm.s32 $_tile_overlayer_lowered  }
0xa1: {  	s7 =	simm.s32 $0x1BFF;
	s21 =	sshll.u32 s6, $0x1;
	s4 =	sadd.s32 s20, s19  }
0xa2: {  	s22 =	simm.s32 $0x0;
	s5 =	sshll.u32 s5, $0x1;
	s6 =	sadd.s32 s21, s4  }
0xa3: {  	[timem:s22], [sflag:s7] =	dma.local [hbm:s6], s5  }
0xa4: {  	_ =	swait.ge [sflag:s7], s5  }
0xa5: {  	s5 =	ssub.s32 $0x0, s5;
	[sflag:s7] =	ssyncset.done $0x0  }
0xa6: {  	[sflag:s7] =	ssyncadd.s32 s5;
	_ =	sdelay $0x1  }
0xa7: {  	s23 =	simm.s32 $0x1B8B  }
0xa8: {  	_ =	swait.ge [sflag:s23], $0x1  }
0xa9: {  	[sflag:s23] =	ssyncset.done $0x0  }
0xaa: {  	[sflag:s23] =	ssyncadd.s32 $0xFFFFFFFF  }
0xab: {  	s5 =	sld [smem:$0x0]  }
0xac: {  	s6 =	sand.u32 $0xFFFFFFFE, s1  }
0xad: {  	p0 =	sne.s32 s1, s6  }
0xae: {  	s6 =	sshll.u32 @p0 s6, $0xE  }
0xaf: {  	s6 =	sadd.s32 @p0 $0x11B8D, s6;
	s7 =	sshll.u32 @p0 s5, $0x11  }
0xb0: {  	s6 =	sor.u32 @p0 s7, s6  }
0xb1: {  	[sflag:s6] =	ssyncadd.remote.s32 @p0 $0x1;
	_ =	sdelay $0x1  }
0xb2: {  	s6 =	simm.s32 @p0 $0x1B8D  }
0xb3: {  	_ =	swait.eq @p0 [sflag:s6], $0x1  }
0xb4: {  	[sflag:s6] =	ssyncadd.s32 @p0 $0xFFFFFFFF  }
0xb5: {  	s7 =	sshll.u32 @!p0 s1, $0xE  }
0xb6: {  	s7 =	sor.u32 @!p0 $0x4000, s7;
	s6 =	simm.s32 @!p0 $0x1B8D  }
0xb7: {  	s5 =	sshll.u32 @!p0 s5, $0x11;
	s7 =	sadd.s32 @!p0 $0x11B8D, s7;
	_ =	swait.eq @!p0 [sflag:s6], $0x1  }
0xb8: {  	s5 =	sor.u32 @!p0 s5, s7;
	[sflag:s6] =	ssyncadd.s32 @!p0 $0xFFFFFFFF  }
0xb9: {  	s25 =	simm.s32 $0x1B8E;
	s24 =	sld [smem:$0x3FFE];
	[sflag:s5] =	ssyncadd.remote.s32 @!p0 $0x1  }
0xba: {  	s26 =	simm.s32 $execute0_lowered;
	[smem:$0x3FD2] =	sst s25  }
0xbb: {  	s6 =	sshll.u32 s26, $0x1;
	_ =	strace $0x8000004C;
	[dreg:$0x1] =	wrdreg $0xFFFFFFFF  }
0xbc: {  	s28 =	simm.s32 $_size_execute0_lowered;
	s4 =	sadd.s32 s4, s6;
	[dreg:$0x0] =	wrdreg $0x0  }
0xbd: {  	s6 =	sshll.u32 s28, $0x1;
	[dreg:$0x2] =	wrdreg s4  }
0xbe: {  	[dreg:$0x3] =	wrdreg s6  }
0xbf: {  	[dreg:$0x4] =	wrdreg $0xC0  }
0xc0: {  	_ =	task [dreg:s22], $0x5FFFF  }
0xc1: {  	[dreg:$0x1] =	wrdreg $0xFFFFFFFF  }
0xc2: {  	[dreg:$0x0] =	wrdreg $0x60  }
0xc3: {  	[dreg:$0x2] =	wrdreg s17  }
0xc4: {  	[dreg:$0x3] =	wrdreg s24  }
0xc5: {  	[dreg:$0x4] =	wrdreg $0xB  }
0xc6: {  	_ =	task.clear_ibuf [dreg:s22], $0x5FFFF;
	_ =	strace $0x9000004C  }
0xc7: {  	s29 =	simm.s32 $0xB;
	_ =	strace $0x8000004E  }
0xc8: {  	_ =	swait.ge [sflag:s29], $0x1  }
0xc9: {  	[sflag:s29] =	ssyncadd.s32 $0xFFFFFFFF  }
0xca: {  	_ =	strace $0x9000004E  }
0xcb: {  	_ =	sfence  }
0xcc: {  	s30 =	sld [smem:$0x0];
	_ =	sdelay $0x2  }
0xcd: {  	s31 =	sshll.u32 s1, $0xD;
	s1 =	sshrl.u32 s1, $0x2  }
0xce: {  	s4 =	sand.u32 $0x4000, s31;
	s1 =	sadd.s32 s1, s30  }
0xcf: {  	s0 =	sor.u32 s4, s0;
	s1 =	sshll.u32 s1, $0x11  }
0xd0: {  	s0 =	sor.u32 s1, s0  }
0xd1: {  	s0 =	sadd.s32 $0x8F2B, s0  }
0xd2: {  	[sflag:s0] =	ssyncadd.remote.s32 $0x1  }
0xd3: {  	_ =	sfence.sel $0xFFFF  }
0xd4: {  	[dreg:$0x0] =	wrdreg $0xFFFFFFFF;
	(pc) =	sbr.abs _section_cstart, $3  }
0xd5: {  	[dreg:$0x1] =	wrdreg $0xFFFFFFFF  }
0xd6: {  	_ =	task.clear_ibuf [dreg:s22], $0x2FFFF;
	_ =	strace $0x9FFFFFFF  }
0xd7: {  	(tm) =	ssettm $0x7FFFFFFF  }
tec
execute0_lowered:
.L_overlay_start_1:
0x0: {  	(tag) =	ssettag $0x1  }
0x1: {  	s1 =	rddreg [dreg:$0x0]  }
0x2: {  	s4 =	rddreg [dreg:$0x1]  }
0x3: {  	s0 =	rddreg [dreg:$0x2];
	s3 =	simm.s32 $0x0;
	s5 =	srdreg.scid  }
0x4: {  	s2 =	stileid.u32;
	s9 =	simm.s32 $0x80;
	s10 =	simm.s32 $0x2080  }
0x5: {  	s11 =	simm.s32 $0x2180;
	s12 =	simm.s32 $0x400;
	s13 =	simm.s32 $0x0  }
0x6: {  	[smem:$0x7FF] =	sst s3;
	s5 =	sand.u32 $0x1, s5;
	s6 =	sshll.u32 s2, $0x1  }
0x7: {  	s8 =	sshll.u32 s2, $0x6;
	_ =	strace $0x8000004D;
	s6 =	sor.u32 s5, s6  }
0x8: {  	s5 =	ssub.s32 $0x2, s5;
	s7 =	sshll.u32 s6, $0xA;
	s6 =	sshll.u32 s6, $0x4  }
0x9: {  	s8 =	sand.u32 $0x300, s8;
	s31 =	sshrl.u32 s5, $0x1;
	s6 =	sand.u32 $0x70, s6  }
0xa: {  	s7 =	sadd.s32 s7, s4;
	s6 =	sor.u32 s8, s6;
	s8 =	ssub.s32 s5, s31  }
0xb: {  	v0 =	vimm.s32 $0x0;
	s6 =	sadd.s32 s6, s4;
	s4 =	sadd.s32 $0x1013E00, s7;
	s7 =	smax.u32 s8, $0x1  }
0xc: {  	v1 =	vimm.f32 $0.0e+00;
	v2 =	vimm.s32 $0x1;
	v3 =	vlaneseq.u32;
	s8 =	simm.s32 $0x1;
	s5 =	sadd.s32 $0x101C200, s6;
	s6 =	sadd.s32 $0x101BE00, s6  }
.LBB2_1:
0xd: {  	[tilespmem:s3], [sflag:$0x1] =	stream.linear.gather [hbm4b:s1+s3], $0x80, $0x38;
	[tilespmem:$0x2280] =	vst v63  }
0xe: {  	_ =	swait.ge [sflag:s8], $0x80  }
0xf: {  	[sflag:s8] =	ssyncset.done $0x0  }
0x10: {  	[sflag:s8] =	ssyncadd.s32 $0xFFFFFF80  }
0x11: {  	[tilespmem:s9], [sflag:$0x1] =	stream.linear.gather [hbm4b:s4+s3], $0x2000, $0x38;
	[tilespmem:$0x2280] =	vst v63  }
0x12: {  	_ =	swait.ge [sflag:s8], $0x2000  }
0x13: {  	[sflag:s8] =	ssyncset.done $0x0  }
0x14: {  	[sflag:s8] =	ssyncadd.s32 $0xFFFFE000  }
0x15: {  	[tilespmem:$0x2080] =	vst v0  }
0x16: {  	[tilespmem:$0x2180] =	vst v1  }
0x17: {  	[tilespmem:$0x2090] =	vst v0  }
0x18: {  	[tilespmem:$0x2190] =	vst v1  }
0x19: {  	[tilespmem:$0x20A0] =	vst v0  }
0x1a: {  	[tilespmem:$0x21A0] =	vst v1  }
0x1b: {  	[tilespmem:$0x20B0] =	vst v0  }
0x1c: {  	[tilespmem:$0x21B0] =	vst v1  }
0x1d: {  	[tilespmem:$0x20C0] =	vst v0  }
0x1e: {  	[tilespmem:$0x21C0] =	vst v1  }
0x1f: {  	[tilespmem:$0x20D0] =	vst v0  }
0x20: {  	[tilespmem:$0x21D0] =	vst v1  }
0x21: {  	[tilespmem:$0x20E0] =	vst v0  }
0x22: {  	[tilespmem:$0x21E0] =	vst v1  }
0x23: {  	[tilespmem:$0x20F0] =	vst v0  }
0x24: {  	[tilespmem:$0x21F0] =	vst v1  }
0x25: {  	[tilespmem:$0x2100] =	vst v0  }
0x26: {  	[tilespmem:$0x2200] =	vst v1  }
0x27: {  	[tilespmem:$0x2110] =	vst v0  }
0x28: {  	[tilespmem:$0x2210] =	vst v1  }
0x29: {  	[tilespmem:$0x2120] =	vst v0  }
0x2a: {  	[tilespmem:$0x2220] =	vst v1  }
0x2b: {  	[tilespmem:$0x2130] =	vst v0  }
0x2c: {  	[tilespmem:$0x2230] =	vst v1  }
0x2d: {  	[tilespmem:$0x2140] =	vst v0  }
0x2e: {  	[tilespmem:$0x2240] =	vst v1  }
0x2f: {  	[tilespmem:$0x2150] =	vst v0  }
0x30: {  	[tilespmem:$0x2250] =	vst v1  }
0x31: {  	[tilespmem:$0x2160] =	vst v0  }
0x32: {  	[tilespmem:$0x2260] =	vst v1  }
0x33: {  	[tilespmem:$0x2170] =	vst v0  }
0x34: {  	s14 =	simm.s32 $0xFFFFFFF8;
	s15 =	simm.s32 $0xC0;
	[tilespmem:$0x2270] =	vst v1  }
.LBB2_2:
0x35: {  	v4 =	vld [tilespmem:s15+$0xFFFFFFC0];
	_ =	sdelay $0x4  }
0x36: {  	v5 =	vand.u32 $0x7FFFFFFF, v4  }
0x37: {  	v6 =	vmul.f32 $1.500000000e+01, v5;
	_ =	sdelay $0x1  }
0x38: {  	v7 =	vtrunc.f32 v6  }
0x39: {  	vm0 =	vlt.f32 v6, v7;
	vm1 =	vgt.f32 v6, v7  }
0x3a: {  	v26 =	vcvt.f32.s32 v7;
	vm0 =	vmor vm1, vm0  }
0x3b: {  	v27 =	vsel vm0, $0x1, v0  }
0x3c: {  	v6 =	vadd.s32 v27, v26  }
0x3d: {  	v6 =	vadd.s32 $0xFFFFFFFF, v6  }
0x3e: {  	vm6 =	vgt.s32 v6, $0x0  }
0x3f: {  	v6 =	vnsel vm6, $0x0, v6  }
0x40: {  	v6 =	vmin.u32 v6, $0xE;
	_ =	sdelay $0x4  }
0x41: {  	v28 =	vld.idx.msk [tilespmem:v6+s3+$0x0], $0xffff;
	_ =	sdelay $0x4  }
0x42: {  	vm7 =	vle.f32 v5, v28  }
0x43: {  	v7 =	vsel vm7, $0xFFFFFFFF, v0  }
0x44: {  	v6 =	vadd.s32 v7, v6  }
0x45: {  	v7 =	vadd.s32 $0x1, v6;
	_ =	sdelay $0x4  }
0x46: {  	v7 =	vld.idx.msk [tilespmem:v7+s3+$0x0], $0xffff;
	_ =	sdelay $0x4  }
0x47: {  	vm8 =	vgt.f32 v5, v7  }
0x48: {  	v7 =	vsel vm8, $0x1, v0  }
0x49: {  	v6 =	vadd.s32 v7, v6  }
0x4a: {  	v6 =	vshll.u32 v6, $0x4  }
0x4b: {  	v6 =	vor.u32 v3, v6;
	_ =	sdelay $0x2  }
0x4c: {  	vm9 =	vlt.f32 v4, $0.0e+00  }
0x4d: {  	v4 =	vsel vm9, $0x10001, v2  }
0x4e: {  	[tilespmem:v6+s10+$0x0] =	vst.idx.add.s32.msk $0xffff, v4  }
0x4f: {  	[tilespmem:v6+s11+$0x0] =	vst.idx.add.f32.msk $0xffff, v5  }
0x50: {  	v4 =	vld [tilespmem:s15+$0xFFFFFFD0];
	_ =	sdelay $0x4  }
0x51: {  	v5 =	vand.u32 $0x7FFFFFFF, v4  }
0x52: {  	v29 =	vmul.f32 $1.500000000e+01, v5;
	_ =	sdelay $0x1  }
0x53: {  	v30 =	vtrunc.f32 v29  }
0x54: {  	vm10 =	vlt.f32 v29, v30;
	vm11 =	vgt.f32 v29, v30  }
0x55: {  	v31 =	vcvt.f32.s32 v30;
	vm0 =	vmor vm11, vm10  }
0x56: {  	v32 =	vsel vm0, $0x1, v0  }
0x57: {  	v6 =	vadd.s32 v32, v31  }
0x58: {  	v6 =	vadd.s32 $0xFFFFFFFF, v6  }
0x59: {  	vm12 =	vgt.s32 v6, $0x0  }
0x5a: {  	v6 =	vnsel vm12, $0x0, v6  }
0x5b: {  	v6 =	vmin.u32 v6, $0xE;
	_ =	sdelay $0x4  }
0x5c: {  	v33 =	vld.idx.msk [tilespmem:v6+s3+$0x0], $0xffff;
	_ =	sdelay $0x4  }
0x5d: {  	vm13 =	vle.f32 v5, v33  }
0x5e: {  	v7 =	vsel vm13, $0xFFFFFFFF, v0  }
0x5f: {  	v6 =	vadd.s32 v7, v6  }
0x60: {  	v7 =	vadd.s32 $0x1, v6;
	_ =	sdelay $0x4  }
0x61: {  	v7 =	vld.idx.msk [tilespmem:v7+s3+$0x0], $0xffff;
	_ =	sdelay $0x4  }
0x62: {  	vm14 =	vgt.f32 v5, v7  }
0x63: {  	v7 =	vsel vm14, $0x1, v0  }
0x64: {  	v6 =	vadd.s32 v7, v6  }
0x65: {  	v6 =	vshll.u32 v6, $0x4  }
0x66: {  	v6 =	vor.u32 v3, v6;
	_ =	sdelay $0x2  }
0x67: {  	vm15 =	vlt.f32 v4, $0.0e+00  }
0x68: {  	v4 =	vsel vm15, $0x10001, v2  }
0x69: {  	[tilespmem:v6+s10+$0x0] =	vst.idx.add.s32.msk $0xffff, v4  }
0x6a: {  	[tilespmem:v6+s11+$0x0] =	vst.idx.add.f32.msk $0xffff, v5  }
0x6b: {  	v4 =	vld [tilespmem:s15+$0xFFFFFFE0];
	_ =	sdelay $0x4  }
0x6c: {  	v5 =	vand.u32 $0x7FFFFFFF, v4  }
0x6d: {  	v34 =	vmul.f32 $1.500000000e+01, v5;
	_ =	sdelay $0x1  }
0x6e: {  	v35 =	vtrunc.f32 v34  }
0x6f: {  	vm4 =	vlt.f32 v34, v35;
	vm5 =	vgt.f32 v34, v35  }
0x70: {  	v36 =	vcvt.f32.s32 v35;
	vm0 =	vmor vm5, vm4  }
0x71: {  	v37 =	vsel vm0, $0x1, v0  }
0x72: {  	v6 =	vadd.s32 v37, v36  }
0x73: {  	v6 =	vadd.s32 $0xFFFFFFFF, v6  }
0x74: {  	vm6 =	vgt.s32 v6, $0x0  }
0x75: {  	v6 =	vnsel vm6, $0x0, v6  }
0x76: {  	v6 =	vmin.u32 v6, $0xE;
	_ =	sdelay $0x4  }
0x77: {  	v38 =	vld.idx.msk [tilespmem:v6+s3+$0x0], $0xffff;
	_ =	sdelay $0x4  }
0x78: {  	vm7 =	vle.f32 v5, v38  }
0x79: {  	v7 =	vsel vm7, $0xFFFFFFFF, v0  }
0x7a: {  	v6 =	vadd.s32 v7, v6  }
0x7b: {  	v7 =	vadd.s32 $0x1, v6;
	_ =	sdelay $0x4  }
0x7c: {  	v7 =	vld.idx.msk [tilespmem:v7+s3+$0x0], $0xffff;
	_ =	sdelay $0x4  }
0x7d: {  	vm8 =	vgt.f32 v5, v7  }
0x7e: {  	v7 =	vsel vm8, $0x1, v0  }
0x7f: {  	v6 =	vadd.s32 v7, v6  }
0x80: {  	v6 =	vshll.u32 v6, $0x4  }
0x81: {  	v6 =	vor.u32 v3, v6;
	_ =	sdelay $0x2  }
0x82: {  	vm9 =	vlt.f32 v4, $0.0e+00  }
0x83: {  	v4 =	vsel vm9, $0x10001, v2  }
0x84: {  	[tilespmem:v6+s10+$0x0] =	vst.idx.add.s32.msk $0xffff, v4  }
0x85: {  	[tilespmem:v6+s11+$0x0] =	vst.idx.add.f32.msk $0xffff, v5  }
0x86: {  	v4 =	vld [tilespmem:s15+$0xFFFFFFF0];
	_ =	sdelay $0x4  }
0x87: {  	v5 =	vand.u32 $0x7FFFFFFF, v4  }
0x88: {  	v39 =	vmul.f32 $1.500000000e+01, v5;
	_ =	sdelay $0x1  }
0x89: {  	v40 =	vtrunc.f32 v39  }
0x8a: {  	vm10 =	vlt.f32 v39, v40;
	vm11 =	vgt.f32 v39, v40  }
0x8b: {  	v41 =	vcvt.f32.s32 v40;
	vm0 =	vmor vm11, vm10  }
0x8c: {  	v42 =	vsel vm0, $0x1, v0  }
0x8d: {  	v6 =	vadd.s32 v42, v41  }
0x8e: {  	v6 =	vadd.s32 $0xFFFFFFFF, v6  }
0x8f: {  	vm12 =	vgt.s32 v6, $0x0  }
0x90: {  	v6 =	vnsel vm12, $0x0, v6  }
0x91: {  	v6 =	vmin.u32 v6, $0xE;
	_ =	sdelay $0x4  }
0x92: {  	v43 =	vld.idx.msk [tilespmem:v6+s3+$0x0], $0xffff;
	_ =	sdelay $0x4  }
0x93: {  	vm13 =	vle.f32 v5, v43  }
0x94: {  	v7 =	vsel vm13, $0xFFFFFFFF, v0  }
0x95: {  	v6 =	vadd.s32 v7, v6  }
0x96: {  	v7 =	vadd.s32 $0x1, v6;
	_ =	sdelay $0x4  }
0x97: {  	v7 =	vld.idx.msk [tilespmem:v7+s3+$0x0], $0xffff;
	_ =	sdelay $0x4  }
0x98: {  	vm14 =	vgt.f32 v5, v7  }
0x99: {  	v7 =	vsel vm14, $0x1, v0  }
0x9a: {  	v6 =	vadd.s32 v7, v6  }
0x9b: {  	v6 =	vshll.u32 v6, $0x4  }
0x9c: {  	v6 =	vor.u32 v3, v6;
	_ =	sdelay $0x2  }
0x9d: {  	vm15 =	vlt.f32 v4, $0.0e+00  }
0x9e: {  	v4 =	vsel vm15, $0x10001, v2  }
0x9f: {  	[tilespmem:v6+s10+$0x0] =	vst.idx.add.s32.msk $0xffff, v4  }
0xa0: {  	[tilespmem:v6+s11+$0x0] =	vst.idx.add.f32.msk $0xffff, v5  }
0xa1: {  	v4 =	vld [tilespmem:s15+$0x0];
	_ =	sdelay $0x4  }
0xa2: {  	v5 =	vand.u32 $0x7FFFFFFF, v4  }
0xa3: {  	v44 =	vmul.f32 $1.500000000e+01, v5;
	_ =	sdelay $0x1  }
0xa4: {  	v45 =	vtrunc.f32 v44  }
0xa5: {  	vm4 =	vlt.f32 v44, v45;
	vm5 =	vgt.f32 v44, v45  }
0xa6: {  	v46 =	vcvt.f32.s32 v45;
	vm0 =	vmor vm5, vm4  }
0xa7: {  	v47 =	vsel vm0, $0x1, v0  }
0xa8: {  	v6 =	vadd.s32 v47, v46  }
0xa9: {  	v6 =	vadd.s32 $0xFFFFFFFF, v6  }
0xaa: {  	vm6 =	vgt.s32 v6, $0x0  }
0xab: {  	v6 =	vnsel vm6, $0x0, v6  }
0xac: {  	v6 =	vmin.u32 v6, $0xE;
	_ =	sdelay $0x4  }
0xad: {  	v48 =	vld.idx.msk [tilespmem:v6+s3+$0x0], $0xffff;
	_ =	sdelay $0x4  }
0xae: {  	vm7 =	vle.f32 v5, v48  }
0xaf: {  	v7 =	vsel vm7, $0xFFFFFFFF, v0  }
0xb0: {  	v6 =	vadd.s32 v7, v6  }
0xb1: {  	v7 =	vadd.s32 $0x1, v6;
	_ =	sdelay $0x4  }
0xb2: {  	v7 =	vld.idx.msk [tilespmem:v7+s3+$0x0], $0xffff;
	_ =	sdelay $0x4  }
0xb3: {  	vm8 =	vgt.f32 v5, v7  }
0xb4: {  	v7 =	vsel vm8, $0x1, v0  }
0xb5: {  	v6 =	vadd.s32 v7, v6  }
0xb6: {  	v6 =	vshll.u32 v6, $0x4  }
0xb7: {  	v6 =	vor.u32 v3, v6;
	_ =	sdelay $0x2  }
0xb8: {  	vm9 =	vlt.f32 v4, $0.0e+00  }
0xb9: {  	v4 =	vsel vm9, $0x10001, v2  }
0xba: {  	[tilespmem:v6+s10+$0x0] =	vst.idx.add.s32.msk $0xffff, v4  }
0xbb: {  	[tilespmem:v6+s11+$0x0] =	vst.idx.add.f32.msk $0xffff, v5  }
0xbc: {  	v4 =	vld [tilespmem:s15+$0x10];
	_ =	sdelay $0x4  }
0xbd: {  	v5 =	vand.u32 $0x7FFFFFFF, v4  }
0xbe: {  	v49 =	vmul.f32 $1.500000000e+01, v5;
	_ =	sdelay $0x1  }
0xbf: {  	v50 =	vtrunc.f32 v49  }
0xc0: {  	vm10 =	vlt.f32 v49, v50;
	vm11 =	vgt.f32 v49, v50  }
0xc1: {  	v51 =	vcvt.f32.s32 v50;
	vm0 =	vmor vm11, vm10  }
0xc2: {  	v52 =	vsel vm0, $0x1, v0  }
0xc3: {  	v6 =	vadd.s32 v52, v51  }
0xc4: {  	v6 =	vadd.s32 $0xFFFFFFFF, v6  }
0xc5: {  	vm12 =	vgt.s32 v6, $0x0  }
0xc6: {  	v6 =	vnsel vm12, $0x0, v6  }
0xc7: {  	v6 =	vmin.u32 v6, $0xE;
	_ =	sdelay $0x4  }
0xc8: {  	v53 =	vld.idx.msk [tilespmem:v6+s3+$0x0], $0xffff;
	_ =	sdelay $0x4  }
0xc9: {  	vm13 =	vle.f32 v5, v53  }
0xca: {  	v7 =	vsel vm13, $0xFFFFFFFF, v0  }
0xcb: {  	v6 =	vadd.s32 v7, v6  }
0xcc: {  	v7 =	vadd.s32 $0x1, v6;
	_ =	sdelay $0x4  }
0xcd: {  	v7 =	vld.idx.msk [tilespmem:v7+s3+$0x0], $0xffff;
	_ =	sdelay $0x4  }
0xce: {  	vm14 =	vgt.f32 v5, v7  }
0xcf: {  	v7 =	vsel vm14, $0x1, v0  }
0xd0: {  	v6 =	vadd.s32 v7, v6  }
0xd1: {  	v6 =	vshll.u32 v6, $0x4  }
0xd2: {  	v6 =	vor.u32 v3, v6;
	_ =	sdelay $0x2  }
0xd3: {  	vm15 =	vlt.f32 v4, $0.0e+00  }
0xd4: {  	v4 =	vsel vm15, $0x10001, v2  }
0xd5: {  	[tilespmem:v6+s10+$0x0] =	vst.idx.add.s32.msk $0xffff, v4  }
0xd6: {  	[tilespmem:v6+s11+$0x0] =	vst.idx.add.f32.msk $0xffff, v5  }
0xd7: {  	v4 =	vld [tilespmem:s15+$0x20];
	_ =	sdelay $0x4  }
0xd8: {  	v5 =	vand.u32 $0x7FFFFFFF, v4  }
0xd9: {  	v54 =	vmul.f32 $1.500000000e+01, v5;
	_ =	sdelay $0x1  }
0xda: {  	v55 =	vtrunc.f32 v54  }
0xdb: {  	vm4 =	vlt.f32 v54, v55;
	vm5 =	vgt.f32 v54, v55  }
0xdc: {  	v56 =	vcvt.f32.s32 v55;
	vm0 =	vmor vm5, vm4  }
0xdd: {  	v57 =	vsel vm0, $0x1, v0  }
0xde: {  	v6 =	vadd.s32 v57, v56  }
0xdf: {  	v6 =	vadd.s32 $0xFFFFFFFF, v6  }
0xe0: {  	vm6 =	vgt.s32 v6, $0x0  }
0xe1: {  	v6 =	vnsel vm6, $0x0, v6  }
0xe2: {  	v6 =	vmin.u32 v6, $0xE;
	_ =	sdelay $0x4  }
0xe3: {  	v58 =	vld.idx.msk [tilespmem:v6+s3+$0x0], $0xffff;
	_ =	sdelay $0x4  }
0xe4: {  	vm7 =	vle.f32 v5, v58  }
0xe5: {  	v7 =	vsel vm7, $0xFFFFFFFF, v0  }
0xe6: {  	v6 =	vadd.s32 v7, v6  }
0xe7: {  	v7 =	vadd.s32 $0x1, v6;
	_ =	sdelay $0x4  }
0xe8: {  	v7 =	vld.idx.msk [tilespmem:v7+s3+$0x0], $0xffff;
	_ =	sdelay $0x4  }
0xe9: {  	vm8 =	vgt.f32 v5, v7  }
0xea: {  	v7 =	vsel vm8, $0x1, v0  }
0xeb: {  	v6 =	vadd.s32 v7, v6  }
0xec: {  	v6 =	vshll.u32 v6, $0x4  }
0xed: {  	v6 =	vor.u32 v3, v6;
	_ =	sdelay $0x2  }
0xee: {  	vm9 =	vlt.f32 v4, $0.0e+00  }
0xef: {  	v4 =	vsel vm9, $0x10001, v2  }
0xf0: {  	[tilespmem:v6+s10+$0x0] =	vst.idx.add.s32.msk $0xffff, v4  }
0xf1: {  	[tilespmem:v6+s11+$0x0] =	vst.idx.add.f32.msk $0xffff, v5  }
0xf2: {  	v4 =	vld [tilespmem:s15+$0x30];
	_ =	sdelay $0x4  }
0xf3: {  	v5 =	vand.u32 $0x7FFFFFFF, v4  }
0xf4: {  	v59 =	vmul.f32 $1.500000000e+01, v5;
	_ =	sdelay $0x1  }
0xf5: {  	v60 =	vtrunc.f32 v59  }
0xf6: {  	vm10 =	vlt.f32 v59, v60;
	vm11 =	vgt.f32 v59, v60  }
0xf7: {  	v61 =	vcvt.f32.s32 v60;
	vm0 =	vmor vm11, vm10  }
0xf8: {  	v62 =	vsel vm0, $0x1, v0  }
0xf9: {  	v6 =	vadd.s32 v62, v61  }
0xfa: {  	v6 =	vadd.s32 $0xFFFFFFFF, v6  }
0xfb: {  	vm12 =	vgt.s32 v6, $0x0  }
0xfc: {  	v6 =	vnsel vm12, $0x0, v6  }
0xfd: {  	v6 =	vmin.u32 v6, $0xE;
	_ =	sdelay $0x4  }
0xfe: {  	v63 =	vld.idx.msk [tilespmem:v6+s3+$0x0], $0xffff;
	_ =	sdelay $0x4  }
0xff: {  	vm13 =	vle.f32 v5, v63  }
0x100: {  	v7 =	vsel vm13, $0xFFFFFFFF, v0  }
0x101: {  	v6 =	vadd.s32 v7, v6  }
0x102: {  	v7 =	vadd.s32 $0x1, v6;
	_ =	sdelay $0x4  }
0x103: {  	v7 =	vld.idx.msk [tilespmem:v7+s3+$0x0], $0xffff;
	_ =	sdelay $0x4  }
0x104: {  	vm14 =	vgt.f32 v5, v7  }
0x105: {  	v7 =	vsel vm14, $0x1, v0  }
0x106: {  	v6 =	vadd.s32 v7, v6  }
0x107: {  	v6 =	vshll.u32 v6, $0x4  }
0x108: {  	s14 =	sadd.s32 $0x8, s14;
	v6 =	vor.u32 v3, v6  }
0x109: {  	p0 =	slt.u32 s14, $0x1F8  }
.Ltmp0:
0x10a: {  	_ = 	snop;
	(pc) =	sbr.rel @p0 .LBB2_2-.Ltmp0, $4  }
0x10b: {  	vm15 =	vlt.f32 v4, $0.0e+00  }
0x10c: {  	v4 =	vsel vm15, $0x10001, v2  }
0x10d: {  	[tilespmem:v6+s10+$0x0] =	vst.idx.add.s32.msk $0xffff, v4  }
0x10e: {  	s15 =	sadd.s32 $0x80, s15;
	[tilespmem:v6+s11+$0x0] =	vst.idx.add.f32.msk $0xffff, v5  }
0x10f: {  	[hbm4b:s5+s9] =	stream.strided.scatter [tilespmem:s10], [sflag:$0x1], $0x100, s12, s9, $0x38;
	[tilespmem:$0x2280] =	vst v63  }
0x110: {  	s13 =	sadd.s32 $0x1, s13;
	_ =	swait.ge [sflag:s8], $0x100  }
0x111: {  	p0 =	sne.s32 s13, s7;
	[sflag:s8] =	ssyncset.done $0x0  }
.Ltmp1:
0x112: {  	[sflag:s8] =	ssyncadd.s32 $0xFFFFFF00;
	(pc) =	sbr.rel @p0 .LBB2_1-.Ltmp1, $4  }
0x113: {  	[hbm4b:s6+s9] =	stream.strided.scatter [tilespmem:s11], [sflag:$0x1], $0x100, s12, s9, $0x38;
	[tilespmem:$0x2280] =	vst v63  }
0x114: {  	_ =	swait.ge [sflag:s8], $0x100  }
0x115: {  	[sflag:s8] =	ssyncset.done $0x0  }
0x116: {  	[sflag:s8] =	ssyncadd.s32 $0xFFFFFF00  }
0x117: {  	_ =	sfence.sel $0x180000  }
0x118: {  	[bflag:$0x0] =	sbarrier.arrive $0xFFFF  }
0x119: {  	p0 =	sne.s32 s2, $0x0;
	_ =	strace $0x9000004D  }
0x11a: {  	s0 =	sadd.s32 @!p0 $0x100000, s0;
	[bflag:$0x2] =	sbarrier.arrive $0xFFFF  }
0x11b: {  	[sflag:s0] =	ssyncadd.tile.s32 @!p0 $0x1;
	_ =	shalt  }
.Lfunc_end2:
_tile_overlayer_lowered:
.L_overlay_start_2:
0x11c: {  	(tag) =	ssettag $0x2  }
0x11d: {  	s0 =	rddreg [dreg:$0x0];
	s2 =	stileid.u32  }
0x11e: {  	s1 =	rddreg [dreg:$0x1];
	p0 =	sne.s32 s2, $0x0  }
0x11f: {  	s3 =	rddreg [dreg:$0x2];
	[bflag:$0x3] =	sbarrier.arrive $0xFFFF;
	s2 =	simm.s32 @!p0 $0x1C01  }
0x120: {  	[timem:s3], [sflag:s2] =	dma.local @!p0 [hbm:s0], s1  }
0x121: {  	s0 =	simm.s32 @!p0 $0x1  }
0x122: {  	_ =	swait.ge @!p0 [sflag:s0], s1  }
0x123: {  	s1 =	ssub.s32 @!p0 $0x0, s1;
	[sflag:s0] =	ssyncset.done @!p0 $0x0  }
0x124: {  	[sflag:s0] =	ssyncadd.s32 @!p0 s1  }
0x125: {  	[bflag:$0x3] =	sbarrier.arrive $0xFFFF  }
0x126: {  	_ =	shalt  }

// kernel: kernel.20.cloned.1.call-start
scs
__scs_entry_jumppad:
0x0: {  	(pc) =	sbr.rel $0x88, $3  }
0x1: {  	(tag) =	ssettag $0x0;
	lr =	simm.s32 $0x1  }
0x2: {  	[smem:$0x3F9F] =	sst lr;
	_ =	strace $0xD0000000  }
0x3: {  	_ = 	snop  }
0x4: {  	_ = 	snop  }
0x5: {  	_ = 	snop  }
0x6: {  	_ = 	snop  }
0x7: {  	_ = 	snop  }
__scs_overlays_trampoline_lowered:
0x8: {  	[smem:$0x3FAE] =	sst s0  }
0x9: {  	[smem:$0x3FAF] =	sst s1  }
0xa: {  	[smem:$0x3FB0] =	sst s2  }
0xb: {  	[smem:$0x3FB1] =	sst s3  }
0xc: {  	[smem:$0x3FB2] =	sst s4  }
0xd: {  	[smem:$0x3FB3] =	sst s5  }
0xe: {  	[smem:$0x3FB4] =	sst s6  }
0xf: {  	[smem:$0x3FB5] =	sst s7  }
0x10: {  	[smem:$0x3FB6] =	sst s8  }
0x11: {  	[smem:$0x3FB7] =	sst s9;
	s0 =	simm.s32 @!p0 $0x0  }
0x12: {  	s1 =	sld [smem:$0x3F9D];
	s0 =	simm.s32 @p0 $0x1  }
0x13: {  	[smem:$0x3FB8] =	sst s0;
	s0 =	simm.s32 @!p1 $0x0  }
0x14: {  	s2 =	sld [smem:$0x3F9C];
	s0 =	simm.s32 @p1 $0x1  }
0x15: {  	[smem:$0x3FB9] =	sst s0;
	s0 =	simm.s32 @!p2 $0x0  }
0x16: {  	s3 =	sld [smem:$0x3FDB];
	s0 =	simm.s32 @p2 $0x1  }
0x17: {  	s4 =	simm.s32 $0x1BF5;
	[smem:$0x3FBB] =	sst s0  }
0x18: {  	s0 =	sld [smem:$0x3F9E];
	_ =	swait.ge [sflag:s4], $0x0  }
0x19: {  	s7 =	sld [smem:$0x3F9F]  }
0x1a: {  	s8 =	sadd.s32 $0xFFFFE003, lr  }
0x1b: {  	s9 =	sadd.s32 $0xFFFFFEF7, lr;
	s5 =	simm.s32 $0xFFFFFFFF;
	p2 =	slt.u32 s8, $0xFFFFF086  }
0x1c: {  	p1 =	slt.u32 s9, $0xF7A;
	s5 =	simm.s32 @!p2 $0x0  }
0x1d: {  	s5 =	simm.s32 @p1 $0x1;
	p0 =	seq.s32 s7, s2  }
0x1e: {  	s7 =	smul.u32 @!p0 $0xF7A, s2;
	p2 =	seq.s32 @!p0 s5, $0x0  }
0x1f: {  	s9 =	smul.u32 $0xF7A, s1;
	s8 =	simm.s32 @!p0 $0x1BF5;
	p2 =	por !p2, p0  }
0x20: {  	[sflag:s8] =	ssyncset.s32 @!p0 $0xFFFFF086;
	s6 =	sadd.s32 @!p0 s3, s7;
	s7 =	simm.s32 @!p0 $0x108  }
0x21: {  	s3 =	sadd.s32 s3, s9;
	s6 =	sadd.s32 @!p0 $0x88, s6;
	s7 =	simm.s32 @p2 $0x1082  }
0x22: {  	[simem:s7], [sflag:s8] =	dma.local @!p0 [hbm:s6], $0xF7A  }
0x23: {  	s9 =	sor.u32 $0xD0000000, s2;
	s6 =	simm.s32 $0x108;
	_ =	swait.ge @!p0 [sflag:s8], $0x0  }
0x24: {  	s3 =	sadd.s32 $0x88, s3;
	s6 =	simm.s32 @!p1 $0x1082;
	[sflag:s4] =	ssyncset.s32 $0xFFFFF086  }
0x25: {  	[simem:s6], [sflag:s4] =	dma.local [hbm:s3], $0xF7A  }
0x26: {  	[smem:$0x3F9F] =	sst s1;
	(tag) =	ssettag s2;
	_ =	strace s9  }
0x27: {  	s1 =	sld [smem:$0x3FAF]  }
0x28: {  	s2 =	sld [smem:$0x3FB0]  }
0x29: {  	s4 =	sld [smem:$0x3FB2]  }
0x2a: {  	p0 =	seq.s32 s5, $0x0;
	s5 =	sld [smem:$0x3FB3]  }
0x2b: {  	s6 =	sld [smem:$0x3FB4]  }
0x2c: {  	s7 =	sld [smem:$0x3FB5]  }
0x2d: {  	s3 =	simm.s32 $0x108;
	s8 =	sld [smem:$0x3FB6]  }
0x2e: {  	s3 =	simm.s32 @!p0 $0x1082;
	s9 =	sld [smem:$0x3FB7]  }
0x2f: {  	lr =	sadd.s32 s0, s3;
	s0 =	sld [smem:$0x3FAE]  }
0x30: {  	s3 =	sld [smem:$0x3FB1]  }
0x31: {  	[smem:$0x3FBA] =	sst s10  }
0x32: {  	s10 =	sld [smem:$0x3FB8];
	_ =	sdelay $0x3  }
0x33: {  	p0 =	seq.s32 s10, $0x1;
	s10 =	sld [smem:$0x3FBA];
	_ =	sdelay $0x3  }
0x34: {  	[smem:$0x3FBA] =	sst s10  }
0x35: {  	s10 =	sld [smem:$0x3FB9];
	_ =	sdelay $0x3  }
0x36: {  	p1 =	seq.s32 s10, $0x1;
	s10 =	sld [smem:$0x3FBA];
	_ =	sdelay $0x3  }
0x37: {  	[smem:$0x3FBA] =	sst s10  }
0x38: {  	s10 =	sld [smem:$0x3FBB]  }
0x39: {  	_ = 	snop;
	(pc) =	sbr.ind lr, $3  }
0x3a: {  	_ = 	snop  }
0x3b: {  	_ = 	snop  }
0x3c: {  	p2 =	seq.s32 s10, $0x1;
	s10 =	sld [smem:$0x3FBA]  }
0x3d: {  	_ =	shalt  }
0x3e: {  	_ =	shalt  }
0x3f: {  	_ =	shalt  }
0x40: {  	_ =	shalt  }
0x41: {  	_ =	shalt  }
0x42: {  	_ =	shalt  }
0x43: {  	_ =	shalt  }
0x44: {  	_ =	shalt  }
0x45: {  	_ =	shalt  }
0x46: {  	_ =	shalt  }
0x47: {  	_ =	shalt  }
0x48: {  	_ =	shalt  }
0x49: {  	_ =	shalt  }
0x4a: {  	_ =	shalt  }
0x4b: {  	_ =	shalt  }
0x4c: {  	_ =	shalt  }
0x4d: {  	_ =	shalt  }
0x4e: {  	_ =	shalt  }
0x4f: {  	_ =	shalt  }
0x50: {  	_ =	shalt  }
0x51: {  	_ =	shalt  }
0x52: {  	_ =	shalt  }
0x53: {  	_ =	shalt  }
0x54: {  	_ =	shalt  }
0x55: {  	_ =	shalt  }
0x56: {  	_ =	shalt  }
0x57: {  	_ =	shalt  }
0x58: {  	_ =	shalt  }
0x59: {  	_ =	shalt  }
0x5a: {  	_ =	shalt  }
0x5b: {  	_ =	shalt  }
0x5c: {  	_ =	shalt  }
0x5d: {  	_ =	shalt  }
0x5e: {  	_ =	shalt  }
0x5f: {  	_ =	shalt  }
0x60: {  	_ =	shalt  }
0x61: {  	_ =	shalt  }
0x62: {  	_ =	shalt  }
0x63: {  	_ =	shalt  }
0x64: {  	_ =	shalt  }
0x65: {  	_ =	shalt  }
0x66: {  	_ =	shalt  }
0x67: {  	_ =	shalt  }
0x68: {  	_ =	shalt  }
0x69: {  	_ =	shalt  }
0x6a: {  	_ =	shalt  }
0x6b: {  	_ =	shalt  }
0x6c: {  	_ =	shalt  }
0x6d: {  	_ =	shalt  }
0x6e: {  	_ =	shalt  }
0x6f: {  	_ =	shalt  }
0x70: {  	_ =	shalt  }
0x71: {  	_ =	shalt  }
0x72: {  	_ =	shalt  }
0x73: {  	_ =	shalt  }
0x74: {  	_ =	shalt  }
0x75: {  	_ =	shalt  }
0x76: {  	_ =	shalt  }
0x77: {  	_ =	shalt  }
0x78: {  	_ =	shalt  }
0x79: {  	_ =	shalt  }
0x7a: {  	_ =	shalt  }
0x7b: {  	_ =	shalt  }
0x7c: {  	_ =	shalt  }
0x7d: {  	_ =	shalt  }
0x7e: {  	_ =	shalt  }
0x7f: {  	_ =	shalt  }
0x80: {  	_ =	shalt  }
0x81: {  	_ =	shalt  }
0x82: {  	_ =	shalt  }
0x83: {  	_ =	shalt  }
0x84: {  	_ =	shalt  }
0x85: {  	_ =	shalt  }
0x86: {  	_ =	shalt  }
0x87: {  	_ =	shalt  }
.Lfunc_end0:
.L_simem_size_0:
called_computation.3_lowered:
.L_overlay_start_0:
0x88: {  	s2 =	sld [smem:$0x3FD9]  }
0x89: {  	s3 =	sld [smem:$0x3FFE];
	_ =	sdelay $0x1  }
0x8a: {  	s1 =	srdreg.scid  }
0x8b: {  	s0 =	sand.u32 $0x1, s1  }
0x8c: {  	s15 =	sshll.u32 s0, $0xA;
	s2 =	sadd.s32 s3, s2  }
0x8d: {  	s2 =	sadd.s32 s2, s15  }
0x8e: {  	[smem:$0x3FC6] =	sst s2  }
0x8f: {  	_ = 	snop  }
0x90: {  	s2 =	sld [smem:$0x3FD0];
	_ =	sdelay $0x2  }
0x91: {  	s16 =	simm.s32 $0xD;
	s4 =	simm.s32 $0x10  }
0x92: {  	[smem:s4], [sflag:s16] =	dma.local [hbm:s2], $0x1  }
0x93: {  	_ =	swait.eq [sflag:s16], $0x1  }
0x94: {  	[sflag:s16] =	ssyncset.done $0x0  }
0x95: {  	[sflag:s16] =	ssyncadd.s32 $0xFFFFFFFF  }
0x96: {  	s17 =	sld [smem:$0x10];
	(tm) =	ssettm $0x1  }
0x97: {  	s18 =	sld [smem:$0x3FFB];
	_ =	sdelay $0x3  }
0x98: {  	_ =	strace s18  }
0x99: {  	s2 =	sld [smem:$0x3FFC];
	_ =	sdelay $0x3  }
0x9a: {  	_ =	strace s2  }
0x9b: {  	s2 =	sld [smem:$0x3FFD];
	_ =	sdelay $0x3  }
0x9c: {  	_ =	strace s2  }
0x9d: {  	_ =	strace $0x8FFFFFFF  }
0x9e: {  	s19 =	sld [smem:$0x3FDB];
	_ =	sdelay $0x1  }
0x9f: {  	s20 =	simm.s32 $_scs_section_size  }
0xa0: {  	s5 =	simm.s32 $_size__tile_overlayer_lowered;
	s6 =	simm.s32 $_tile_overlayer_lowered  }
0xa1: {  	s7 =	simm.s32 $0x1BFF;
	s21 =	sshll.u32 s6, $0x1;
	s4 =	sadd.s32 s20, s19  }
0xa2: {  	s22 =	simm.s32 $0x0;
	s5 =	sshll.u32 s5, $0x1;
	s6 =	sadd.s32 s21, s4  }
0xa3: {  	[timem:s22], [sflag:s7] =	dma.local [hbm:s6], s5  }
0xa4: {  	_ =	swait.ge [sflag:s7], s5  }
0xa5: {  	s5 =	ssub.s32 $0x0, s5;
	[sflag:s7] =	ssyncset.done $0x0  }
0xa6: {  	[sflag:s7] =	ssyncadd.s32 s5;
	_ =	sdelay $0x1  }
0xa7: {  	s23 =	simm.s32 $0x1B8B  }
0xa8: {  	_ =	swait.ge [sflag:s23], $0x1  }
0xa9: {  	[sflag:s23] =	ssyncset.done $0x0  }
0xaa: {  	[sflag:s23] =	ssyncadd.s32 $0xFFFFFFFF  }
0xab: {  	s5 =	sld [smem:$0x0]  }
0xac: {  	s6 =	sand.u32 $0xFFFFFFFE, s1  }
0xad: {  	p0 =	sne.s32 s1, s6  }
0xae: {  	s6 =	sshll.u32 @p0 s6, $0xE  }
0xaf: {  	s6 =	sadd.s32 @p0 $0x11B8D, s6;
	s7 =	sshll.u32 @p0 s5, $0x11  }
0xb0: {  	s6 =	sor.u32 @p0 s7, s6  }
0xb1: {  	[sflag:s6] =	ssyncadd.remote.s32 @p0 $0x1;
	_ =	sdelay $0x1  }
0xb2: {  	s6 =	simm.s32 @p0 $0x1B8D  }
0xb3: {  	_ =	swait.eq @p0 [sflag:s6], $0x1  }
0xb4: {  	[sflag:s6] =	ssyncadd.s32 @p0 $0xFFFFFFFF  }
0xb5: {  	s7 =	sshll.u32 @!p0 s1, $0xE  }
0xb6: {  	s7 =	sor.u32 @!p0 $0x4000, s7;
	s6 =	simm.s32 @!p0 $0x1B8D  }
0xb7: {  	s5 =	sshll.u32 @!p0 s5, $0x11;
	s7 =	sadd.s32 @!p0 $0x11B8D, s7;
	_ =	swait.eq @!p0 [sflag:s6], $0x1  }
0xb8: {  	s5 =	sor.u32 @!p0 s5, s7;
	[sflag:s6] =	ssyncadd.s32 @!p0 $0xFFFFFFFF  }
0xb9: {  	s25 =	simm.s32 $0x1B8E;
	s24 =	sld [smem:$0x3FFE];
	[sflag:s5] =	ssyncadd.remote.s32 @!p0 $0x1  }
0xba: {  	s26 =	simm.s32 $execute0_lowered;
	[smem:$0x3FD2] =	sst s25  }
0xbb: {  	s6 =	sshll.u32 s26, $0x1;
	_ =	strace $0x8000004F;
	[dreg:$0x1] =	wrdreg $0xFFFFFFFF  }
0xbc: {  	s28 =	simm.s32 $_size_execute0_lowered;
	s4 =	sadd.s32 s4, s6;
	[dreg:$0x0] =	wrdreg $0x0  }
0xbd: {  	s6 =	sshll.u32 s28, $0x1;
	[dreg:$0x2] =	wrdreg s4  }
0xbe: {  	[dreg:$0x3] =	wrdreg s6  }
0xbf: {  	[dreg:$0x4] =	wrdreg $0xC0  }
0xc0: {  	_ =	task [dreg:s22], $0x5FFFF  }
0xc1: {  	[dreg:$0x1] =	wrdreg $0xFFFFFFFF  }
0xc2: {  	[dreg:$0x0] =	wrdreg $0x60  }
0xc3: {  	[dreg:$0x2] =	wrdreg s17  }
0xc4: {  	[dreg:$0x3] =	wrdreg s24  }
0xc5: {  	[dreg:$0x4] =	wrdreg $0xC  }
0xc6: {  	_ =	task.clear_ibuf [dreg:s22], $0x5FFFF;
	_ =	strace $0x9000004F  }
0xc7: {  	s29 =	simm.s32 $0xC;
	_ =	strace $0x80000051  }
0xc8: {  	_ =	swait.ge [sflag:s29], $0x1  }
0xc9: {  	[sflag:s29] =	ssyncadd.s32 $0xFFFFFFFF  }
0xca: {  	_ =	strace $0x90000051  }
0xcb: {  	_ =	sfence  }
0xcc: {  	s30 =	sld [smem:$0x0];
	_ =	sdelay $0x2  }
0xcd: {  	s31 =	sshll.u32 s1, $0xD;
	s1 =	sshrl.u32 s1, $0x2  }
0xce: {  	s4 =	sand.u32 $0x4000, s31;
	s1 =	sadd.s32 s1, s30  }
0xcf: {  	s0 =	sor.u32 s4, s0;
	s1 =	sshll.u32 s1, $0x11  }
0xd0: {  	s0 =	sor.u32 s1, s0  }
0xd1: {  	s0 =	sadd.s32 $0x8F2B, s0  }
0xd2: {  	[sflag:s0] =	ssyncadd.remote.s32 $0x1  }
0xd3: {  	_ =	sfence.sel $0xFFFF  }
0xd4: {  	[dreg:$0x0] =	wrdreg $0xFFFFFFFF;
	(pc) =	sbr.abs _section_cstart, $3  }
0xd5: {  	[dreg:$0x1] =	wrdreg $0xFFFFFFFF  }
0xd6: {  	_ =	task.clear_ibuf [dreg:s22], $0x2FFFF;
	_ =	strace $0x9FFFFFFF  }
0xd7: {  	(tm) =	ssettm $0x7FFFFFFF  }
tec
execute0_lowered:
.L_overlay_start_1:
0x0: {  	(tag) =	ssettag $0x1  }
0x1: {  	s1 =	rddreg [dreg:$0x0]  }
0x2: {  	s4 =	rddreg [dreg:$0x1]  }
0x3: {  	s0 =	rddreg [dreg:$0x2];
	s3 =	simm.s32 $0x0;
	s5 =	srdreg.scid  }
0x4: {  	s2 =	stileid.u32;
	s9 =	simm.s32 $0x80;
	s10 =	simm.s32 $0x2080  }
0x5: {  	s11 =	simm.s32 $0x2180;
	s12 =	simm.s32 $0x400;
	s13 =	simm.s32 $0x0  }
0x6: {  	[smem:$0x7FF] =	sst s3;
	s5 =	sand.u32 $0x1, s5;
	s6 =	sshll.u32 s2, $0x1  }
0x7: {  	s8 =	sshll.u32 s2, $0x6;
	_ =	strace $0x80000050;
	s6 =	sor.u32 s5, s6  }
0x8: {  	s5 =	ssub.s32 $0x2, s5;
	s7 =	sshll.u32 s6, $0xA;
	s6 =	sshll.u32 s6, $0x4  }
0x9: {  	s8 =	sand.u32 $0x300, s8;
	s31 =	sshrl.u32 s5, $0x1;
	s6 =	sand.u32 $0x70, s6  }
0xa: {  	s7 =	sadd.s32 s7, s4;
	s6 =	sor.u32 s8, s6;
	s8 =	ssub.s32 s5, s31  }
0xb: {  	v0 =	vimm.s32 $0x0;
	s6 =	sadd.s32 s6, s4;
	s4 =	sadd.s32 $0x2E00, s7;
	s7 =	smax.u32 s8, $0x1  }
0xc: {  	v1 =	vimm.f32 $0.0e+00;
	v2 =	vimm.s32 $0x1;
	v3 =	vlaneseq.u32;
	s8 =	simm.s32 $0x1;
	s5 =	sadd.s32 $0xB200, s6;
	s6 =	sadd.s32 $0xAE00, s6  }
.LBB2_1:
0xd: {  	[tilespmem:s3], [sflag:$0x1] =	stream.linear.gather [hbm4b:s1+s3], $0x80, $0x38;
	[tilespmem:$0x2280] =	vst v63  }
0xe: {  	_ =	swait.ge [sflag:s8], $0x80  }
0xf: {  	[sflag:s8] =	ssyncset.done $0x0  }
0x10: {  	[sflag:s8] =	ssyncadd.s32 $0xFFFFFF80  }
0x11: {  	[tilespmem:s9], [sflag:$0x1] =	stream.linear.gather [hbm4b:s4+s3], $0x2000, $0x38;
	[tilespmem:$0x2280] =	vst v63  }
0x12: {  	_ =	swait.ge [sflag:s8], $0x2000  }
0x13: {  	[sflag:s8] =	ssyncset.done $0x0  }
0x14: {  	[sflag:s8] =	ssyncadd.s32 $0xFFFFE000  }
0x15: {  	[tilespmem:$0x2080] =	vst v0  }
0x16: {  	[tilespmem:$0x2180] =	vst v1  }
0x17: {  	[tilespmem:$0x2090] =	vst v0  }
0x18: {  	[tilespmem:$0x2190] =	vst v1  }
0x19: {  	[tilespmem:$0x20A0] =	vst v0  }
0x1a: {  	[tilespmem:$0x21A0] =	vst v1  }
0x1b: {  	[tilespmem:$0x20B0] =	vst v0  }
0x1c: {  	[tilespmem:$0x21B0] =	vst v1  }
0x1d: {  	[tilespmem:$0x20C0] =	vst v0  }
0x1e: {  	[tilespmem:$0x21C0] =	vst v1  }
0x1f: {  	[tilespmem:$0x20D0] =	vst v0  }
0x20: {  	[tilespmem:$0x21D0] =	vst v1  }
0x21: {  	[tilespmem:$0x20E0] =	vst v0  }
0x22: {  	[tilespmem:$0x21E0] =	vst v1  }
0x23: {  	[tilespmem:$0x20F0] =	vst v0  }
0x24: {  	[tilespmem:$0x21F0] =	vst v1  }
0x25: {  	[tilespmem:$0x2100] =	vst v0  }
0x26: {  	[tilespmem:$0x2200] =	vst v1  }
0x27: {  	[tilespmem:$0x2110] =	vst v0  }
0x28: {  	[tilespmem:$0x2210] =	vst v1  }
0x29: {  	[tilespmem:$0x2120] =	vst v0  }
0x2a: {  	[tilespmem:$0x2220] =	vst v1  }
0x2b: {  	[tilespmem:$0x2130] =	vst v0  }
0x2c: {  	[tilespmem:$0x2230] =	vst v1  }
0x2d: {  	[tilespmem:$0x2140] =	vst v0  }
0x2e: {  	[tilespmem:$0x2240] =	vst v1  }
0x2f: {  	[tilespmem:$0x2150] =	vst v0  }
0x30: {  	[tilespmem:$0x2250] =	vst v1  }
0x31: {  	[tilespmem:$0x2160] =	vst v0  }
0x32: {  	[tilespmem:$0x2260] =	vst v1  }
0x33: {  	[tilespmem:$0x2170] =	vst v0  }
0x34: {  	s14 =	simm.s32 $0xFFFFFFF8;
	s15 =	simm.s32 $0xC0;
	[tilespmem:$0x2270] =	vst v1  }
.LBB2_2:
0x35: {  	v4 =	vld [tilespmem:s15+$0xFFFFFFC0];
	_ =	sdelay $0x4  }
0x36: {  	v5 =	vand.u32 $0x7FFFFFFF, v4  }
0x37: {  	v6 =	vmul.f32 $1.500000000e+01, v5;
	_ =	sdelay $0x1  }
0x38: {  	v7 =	vtrunc.f32 v6  }
0x39: {  	vm0 =	vlt.f32 v6, v7;
	vm1 =	vgt.f32 v6, v7  }
0x3a: {  	v26 =	vcvt.f32.s32 v7;
	vm0 =	vmor vm1, vm0  }
0x3b: {  	v27 =	vsel vm0, $0x1, v0  }
0x3c: {  	v6 =	vadd.s32 v27, v26  }
0x3d: {  	v6 =	vadd.s32 $0xFFFFFFFF, v6  }
0x3e: {  	vm6 =	vgt.s32 v6, $0x0  }
0x3f: {  	v6 =	vnsel vm6, $0x0, v6  }
0x40: {  	v6 =	vmin.u32 v6, $0xE;
	_ =	sdelay $0x4  }
0x41: {  	v28 =	vld.idx.msk [tilespmem:v6+s3+$0x0], $0xffff;
	_ =	sdelay $0x4  }
0x42: {  	vm7 =	vle.f32 v5, v28  }
0x43: {  	v7 =	vsel vm7, $0xFFFFFFFF, v0  }
0x44: {  	v6 =	vadd.s32 v7, v6  }
0x45: {  	v7 =	vadd.s32 $0x1, v6;
	_ =	sdelay $0x4  }
0x46: {  	v7 =	vld.idx.msk [tilespmem:v7+s3+$0x0], $0xffff;
	_ =	sdelay $0x4  }
0x47: {  	vm8 =	vgt.f32 v5, v7  }
0x48: {  	v7 =	vsel vm8, $0x1, v0  }
0x49: {  	v6 =	vadd.s32 v7, v6  }
0x4a: {  	v6 =	vshll.u32 v6, $0x4  }
0x4b: {  	v6 =	vor.u32 v3, v6;
	_ =	sdelay $0x2  }
0x4c: {  	vm9 =	vlt.f32 v4, $0.0e+00  }
0x4d: {  	v4 =	vsel vm9, $0x10001, v2  }
0x4e: {  	[tilespmem:v6+s10+$0x0] =	vst.idx.add.s32.msk $0xffff, v4  }
0x4f: {  	[tilespmem:v6+s11+$0x0] =	vst.idx.add.f32.msk $0xffff, v5  }
0x50: {  	v4 =	vld [tilespmem:s15+$0xFFFFFFD0];
	_ =	sdelay $0x4  }
0x51: {  	v5 =	vand.u32 $0x7FFFFFFF, v4  }
0x52: {  	v29 =	vmul.f32 $1.500000000e+01, v5;
	_ =	sdelay $0x1  }
0x53: {  	v30 =	vtrunc.f32 v29  }
0x54: {  	vm10 =	vlt.f32 v29, v30;
	vm11 =	vgt.f32 v29, v30  }
0x55: {  	v31 =	vcvt.f32.s32 v30;
	vm0 =	vmor vm11, vm10  }
0x56: {  	v32 =	vsel vm0, $0x1, v0  }
0x57: {  	v6 =	vadd.s32 v32, v31  }
0x58: {  	v6 =	vadd.s32 $0xFFFFFFFF, v6  }
0x59: {  	vm12 =	vgt.s32 v6, $0x0  }
0x5a: {  	v6 =	vnsel vm12, $0x0, v6  }
0x5b: {  	v6 =	vmin.u32 v6, $0xE;
	_ =	sdelay $0x4  }
0x5c: {  	v33 =	vld.idx.msk [tilespmem:v6+s3+$0x0], $0xffff;
	_ =	sdelay $0x4  }
0x5d: {  	vm13 =	vle.f32 v5, v33  }
0x5e: {  	v7 =	vsel vm13, $0xFFFFFFFF, v0  }
0x5f: {  	v6 =	vadd.s32 v7, v6  }
0x60: {  	v7 =	vadd.s32 $0x1, v6;
	_ =	sdelay $0x4  }
0x61: {  	v7 =	vld.idx.msk [tilespmem:v7+s3+$0x0], $0xffff;
	_ =	sdelay $0x4  }
0x62: {  	vm14 =	vgt.f32 v5, v7  }
0x63: {  	v7 =	vsel vm14, $0x1, v0  }
0x64: {  	v6 =	vadd.s32 v7, v6  }
0x65: {  	v6 =	vshll.u32 v6, $0x4  }
0x66: {  	v6 =	vor.u32 v3, v6;
	_ =	sdelay $0x2  }
0x67: {  	vm15 =	vlt.f32 v4, $0.0e+00  }
0x68: {  	v4 =	vsel vm15, $0x10001, v2  }
0x69: {  	[tilespmem:v6+s10+$0x0] =	vst.idx.add.s32.msk $0xffff, v4  }
0x6a: {  	[tilespmem:v6+s11+$0x0] =	vst.idx.add.f32.msk $0xffff, v5  }
0x6b: {  	v4 =	vld [tilespmem:s15+$0xFFFFFFE0];
	_ =	sdelay $0x4  }
0x6c: {  	v5 =	vand.u32 $0x7FFFFFFF, v4  }
0x6d: {  	v34 =	vmul.f32 $1.500000000e+01, v5;
	_ =	sdelay $0x1  }
0x6e: {  	v35 =	vtrunc.f32 v34  }
0x6f: {  	vm4 =	vlt.f32 v34, v35;
	vm5 =	vgt.f32 v34, v35  }
0x70: {  	v36 =	vcvt.f32.s32 v35;
	vm0 =	vmor vm5, vm4  }
0x71: {  	v37 =	vsel vm0, $0x1, v0  }
0x72: {  	v6 =	vadd.s32 v37, v36  }
0x73: {  	v6 =	vadd.s32 $0xFFFFFFFF, v6  }
0x74: {  	vm6 =	vgt.s32 v6, $0x0  }
0x75: {  	v6 =	vnsel vm6, $0x0, v6  }
0x76: {  	v6 =	vmin.u32 v6, $0xE;
	_ =	sdelay $0x4  }
0x77: {  	v38 =	vld.idx.msk [tilespmem:v6+s3+$0x0], $0xffff;
	_ =	sdelay $0x4  }
0x78: {  	vm7 =	vle.f32 v5, v38  }
0x79: {  	v7 =	vsel vm7, $0xFFFFFFFF, v0  }
0x7a: {  	v6 =	vadd.s32 v7, v6  }
0x7b: {  	v7 =	vadd.s32 $0x1, v6;
	_ =	sdelay $0x4  }
0x7c: {  	v7 =	vld.idx.msk [tilespmem:v7+s3+$0x0], $0xffff;
	_ =	sdelay $0x4  }
0x7d: {  	vm8 =	vgt.f32 v5, v7  }
0x7e: {  	v7 =	vsel vm8, $0x1, v0  }
0x7f: {  	v6 =	vadd.s32 v7, v6  }
0x80: {  	v6 =	vshll.u32 v6, $0x4  }
0x81: {  	v6 =	vor.u32 v3, v6;
	_ =	sdelay $0x2  }
0x82: {  	vm9 =	vlt.f32 v4, $0.0e+00  }
0x83: {  	v4 =	vsel vm9, $0x10001, v2  }
0x84: {  	[tilespmem:v6+s10+$0x0] =	vst.idx.add.s32.msk $0xffff, v4  }
0x85: {  	[tilespmem:v6+s11+$0x0] =	vst.idx.add.f32.msk $0xffff, v5  }
0x86: {  	v4 =	vld [tilespmem:s15+$0xFFFFFFF0];
	_ =	sdelay $0x4  }
0x87: {  	v5 =	vand.u32 $0x7FFFFFFF, v4  }
0x88: {  	v39 =	vmul.f32 $1.500000000e+01, v5;
	_ =	sdelay $0x1  }
0x89: {  	v40 =	vtrunc.f32 v39  }
0x8a: {  	vm10 =	vlt.f32 v39, v40;
	vm11 =	vgt.f32 v39, v40  }
0x8b: {  	v41 =	vcvt.f32.s32 v40;
	vm0 =	vmor vm11, vm10  }
0x8c: {  	v42 =	vsel vm0, $0x1, v0  }
0x8d: {  	v6 =	vadd.s32 v42, v41  }
0x8e: {  	v6 =	vadd.s32 $0xFFFFFFFF, v6  }
0x8f: {  	vm12 =	vgt.s32 v6, $0x0  }
0x90: {  	v6 =	vnsel vm12, $0x0, v6  }
0x91: {  	v6 =	vmin.u32 v6, $0xE;
	_ =	sdelay $0x4  }
0x92: {  	v43 =	vld.idx.msk [tilespmem:v6+s3+$0x0], $0xffff;
	_ =	sdelay $0x4  }
0x93: {  	vm13 =	vle.f32 v5, v43  }
0x94: {  	v7 =	vsel vm13, $0xFFFFFFFF, v0  }
0x95: {  	v6 =	vadd.s32 v7, v6  }
0x96: {  	v7 =	vadd.s32 $0x1, v6;
	_ =	sdelay $0x4  }
0x97: {  	v7 =	vld.idx.msk [tilespmem:v7+s3+$0x0], $0xffff;
	_ =	sdelay $0x4  }
0x98: {  	vm14 =	vgt.f32 v5, v7  }
0x99: {  	v7 =	vsel vm14, $0x1, v0  }
0x9a: {  	v6 =	vadd.s32 v7, v6  }
0x9b: {  	v6 =	vshll.u32 v6, $0x4  }
0x9c: {  	v6 =	vor.u32 v3, v6;
	_ =	sdelay $0x2  }
0x9d: {  	vm15 =	vlt.f32 v4, $0.0e+00  }
0x9e: {  	v4 =	vsel vm15, $0x10001, v2  }
0x9f: {  	[tilespmem:v6+s10+$0x0] =	vst.idx.add.s32.msk $0xffff, v4  }
0xa0: {  	[tilespmem:v6+s11+$0x0] =	vst.idx.add.f32.msk $0xffff, v5  }
0xa1: {  	v4 =	vld [tilespmem:s15+$0x0];
	_ =	sdelay $0x4  }
0xa2: {  	v5 =	vand.u32 $0x7FFFFFFF, v4  }
0xa3: {  	v44 =	vmul.f32 $1.500000000e+01, v5;
	_ =	sdelay $0x1  }
0xa4: {  	v45 =	vtrunc.f32 v44  }
0xa5: {  	vm4 =	vlt.f32 v44, v45;
	vm5 =	vgt.f32 v44, v45  }
0xa6: {  	v46 =	vcvt.f32.s32 v45;
	vm0 =	vmor vm5, vm4  }
0xa7: {  	v47 =	vsel vm0, $0x1, v0  }
0xa8: {  	v6 =	vadd.s32 v47, v46  }
0xa9: {  	v6 =	vadd.s32 $0xFFFFFFFF, v6  }
0xaa: {  	vm6 =	vgt.s32 v6, $0x0  }
0xab: {  	v6 =	vnsel vm6, $0x0, v6  }
0xac: {  	v6 =	vmin.u32 v6, $0xE;
	_ =	sdelay $0x4  }
0xad: {  	v48 =	vld.idx.msk [tilespmem:v6+s3+$0x0], $0xffff;
	_ =	sdelay $0x4  }
0xae: {  	vm7 =	vle.f32 v5, v48  }
0xaf: {  	v7 =	vsel vm7, $0xFFFFFFFF, v0  }
0xb0: {  	v6 =	vadd.s32 v7, v6  }
0xb1: {  	v7 =	vadd.s32 $0x1, v6;
	_ =	sdelay $0x4  }
0xb2: {  	v7 =	vld.idx.msk [tilespmem:v7+s3+$0x0], $0xffff;
	_ =	sdelay $0x4  }
0xb3: {  	vm8 =	vgt.f32 v5, v7  }
0xb4: {  	v7 =	vsel vm8, $0x1, v0  }
0xb5: {  	v6 =	vadd.s32 v7, v6  }
0xb6: {  	v6 =	vshll.u32 v6, $0x4  }
0xb7: {  	v6 =	vor.u32 v3, v6;
	_ =	sdelay $0x2  }
0xb8: {  	vm9 =	vlt.f32 v4, $0.0e+00  }
0xb9: {  	v4 =	vsel vm9, $0x10001, v2  }
0xba: {  	[tilespmem:v6+s10+$0x0] =	vst.idx.add.s32.msk $0xffff, v4  }
0xbb: {  	[tilespmem:v6+s11+$0x0] =	vst.idx.add.f32.msk $0xffff, v5  }
0xbc: {  	v4 =	vld [tilespmem:s15+$0x10];
	_ =	sdelay $0x4  }
0xbd: {  	v5 =	vand.u32 $0x7FFFFFFF, v4  }
0xbe: {  	v49 =	vmul.f32 $1.500000000e+01, v5;
	_ =	sdelay $0x1  }
0xbf: {  	v50 =	vtrunc.f32 v49  }
0xc0: {  	vm10 =	vlt.f32 v49, v50;
	vm11 =	vgt.f32 v49, v50  }
0xc1: {  	v51 =	vcvt.f32.s32 v50;
	vm0 =	vmor vm11, vm10  }
0xc2: {  	v52 =	vsel vm0, $0x1, v0  }
0xc3: {  	v6 =	vadd.s32 v52, v51  }
0xc4: {  	v6 =	vadd.s32 $0xFFFFFFFF, v6  }
0xc5: {  	vm12 =	vgt.s32 v6, $0x0  }
0xc6: {  	v6 =	vnsel vm12, $0x0, v6  }
0xc7: {  	v6 =	vmin.u32 v6, $0xE;
	_ =	sdelay $0x4  }
0xc8: {  	v53 =	vld.idx.msk [tilespmem:v6+s3+$0x0], $0xffff;
	_ =	sdelay $0x4  }
0xc9: {  	vm13 =	vle.f32 v5, v53  }
0xca: {  	v7 =	vsel vm13, $0xFFFFFFFF, v0  }
0xcb: {  	v6 =	vadd.s32 v7, v6  }
0xcc: {  	v7 =	vadd.s32 $0x1, v6;
	_ =	sdelay $0x4  }
0xcd: {  	v7 =	vld.idx.msk [tilespmem:v7+s3+$0x0], $0xffff;
	_ =	sdelay $0x4  }
0xce: {  	vm14 =	vgt.f32 v5, v7  }
0xcf: {  	v7 =	vsel vm14, $0x1, v0  }
0xd0: {  	v6 =	vadd.s32 v7, v6  }
0xd1: {  	v6 =	vshll.u32 v6, $0x4  }
0xd2: {  	v6 =	vor.u32 v3, v6;
	_ =	sdelay $0x2  }
0xd3: {  	vm15 =	vlt.f32 v4, $0.0e+00  }
0xd4: {  	v4 =	vsel vm15, $0x10001, v2  }
0xd5: {  	[tilespmem:v6+s10+$0x0] =	vst.idx.add.s32.msk $0xffff, v4  }
0xd6: {  	[tilespmem:v6+s11+$0x0] =	vst.idx.add.f32.msk $0xffff, v5  }
0xd7: {  	v4 =	vld [tilespmem:s15+$0x20];
	_ =	sdelay $0x4  }
0xd8: {  	v5 =	vand.u32 $0x7FFFFFFF, v4  }
0xd9: {  	v54 =	vmul.f32 $1.500000000e+01, v5;
	_ =	sdelay $0x1  }
0xda: {  	v55 =	vtrunc.f32 v54  }
0xdb: {  	vm4 =	vlt.f32 v54, v55;
	vm5 =	vgt.f32 v54, v55  }
0xdc: {  	v56 =	vcvt.f32.s32 v55;
	vm0 =	vmor vm5, vm4  }
0xdd: {  	v57 =	vsel vm0, $0x1, v0  }
0xde: {  	v6 =	vadd.s32 v57, v56  }
0xdf: {  	v6 =	vadd.s32 $0xFFFFFFFF, v6  }
0xe0: {  	vm6 =	vgt.s32 v6, $0x0  }
0xe1: {  	v6 =	vnsel vm6, $0x0, v6  }
0xe2: {  	v6 =	vmin.u32 v6, $0xE;
	_ =	sdelay $0x4  }
0xe3: {  	v58 =	vld.idx.msk [tilespmem:v6+s3+$0x0], $0xffff;
	_ =	sdelay $0x4  }
0xe4: {  	vm7 =	vle.f32 v5, v58  }
0xe5: {  	v7 =	vsel vm7, $0xFFFFFFFF, v0  }
0xe6: {  	v6 =	vadd.s32 v7, v6  }
0xe7: {  	v7 =	vadd.s32 $0x1, v6;
	_ =	sdelay $0x4  }
0xe8: {  	v7 =	vld.idx.msk [tilespmem:v7+s3+$0x0], $0xffff;
	_ =	sdelay $0x4  }
0xe9: {  	vm8 =	vgt.f32 v5, v7  }
0xea: {  	v7 =	vsel vm8, $0x1, v0  }
0xeb: {  	v6 =	vadd.s32 v7, v6  }
0xec: {  	v6 =	vshll.u32 v6, $0x4  }
0xed: {  	v6 =	vor.u32 v3, v6;
	_ =	sdelay $0x2  }
0xee: {  	vm9 =	vlt.f32 v4, $0.0e+00  }
0xef: {  	v4 =	vsel vm9, $0x10001, v2  }
0xf0: {  	[tilespmem:v6+s10+$0x0] =	vst.idx.add.s32.msk $0xffff, v4  }
0xf1: {  	[tilespmem:v6+s11+$0x0] =	vst.idx.add.f32.msk $0xffff, v5  }
0xf2: {  	v4 =	vld [tilespmem:s15+$0x30];
	_ =	sdelay $0x4  }
0xf3: {  	v5 =	vand.u32 $0x7FFFFFFF, v4  }
0xf4: {  	v59 =	vmul.f32 $1.500000000e+01, v5;
	_ =	sdelay $0x1  }
0xf5: {  	v60 =	vtrunc.f32 v59  }
0xf6: {  	vm10 =	vlt.f32 v59, v60;
	vm11 =	vgt.f32 v59, v60  }
0xf7: {  	v61 =	vcvt.f32.s32 v60;
	vm0 =	vmor vm11, vm10  }
0xf8: {  	v62 =	vsel vm0, $0x1, v0  }
0xf9: {  	v6 =	vadd.s32 v62, v61  }
0xfa: {  	v6 =	vadd.s32 $0xFFFFFFFF, v6  }
0xfb: {  	vm12 =	vgt.s32 v6, $0x0  }
0xfc: {  	v6 =	vnsel vm12, $0x0, v6  }
0xfd: {  	v6 =	vmin.u32 v6, $0xE;
	_ =	sdelay $0x4  }
0xfe: {  	v63 =	vld.idx.msk [tilespmem:v6+s3+$0x0], $0xffff;
	_ =	sdelay $0x4  }
0xff: {  	vm13 =	vle.f32 v5, v63  }
0x100: {  	v7 =	vsel vm13, $0xFFFFFFFF, v0  }
0x101: {  	v6 =	vadd.s32 v7, v6  }
0x102: {  	v7 =	vadd.s32 $0x1, v6;
	_ =	sdelay $0x4  }
0x103: {  	v7 =	vld.idx.msk [tilespmem:v7+s3+$0x0], $0xffff;
	_ =	sdelay $0x4  }
0x104: {  	vm14 =	vgt.f32 v5, v7  }
0x105: {  	v7 =	vsel vm14, $0x1, v0  }
0x106: {  	v6 =	vadd.s32 v7, v6  }
0x107: {  	v6 =	vshll.u32 v6, $0x4  }
0x108: {  	s14 =	sadd.s32 $0x8, s14;
	v6 =	vor.u32 v3, v6  }
0x109: {  	p0 =	slt.u32 s14, $0x1F8  }
.Ltmp0:
0x10a: {  	_ = 	snop;
	(pc) =	sbr.rel @p0 .LBB2_2-.Ltmp0, $4  }
0x10b: {  	vm15 =	vlt.f32 v4, $0.0e+00  }
0x10c: {  	v4 =	vsel vm15, $0x10001, v2  }
0x10d: {  	[tilespmem:v6+s10+$0x0] =	vst.idx.add.s32.msk $0xffff, v4  }
0x10e: {  	s15 =	sadd.s32 $0x80, s15;
	[tilespmem:v6+s11+$0x0] =	vst.idx.add.f32.msk $0xffff, v5  }
0x10f: {  	[hbm4b:s5+s9] =	stream.strided.scatter [tilespmem:s10], [sflag:$0x1], $0x100, s12, s9, $0x38;
	[tilespmem:$0x2280] =	vst v63  }
0x110: {  	s13 =	sadd.s32 $0x1, s13;
	_ =	swait.ge [sflag:s8], $0x100  }
0x111: {  	p0 =	sne.s32 s13, s7;
	[sflag:s8] =	ssyncset.done $0x0  }
.Ltmp1:
0x112: {  	[sflag:s8] =	ssyncadd.s32 $0xFFFFFF00;
	(pc) =	sbr.rel @p0 .LBB2_1-.Ltmp1, $4  }
0x113: {  	[hbm4b:s6+s9] =	stream.strided.scatter [tilespmem:s11], [sflag:$0x1], $0x100, s12, s9, $0x38;
	[tilespmem:$0x2280] =	vst v63  }
0x114: {  	_ =	swait.ge [sflag:s8], $0x100  }
0x115: {  	[sflag:s8] =	ssyncset.done $0x0  }
0x116: {  	[sflag:s8] =	ssyncadd.s32 $0xFFFFFF00  }
0x117: {  	_ =	sfence.sel $0x180000  }
0x118: {  	[bflag:$0x0] =	sbarrier.arrive $0xFFFF  }
0x119: {  	p0 =	sne.s32 s2, $0x0;
	_ =	strace $0x90000050  }
0x11a: {  	s0 =	sadd.s32 @!p0 $0x100000, s0;
	[bflag:$0x2] =	sbarrier.arrive $0xFFFF  }
0x11b: {  	[sflag:s0] =	ssyncadd.tile.s32 @!p0 $0x1;
	_ =	shalt  }
.Lfunc_end2:
_tile_overlayer_lowered:
.L_overlay_start_2:
0x11c: {  	(tag) =	ssettag $0x2  }
0x11d: {  	s0 =	rddreg [dreg:$0x0];
	s2 =	stileid.u32  }
0x11e: {  	s1 =	rddreg [dreg:$0x1];
	p0 =	sne.s32 s2, $0x0  }
0x11f: {  	s3 =	rddreg [dreg:$0x2];
	[bflag:$0x3] =	sbarrier.arrive $0xFFFF;
	s2 =	simm.s32 @!p0 $0x1C01  }
0x120: {  	[timem:s3], [sflag:s2] =	dma.local @!p0 [hbm:s0], s1  }
0x121: {  	s0 =	simm.s32 @!p0 $0x1  }
0x122: {  	_ =	swait.ge @!p0 [sflag:s0], s1  }
0x123: {  	s1 =	ssub.s32 @!p0 $0x0, s1;
	[sflag:s0] =	ssyncset.done @!p0 $0x0  }
0x124: {  	[sflag:s0] =	ssyncadd.s32 @!p0 s1  }
0x125: {  	[bflag:$0x3] =	sbarrier.arrive $0xFFFF  }
0x126: {  	_ =	shalt  }

</sc_bundles>
